<compile_context>
chip_gen: v7x
topology: tpu7x:2x2x1
jax: 0.10.2.dev20260603
libtpu: 0.0.44.dev20260713+nightly
codegen_flags: <defaults>
</compile_context>

<pallas_src>
import functools

import jax
import jax.numpy as jnp
from jax import lax
from jax.experimental import pallas as pl
from jax.experimental.pallas import tpu as pltpu
from jax.experimental.pallas import tpu_sc as plsc

_DIM = 32
_NUM_Q = 8
_K = 1024
_COMMIT = 0.25
_BLOCK_B = 1024
_B = 32768


def _stage_body(r_in_ref, q_in_ref, wt2_ref, w2_ref,
                r_ref, idx_ref, qste_ref, loss_ref):
    r_in = r_in_ref[...]
    q_in = q_in_ref[:, :_DIM]
    r = r_in - q_in
    qste_ref[...] = r_in + (q_in - r_in)
    m2 = jnp.dot(r.astype(jnp.bfloat16), wt2_ref[...],
                 preferred_element_type=jnp.float32)
    r2 = jnp.sum(r * r, axis=1, keepdims=True)
    score = (r2 + w2_ref[...]) - m2
    idx_ref[...] = jnp.argmin(score, axis=1)[:, None]
    r_ref[...] = r

    @pl.when(pl.program_id(0) == 0)
    def _():
        loss_ref[...] = jnp.zeros((1, 1), jnp.float32)

    loss_ref[...] = loss_ref[...] + jnp.sum(r * r).reshape(1, 1)


def _finish_body(r_in_ref, q_in_ref, qste_ref, loss_ref):
    r_in = r_in_ref[...]
    q_in = q_in_ref[:, :_DIM]
    r = r_in - q_in
    qste_ref[...] = r_in + (q_in - r_in)

    @pl.when(pl.program_id(0) == 0)
    def _():
        loss_ref[...] = jnp.zeros((1, 1), jnp.float32)

    loss_ref[...] = loss_ref[...] + jnp.sum(r * r).reshape(1, 1)


def _tc_stage(r_in, q_in, wt2, w2):
    n_blocks = _B // _BLOCK_B
    return pl.pallas_call(
        _stage_body,
        grid=(n_blocks,),
        in_specs=[
            pl.BlockSpec((_BLOCK_B, _DIM), lambda i: (i, 0)),
            pl.BlockSpec((_BLOCK_B, 128), lambda i: (i, 0)),
            pl.BlockSpec((_DIM, _K), lambda i: (0, 0)),
            pl.BlockSpec((1, _K), lambda i: (0, 0)),
        ],
        out_specs=[
            pl.BlockSpec((_BLOCK_B, _DIM), lambda i: (i, 0)),
            pl.BlockSpec((_BLOCK_B, 1), lambda i: (i, 0)),
            pl.BlockSpec((_BLOCK_B, _DIM), lambda i: (i, 0)),
            pl.BlockSpec((1, 1), lambda i: (0, 0)),
        ],
        out_shape=[
            jax.ShapeDtypeStruct((_B, _DIM), jnp.float32),
            jax.ShapeDtypeStruct((_B, 1), jnp.int32),
            jax.ShapeDtypeStruct((_B, _DIM), jnp.float32),
            jax.ShapeDtypeStruct((1, 1), jnp.float32),
        ],
    )(r_in, q_in, wt2, w2)


def _tc_finish(r_in, q_in):
    n_blocks = _B // _BLOCK_B
    return pl.pallas_call(
        _finish_body,
        grid=(n_blocks,),
        in_specs=[
            pl.BlockSpec((_BLOCK_B, _DIM), lambda i: (i, 0)),
            pl.BlockSpec((_BLOCK_B, 128), lambda i: (i, 0)),
        ],
        out_specs=[
            pl.BlockSpec((_BLOCK_B, _DIM), lambda i: (i, 0)),
            pl.BlockSpec((1, 1), lambda i: (0, 0)),
        ],
        out_shape=[
            jax.ShapeDtypeStruct((_B, _DIM), jnp.float32),
            jax.ShapeDtypeStruct((1, 1), jnp.float32),
        ],
    )(r_in, q_in)


def _make_sc_gather():
    info = plsc.get_sparse_core_info()
    nc, ns = info.num_cores, info.num_subcores
    nw = nc * ns
    bpw = _B // nw
    n_sub = bpw // 128
    half = n_sub // 2
    mesh = plsc.VectorSubcoreMesh(core_axis_name="c", subcore_axis_name="s")

    @functools.partial(
        pl.kernel, mesh=mesh,
        out_type=jax.ShapeDtypeStruct((_B, 128), jnp.float32),
        scratch_types=[
            pltpu.VMEM((n_sub, 128), jnp.int32),
            pltpu.VMEM((half * 128, 128), jnp.float32),
            pltpu.SemaphoreType.DMA,
        ],
    )
    def gather(table_hbm, idx_hbm, out_hbm, idx_v, rows_v, sem):
        wid = lax.axis_index("s") * nc + lax.axis_index("c")
        base = wid * bpw
        pltpu.sync_copy(idx_hbm.at[wid], idx_v)
        for h in range(2):
            cps = []
            for j in range(half):
                cps.append(pltpu.async_copy(
                    table_hbm.at[idx_v.at[h * half + j]],
                    rows_v.at[pl.ds(j * 128, 128)], sem))
            for cp in cps:
                cp.wait()
            pltpu.sync_copy(
                rows_v, out_hbm.at[pl.ds(base + h * half * 128, half * 128)])

    return gather, nw, bpw, n_sub


def kernel(x, W):
    B, D = x.shape
    Q, K, _ = W.shape
    Wt2 = (2.0 * jnp.swapaxes(W, 1, 2)).astype(jnp.bfloat16)
    W2 = jnp.sum(W * W, axis=2)[:, None, :]

    sc_gather, nw, bpw, n_sub = _make_sc_gather()

    Wpad = jnp.pad(W, ((0, 0), (0, 0), (0, 128 - D)))
    qstes = [None] * Q
    losses = []
    q = jnp.zeros((B, 128), jnp.float32)
    r = x
    idxs = []
    for s in range(Q):
        r, idx2d, qste, lpart = _tc_stage(r, q, Wt2[s], W2[s])
        if s > 0:
            qstes[s - 1] = qste
            losses.append(lpart[0, 0])
        idxs.append(idx2d[:, 0])
        idx_sc = idx2d.reshape(nw, n_sub, 128)
        q = sc_gather(Wpad[s], idx_sc)
    qste_last, lpart = _tc_finish(r, q)
    qstes[Q - 1] = qste_last
    l_last = lpart[0, 0]
    commit_sum = l_last
    for lp in losses:
        commit_sum = commit_sum + lp
    loss = (l_last + _COMMIT * commit_sum) / (B * D)
    quantized = jnp.stack(qstes, axis=1)
    indices = jnp.stack(idxs, axis=1)
    return quantized, indices, loss

# --- scband reference (transcript-rebuilt; emitter-appended) ---
"""Pipeline reference for scband-residual-vector-quantization-46007689674756 (READ-ONLY COPY).

The authoritative reference and input builder live on the scoring server;
editing this copy changes nothing except your own understanding.
"""

import jax, jax.numpy as jnp
import numpy as np

DIM = 32
NUM_Q = 8
K = 1024
COMMIT_WEIGHT = 0.25
B = 32768


def setup_inputs(seed: int = 0) -> dict:
    key = jax.random.key(seed)
    kx, kw = jax.random.split(key)
    x = jax.random.normal(kx, (B, DIM), dtype=jnp.float32)
    # NUM_Q independent codebooks (shared_codebook=False), nn.Embedding default init ~ N(0,1)
    W = jax.random.normal(kw, (NUM_Q, K, DIM), dtype=jnp.float32)
    return {"x": x, "W": W}


def _nearest_code(residual, table):
    # torch.cdist euclidean argmin == argmin of squared distances (expanded form)
    r2 = jnp.sum(residual * residual, axis=1, keepdims=True)          # (B, 1)
    w2 = jnp.sum(table * table, axis=1)[None, :]                      # (1, K)
    dist2 = r2 + w2 - 2.0 * (residual @ table.T)                      # (B, K)
    idx = jnp.argmin(dist2, axis=-1)                                  # (B,)
    q = jnp.take(table, idx, axis=0)                                  # (B, D) gather
    return idx, q


def reference(x, W):
    residual = x
    quantized_list = []
    index_list = []
    commit_loss = 0.0
    for s in range(NUM_Q):
        table = W[s]
        idx, q = _nearest_code(residual, table)
        # torch _nearest_code runs under @torch.no_grad(): q carries no grad
        q = jax.lax.stop_gradient(q)
        q_ste = residual + jax.lax.stop_gradient(q - residual)
        quantized_list.append(q_ste)
        index_list.append(idx)
        commit_loss = commit_loss + jnp.mean((jax.lax.stop_gradient(residual) - q) ** 2)
        residual = residual - q
    quantized = jnp.stack(quantized_list, axis=1)   # (B, Q, D)
    indices = jnp.stack(index_list, axis=1)         # (B, Q)
    res_loss = jnp.mean(residual ** 2)
    loss = res_loss + COMMIT_WEIGHT * commit_loss
    return quantized, indices, loss

if __name__ == "__main__":
    import jax
    _d = setup_inputs()
    print(jax.jit(kernel)(*tuple(_d.values())))

</pallas_src>

<mosaic_0001>
#map = affine_map<(d0, d1) -> (0, 0)>
#map1 = affine_map<(d0, d1) -> (0, 0, 0)>
module attributes {stable_mosaic.version = 14 : i64} {
  func.func @gather(%arg0: i32, %arg1: i32, %arg2: memref<1024x128xf32, #tpu.memory_space<hbm>>, %arg3: memref<32x8x128xi32, #tpu.memory_space<hbm>>, %arg4: memref<32768x128xf32, #tpu.memory_space<hbm>>, %arg5: memref<8x128xi32, #tpu.memory_space<vmem>>, %arg6: memref<512x128xf32, #tpu.memory_space<vmem>>, %arg7: memref<!tpu.dma_semaphore, #tpu.memory_space<semaphore_mem>>) attributes {dimension_semantics = [#tpu.dimension_semantics<core_parallel>, #tpu.dimension_semantics<subcore_parallel>], iteration_bounds = array<i64: 2, 16>, scalar_prefetch = 0 : i64, scratch_operands = 3 : i64, tpu.core_type = #tpu.core_type<sc_vector_subcore>, window_params = [{transform_indices = #map}, {transform_indices = #map1}, {transform_indices = #map}]} {
    %mul3A = arith.constant 2 : i32
    %mul3A_0 = arith.muli %arg1, %mul3A : i32
    %add3A = arith.addi %mul3A_0, %arg0 : i32
    %mul3A_1 = arith.constant 1024 : i32
    %mul3A_2 = arith.muli %add3A, %mul3A_1 : i32
    "tpu.region"() ({
      %run_scoped3A = tpu.sem_alloc : memref<!tpu.dma_semaphore, #tpu.memory_space<semaphore_mem>>
      %dma_start3A_165 = arith.constant 0 : i32
      %dma_start3A_166 = arith.constant 0 : i32
      %dma_start3A_167 = tpu.memref_slice %arg3[%add3A, %dma_start3A_165, %dma_start3A_166] : memref<32x8x128xi32, #tpu.memory_space<hbm>> -> memref<1x8x128xi32, #tpu.memory_space<hbm>>
      %dma_start3A_168 = tpu.memref_squeeze %dma_start3A_167 : memref<1x8x128xi32, #tpu.memory_space<hbm>> -> memref<8x128xi32, #tpu.memory_space<hbm>>
      %dma_start3A_169 = arith.constant 0 : i32
      %dma_start3A_170 = arith.constant 0 : i32
      %dma_start3A_171 = tpu.memref_slice %arg3[%add3A, %dma_start3A_169, %dma_start3A_170] : memref<32x8x128xi32, #tpu.memory_space<hbm>> -> memref<1x8x128xi32, #tpu.memory_space<hbm>>
      %dma_start3A_172 = tpu.memref_squeeze %dma_start3A_171 : memref<1x8x128xi32, #tpu.memory_space<hbm>> -> memref<8x128xi32, #tpu.memory_space<hbm>>
      tpu.enqueue_dma source(%dma_start3A_172 : memref<8x128xi32, #tpu.memory_space<hbm>>) target(%arg5 : memref<8x128xi32, #tpu.memory_space<vmem>>) target_semaphore(%run_scoped3A : memref<!tpu.dma_semaphore, #tpu.memory_space<semaphore_mem>>)
      %dma_wait3A_173 = arith.constant 0 : i32
      %dma_wait3A_174 = arith.constant 0 : i32
      %dma_wait3A_175 = tpu.memref_slice %arg3[%add3A, %dma_wait3A_173, %dma_wait3A_174] : memref<32x8x128xi32, #tpu.memory_space<hbm>> -> memref<1x8x128xi32, #tpu.memory_space<hbm>>
      %dma_wait3A_176 = tpu.memref_squeeze %dma_wait3A_175 : memref<1x8x128xi32, #tpu.memory_space<hbm>> -> memref<8x128xi32, #tpu.memory_space<hbm>>
      %dma_wait3A_177 = arith.constant 0 : i32
      %dma_wait3A_178 = arith.constant 0 : i32
      %dma_wait3A_179 = tpu.memref_slice %arg3[%add3A, %dma_wait3A_177, %dma_wait3A_178] : memref<32x8x128xi32, #tpu.memory_space<hbm>> -> memref<1x8x128xi32, #tpu.memory_space<hbm>>
      %dma_wait3A_180 = tpu.memref_squeeze %dma_wait3A_179 : memref<1x8x128xi32, #tpu.memory_space<hbm>> -> memref<8x128xi32, #tpu.memory_space<hbm>>
      tpu.wait_dma2 semaphore(%run_scoped3A : memref<!tpu.dma_semaphore, #tpu.memory_space<semaphore_mem>>) src(%dma_wait3A_180 : memref<8x128xi32, #tpu.memory_space<hbm>>) dst(%arg5 : memref<8x128xi32, #tpu.memory_space<vmem>>)
      tpu.yield
    }) : () -> ()
    %dma_start3A = arith.constant 0 : i32
    %dma_start3A_3 = arith.constant 0 : i32
    %dma_start3A_4 = arith.constant 0 : i32
    %dma_start3A_5 = tpu.memref_slice %arg6[%dma_start3A_3, %dma_start3A_4] : memref<512x128xf32, #tpu.memory_space<vmem>> -> memref<128x128xf32, #tpu.memory_space<vmem>>
    %dma_start3A_6 = arith.constant 0 : i32
    %dma_start3A_7 = tpu.memref_slice %arg5[%dma_start3A, %dma_start3A_6] : memref<8x128xi32, #tpu.memory_space<vmem>> -> memref<1x128xi32, #tpu.memory_space<vmem>>
    %dma_start3A_8 = tpu.memref_squeeze %dma_start3A_7 : memref<1x128xi32, #tpu.memory_space<vmem>> -> memref<128xi32, #tpu.memory_space<vmem>>
    %dma_start3A_9 = arith.constant 0 : i32
    %dma_start3A_10 = arith.constant 0 : i32
    %dma_start3A_11 = tpu.memref_slice %arg2[%dma_start3A_9, %dma_start3A_10] : memref<1024x128xf32, #tpu.memory_space<hbm>> -> memref<1024x128xf32, #tpu.memory_space<hbm>>
    tpu.enqueue_indirect_dma source(%dma_start3A_11 : memref<1024x128xf32, #tpu.memory_space<hbm>>) target(%dma_start3A_5 : memref<128x128xf32, #tpu.memory_space<vmem>>) offsets(%dma_start3A_8 : memref<128xi32, #tpu.memory_space<vmem>>) semaphore(%arg7 : memref<!tpu.dma_semaphore, #tpu.memory_space<semaphore_mem>>)
    %dma_start3A_12 = arith.constant 1 : i32
    %dma_start3A_13 = arith.constant 128 : i32
    %dma_start3A_14 = arith.constant 0 : i32
    %dma_start3A_15 = tpu.memref_slice %arg6[%dma_start3A_13, %dma_start3A_14] : memref<512x128xf32, #tpu.memory_space<vmem>> -> memref<128x128xf32, #tpu.memory_space<vmem>>
    %dma_start3A_16 = arith.constant 0 : i32
    %dma_start3A_17 = tpu.memref_slice %arg5[%dma_start3A_12, %dma_start3A_16] : memref<8x128xi32, #tpu.memory_space<vmem>> -> memref<1x128xi32, #tpu.memory_space<vmem>>
    %dma_start3A_18 = tpu.memref_squeeze %dma_start3A_17 : memref<1x128xi32, #tpu.memory_space<vmem>> -> memref<128xi32, #tpu.memory_space<vmem>>
    %dma_start3A_19 = arith.constant 0 : i32
    %dma_start3A_20 = arith.constant 0 : i32
    %dma_start3A_21 = tpu.memref_slice %arg2[%dma_start3A_19, %dma_start3A_20] : memref<1024x128xf32, #tpu.memory_space<hbm>> -> memref<1024x128xf32, #tpu.memory_space<hbm>>
    tpu.enqueue_indirect_dma source(%dma_start3A_21 : memref<1024x128xf32, #tpu.memory_space<hbm>>) target(%dma_start3A_15 : memref<128x128xf32, #tpu.memory_space<vmem>>) offsets(%dma_start3A_18 : memref<128xi32, #tpu.memory_space<vmem>>) semaphore(%arg7 : memref<!tpu.dma_semaphore, #tpu.memory_space<semaphore_mem>>)
    %dma_start3A_22 = arith.constant 2 : i32
    %dma_start3A_23 = arith.constant 256 : i32
    %dma_start3A_24 = arith.constant 0 : i32
    %dma_start3A_25 = tpu.memref_slice %arg6[%dma_start3A_23, %dma_start3A_24] : memref<512x128xf32, #tpu.memory_space<vmem>> -> memref<128x128xf32, #tpu.memory_space<vmem>>
    %dma_start3A_26 = arith.constant 0 : i32
    %dma_start3A_27 = tpu.memref_slice %arg5[%dma_start3A_22, %dma_start3A_26] : memref<8x128xi32, #tpu.memory_space<vmem>> -> memref<1x128xi32, #tpu.memory_space<vmem>>
    %dma_start3A_28 = tpu.memref_squeeze %dma_start3A_27 : memref<1x128xi32, #tpu.memory_space<vmem>> -> memref<128xi32, #tpu.memory_space<vmem>>
    %dma_start3A_29 = arith.constant 0 : i32
    %dma_start3A_30 = arith.constant 0 : i32
    %dma_start3A_31 = tpu.memref_slice %arg2[%dma_start3A_29, %dma_start3A_30] : memref<1024x128xf32, #tpu.memory_space<hbm>> -> memref<1024x128xf32, #tpu.memory_space<hbm>>
    tpu.enqueue_indirect_dma source(%dma_start3A_31 : memref<1024x128xf32, #tpu.memory_space<hbm>>) target(%dma_start3A_25 : memref<128x128xf32, #tpu.memory_space<vmem>>) offsets(%dma_start3A_28 : memref<128xi32, #tpu.memory_space<vmem>>) semaphore(%arg7 : memref<!tpu.dma_semaphore, #tpu.memory_space<semaphore_mem>>)
    %dma_start3A_32 = arith.constant 3 : i32
    %dma_start3A_33 = arith.constant 384 : i32
    %dma_start3A_34 = arith.constant 0 : i32
    %dma_start3A_35 = tpu.memref_slice %arg6[%dma_start3A_33, %dma_start3A_34] : memref<512x128xf32, #tpu.memory_space<vmem>> -> memref<128x128xf32, #tpu.memory_space<vmem>>
    %dma_start3A_36 = arith.constant 0 : i32
    %dma_start3A_37 = tpu.memref_slice %arg5[%dma_start3A_32, %dma_start3A_36] : memref<8x128xi32, #tpu.memory_space<vmem>> -> memref<1x128xi32, #tpu.memory_space<vmem>>
    %dma_start3A_38 = tpu.memref_squeeze %dma_start3A_37 : memref<1x128xi32, #tpu.memory_space<vmem>> -> memref<128xi32, #tpu.memory_space<vmem>>
    %dma_start3A_39 = arith.constant 0 : i32
    %dma_start3A_40 = arith.constant 0 : i32
    %dma_start3A_41 = tpu.memref_slice %arg2[%dma_start3A_39, %dma_start3A_40] : memref<1024x128xf32, #tpu.memory_space<hbm>> -> memref<1024x128xf32, #tpu.memory_space<hbm>>
    tpu.enqueue_indirect_dma source(%dma_start3A_41 : memref<1024x128xf32, #tpu.memory_space<hbm>>) target(%dma_start3A_35 : memref<128x128xf32, #tpu.memory_space<vmem>>) offsets(%dma_start3A_38 : memref<128xi32, #tpu.memory_space<vmem>>) semaphore(%arg7 : memref<!tpu.dma_semaphore, #tpu.memory_space<semaphore_mem>>)
    %dma_wait3A = arith.constant 0 : i32
    %dma_wait3A_42 = arith.constant 0 : i32
    %dma_wait3A_43 = arith.constant 0 : i32
    %dma_wait3A_44 = tpu.memref_slice %arg6[%dma_wait3A_42, %dma_wait3A_43] : memref<512x128xf32, #tpu.memory_space<vmem>> -> memref<128x128xf32, #tpu.memory_space<vmem>>
    %dma_wait3A_45 = arith.constant 0 : i32
    %dma_wait3A_46 = tpu.memref_slice %arg5[%dma_wait3A, %dma_wait3A_45] : memref<8x128xi32, #tpu.memory_space<vmem>> -> memref<1x128xi32, #tpu.memory_space<vmem>>
    %dma_wait3A_47 = tpu.memref_squeeze %dma_wait3A_46 : memref<1x128xi32, #tpu.memory_space<vmem>> -> memref<128xi32, #tpu.memory_space<vmem>>
    %dma_wait3A_48 = arith.constant 0 : i32
    %dma_wait3A_49 = arith.constant 0 : i32
    %dma_wait3A_50 = tpu.memref_slice %arg2[%dma_wait3A_48, %dma_wait3A_49] : memref<1024x128xf32, #tpu.memory_space<hbm>> -> memref<1024x128xf32, #tpu.memory_space<hbm>>
    tpu.wait_indirect_dma semaphore(%arg7 : memref<!tpu.dma_semaphore, #tpu.memory_space<semaphore_mem>>) src(%dma_wait3A_50 : memref<1024x128xf32, #tpu.memory_space<hbm>>) dst(%dma_wait3A_44 : memref<128x128xf32, #tpu.memory_space<vmem>>)
    %dma_wait3A_51 = arith.constant 1 : i32
    %dma_wait3A_52 = arith.constant 128 : i32
    %dma_wait3A_53 = arith.constant 0 : i32
    %dma_wait3A_54 = tpu.memref_slice %arg6[%dma_wait3A_52, %dma_wait3A_53] : memref<512x128xf32, #tpu.memory_space<vmem>> -> memref<128x128xf32, #tpu.memory_space<vmem>>
    %dma_wait3A_55 = arith.constant 0 : i32
    %dma_wait3A_56 = tpu.memref_slice %arg5[%dma_wait3A_51, %dma_wait3A_55] : memref<8x128xi32, #tpu.memory_space<vmem>> -> memref<1x128xi32, #tpu.memory_space<vmem>>
    %dma_wait3A_57 = tpu.memref_squeeze %dma_wait3A_56 : memref<1x128xi32, #tpu.memory_space<vmem>> -> memref<128xi32, #tpu.memory_space<vmem>>
    %dma_wait3A_58 = arith.constant 0 : i32
    %dma_wait3A_59 = arith.constant 0 : i32
    %dma_wait3A_60 = tpu.memref_slice %arg2[%dma_wait3A_58, %dma_wait3A_59] : memref<1024x128xf32, #tpu.memory_space<hbm>> -> memref<1024x128xf32, #tpu.memory_space<hbm>>
    tpu.wait_indirect_dma semaphore(%arg7 : memref<!tpu.dma_semaphore, #tpu.memory_space<semaphore_mem>>) src(%dma_wait3A_60 : memref<1024x128xf32, #tpu.memory_space<hbm>>) dst(%dma_wait3A_54 : memref<128x128xf32, #tpu.memory_space<vmem>>)
    %dma_wait3A_61 = arith.constant 2 : i32
    %dma_wait3A_62 = arith.constant 256 : i32
    %dma_wait3A_63 = arith.constant 0 : i32
    %dma_wait3A_64 = tpu.memref_slice %arg6[%dma_wait3A_62, %dma_wait3A_63] : memref<512x128xf32, #tpu.memory_space<vmem>> -> memref<128x128xf32, #tpu.memory_space<vmem>>
    %dma_wait3A_65 = arith.constant 0 : i32
    %dma_wait3A_66 = tpu.memref_slice %arg5[%dma_wait3A_61, %dma_wait3A_65] : memref<8x128xi32, #tpu.memory_space<vmem>> -> memref<1x128xi32, #tpu.memory_space<vmem>>
    %dma_wait3A_67 = tpu.memref_squeeze %dma_wait3A_66 : memref<1x128xi32, #tpu.memory_space<vmem>> -> memref<128xi32, #tpu.memory_space<vmem>>
    %dma_wait3A_68 = arith.constant 0 : i32
    %dma_wait3A_69 = arith.constant 0 : i32
    %dma_wait3A_70 = tpu.memref_slice %arg2[%dma_wait3A_68, %dma_wait3A_69] : memref<1024x128xf32, #tpu.memory_space<hbm>> -> memref<1024x128xf32, #tpu.memory_space<hbm>>
    tpu.wait_indirect_dma semaphore(%arg7 : memref<!tpu.dma_semaphore, #tpu.memory_space<semaphore_mem>>) src(%dma_wait3A_70 : memref<1024x128xf32, #tpu.memory_space<hbm>>) dst(%dma_wait3A_64 : memref<128x128xf32, #tpu.memory_space<vmem>>)
    %dma_wait3A_71 = arith.constant 3 : i32
    %dma_wait3A_72 = arith.constant 384 : i32
    %dma_wait3A_73 = arith.constant 0 : i32
    %dma_wait3A_74 = tpu.memref_slice %arg6[%dma_wait3A_72, %dma_wait3A_73] : memref<512x128xf32, #tpu.memory_space<vmem>> -> memref<128x128xf32, #tpu.memory_space<vmem>>
    %dma_wait3A_75 = arith.constant 0 : i32
    %dma_wait3A_76 = tpu.memref_slice %arg5[%dma_wait3A_71, %dma_wait3A_75] : memref<8x128xi32, #tpu.memory_space<vmem>> -> memref<1x128xi32, #tpu.memory_space<vmem>>
    %dma_wait3A_77 = tpu.memref_squeeze %dma_wait3A_76 : memref<1x128xi32, #tpu.memory_space<vmem>> -> memref<128xi32, #tpu.memory_space<vmem>>
    %dma_wait3A_78 = arith.constant 0 : i32
    %dma_wait3A_79 = arith.constant 0 : i32
    %dma_wait3A_80 = tpu.memref_slice %arg2[%dma_wait3A_78, %dma_wait3A_79] : memref<1024x128xf32, #tpu.memory_space<hbm>> -> memref<1024x128xf32, #tpu.memory_space<hbm>>
    tpu.wait_indirect_dma semaphore(%arg7 : memref<!tpu.dma_semaphore, #tpu.memory_space<semaphore_mem>>) src(%dma_wait3A_80 : memref<1024x128xf32, #tpu.memory_space<hbm>>) dst(%dma_wait3A_74 : memref<128x128xf32, #tpu.memory_space<vmem>>)
    %add3A_81 = arith.constant 0 : i32
    %add3A_82 = arith.addi %mul3A_2, %add3A_81 : i32
    "tpu.region"() ({
      %run_scoped3A = tpu.sem_alloc : memref<!tpu.dma_semaphore, #tpu.memory_space<semaphore_mem>>
      %dma_start3A_165 = arith.constant 0 : i32
      %dma_start3A_166 = tpu.memref_slice %arg4[%add3A_82, %dma_start3A_165] : memref<32768x128xf32, #tpu.memory_space<hbm>> -> memref<512x128xf32, #tpu.memory_space<hbm>>
      %dma_start3A_167 = arith.constant 0 : i32
      %dma_start3A_168 = tpu.memref_slice %arg4[%add3A_82, %dma_start3A_167] : memref<32768x128xf32, #tpu.memory_space<hbm>> -> memref<512x128xf32, #tpu.memory_space<hbm>>
      tpu.enqueue_dma source(%arg6 : memref<512x128xf32, #tpu.memory_space<vmem>>) target(%dma_start3A_168 : memref<512x128xf32, #tpu.memory_space<hbm>>) target_semaphore(%run_scoped3A : memref<!tpu.dma_semaphore, #tpu.memory_space<semaphore_mem>>)
      %dma_wait3A_169 = arith.constant 0 : i32
      %dma_wait3A_170 = tpu.memref_slice %arg4[%add3A_82, %dma_wait3A_169] : memref<32768x128xf32, #tpu.memory_space<hbm>> -> memref<512x128xf32, #tpu.memory_space<hbm>>
      %dma_wait3A_171 = arith.constant 0 : i32
      %dma_wait3A_172 = tpu.memref_slice %arg4[%add3A_82, %dma_wait3A_171] : memref<32768x128xf32, #tpu.memory_space<hbm>> -> memref<512x128xf32, #tpu.memory_space<hbm>>
      tpu.wait_dma2 semaphore(%run_scoped3A : memref<!tpu.dma_semaphore, #tpu.memory_space<semaphore_mem>>) src(%arg6 : memref<512x128xf32, #tpu.memory_space<vmem>>) dst(%dma_wait3A_172 : memref<512x128xf32, #tpu.memory_space<hbm>>)
      tpu.yield
    }) : () -> ()
    %dma_start3A_83 = arith.constant 4 : i32
    %dma_start3A_84 = arith.constant 0 : i32
    %dma_start3A_85 = arith.constant 0 : i32
    %dma_start3A_86 = tpu.memref_slice %arg6[%dma_start3A_84, %dma_start3A_85] : memref<512x128xf32, #tpu.memory_space<vmem>> -> memref<128x128xf32, #tpu.memory_space<vmem>>
    %dma_start3A_87 = arith.constant 0 : i32
    %dma_start3A_88 = tpu.memref_slice %arg5[%dma_start3A_83, %dma_start3A_87] : memref<8x128xi32, #tpu.memory_space<vmem>> -> memref<1x128xi32, #tpu.memory_space<vmem>>
    %dma_start3A_89 = tpu.memref_squeeze %dma_start3A_88 : memref<1x128xi32, #tpu.memory_space<vmem>> -> memref<128xi32, #tpu.memory_space<vmem>>
    %dma_start3A_90 = arith.constant 0 : i32
    %dma_start3A_91 = arith.constant 0 : i32
    %dma_start3A_92 = tpu.memref_slice %arg2[%dma_start3A_90, %dma_start3A_91] : memref<1024x128xf32, #tpu.memory_space<hbm>> -> memref<1024x128xf32, #tpu.memory_space<hbm>>
    tpu.enqueue_indirect_dma source(%dma_start3A_92 : memref<1024x128xf32, #tpu.memory_space<hbm>>) target(%dma_start3A_86 : memref<128x128xf32, #tpu.memory_space<vmem>>) offsets(%dma_start3A_89 : memref<128xi32, #tpu.memory_space<vmem>>) semaphore(%arg7 : memref<!tpu.dma_semaphore, #tpu.memory_space<semaphore_mem>>)
    %dma_start3A_93 = arith.constant 5 : i32
    %dma_start3A_94 = arith.constant 128 : i32
    %dma_start3A_95 = arith.constant 0 : i32
    %dma_start3A_96 = tpu.memref_slice %arg6[%dma_start3A_94, %dma_start3A_95] : memref<512x128xf32, #tpu.memory_space<vmem>> -> memref<128x128xf32, #tpu.memory_space<vmem>>
    %dma_start3A_97 = arith.constant 0 : i32
    %dma_start3A_98 = tpu.memref_slice %arg5[%dma_start3A_93, %dma_start3A_97] : memref<8x128xi32, #tpu.memory_space<vmem>> -> memref<1x128xi32, #tpu.memory_space<vmem>>
    %dma_start3A_99 = tpu.memref_squeeze %dma_start3A_98 : memref<1x128xi32, #tpu.memory_space<vmem>> -> memref<128xi32, #tpu.memory_space<vmem>>
    %dma_start3A_100 = arith.constant 0 : i32
    %dma_start3A_101 = arith.constant 0 : i32
    %dma_start3A_102 = tpu.memref_slice %arg2[%dma_start3A_100, %dma_start3A_101] : memref<1024x128xf32, #tpu.memory_space<hbm>> -> memref<1024x128xf32, #tpu.memory_space<hbm>>
    tpu.enqueue_indirect_dma source(%dma_start3A_102 : memref<1024x128xf32, #tpu.memory_space<hbm>>) target(%dma_start3A_96 : memref<128x128xf32, #tpu.memory_space<vmem>>) offsets(%dma_start3A_99 : memref<128xi32, #tpu.memory_space<vmem>>) semaphore(%arg7 : memref<!tpu.dma_semaphore, #tpu.memory_space<semaphore_mem>>)
    %dma_start3A_103 = arith.constant 6 : i32
    %dma_start3A_104 = arith.constant 256 : i32
    %dma_start3A_105 = arith.constant 0 : i32
    %dma_start3A_106 = tpu.memref_slice %arg6[%dma_start3A_104, %dma_start3A_105] : memref<512x128xf32, #tpu.memory_space<vmem>> -> memref<128x128xf32, #tpu.memory_space<vmem>>
    %dma_start3A_107 = arith.constant 0 : i32
    %dma_start3A_108 = tpu.memref_slice %arg5[%dma_start3A_103, %dma_start3A_107] : memref<8x128xi32, #tpu.memory_space<vmem>> -> memref<1x128xi32, #tpu.memory_space<vmem>>
    %dma_start3A_109 = tpu.memref_squeeze %dma_start3A_108 : memref<1x128xi32, #tpu.memory_space<vmem>> -> memref<128xi32, #tpu.memory_space<vmem>>
    %dma_start3A_110 = arith.constant 0 : i32
    %dma_start3A_111 = arith.constant 0 : i32
    %dma_start3A_112 = tpu.memref_slice %arg2[%dma_start3A_110, %dma_start3A_111] : memref<1024x128xf32, #tpu.memory_space<hbm>> -> memref<1024x128xf32, #tpu.memory_space<hbm>>
    tpu.enqueue_indirect_dma source(%dma_start3A_112 : memref<1024x128xf32, #tpu.memory_space<hbm>>) target(%dma_start3A_106 : memref<128x128xf32, #tpu.memory_space<vmem>>) offsets(%dma_start3A_109 : memref<128xi32, #tpu.memory_space<vmem>>) semaphore(%arg7 : memref<!tpu.dma_semaphore, #tpu.memory_space<semaphore_mem>>)
    %dma_start3A_113 = arith.constant 7 : i32
    %dma_start3A_114 = arith.constant 384 : i32
    %dma_start3A_115 = arith.constant 0 : i32
    %dma_start3A_116 = tpu.memref_slice %arg6[%dma_start3A_114, %dma_start3A_115] : memref<512x128xf32, #tpu.memory_space<vmem>> -> memref<128x128xf32, #tpu.memory_space<vmem>>
    %dma_start3A_117 = arith.constant 0 : i32
    %dma_start3A_118 = tpu.memref_slice %arg5[%dma_start3A_113, %dma_start3A_117] : memref<8x128xi32, #tpu.memory_space<vmem>> -> memref<1x128xi32, #tpu.memory_space<vmem>>
    %dma_start3A_119 = tpu.memref_squeeze %dma_start3A_118 : memref<1x128xi32, #tpu.memory_space<vmem>> -> memref<128xi32, #tpu.memory_space<vmem>>
    %dma_start3A_120 = arith.constant 0 : i32
    %dma_start3A_121 = arith.constant 0 : i32
    %dma_start3A_122 = tpu.memref_slice %arg2[%dma_start3A_120, %dma_start3A_121] : memref<1024x128xf32, #tpu.memory_space<hbm>> -> memref<1024x128xf32, #tpu.memory_space<hbm>>
    tpu.enqueue_indirect_dma source(%dma_start3A_122 : memref<1024x128xf32, #tpu.memory_space<hbm>>) target(%dma_start3A_116 : memref<128x128xf32, #tpu.memory_space<vmem>>) offsets(%dma_start3A_119 : memref<128xi32, #tpu.memory_space<vmem>>) semaphore(%arg7 : memref<!tpu.dma_semaphore, #tpu.memory_space<semaphore_mem>>)
    %dma_wait3A_123 = arith.constant 4 : i32
    %dma_wait3A_124 = arith.constant 0 : i32
    %dma_wait3A_125 = arith.constant 0 : i32
    %dma_wait3A_126 = tpu.memref_slice %arg6[%dma_wait3A_124, %dma_wait3A_125] : memref<512x128xf32, #tpu.memory_space<vmem>> -> memref<128x128xf32, #tpu.memory_space<vmem>>
    %dma_wait3A_127 = arith.constant 0 : i32
    %dma_wait3A_128 = tpu.memref_slice %arg5[%dma_wait3A_123, %dma_wait3A_127] : memref<8x128xi32, #tpu.memory_space<vmem>> -> memref<1x128xi32, #tpu.memory_space<vmem>>
    %dma_wait3A_129 = tpu.memref_squeeze %dma_wait3A_128 : memref<1x128xi32, #tpu.memory_space<vmem>> -> memref<128xi32, #tpu.memory_space<vmem>>
    %dma_wait3A_130 = arith.constant 0 : i32
    %dma_wait3A_131 = arith.constant 0 : i32
    %dma_wait3A_132 = tpu.memref_slice %arg2[%dma_wait3A_130, %dma_wait3A_131] : memref<1024x128xf32, #tpu.memory_space<hbm>> -> memref<1024x128xf32, #tpu.memory_space<hbm>>
    tpu.wait_indirect_dma semaphore(%arg7 : memref<!tpu.dma_semaphore, #tpu.memory_space<semaphore_mem>>) src(%dma_wait3A_132 : memref<1024x128xf32, #tpu.memory_space<hbm>>) dst(%dma_wait3A_126 : memref<128x128xf32, #tpu.memory_space<vmem>>)
    %dma_wait3A_133 = arith.constant 5 : i32
    %dma_wait3A_134 = arith.constant 128 : i32
    %dma_wait3A_135 = arith.constant 0 : i32
    %dma_wait3A_136 = tpu.memref_slice %arg6[%dma_wait3A_134, %dma_wait3A_135] : memref<512x128xf32, #tpu.memory_space<vmem>> -> memref<128x128xf32, #tpu.memory_space<vmem>>
    %dma_wait3A_137 = arith.constant 0 : i32
    %dma_wait3A_138 = tpu.memref_slice %arg5[%dma_wait3A_133, %dma_wait3A_137] : memref<8x128xi32, #tpu.memory_space<vmem>> -> memref<1x128xi32, #tpu.memory_space<vmem>>
    %dma_wait3A_139 = tpu.memref_squeeze %dma_wait3A_138 : memref<1x128xi32, #tpu.memory_space<vmem>> -> memref<128xi32, #tpu.memory_space<vmem>>
    %dma_wait3A_140 = arith.constant 0 : i32
    %dma_wait3A_141 = arith.constant 0 : i32
    %dma_wait3A_142 = tpu.memref_slice %arg2[%dma_wait3A_140, %dma_wait3A_141] : memref<1024x128xf32, #tpu.memory_space<hbm>> -> memref<1024x128xf32, #tpu.memory_space<hbm>>
    tpu.wait_indirect_dma semaphore(%arg7 : memref<!tpu.dma_semaphore, #tpu.memory_space<semaphore_mem>>) src(%dma_wait3A_142 : memref<1024x128xf32, #tpu.memory_space<hbm>>) dst(%dma_wait3A_136 : memref<128x128xf32, #tpu.memory_space<vmem>>)
    %dma_wait3A_143 = arith.constant 6 : i32
    %dma_wait3A_144 = arith.constant 256 : i32
    %dma_wait3A_145 = arith.constant 0 : i32
    %dma_wait3A_146 = tpu.memref_slice %arg6[%dma_wait3A_144, %dma_wait3A_145] : memref<512x128xf32, #tpu.memory_space<vmem>> -> memref<128x128xf32, #tpu.memory_space<vmem>>
    %dma_wait3A_147 = arith.constant 0 : i32
    %dma_wait3A_148 = tpu.memref_slice %arg5[%dma_wait3A_143, %dma_wait3A_147] : memref<8x128xi32, #tpu.memory_space<vmem>> -> memref<1x128xi32, #tpu.memory_space<vmem>>
    %dma_wait3A_149 = tpu.memref_squeeze %dma_wait3A_148 : memref<1x128xi32, #tpu.memory_space<vmem>> -> memref<128xi32, #tpu.memory_space<vmem>>
    %dma_wait3A_150 = arith.constant 0 : i32
    %dma_wait3A_151 = arith.constant 0 : i32
    %dma_wait3A_152 = tpu.memref_slice %arg2[%dma_wait3A_150, %dma_wait3A_151] : memref<1024x128xf32, #tpu.memory_space<hbm>> -> memref<1024x128xf32, #tpu.memory_space<hbm>>
    tpu.wait_indirect_dma semaphore(%arg7 : memref<!tpu.dma_semaphore, #tpu.memory_space<semaphore_mem>>) src(%dma_wait3A_152 : memref<1024x128xf32, #tpu.memory_space<hbm>>) dst(%dma_wait3A_146 : memref<128x128xf32, #tpu.memory_space<vmem>>)
    %dma_wait3A_153 = arith.constant 7 : i32
    %dma_wait3A_154 = arith.constant 384 : i32
    %dma_wait3A_155 = arith.constant 0 : i32
    %dma_wait3A_156 = tpu.memref_slice %arg6[%dma_wait3A_154, %dma_wait3A_155] : memref<512x128xf32, #tpu.memory_space<vmem>> -> memref<128x128xf32, #tpu.memory_space<vmem>>
    %dma_wait3A_157 = arith.constant 0 : i32
    %dma_wait3A_158 = tpu.memref_slice %arg5[%dma_wait3A_153, %dma_wait3A_157] : memref<8x128xi32, #tpu.memory_space<vmem>> -> memref<1x128xi32, #tpu.memory_space<vmem>>
    %dma_wait3A_159 = tpu.memref_squeeze %dma_wait3A_158 : memref<1x128xi32, #tpu.memory_space<vmem>> -> memref<128xi32, #tpu.memory_space<vmem>>
    %dma_wait3A_160 = arith.constant 0 : i32
    %dma_wait3A_161 = arith.constant 0 : i32
    %dma_wait3A_162 = tpu.memref_slice %arg2[%dma_wait3A_160, %dma_wait3A_161] : memref<1024x128xf32, #tpu.memory_space<hbm>> -> memref<1024x128xf32, #tpu.memory_space<hbm>>
    tpu.wait_indirect_dma semaphore(%arg7 : memref<!tpu.dma_semaphore, #tpu.memory_space<semaphore_mem>>) src(%dma_wait3A_162 : memref<1024x128xf32, #tpu.memory_space<hbm>>) dst(%dma_wait3A_156 : memref<128x128xf32, #tpu.memory_space<vmem>>)
    %add3A_163 = arith.constant 512 : i32
    %add3A_164 = arith.addi %mul3A_2, %add3A_163 : i32
    "tpu.region"() ({
      %run_scoped3A = tpu.sem_alloc : memref<!tpu.dma_semaphore, #tpu.memory_space<semaphore_mem>>
      %dma_start3A_165 = arith.constant 0 : i32
      %dma_start3A_166 = tpu.memref_slice %arg4[%add3A_164, %dma_start3A_165] : memref<32768x128xf32, #tpu.memory_space<hbm>> -> memref<512x128xf32, #tpu.memory_space<hbm>>
      %dma_start3A_167 = arith.constant 0 : i32
      %dma_start3A_168 = tpu.memref_slice %arg4[%add3A_164, %dma_start3A_167] : memref<32768x128xf32, #tpu.memory_space<hbm>> -> memref<512x128xf32, #tpu.memory_space<hbm>>
      tpu.enqueue_dma source(%arg6 : memref<512x128xf32, #tpu.memory_space<vmem>>) target(%dma_start3A_168 : memref<512x128xf32, #tpu.memory_space<hbm>>) target_semaphore(%run_scoped3A : memref<!tpu.dma_semaphore, #tpu.memory_space<semaphore_mem>>)
      %dma_wait3A_169 = arith.constant 0 : i32
      %dma_wait3A_170 = tpu.memref_slice %arg4[%add3A_164, %dma_wait3A_169] : memref<32768x128xf32, #tpu.memory_space<hbm>> -> memref<512x128xf32, #tpu.memory_space<hbm>>
      %dma_wait3A_171 = arith.constant 0 : i32
      %dma_wait3A_172 = tpu.memref_slice %arg4[%add3A_164, %dma_wait3A_171] : memref<32768x128xf32, #tpu.memory_space<hbm>> -> memref<512x128xf32, #tpu.memory_space<hbm>>
      tpu.wait_dma2 semaphore(%run_scoped3A : memref<!tpu.dma_semaphore, #tpu.memory_space<semaphore_mem>>) src(%arg6 : memref<512x128xf32, #tpu.memory_space<vmem>>) dst(%dma_wait3A_172 : memref<512x128xf32, #tpu.memory_space<hbm>>)
      tpu.yield
    }) : () -> ()
    return
  }
}

#map = affine_map<(d0, d1) -> (0, 0)>
#map1 = affine_map<(d0, d1) -> (0, 0, 0)>
module attributes {stable_mosaic.version = 14 : i64} {
  func.func @gather(%arg0: i32, %arg1: i32, %arg2: memref<1024x128xf32, #tpu.memory_space<hbm>>, %arg3: memref<32x8x128xi32, #tpu.memory_space<hbm>>, %arg4: memref<32768x128xf32, #tpu.memory_space<hbm>>, %arg5: memref<8x128xi32, #tpu.memory_space<vmem>>, %arg6: memref<512x128xf32, #tpu.memory_space<vmem>>, %arg7: memref<!tpu.dma_semaphore, #tpu.memory_space<semaphore_mem>>) attributes {dimension_semantics = [#tpu.dimension_semantics<core_parallel>, #tpu.dimension_semantics<subcore_parallel>], iteration_bounds = array<i64: 2, 16>, scalar_prefetch = 0 : i64, scratch_operands = 3 : i64, tpu.core_type = #tpu.core_type<sc_vector_subcore>, window_params = [{transform_indices = #map}, {transform_indices = #map1}, {transform_indices = #map}]} {
    %mul3A = arith.constant 2 : i32
    %mul3A_0 = arith.muli %arg1, %mul3A : i32
    %add3A = arith.addi %mul3A_0, %arg0 : i32
    %mul3A_1 = arith.constant 1024 : i32
    %mul3A_2 = arith.muli %add3A, %mul3A_1 : i32
    "tpu.region"() ({
      %run_scoped3A = tpu.sem_alloc : memref<!tpu.dma_semaphore, #tpu.memory_space<semaphore_mem>>
      %dma_start3A_165 = arith.constant 0 : i32
      %dma_start3A_166 = arith.constant 0 : i32
      %dma_start3A_167 = tpu.memref_slice %arg3[%add3A, %dma_start3A_165, %dma_start3A_166] : memref<32x8x128xi32, #tpu.memory_space<hbm>> -> memref<1x8x128xi32, #tpu.memory_space<hbm>>
      %dma_start3A_168 = tpu.memref_squeeze %dma_start3A_167 : memref<1x8x128xi32, #tpu.memory_space<hbm>> -> memref<8x128xi32, #tpu.memory_space<hbm>>
      %dma_start3A_169 = arith.constant 0 : i32
      %dma_start3A_170 = arith.constant 0 : i32
      %dma_start3A_171 = tpu.memref_slice %arg3[%add3A, %dma_start3A_169, %dma_start3A_170] : memref<32x8x128xi32, #tpu.memory_space<hbm>> -> memref<1x8x128xi32, #tpu.memory_space<hbm>>
      %dma_start3A_172 = tpu.memref_squeeze %dma_start3A_171 : memref<1x8x128xi32, #tpu.memory_space<hbm>> -> memref<8x128xi32, #tpu.memory_space<hbm>>
      tpu.enqueue_dma source(%dma_start3A_172 : memref<8x128xi32, #tpu.memory_space<hbm>>) target(%arg5 : memref<8x128xi32, #tpu.memory_space<vmem>>) target_semaphore(%run_scoped3A : memref<!tpu.dma_semaphore, #tpu.memory_space<semaphore_mem>>)
      %dma_wait3A_173 = arith.constant 0 : i32
      %dma_wait3A_174 = arith.constant 0 : i32
      %dma_wait3A_175 = tpu.memref_slice %arg3[%add3A, %dma_wait3A_173, %dma_wait3A_174] : memref<32x8x128xi32, #tpu.memory_space<hbm>> -> memref<1x8x128xi32, #tpu.memory_space<hbm>>
      %dma_wait3A_176 = tpu.memref_squeeze %dma_wait3A_175 : memref<1x8x128xi32, #tpu.memory_space<hbm>> -> memref<8x128xi32, #tpu.memory_space<hbm>>
      %dma_wait3A_177 = arith.constant 0 : i32
      %dma_wait3A_178 = arith.constant 0 : i32
      %dma_wait3A_179 = tpu.memref_slice %arg3[%add3A, %dma_wait3A_177, %dma_wait3A_178] : memref<32x8x128xi32, #tpu.memory_space<hbm>> -> memref<1x8x128xi32, #tpu.memory_space<hbm>>
      %dma_wait3A_180 = tpu.memref_squeeze %dma_wait3A_179 : memref<1x8x128xi32, #tpu.memory_space<hbm>> -> memref<8x128xi32, #tpu.memory_space<hbm>>
      tpu.wait_dma2 semaphore(%run_scoped3A : memref<!tpu.dma_semaphore, #tpu.memory_space<semaphore_mem>>) src(%dma_wait3A_180 : memref<8x128xi32, #tpu.memory_space<hbm>>) dst(%arg5 : memref<8x128xi32, #tpu.memory_space<vmem>>)
      tpu.yield
    }) : () -> ()
    %dma_start3A = arith.constant 0 : i32
    %dma_start3A_3 = arith.constant 0 : i32
    %dma_start3A_4 = arith.constant 0 : i32
    %dma_start3A_5 = tpu.memref_slice %arg6[%dma_start3A_3, %dma_start3A_4] : memref<512x128xf32, #tpu.memory_space<vmem>> -> memref<128x128xf32, #tpu.memory_space<vmem>>
    %dma_start3A_6 = arith.constant 0 : i32
    %dma_start3A_7 = tpu.memref_slice %arg5[%dma_start3A, %dma_start3A_6] : memref<8x128xi32, #tpu.memory_space<vmem>> -> memref<1x128xi32, #tpu.memory_space<vmem>>
    %dma_start3A_8 = tpu.memref_squeeze %dma_start3A_7 : memref<1x128xi32, #tpu.memory_space<vmem>> -> memref<128xi32, #tpu.memory_space<vmem>>
    %dma_start3A_9 = arith.constant 0 : i32
    %dma_start3A_10 = arith.constant 0 : i32
    %dma_start3A_11 = tpu.memref_slice %arg2[%dma_start3A_9, %dma_start3A_10] : memref<1024x128xf32, #tpu.memory_space<hbm>> -> memref<1024x128xf32, #tpu.memory_space<hbm>>
    tpu.enqueue_indirect_dma source(%dma_start3A_11 : memref<1024x128xf32, #tpu.memory_space<hbm>>) target(%dma_start3A_5 : memref<128x128xf32, #tpu.memory_space<vmem>>) offsets(%dma_start3A_8 : memref<128xi32, #tpu.memory_space<vmem>>) semaphore(%arg7 : memref<!tpu.dma_semaphore, #tpu.memory_space<semaphore_mem>>)
    %dma_start3A_12 = arith.constant 1 : i32
    %dma_start3A_13 = arith.constant 128 : i32
    %dma_start3A_14 = arith.constant 0 : i32
    %dma_start3A_15 = tpu.memref_slice %arg6[%dma_start3A_13, %dma_start3A_14] : memref<512x128xf32, #tpu.memory_space<vmem>> -> memref<128x128xf32, #tpu.memory_space<vmem>>
    %dma_start3A_16 = arith.constant 0 : i32
    %dma_start3A_17 = tpu.memref_slice %arg5[%dma_start3A_12, %dma_start3A_16] : memref<8x128xi32, #tpu.memory_space<vmem>> -> memref<1x128xi32, #tpu.memory_space<vmem>>
    %dma_start3A_18 = tpu.memref_squeeze %dma_start3A_17 : memref<1x128xi32, #tpu.memory_space<vmem>> -> memref<128xi32, #tpu.memory_space<vmem>>
    %dma_start3A_19 = arith.constant 0 : i32
    %dma_start3A_20 = arith.constant 0 : i32
    %dma_start3A_21 = tpu.memref_slice %arg2[%dma_start3A_19, %dma_start3A_20] : memref<1024x128xf32, #tpu.memory_space<hbm>> -> memref<1024x128xf32, #tpu.memory_space<hbm>>
    tpu.enqueue_indirect_dma source(%dma_start3A_21 : memref<1024x128xf32, #tpu.memory_space<hbm>>) target(%dma_start3A_15 : memref<128x128xf32, #tpu.memory_space<vmem>>) offsets(%dma_start3A_18 : memref<128xi32, #tpu.memory_space<vmem>>) semaphore(%arg7 : memref<!tpu.dma_semaphore, #tpu.memory_space<semaphore_mem>>)
    %dma_start3A_22 = arith.constant 2 : i32
    %dma_start3A_23 = arith.constant 256 : i32
    %dma_start3A_24 = arith.constant 0 : i32
    %dma_start3A_25 = tpu.memref_slice %arg6[%dma_start3A_23, %dma_start3A_24] : memref<512x128xf32, #tpu.memory_space<vmem>> -> memref<128x128xf32, #tpu.memory_space<vmem>>
    %dma_start3A_26 = arith.constant 0 : i32
    %dma_start3A_27 = tpu.memref_slice %arg5[%dma_start3A_22, %dma_start3A_26] : memref<8x128xi32, #tpu.memory_space<vmem>> -> memref<1x128xi32, #tpu.memory_space<vmem>>
    %dma_start3A_28 = tpu.memref_squeeze %dma_start3A_27 : memref<1x128xi32, #tpu.memory_space<vmem>> -> memref<128xi32, #tpu.memory_space<vmem>>
    %dma_start3A_29 = arith.constant 0 : i32
    %dma_start3A_30 = arith.constant 0 : i32
    %dma_start3A_31 = tpu.memref_slice %arg2[%dma_start3A_29, %dma_start3A_30] : memref<1024x128xf32, #tpu.memory_space<hbm>> -> memref<1024x128xf32, #tpu.memory_space<hbm>>
    tpu.enqueue_indirect_dma source(%dma_start3A_31 : memref<1024x128xf32, #tpu.memory_space<hbm>>) target(%dma_start3A_25 : memref<128x128xf32, #tpu.memory_space<vmem>>) offsets(%dma_start3A_28 : memref<128xi32, #tpu.memory_space<vmem>>) semaphore(%arg7 : memref<!tpu.dma_semaphore, #tpu.memory_space<semaphore_mem>>)
    %dma_start3A_32 = arith.constant 3 : i32
    %dma_start3A_33 = arith.constant 384 : i32
    %dma_start3A_34 = arith.constant 0 : i32
    %dma_start3A_35 = tpu.memref_slice %arg6[%dma_start3A_33, %dma_start3A_34] : memref<512x128xf32, #tpu.memory_space<vmem>> -> memref<128x128xf32, #tpu.memory_space<vmem>>
    %dma_start3A_36 = arith.constant 0 : i32
    %dma_start3A_37 = tpu.memref_slice %arg5[%dma_start3A_32, %dma_start3A_36] : memref<8x128xi32, #tpu.memory_space<vmem>> -> memref<1x128xi32, #tpu.memory_space<vmem>>
    %dma_start3A_38 = tpu.memref_squeeze %dma_start3A_37 : memref<1x128xi32, #tpu.memory_space<vmem>> -> memref<128xi32, #tpu.memory_space<vmem>>
    %dma_start3A_39 = arith.constant 0 : i32
    %dma_start3A_40 = arith.constant 0 : i32
    %dma_start3A_41 = tpu.memref_slice %arg2[%dma_start3A_39, %dma_start3A_40] : memref<1024x128xf32, #tpu.memory_space<hbm>> -> memref<1024x128xf32, #tpu.memory_space<hbm>>
    tpu.enqueue_indirect_dma source(%dma_start3A_41 : memref<1024x128xf32, #tpu.memory_space<hbm>>) target(%dma_start3A_35 : memref<128x128xf32, #tpu.memory_space<vmem>>) offsets(%dma_start3A_38 : memref<128xi32, #tpu.memory_space<vmem>>) semaphore(%arg7 : memref<!tpu.dma_semaphore, #tpu.memory_space<semaphore_mem>>)
    %dma_wait3A = arith.constant 0 : i32
    %dma_wait3A_42 = arith.constant 0 : i32
    %dma_wait3A_43 = arith.constant 0 : i32
    %dma_wait3A_44 = tpu.memref_slice %arg6[%dma_wait3A_42, %dma_wait3A_43] : memref<512x128xf32, #tpu.memory_space<vmem>> -> memref<128x128xf32, #tpu.memory_space<vmem>>
    %dma_wait3A_45 = arith.constant 0 : i32
    %dma_wait3A_46 = tpu.memref_slice %arg5[%dma_wait3A, %dma_wait3A_45] : memref<8x128xi32, #tpu.memory_space<vmem>> -> memref<1x128xi32, #tpu.memory_space<vmem>>
    %dma_wait3A_47 = tpu.memref_squeeze %dma_wait3A_46 : memref<1x128xi32, #tpu.memory_space<vmem>> -> memref<128xi32, #tpu.memory_space<vmem>>
    %dma_wait3A_48 = arith.constant 0 : i32
    %dma_wait3A_49 = arith.constant 0 : i32
    %dma_wait3A_50 = tpu.memref_slice %arg2[%dma_wait3A_48, %dma_wait3A_49] : memref<1024x128xf32, #tpu.memory_space<hbm>> -> memref<1024x128xf32, #tpu.memory_space<hbm>>
    tpu.wait_indirect_dma semaphore(%arg7 : memref<!tpu.dma_semaphore, #tpu.memory_space<semaphore_mem>>) src(%dma_wait3A_50 : memref<1024x128xf32, #tpu.memory_space<hbm>>) dst(%dma_wait3A_44 : memref<128x128xf32, #tpu.memory_space<vmem>>)
    %dma_wait3A_51 = arith.constant 1 : i32
    %dma_wait3A_52 = arith.constant 128 : i32
    %dma_wait3A_53 = arith.constant 0 : i32
    %dma_wait3A_54 = tpu.memref_slice %arg6[%dma_wait3A_52, %dma_wait3A_53] : memref<512x128xf32, #tpu.memory_space<vmem>> -> memref<128x128xf32, #tpu.memory_space<vmem>>
    %dma_wait3A_55 = arith.constant 0 : i32
    %dma_wait3A_56 = tpu.memref_slice %arg5[%dma_wait3A_51, %dma_wait3A_55] : memref<8x128xi32, #tpu.memory_space<vmem>> -> memref<1x128xi32, #tpu.memory_space<vmem>>
    %dma_wait3A_57 = tpu.memref_squeeze %dma_wait3A_56 : memref<1x128xi32, #tpu.memory_space<vmem>> -> memref<128xi32, #tpu.memory_space<vmem>>
    %dma_wait3A_58 = arith.constant 0 : i32
    %dma_wait3A_59 = arith.constant 0 : i32
    %dma_wait3A_60 = tpu.memref_slice %arg2[%dma_wait3A_58, %dma_wait3A_59] : memref<1024x128xf32, #tpu.memory_space<hbm>> -> memref<1024x128xf32, #tpu.memory_space<hbm>>
    tpu.wait_indirect_dma semaphore(%arg7 : memref<!tpu.dma_semaphore, #tpu.memory_space<semaphore_mem>>) src(%dma_wait3A_60 : memref<1024x128xf32, #tpu.memory_space<hbm>>) dst(%dma_wait3A_54 : memref<128x128xf32, #tpu.memory_space<vmem>>)
    %dma_wait3A_61 = arith.constant 2 : i32
    %dma_wait3A_62 = arith.constant 256 : i32
    %dma_wait3A_63 = arith.constant 0 : i32
    %dma_wait3A_64 = tpu.memref_slice %arg6[%dma_wait3A_62, %dma_wait3A_63] : memref<512x128xf32, #tpu.memory_space<vmem>> -> memref<128x128xf32, #tpu.memory_space<vmem>>
    %dma_wait3A_65 = arith.constant 0 : i32
    %dma_wait3A_66 = tpu.memref_slice %arg5[%dma_wait3A_61, %dma_wait3A_65] : memref<8x128xi32, #tpu.memory_space<vmem>> -> memref<1x128xi32, #tpu.memory_space<vmem>>
    %dma_wait3A_67 = tpu.memref_squeeze %dma_wait3A_66 : memref<1x128xi32, #tpu.memory_space<vmem>> -> memref<128xi32, #tpu.memory_space<vmem>>
    %dma_wait3A_68 = arith.constant 0 : i32
    %dma_wait3A_69 = arith.constant 0 : i32
    %dma_wait3A_70 = tpu.memref_slice %arg2[%dma_wait3A_68, %dma_wait3A_69] : memref<1024x128xf32, #tpu.memory_space<hbm>> -> memref<1024x128xf32, #tpu.memory_space<hbm>>
    tpu.wait_indirect_dma semaphore(%arg7 : memref<!tpu.dma_semaphore, #tpu.memory_space<semaphore_mem>>) src(%dma_wait3A_70 : memref<1024x128xf32, #tpu.memory_space<hbm>>) dst(%dma_wait3A_64 : memref<128x128xf32, #tpu.memory_space<vmem>>)
    %dma_wait3A_71 = arith.constant 3 : i32
    %dma_wait3A_72 = arith.constant 384 : i32
    %dma_wait3A_73 = arith.constant 0 : i32
    %dma_wait3A_74 = tpu.memref_slice %arg6[%dma_wait3A_72, %dma_wait3A_73] : memref<512x128xf32, #tpu.memory_space<vmem>> -> memref<128x128xf32, #tpu.memory_space<vmem>>
    %dma_wait3A_75 = arith.constant 0 : i32
    %dma_wait3A_76 = tpu.memref_slice %arg5[%dma_wait3A_71, %dma_wait3A_75] : memref<8x128xi32, #tpu.memory_space<vmem>> -> memref<1x128xi32, #tpu.memory_space<vmem>>
    %dma_wait3A_77 = tpu.memref_squeeze %dma_wait3A_76 : memref<1x128xi32, #tpu.memory_space<vmem>> -> memref<128xi32, #tpu.memory_space<vmem>>
    %dma_wait3A_78 = arith.constant 0 : i32
    %dma_wait3A_79 = arith.constant 0 : i32
    %dma_wait3A_80 = tpu.memref_slice %arg2[%dma_wait3A_78, %dma_wait3A_79] : memref<1024x128xf32, #tpu.memory_space<hbm>> -> memref<1024x128xf32, #tpu.memory_space<hbm>>
    tpu.wait_indirect_dma semaphore(%arg7 : memref<!tpu.dma_semaphore, #tpu.memory_space<semaphore_mem>>) src(%dma_wait3A_80 : memref<1024x128xf32, #tpu.memory_space<hbm>>) dst(%dma_wait3A_74 : memref<128x128xf32, #tpu.memory_space<vmem>>)
    %add3A_81 = arith.constant 0 : i32
    %add3A_82 = arith.addi %mul3A_2, %add3A_81 : i32
    "tpu.region"() ({
      %run_scoped3A = tpu.sem_alloc : memref<!tpu.dma_semaphore, #tpu.memory_space<semaphore_mem>>
      %dma_start3A_165 = arith.constant 0 : i32
      %dma_start3A_166 = tpu.memref_slice %arg4[%add3A_82, %dma_start3A_165] : memref<32768x128xf32, #tpu.memory_space<hbm>> -> memref<512x128xf32, #tpu.memory_space<hbm>>
      %dma_start3A_167 = arith.constant 0 : i32
      %dma_start3A_168 = tpu.memref_slice %arg4[%add3A_82, %dma_start3A_167] : memref<32768x128xf32, #tpu.memory_space<hbm>> -> memref<512x128xf32, #tpu.memory_space<hbm>>
      tpu.enqueue_dma source(%arg6 : memref<512x128xf32, #tpu.memory_space<vmem>>) target(%dma_start3A_168 : memref<512x128xf32, #tpu.memory_space<hbm>>) target_semaphore(%run_scoped3A : memref<!tpu.dma_semaphore, #tpu.memory_space<semaphore_mem>>)
      %dma_wait3A_169 = arith.constant 0 : i32
      %dma_wait3A_170 = tpu.memref_slice %arg4[%add3A_82, %dma_wait3A_169] : memref<32768x128xf32, #tpu.memory_space<hbm>> -> memref<512x128xf32, #tpu.memory_space<hbm>>
      %dma_wait3A_171 = arith.constant 0 : i32
      %dma_wait3A_172 = tpu.memref_slice %arg4[%add3A_82, %dma_wait3A_171] : memref<32768x128xf32, #tpu.memory_space<hbm>> -> memref<512x128xf32, #tpu.memory_space<hbm>>
      tpu.wait_dma2 semaphore(%run_scoped3A : memref<!tpu.dma_semaphore, #tpu.memory_space<semaphore_mem>>) src(%arg6 : memref<512x128xf32, #tpu.memory_space<vmem>>) dst(%dma_wait3A_172 : memref<512x128xf32, #tpu.memory_space<hbm>>)
      tpu.yield
    }) : () -> ()
    %dma_start3A_83 = arith.constant 4 : i32
    %dma_start3A_84 = arith.constant 0 : i32
    %dma_start3A_85 = arith.constant 0 : i32
    %dma_start3A_86 = tpu.memref_slice %arg6[%dma_start3A_84, %dma_start3A_85] : memref<512x128xf32, #tpu.memory_space<vmem>> -> memref<128x128xf32, #tpu.memory_space<vmem>>
    %dma_start3A_87 = arith.constant 0 : i32
    %dma_start3A_88 = tpu.memref_slice %arg5[%dma_start3A_83, %dma_start3A_87] : memref<8x128xi32, #tpu.memory_space<vmem>> -> memref<1x128xi32, #tpu.memory_space<vmem>>
    %dma_start3A_89 = tpu.memref_squeeze %dma_start3A_88 : memref<1x128xi32, #tpu.memory_space<vmem>> -> memref<128xi32, #tpu.memory_space<vmem>>
    %dma_start3A_90 = arith.constant 0 : i32
    %dma_start3A_91 = arith.constant 0 : i32
    %dma_start3A_92 = tpu.memref_slice %arg2[%dma_start3A_90, %dma_start3A_91] : memref<1024x128xf32, #tpu.memory_space<hbm>> -> memref<1024x128xf32, #tpu.memory_space<hbm>>
    tpu.enqueue_indirect_dma source(%dma_start3A_92 : memref<1024x128xf32, #tpu.memory_space<hbm>>) target(%dma_start3A_86 : memref<128x128xf32, #tpu.memory_space<vmem>>) offsets(%dma_start3A_89 : memref<128xi32, #tpu.memory_space<vmem>>) semaphore(%arg7 : memref<!tpu.dma_semaphore, #tpu.memory_space<semaphore_mem>>)
    %dma_start3A_93 = arith.constant 5 : i32
    %dma_start3A_94 = arith.constant 128 : i32
    %dma_start3A_95 = arith.constant 0 : i32
    %dma_start3A_96 = tpu.memref_slice %arg6[%dma_start3A_94, %dma_start3A_95] : memref<512x128xf32, #tpu.memory_space<vmem>> -> memref<128x128xf32, #tpu.memory_space<vmem>>
    %dma_start3A_97 = arith.constant 0 : i32
    %dma_start3A_98 = tpu.memref_slice %arg5[%dma_start3A_93, %dma_start3A_97] : memref<8x128xi32, #tpu.memory_space<vmem>> -> memref<1x128xi32, #tpu.memory_space<vmem>>
    %dma_start3A_99 = tpu.memref_squeeze %dma_start3A_98 : memref<1x128xi32, #tpu.memory_space<vmem>> -> memref<128xi32, #tpu.memory_space<vmem>>
    %dma_start3A_100 = arith.constant 0 : i32
    %dma_start3A_101 = arith.constant 0 : i32
    %dma_start3A_102 = tpu.memref_slice %arg2[%dma_start3A_100, %dma_start3A_101] : memref<1024x128xf32, #tpu.memory_space<hbm>> -> memref<1024x128xf32, #tpu.memory_space<hbm>>
    tpu.enqueue_indirect_dma source(%dma_start3A_102 : memref<1024x128xf32, #tpu.memory_space<hbm>>) target(%dma_start3A_96 : memref<128x128xf32, #tpu.memory_space<vmem>>) offsets(%dma_start3A_99 : memref<128xi32, #tpu.memory_space<vmem>>) semaphore(%arg7 : memref<!tpu.dma_semaphore, #tpu.memory_space<semaphore_mem>>)
    %dma_start3A_103 = arith.constant 6 : i32
    %dma_start3A_104 = arith.constant 256 : i32
    %dma_start3A_105 = arith.constant 0 : i32
    %dma_start3A_106 = tpu.memref_slice %arg6[%dma_start3A_104, %dma_start3A_105] : memref<512x128xf32, #tpu.memory_space<vmem>> -> memref<128x128xf32, #tpu.memory_space<vmem>>
    %dma_start3A_107 = arith.constant 0 : i32
    %dma_start3A_108 = tpu.memref_slice %arg5[%dma_start3A_103, %dma_start3A_107] : memref<8x128xi32, #tpu.memory_space<vmem>> -> memref<1x128xi32, #tpu.memory_space<vmem>>
    %dma_start3A_109 = tpu.memref_squeeze %dma_start3A_108 : memref<1x128xi32, #tpu.memory_space<vmem>> -> memref<128xi32, #tpu.memory_space<vmem>>
    %dma_start3A_110 = arith.constant 0 : i32
    %dma_start3A_111 = arith.constant 0 : i32
    %dma_start3A_112 = tpu.memref_slice %arg2[%dma_start3A_110, %dma_start3A_111] : memref<1024x128xf32, #tpu.memory_space<hbm>> -> memref<1024x128xf32, #tpu.memory_space<hbm>>
    tpu.enqueue_indirect_dma source(%dma_start3A_112 : memref<1024x128xf32, #tpu.memory_space<hbm>>) target(%dma_start3A_106 : memref<128x128xf32, #tpu.memory_space<vmem>>) offsets(%dma_start3A_109 : memref<128xi32, #tpu.memory_space<vmem>>) semaphore(%arg7 : memref<!tpu.dma_semaphore, #tpu.memory_space<semaphore_mem>>)
    %dma_start3A_113 = arith.constant 7 : i32
    %dma_start3A_114 = arith.constant 384 : i32
    %dma_start3A_115 = arith.constant 0 : i32
    %dma_start3A_116 = tpu.memref_slice %arg6[%dma_start3A_114, %dma_start3A_115] : memref<512x128xf32, #tpu.memory_space<vmem>> -> memref<128x128xf32, #tpu.memory_space<vmem>>
    %dma_start3A_117 = arith.constant 0 : i32
    %dma_start3A_118 = tpu.memref_slice %arg5[%dma_start3A_113, %dma_start3A_117] : memref<8x128xi32, #tpu.memory_space<vmem>> -> memref<1x128xi32, #tpu.memory_space<vmem>>
    %dma_start3A_119 = tpu.memref_squeeze %dma_start3A_118 : memref<1x128xi32, #tpu.memory_space<vmem>> -> memref<128xi32, #tpu.memory_space<vmem>>
    %dma_start3A_120 = arith.constant 0 : i32
    %dma_start3A_121 = arith.constant 0 : i32
    %dma_start3A_122 = tpu.memref_slice %arg2[%dma_start3A_120, %dma_start3A_121] : memref<1024x128xf32, #tpu.memory_space<hbm>> -> memref<1024x128xf32, #tpu.memory_space<hbm>>
    tpu.enqueue_indirect_dma source(%dma_start3A_122 : memref<1024x128xf32, #tpu.memory_space<hbm>>) target(%dma_start3A_116 : memref<128x128xf32, #tpu.memory_space<vmem>>) offsets(%dma_start3A_119 : memref<128xi32, #tpu.memory_space<vmem>>) semaphore(%arg7 : memref<!tpu.dma_semaphore, #tpu.memory_space<semaphore_mem>>)
    %dma_wait3A_123 = arith.constant 4 : i32
    %dma_wait3A_124 = arith.constant 0 : i32
    %dma_wait3A_125 = arith.constant 0 : i32
    %dma_wait3A_126 = tpu.memref_slice %arg6[%dma_wait3A_124, %dma_wait3A_125] : memref<512x128xf32, #tpu.memory_space<vmem>> -> memref<128x128xf32, #tpu.memory_space<vmem>>
    %dma_wait3A_127 = arith.constant 0 : i32
    %dma_wait3A_128 = tpu.memref_slice %arg5[%dma_wait3A_123, %dma_wait3A_127] : memref<8x128xi32, #tpu.memory_space<vmem>> -> memref<1x128xi32, #tpu.memory_space<vmem>>
    %dma_wait3A_129 = tpu.memref_squeeze %dma_wait3A_128 : memref<1x128xi32, #tpu.memory_space<vmem>> -> memref<128xi32, #tpu.memory_space<vmem>>
    %dma_wait3A_130 = arith.constant 0 : i32
    %dma_wait3A_131 = arith.constant 0 : i32
    %dma_wait3A_132 = tpu.memref_slice %arg2[%dma_wait3A_130, %dma_wait3A_131] : memref<1024x128xf32, #tpu.memory_space<hbm>> -> memref<1024x128xf32, #tpu.memory_space<hbm>>
    tpu.wait_indirect_dma semaphore(%arg7 : memref<!tpu.dma_semaphore, #tpu.memory_space<semaphore_mem>>) src(%dma_wait3A_132 : memref<1024x128xf32, #tpu.memory_space<hbm>>) dst(%dma_wait3A_126 : memref<128x128xf32, #tpu.memory_space<vmem>>)
    %dma_wait3A_133 = arith.constant 5 : i32
    %dma_wait3A_134 = arith.constant 128 : i32
    %dma_wait3A_135 = arith.constant 0 : i32
    %dma_wait3A_136 = tpu.memref_slice %arg6[%dma_wait3A_134, %dma_wait3A_135] : memref<512x128xf32, #tpu.memory_space<vmem>> -> memref<128x128xf32, #tpu.memory_space<vmem>>
    %dma_wait3A_137 = arith.constant 0 : i32
    %dma_wait3A_138 = tpu.memref_slice %arg5[%dma_wait3A_133, %dma_wait3A_137] : memref<8x128xi32, #tpu.memory_space<vmem>> -> memref<1x128xi32, #tpu.memory_space<vmem>>
    %dma_wait3A_139 = tpu.memref_squeeze %dma_wait3A_138 : memref<1x128xi32, #tpu.memory_space<vmem>> -> memref<128xi32, #tpu.memory_space<vmem>>
    %dma_wait3A_140 = arith.constant 0 : i32
    %dma_wait3A_141 = arith.constant 0 : i32
    %dma_wait3A_142 = tpu.memref_slice %arg2[%dma_wait3A_140, %dma_wait3A_141] : memref<1024x128xf32, #tpu.memory_space<hbm>> -> memref<1024x128xf32, #tpu.memory_space<hbm>>
    tpu.wait_indirect_dma semaphore(%arg7 : memref<!tpu.dma_semaphore, #tpu.memory_space<semaphore_mem>>) src(%dma_wait3A_142 : memref<1024x128xf32, #tpu.memory_space<hbm>>) dst(%dma_wait3A_136 : memref<128x128xf32, #tpu.memory_space<vmem>>)
    %dma_wait3A_143 = arith.constant 6 : i32
    %dma_wait3A_144 = arith.constant 256 : i32
    %dma_wait3A_145 = arith.constant 0 : i32
    %dma_wait3A_146 = tpu.memref_slice %arg6[%dma_wait3A_144, %dma_wait3A_145] : memref<512x128xf32, #tpu.memory_space<vmem>> -> memref<128x128xf32, #tpu.memory_space<vmem>>
    %dma_wait3A_147 = arith.constant 0 : i32
    %dma_wait3A_148 = tpu.memref_slice %arg5[%dma_wait3A_143, %dma_wait3A_147] : memref<8x128xi32, #tpu.memory_space<vmem>> -> memref<1x128xi32, #tpu.memory_space<vmem>>
    %dma_wait3A_149 = tpu.memref_squeeze %dma_wait3A_148 : memref<1x128xi32, #tpu.memory_space<vmem>> -> memref<128xi32, #tpu.memory_space<vmem>>
    %dma_wait3A_150 = arith.constant 0 : i32
    %dma_wait3A_151 = arith.constant 0 : i32
    %dma_wait3A_152 = tpu.memref_slice %arg2[%dma_wait3A_150, %dma_wait3A_151] : memref<1024x128xf32, #tpu.memory_space<hbm>> -> memref<1024x128xf32, #tpu.memory_space<hbm>>
    tpu.wait_indirect_dma semaphore(%arg7 : memref<!tpu.dma_semaphore, #tpu.memory_space<semaphore_mem>>) src(%dma_wait3A_152 : memref<1024x128xf32, #tpu.memory_space<hbm>>) dst(%dma_wait3A_146 : memref<128x128xf32, #tpu.memory_space<vmem>>)
    %dma_wait3A_153 = arith.constant 7 : i32
    %dma_wait3A_154 = arith.constant 384 : i32
    %dma_wait3A_155 = arith.constant 0 : i32
    %dma_wait3A_156 = tpu.memref_slice %arg6[%dma_wait3A_154, %dma_wait3A_155] : memref<512x128xf32, #tpu.memory_space<vmem>> -> memref<128x128xf32, #tpu.memory_space<vmem>>
    %dma_wait3A_157 = arith.constant 0 : i32
    %dma_wait3A_158 = tpu.memref_slice %arg5[%dma_wait3A_153, %dma_wait3A_157] : memref<8x128xi32, #tpu.memory_space<vmem>> -> memref<1x128xi32, #tpu.memory_space<vmem>>
    %dma_wait3A_159 = tpu.memref_squeeze %dma_wait3A_158 : memref<1x128xi32, #tpu.memory_space<vmem>> -> memref<128xi32, #tpu.memory_space<vmem>>
    %dma_wait3A_160 = arith.constant 0 : i32
    %dma_wait3A_161 = arith.constant 0 : i32
    %dma_wait3A_162 = tpu.memref_slice %arg2[%dma_wait3A_160, %dma_wait3A_161] : memref<1024x128xf32, #tpu.memory_space<hbm>> -> memref<1024x128xf32, #tpu.memory_space<hbm>>
    tpu.wait_indirect_dma semaphore(%arg7 : memref<!tpu.dma_semaphore, #tpu.memory_space<semaphore_mem>>) src(%dma_wait3A_162 : memref<1024x128xf32, #tpu.memory_space<hbm>>) dst(%dma_wait3A_156 : memref<128x128xf32, #tpu.memory_space<vmem>>)
    %add3A_163 = arith.constant 512 : i32
    %add3A_164 = arith.addi %mul3A_2, %add3A_163 : i32
    "tpu.region"() ({
      %run_scoped3A = tpu.sem_alloc : memref<!tpu.dma_semaphore, #tpu.memory_space<semaphore_mem>>
      %dma_start3A_165 = arith.constant 0 : i32
      %dma_start3A_166 = tpu.memref_slice %arg4[%add3A_164, %dma_start3A_165] : memref<32768x128xf32, #tpu.memory_space<hbm>> -> memref<512x128xf32, #tpu.memory_space<hbm>>
      %dma_start3A_167 = arith.constant 0 : i32
      %dma_start3A_168 = tpu.memref_slice %arg4[%add3A_164, %dma_start3A_167] : memref<32768x128xf32, #tpu.memory_space<hbm>> -> memref<512x128xf32, #tpu.memory_space<hbm>>
      tpu.enqueue_dma source(%arg6 : memref<512x128xf32, #tpu.memory_space<vmem>>) target(%dma_start3A_168 : memref<512x128xf32, #tpu.memory_space<hbm>>) target_semaphore(%run_scoped3A : memref<!tpu.dma_semaphore, #tpu.memory_space<semaphore_mem>>)
      %dma_wait3A_169 = arith.constant 0 : i32
      %dma_wait3A_170 = tpu.memref_slice %arg4[%add3A_164, %dma_wait3A_169] : memref<32768x128xf32, #tpu.memory_space<hbm>> -> memref<512x128xf32, #tpu.memory_space<hbm>>
      %dma_wait3A_171 = arith.constant 0 : i32
      %dma_wait3A_172 = tpu.memref_slice %arg4[%add3A_164, %dma_wait3A_171] : memref<32768x128xf32, #tpu.memory_space<hbm>> -> memref<512x128xf32, #tpu.memory_space<hbm>>
      tpu.wait_dma2 semaphore(%run_scoped3A : memref<!tpu.dma_semaphore, #tpu.memory_space<semaphore_mem>>) src(%arg6 : memref<512x128xf32, #tpu.memory_space<vmem>>) dst(%dma_wait3A_172 : memref<512x128xf32, #tpu.memory_space<hbm>>)
      tpu.yield
    }) : () -> ()
    return
  }
}

#map = affine_map<(d0, d1) -> (0, 0)>
#map1 = affine_map<(d0, d1) -> (0, 0, 0)>
module attributes {stable_mosaic.version = 14 : i64} {
  func.func @gather(%arg0: i32, %arg1: i32, %arg2: memref<1024x128xf32, #tpu.memory_space<hbm>>, %arg3: memref<32x8x128xi32, #tpu.memory_space<hbm>>, %arg4: memref<32768x128xf32, #tpu.memory_space<hbm>>, %arg5: memref<8x128xi32, #tpu.memory_space<vmem>>, %arg6: memref<512x128xf32, #tpu.memory_space<vmem>>, %arg7: memref<!tpu.dma_semaphore, #tpu.memory_space<semaphore_mem>>) attributes {dimension_semantics = [#tpu.dimension_semantics<core_parallel>, #tpu.dimension_semantics<subcore_parallel>], iteration_bounds = array<i64: 2, 16>, scalar_prefetch = 0 : i64, scratch_operands = 3 : i64, tpu.core_type = #tpu.core_type<sc_vector_subcore>, window_params = [{transform_indices = #map}, {transform_indices = #map1}, {transform_indices = #map}]} {
    %mul3A = arith.constant 2 : i32
    %mul3A_0 = arith.muli %arg1, %mul3A : i32
    %add3A = arith.addi %mul3A_0, %arg0 : i32
    %mul3A_1 = arith.constant 1024 : i32
    %mul3A_2 = arith.muli %add3A, %mul3A_1 : i32
    "tpu.region"() ({
      %run_scoped3A = tpu.sem_alloc : memref<!tpu.dma_semaphore, #tpu.memory_space<semaphore_mem>>
      %dma_start3A_165 = arith.constant 0 : i32
      %dma_start3A_166 = arith.constant 0 : i32
      %dma_start3A_167 = tpu.memref_slice %arg3[%add3A, %dma_start3A_165, %dma_start3A_166] : memref<32x8x128xi32, #tpu.memory_space<hbm>> -> memref<1x8x128xi32, #tpu.memory_space<hbm>>
      %dma_start3A_168 = tpu.memref_squeeze %dma_start3A_167 : memref<1x8x128xi32, #tpu.memory_space<hbm>> -> memref<8x128xi32, #tpu.memory_space<hbm>>
      %dma_start3A_169 = arith.constant 0 : i32
      %dma_start3A_170 = arith.constant 0 : i32
      %dma_start3A_171 = tpu.memref_slice %arg3[%add3A, %dma_start3A_169, %dma_start3A_170] : memref<32x8x128xi32, #tpu.memory_space<hbm>> -> memref<1x8x128xi32, #tpu.memory_space<hbm>>
      %dma_start3A_172 = tpu.memref_squeeze %dma_start3A_171 : memref<1x8x128xi32, #tpu.memory_space<hbm>> -> memref<8x128xi32, #tpu.memory_space<hbm>>
      tpu.enqueue_dma source(%dma_start3A_172 : memref<8x128xi32, #tpu.memory_space<hbm>>) target(%arg5 : memref<8x128xi32, #tpu.memory_space<vmem>>) target_semaphore(%run_scoped3A : memref<!tpu.dma_semaphore, #tpu.memory_space<semaphore_mem>>)
      %dma_wait3A_173 = arith.constant 0 : i32
      %dma_wait3A_174 = arith.constant 0 : i32
      %dma_wait3A_175 = tpu.memref_slice %arg3[%add3A, %dma_wait3A_173, %dma_wait3A_174] : memref<32x8x128xi32, #tpu.memory_space<hbm>> -> memref<1x8x128xi32, #tpu.memory_space<hbm>>
      %dma_wait3A_176 = tpu.memref_squeeze %dma_wait3A_175 : memref<1x8x128xi32, #tpu.memory_space<hbm>> -> memref<8x128xi32, #tpu.memory_space<hbm>>
      %dma_wait3A_177 = arith.constant 0 : i32
      %dma_wait3A_178 = arith.constant 0 : i32
      %dma_wait3A_179 = tpu.memref_slice %arg3[%add3A, %dma_wait3A_177, %dma_wait3A_178] : memref<32x8x128xi32, #tpu.memory_space<hbm>> -> memref<1x8x128xi32, #tpu.memory_space<hbm>>
      %dma_wait3A_180 = tpu.memref_squeeze %dma_wait3A_179 : memref<1x8x128xi32, #tpu.memory_space<hbm>> -> memref<8x128xi32, #tpu.memory_space<hbm>>
      tpu.wait_dma2 semaphore(%run_scoped3A : memref<!tpu.dma_semaphore, #tpu.memory_space<semaphore_mem>>) src(%dma_wait3A_180 : memref<8x128xi32, #tpu.memory_space<hbm>>) dst(%arg5 : memref<8x128xi32, #tpu.memory_space<vmem>>)
      tpu.yield
    }) : () -> ()
    %dma_start3A = arith.constant 0 : i32
    %dma_start3A_3 = arith.constant 0 : i32
    %dma_start3A_4 = arith.constant 0 : i32
    %dma_start3A_5 = tpu.memref_slice %arg6[%dma_start3A_3, %dma_start3A_4] : memref<512x128xf32, #tpu.memory_space<vmem>> -> memref<128x128xf32, #tpu.memory_space<vmem>>
    %dma_start3A_6 = arith.constant 0 : i32
    %dma_start3A_7 = tpu.memref_slice %arg5[%dma_start3A, %dma_start3A_6] : memref<8x128xi32, #tpu.memory_space<vmem>> -> memref<1x128xi32, #tpu.memory_space<vmem>>
    %dma_start3A_8 = tpu.memref_squeeze %dma_start3A_7 : memref<1x128xi32, #tpu.memory_space<vmem>> -> memref<128xi32, #tpu.memory_space<vmem>>
    %dma_start3A_9 = arith.constant 0 : i32
    %dma_start3A_10 = arith.constant 0 : i32
    %dma_start3A_11 = tpu.memref_slice %arg2[%dma_start3A_9, %dma_start3A_10] : memref<1024x128xf32, #tpu.memory_space<hbm>> -> memref<1024x128xf32, #tpu.memory_space<hbm>>
    tpu.enqueue_indirect_dma source(%dma_start3A_11 : memref<1024x128xf32, #tpu.memory_space<hbm>>) target(%dma_start3A_5 : memref<128x128xf32, #tpu.memory_space<vmem>>) offsets(%dma_start3A_8 : memref<128xi32, #tpu.memory_space<vmem>>) semaphore(%arg7 : memref<!tpu.dma_semaphore, #tpu.memory_space<semaphore_mem>>)
    %dma_start3A_12 = arith.constant 1 : i32
    %dma_start3A_13 = arith.constant 128 : i32
    %dma_start3A_14 = arith.constant 0 : i32
    %dma_start3A_15 = tpu.memref_slice %arg6[%dma_start3A_13, %dma_start3A_14] : memref<512x128xf32, #tpu.memory_space<vmem>> -> memref<128x128xf32, #tpu.memory_space<vmem>>
    %dma_start3A_16 = arith.constant 0 : i32
    %dma_start3A_17 = tpu.memref_slice %arg5[%dma_start3A_12, %dma_start3A_16] : memref<8x128xi32, #tpu.memory_space<vmem>> -> memref<1x128xi32, #tpu.memory_space<vmem>>
    %dma_start3A_18 = tpu.memref_squeeze %dma_start3A_17 : memref<1x128xi32, #tpu.memory_space<vmem>> -> memref<128xi32, #tpu.memory_space<vmem>>
    %dma_start3A_19 = arith.constant 0 : i32
    %dma_start3A_20 = arith.constant 0 : i32
    %dma_start3A_21 = tpu.memref_slice %arg2[%dma_start3A_19, %dma_start3A_20] : memref<1024x128xf32, #tpu.memory_space<hbm>> -> memref<1024x128xf32, #tpu.memory_space<hbm>>
    tpu.enqueue_indirect_dma source(%dma_start3A_21 : memref<1024x128xf32, #tpu.memory_space<hbm>>) target(%dma_start3A_15 : memref<128x128xf32, #tpu.memory_space<vmem>>) offsets(%dma_start3A_18 : memref<128xi32, #tpu.memory_space<vmem>>) semaphore(%arg7 : memref<!tpu.dma_semaphore, #tpu.memory_space<semaphore_mem>>)
    %dma_start3A_22 = arith.constant 2 : i32
    %dma_start3A_23 = arith.constant 256 : i32
    %dma_start3A_24 = arith.constant 0 : i32
    %dma_start3A_25 = tpu.memref_slice %arg6[%dma_start3A_23, %dma_start3A_24] : memref<512x128xf32, #tpu.memory_space<vmem>> -> memref<128x128xf32, #tpu.memory_space<vmem>>
    %dma_start3A_26 = arith.constant 0 : i32
    %dma_start3A_27 = tpu.memref_slice %arg5[%dma_start3A_22, %dma_start3A_26] : memref<8x128xi32, #tpu.memory_space<vmem>> -> memref<1x128xi32, #tpu.memory_space<vmem>>
    %dma_start3A_28 = tpu.memref_squeeze %dma_start3A_27 : memref<1x128xi32, #tpu.memory_space<vmem>> -> memref<128xi32, #tpu.memory_space<vmem>>
    %dma_start3A_29 = arith.constant 0 : i32
    %dma_start3A_30 = arith.constant 0 : i32
    %dma_start3A_31 = tpu.memref_slice %arg2[%dma_start3A_29, %dma_start3A_30] : memref<1024x128xf32, #tpu.memory_space<hbm>> -> memref<1024x128xf32, #tpu.memory_space<hbm>>
    tpu.enqueue_indirect_dma source(%dma_start3A_31 : memref<1024x128xf32, #tpu.memory_space<hbm>>) target(%dma_start3A_25 : memref<128x128xf32, #tpu.memory_space<vmem>>) offsets(%dma_start3A_28 : memref<128xi32, #tpu.memory_space<vmem>>) semaphore(%arg7 : memref<!tpu.dma_semaphore, #tpu.memory_space<semaphore_mem>>)
    %dma_start3A_32 = arith.constant 3 : i32
    %dma_start3A_33 = arith.constant 384 : i32
    %dma_start3A_34 = arith.constant 0 : i32
    %dma_start3A_35 = tpu.memref_slice %arg6[%dma_start3A_33, %dma_start3A_34] : memref<512x128xf32, #tpu.memory_space<vmem>> -> memref<128x128xf32, #tpu.memory_space<vmem>>
    %dma_start3A_36 = arith.constant 0 : i32
    %dma_start3A_37 = tpu.memref_slice %arg5[%dma_start3A_32, %dma_start3A_36] : memref<8x128xi32, #tpu.memory_space<vmem>> -> memref<1x128xi32, #tpu.memory_space<vmem>>
    %dma_start3A_38 = tpu.memref_squeeze %dma_start3A_37 : memref<1x128xi32, #tpu.memory_space<vmem>> -> memref<128xi32, #tpu.memory_space<vmem>>
    %dma_start3A_39 = arith.constant 0 : i32
    %dma_start3A_40 = arith.constant 0 : i32
    %dma_start3A_41 = tpu.memref_slice %arg2[%dma_start3A_39, %dma_start3A_40] : memref<1024x128xf32, #tpu.memory_space<hbm>> -> memref<1024x128xf32, #tpu.memory_space<hbm>>
    tpu.enqueue_indirect_dma source(%dma_start3A_41 : memref<1024x128xf32, #tpu.memory_space<hbm>>) target(%dma_start3A_35 : memref<128x128xf32, #tpu.memory_space<vmem>>) offsets(%dma_start3A_38 : memref<128xi32, #tpu.memory_space<vmem>>) semaphore(%arg7 : memref<!tpu.dma_semaphore, #tpu.memory_space<semaphore_mem>>)
    %dma_wait3A = arith.constant 0 : i32
    %dma_wait3A_42 = arith.constant 0 : i32
    %dma_wait3A_43 = arith.constant 0 : i32
    %dma_wait3A_44 = tpu.memref_slice %arg6[%dma_wait3A_42, %dma_wait3A_43] : memref<512x128xf32, #tpu.memory_space<vmem>> -> memref<128x128xf32, #tpu.memory_space<vmem>>
    %dma_wait3A_45 = arith.constant 0 : i32
    %dma_wait3A_46 = tpu.memref_slice %arg5[%dma_wait3A, %dma_wait3A_45] : memref<8x128xi32, #tpu.memory_space<vmem>> -> memref<1x128xi32, #tpu.memory_space<vmem>>
    %dma_wait3A_47 = tpu.memref_squeeze %dma_wait3A_46 : memref<1x128xi32, #tpu.memory_space<vmem>> -> memref<128xi32, #tpu.memory_space<vmem>>
    %dma_wait3A_48 = arith.constant 0 : i32
    %dma_wait3A_49 = arith.constant 0 : i32
    %dma_wait3A_50 = tpu.memref_slice %arg2[%dma_wait3A_48, %dma_wait3A_49] : memref<1024x128xf32, #tpu.memory_space<hbm>> -> memref<1024x128xf32, #tpu.memory_space<hbm>>
    tpu.wait_indirect_dma semaphore(%arg7 : memref<!tpu.dma_semaphore, #tpu.memory_space<semaphore_mem>>) src(%dma_wait3A_50 : memref<1024x128xf32, #tpu.memory_space<hbm>>) dst(%dma_wait3A_44 : memref<128x128xf32, #tpu.memory_space<vmem>>)
    %dma_wait3A_51 = arith.constant 1 : i32
    %dma_wait3A_52 = arith.constant 128 : i32
    %dma_wait3A_53 = arith.constant 0 : i32
    %dma_wait3A_54 = tpu.memref_slice %arg6[%dma_wait3A_52, %dma_wait3A_53] : memref<512x128xf32, #tpu.memory_space<vmem>> -> memref<128x128xf32, #tpu.memory_space<vmem>>
    %dma_wait3A_55 = arith.constant 0 : i32
    %dma_wait3A_56 = tpu.memref_slice %arg5[%dma_wait3A_51, %dma_wait3A_55] : memref<8x128xi32, #tpu.memory_space<vmem>> -> memref<1x128xi32, #tpu.memory_space<vmem>>
    %dma_wait3A_57 = tpu.memref_squeeze %dma_wait3A_56 : memref<1x128xi32, #tpu.memory_space<vmem>> -> memref<128xi32, #tpu.memory_space<vmem>>
    %dma_wait3A_58 = arith.constant 0 : i32
    %dma_wait3A_59 = arith.constant 0 : i32
    %dma_wait3A_60 = tpu.memref_slice %arg2[%dma_wait3A_58, %dma_wait3A_59] : memref<1024x128xf32, #tpu.memory_space<hbm>> -> memref<1024x128xf32, #tpu.memory_space<hbm>>
    tpu.wait_indirect_dma semaphore(%arg7 : memref<!tpu.dma_semaphore, #tpu.memory_space<semaphore_mem>>) src(%dma_wait3A_60 : memref<1024x128xf32, #tpu.memory_space<hbm>>) dst(%dma_wait3A_54 : memref<128x128xf32, #tpu.memory_space<vmem>>)
    %dma_wait3A_61 = arith.constant 2 : i32
    %dma_wait3A_62 = arith.constant 256 : i32
    %dma_wait3A_63 = arith.constant 0 : i32
    %dma_wait3A_64 = tpu.memref_slice %arg6[%dma_wait3A_62, %dma_wait3A_63] : memref<512x128xf32, #tpu.memory_space<vmem>> -> memref<128x128xf32, #tpu.memory_space<vmem>>
    %dma_wait3A_65 = arith.constant 0 : i32
    %dma_wait3A_66 = tpu.memref_slice %arg5[%dma_wait3A_61, %dma_wait3A_65] : memref<8x128xi32, #tpu.memory_space<vmem>> -> memref<1x128xi32, #tpu.memory_space<vmem>>
    %dma_wait3A_67 = tpu.memref_squeeze %dma_wait3A_66 : memref<1x128xi32, #tpu.memory_space<vmem>> -> memref<128xi32, #tpu.memory_space<vmem>>
    %dma_wait3A_68 = arith.constant 0 : i32
    %dma_wait3A_69 = arith.constant 0 : i32
    %dma_wait3A_70 = tpu.memref_slice %arg2[%dma_wait3A_68, %dma_wait3A_69] : memref<1024x128xf32, #tpu.memory_space<hbm>> -> memref<1024x128xf32, #tpu.memory_space<hbm>>
    tpu.wait_indirect_dma semaphore(%arg7 : memref<!tpu.dma_semaphore, #tpu.memory_space<semaphore_mem>>) src(%dma_wait3A_70 : memref<1024x128xf32, #tpu.memory_space<hbm>>) dst(%dma_wait3A_64 : memref<128x128xf32, #tpu.memory_space<vmem>>)
    %dma_wait3A_71 = arith.constant 3 : i32
    %dma_wait3A_72 = arith.constant 384 : i32
    %dma_wait3A_73 = arith.constant 0 : i32
    %dma_wait3A_74 = tpu.memref_slice %arg6[%dma_wait3A_72, %dma_wait3A_73] : memref<512x128xf32, #tpu.memory_space<vmem>> -> memref<128x128xf32, #tpu.memory_space<vmem>>
    %dma_wait3A_75 = arith.constant 0 : i32
    %dma_wait3A_76 = tpu.memref_slice %arg5[%dma_wait3A_71, %dma_wait3A_75] : memref<8x128xi32, #tpu.memory_space<vmem>> -> memref<1x128xi32, #tpu.memory_space<vmem>>
    %dma_wait3A_77 = tpu.memref_squeeze %dma_wait3A_76 : memref<1x128xi32, #tpu.memory_space<vmem>> -> memref<128xi32, #tpu.memory_space<vmem>>
    %dma_wait3A_78 = arith.constant 0 : i32
    %dma_wait3A_79 = arith.constant 0 : i32
    %dma_wait3A_80 = tpu.memref_slice %arg2[%dma_wait3A_78, %dma_wait3A_79] : memref<1024x128xf32, #tpu.memory_space<hbm>> -> memref<1024x128xf32, #tpu.memory_space<hbm>>
    tpu.wait_indirect_dma semaphore(%arg7 : memref<!tpu.dma_semaphore, #tpu.memory_space<semaphore_mem>>) src(%dma_wait3A_80 : memref<1024x128xf32, #tpu.memory_space<hbm>>) dst(%dma_wait3A_74 : memref<128x128xf32, #tpu.memory_space<vmem>>)
    %add3A_81 = arith.constant 0 : i32
    %add3A_82 = arith.addi %mul3A_2, %add3A_81 : i32
    "tpu.region"() ({
      %run_scoped3A = tpu.sem_alloc : memref<!tpu.dma_semaphore, #tpu.memory_space<semaphore_mem>>
      %dma_start3A_165 = arith.constant 0 : i32
      %dma_start3A_166 = tpu.memref_slice %arg4[%add3A_82, %dma_start3A_165] : memref<32768x128xf32, #tpu.memory_space<hbm>> -> memref<512x128xf32, #tpu.memory_space<hbm>>
      %dma_start3A_167 = arith.constant 0 : i32
      %dma_start3A_168 = tpu.memref_slice %arg4[%add3A_82, %dma_start3A_167] : memref<32768x128xf32, #tpu.memory_space<hbm>> -> memref<512x128xf32, #tpu.memory_space<hbm>>
      tpu.enqueue_dma source(%arg6 : memref<512x128xf32, #tpu.memory_space<vmem>>) target(%dma_start3A_168 : memref<512x128xf32, #tpu.memory_space<hbm>>) target_semaphore(%run_scoped3A : memref<!tpu.dma_semaphore, #tpu.memory_space<semaphore_mem>>)
      %dma_wait3A_169 = arith.constant 0 : i32
      %dma_wait3A_170 = tpu.memref_slice %arg4[%add3A_82, %dma_wait3A_169] : memref<32768x128xf32, #tpu.memory_space<hbm>> -> memref<512x128xf32, #tpu.memory_space<hbm>>
      %dma_wait3A_171 = arith.constant 0 : i32
      %dma_wait3A_172 = tpu.memref_slice %arg4[%add3A_82, %dma_wait3A_171] : memref<32768x128xf32, #tpu.memory_space<hbm>> -> memref<512x128xf32, #tpu.memory_space<hbm>>
      tpu.wait_dma2 semaphore(%run_scoped3A : memref<!tpu.dma_semaphore, #tpu.memory_space<semaphore_mem>>) src(%arg6 : memref<512x128xf32, #tpu.memory_space<vmem>>) dst(%dma_wait3A_172 : memref<512x128xf32, #tpu.memory_space<hbm>>)
      tpu.yield
    }) : () -> ()
    %dma_start3A_83 = arith.constant 4 : i32
    %dma_start3A_84 = arith.constant 0 : i32
    %dma_start3A_85 = arith.constant 0 : i32
    %dma_start3A_86 = tpu.memref_slice %arg6[%dma_start3A_84, %dma_start3A_85] : memref<512x128xf32, #tpu.memory_space<vmem>> -> memref<128x128xf32, #tpu.memory_space<vmem>>
    %dma_start3A_87 = arith.constant 0 : i32
    %dma_start3A_88 = tpu.memref_slice %arg5[%dma_start3A_83, %dma_start3A_87] : memref<8x128xi32, #tpu.memory_space<vmem>> -> memref<1x128xi32, #tpu.memory_space<vmem>>
    %dma_start3A_89 = tpu.memref_squeeze %dma_start3A_88 : memref<1x128xi32, #tpu.memory_space<vmem>> -> memref<128xi32, #tpu.memory_space<vmem>>
    %dma_start3A_90 = arith.constant 0 : i32
    %dma_start3A_91 = arith.constant 0 : i32
    %dma_start3A_92 = tpu.memref_slice %arg2[%dma_start3A_90, %dma_start3A_91] : memref<1024x128xf32, #tpu.memory_space<hbm>> -> memref<1024x128xf32, #tpu.memory_space<hbm>>
    tpu.enqueue_indirect_dma source(%dma_start3A_92 : memref<1024x128xf32, #tpu.memory_space<hbm>>) target(%dma_start3A_86 : memref<128x128xf32, #tpu.memory_space<vmem>>) offsets(%dma_start3A_89 : memref<128xi32, #tpu.memory_space<vmem>>) semaphore(%arg7 : memref<!tpu.dma_semaphore, #tpu.memory_space<semaphore_mem>>)
    %dma_start3A_93 = arith.constant 5 : i32
    %dma_start3A_94 = arith.constant 128 : i32
    %dma_start3A_95 = arith.constant 0 : i32
    %dma_start3A_96 = tpu.memref_slice %arg6[%dma_start3A_94, %dma_start3A_95] : memref<512x128xf32, #tpu.memory_space<vmem>> -> memref<128x128xf32, #tpu.memory_space<vmem>>
    %dma_start3A_97 = arith.constant 0 : i32
    %dma_start3A_98 = tpu.memref_slice %arg5[%dma_start3A_93, %dma_start3A_97] : memref<8x128xi32, #tpu.memory_space<vmem>> -> memref<1x128xi32, #tpu.memory_space<vmem>>
    %dma_start3A_99 = tpu.memref_squeeze %dma_start3A_98 : memref<1x128xi32, #tpu.memory_space<vmem>> -> memref<128xi32, #tpu.memory_space<vmem>>
    %dma_start3A_100 = arith.constant 0 : i32
    %dma_start3A_101 = arith.constant 0 : i32
    %dma_start3A_102 = tpu.memref_slice %arg2[%dma_start3A_100, %dma_start3A_101] : memref<1024x128xf32, #tpu.memory_space<hbm>> -> memref<1024x128xf32, #tpu.memory_space<hbm>>
    tpu.enqueue_indirect_dma source(%dma_start3A_102 : memref<1024x128xf32, #tpu.memory_space<hbm>>) target(%dma_start3A_96 : memref<128x128xf32, #tpu.memory_space<vmem>>) offsets(%dma_start3A_99 : memref<128xi32, #tpu.memory_space<vmem>>) semaphore(%arg7 : memref<!tpu.dma_semaphore, #tpu.memory_space<semaphore_mem>>)
    %dma_start3A_103 = arith.constant 6 : i32
    %dma_start3A_104 = arith.constant 256 : i32
    %dma_start3A_105 = arith.constant 0 : i32
    %dma_start3A_106 = tpu.memref_slice %arg6[%dma_start3A_104, %dma_start3A_105] : memref<512x128xf32, #tpu.memory_space<vmem>> -> memref<128x128xf32, #tpu.memory_space<vmem>>
    %dma_start3A_107 = arith.constant 0 : i32
    %dma_start3A_108 = tpu.memref_slice %arg5[%dma_start3A_103, %dma_start3A_107] : memref<8x128xi32, #tpu.memory_space<vmem>> -> memref<1x128xi32, #tpu.memory_space<vmem>>
    %dma_start3A_109 = tpu.memref_squeeze %dma_start3A_108 : memref<1x128xi32, #tpu.memory_space<vmem>> -> memref<128xi32, #tpu.memory_space<vmem>>
    %dma_start3A_110 = arith.constant 0 : i32
    %dma_start3A_111 = arith.constant 0 : i32
    %dma_start3A_112 = tpu.memref_slice %arg2[%dma_start3A_110, %dma_start3A_111] : memref<1024x128xf32, #tpu.memory_space<hbm>> -> memref<1024x128xf32, #tpu.memory_space<hbm>>
    tpu.enqueue_indirect_dma source(%dma_start3A_112 : memref<1024x128xf32, #tpu.memory_space<hbm>>) target(%dma_start3A_106 : memref<128x128xf32, #tpu.memory_space<vmem>>) offsets(%dma_start3A_109 : memref<128xi32, #tpu.memory_space<vmem>>) semaphore(%arg7 : memref<!tpu.dma_semaphore, #tpu.memory_space<semaphore_mem>>)
    %dma_start3A_113 = arith.constant 7 : i32
    %dma_start3A_114 = arith.constant 384 : i32
    %dma_start3A_115 = arith.constant 0 : i32
    %dma_start3A_116 = tpu.memref_slice %arg6[%dma_start3A_114, %dma_start3A_115] : memref<512x128xf32, #tpu.memory_space<vmem>> -> memref<128x128xf32, #tpu.memory_space<vmem>>
    %dma_start3A_117 = arith.constant 0 : i32
    %dma_start3A_118 = tpu.memref_slice %arg5[%dma_start3A_113, %dma_start3A_117] : memref<8x128xi32, #tpu.memory_space<vmem>> -> memref<1x128xi32, #tpu.memory_space<vmem>>
    %dma_start3A_119 = tpu.memref_squeeze %dma_start3A_118 : memref<1x128xi32, #tpu.memory_space<vmem>> -> memref<128xi32, #tpu.memory_space<vmem>>
    %dma_start3A_120 = arith.constant 0 : i32
    %dma_start3A_121 = arith.constant 0 : i32
    %dma_start3A_122 = tpu.memref_slice %arg2[%dma_start3A_120, %dma_start3A_121] : memref<1024x128xf32, #tpu.memory_space<hbm>> -> memref<1024x128xf32, #tpu.memory_space<hbm>>
    tpu.enqueue_indirect_dma source(%dma_start3A_122 : memref<1024x128xf32, #tpu.memory_space<hbm>>) target(%dma_start3A_116 : memref<128x128xf32, #tpu.memory_space<vmem>>) offsets(%dma_start3A_119 : memref<128xi32, #tpu.memory_space<vmem>>) semaphore(%arg7 : memref<!tpu.dma_semaphore, #tpu.memory_space<semaphore_mem>>)
    %dma_wait3A_123 = arith.constant 4 : i32
    %dma_wait3A_124 = arith.constant 0 : i32
    %dma_wait3A_125 = arith.constant 0 : i32
    %dma_wait3A_126 = tpu.memref_slice %arg6[%dma_wait3A_124, %dma_wait3A_125] : memref<512x128xf32, #tpu.memory_space<vmem>> -> memref<128x128xf32, #tpu.memory_space<vmem>>
    %dma_wait3A_127 = arith.constant 0 : i32
    %dma_wait3A_128 = tpu.memref_slice %arg5[%dma_wait3A_123, %dma_wait3A_127] : memref<8x128xi32, #tpu.memory_space<vmem>> -> memref<1x128xi32, #tpu.memory_space<vmem>>
    %dma_wait3A_129 = tpu.memref_squeeze %dma_wait3A_128 : memref<1x128xi32, #tpu.memory_space<vmem>> -> memref<128xi32, #tpu.memory_space<vmem>>
    %dma_wait3A_130 = arith.constant 0 : i32
    %dma_wait3A_131 = arith.constant 0 : i32
    %dma_wait3A_132 = tpu.memref_slice %arg2[%dma_wait3A_130, %dma_wait3A_131] : memref<1024x128xf32, #tpu.memory_space<hbm>> -> memref<1024x128xf32, #tpu.memory_space<hbm>>
    tpu.wait_indirect_dma semaphore(%arg7 : memref<!tpu.dma_semaphore, #tpu.memory_space<semaphore_mem>>) src(%dma_wait3A_132 : memref<1024x128xf32, #tpu.memory_space<hbm>>) dst(%dma_wait3A_126 : memref<128x128xf32, #tpu.memory_space<vmem>>)
    %dma_wait3A_133 = arith.constant 5 : i32
    %dma_wait3A_134 = arith.constant 128 : i32
    %dma_wait3A_135 = arith.constant 0 : i32
    %dma_wait3A_136 = tpu.memref_slice %arg6[%dma_wait3A_134, %dma_wait3A_135] : memref<512x128xf32, #tpu.memory_space<vmem>> -> memref<128x128xf32, #tpu.memory_space<vmem>>
    %dma_wait3A_137 = arith.constant 0 : i32
    %dma_wait3A_138 = tpu.memref_slice %arg5[%dma_wait3A_133, %dma_wait3A_137] : memref<8x128xi32, #tpu.memory_space<vmem>> -> memref<1x128xi32, #tpu.memory_space<vmem>>
    %dma_wait3A_139 = tpu.memref_squeeze %dma_wait3A_138 : memref<1x128xi32, #tpu.memory_space<vmem>> -> memref<128xi32, #tpu.memory_space<vmem>>
    %dma_wait3A_140 = arith.constant 0 : i32
    %dma_wait3A_141 = arith.constant 0 : i32
    %dma_wait3A_142 = tpu.memref_slice %arg2[%dma_wait3A_140, %dma_wait3A_141] : memref<1024x128xf32, #tpu.memory_space<hbm>> -> memref<1024x128xf32, #tpu.memory_space<hbm>>
    tpu.wait_indirect_dma semaphore(%arg7 : memref<!tpu.dma_semaphore, #tpu.memory_space<semaphore_mem>>) src(%dma_wait3A_142 : memref<1024x128xf32, #tpu.memory_space<hbm>>) dst(%dma_wait3A_136 : memref<128x128xf32, #tpu.memory_space<vmem>>)
    %dma_wait3A_143 = arith.constant 6 : i32
    %dma_wait3A_144 = arith.constant 256 : i32
    %dma_wait3A_145 = arith.constant 0 : i32
    %dma_wait3A_146 = tpu.memref_slice %arg6[%dma_wait3A_144, %dma_wait3A_145] : memref<512x128xf32, #tpu.memory_space<vmem>> -> memref<128x128xf32, #tpu.memory_space<vmem>>
    %dma_wait3A_147 = arith.constant 0 : i32
    %dma_wait3A_148 = tpu.memref_slice %arg5[%dma_wait3A_143, %dma_wait3A_147] : memref<8x128xi32, #tpu.memory_space<vmem>> -> memref<1x128xi32, #tpu.memory_space<vmem>>
    %dma_wait3A_149 = tpu.memref_squeeze %dma_wait3A_148 : memref<1x128xi32, #tpu.memory_space<vmem>> -> memref<128xi32, #tpu.memory_space<vmem>>
    %dma_wait3A_150 = arith.constant 0 : i32
    %dma_wait3A_151 = arith.constant 0 : i32
    %dma_wait3A_152 = tpu.memref_slice %arg2[%dma_wait3A_150, %dma_wait3A_151] : memref<1024x128xf32, #tpu.memory_space<hbm>> -> memref<1024x128xf32, #tpu.memory_space<hbm>>
    tpu.wait_indirect_dma semaphore(%arg7 : memref<!tpu.dma_semaphore, #tpu.memory_space<semaphore_mem>>) src(%dma_wait3A_152 : memref<1024x128xf32, #tpu.memory_space<hbm>>) dst(%dma_wait3A_146 : memref<128x128xf32, #tpu.memory_space<vmem>>)
    %dma_wait3A_153 = arith.constant 7 : i32
    %dma_wait3A_154 = arith.constant 384 : i32
    %dma_wait3A_155 = arith.constant 0 : i32
    %dma_wait3A_156 = tpu.memref_slice %arg6[%dma_wait3A_154, %dma_wait3A_155] : memref<512x128xf32, #tpu.memory_space<vmem>> -> memref<128x128xf32, #tpu.memory_space<vmem>>
    %dma_wait3A_157 = arith.constant 0 : i32
    %dma_wait3A_158 = tpu.memref_slice %arg5[%dma_wait3A_153, %dma_wait3A_157] : memref<8x128xi32, #tpu.memory_space<vmem>> -> memref<1x128xi32, #tpu.memory_space<vmem>>
    %dma_wait3A_159 = tpu.memref_squeeze %dma_wait3A_158 : memref<1x128xi32, #tpu.memory_space<vmem>> -> memref<128xi32, #tpu.memory_space<vmem>>
    %dma_wait3A_160 = arith.constant 0 : i32
    %dma_wait3A_161 = arith.constant 0 : i32
    %dma_wait3A_162 = tpu.memref_slice %arg2[%dma_wait3A_160, %dma_wait3A_161] : memref<1024x128xf32, #tpu.memory_space<hbm>> -> memref<1024x128xf32, #tpu.memory_space<hbm>>
    tpu.wait_indirect_dma semaphore(%arg7 : memref<!tpu.dma_semaphore, #tpu.memory_space<semaphore_mem>>) src(%dma_wait3A_162 : memref<1024x128xf32, #tpu.memory_space<hbm>>) dst(%dma_wait3A_156 : memref<128x128xf32, #tpu.memory_space<vmem>>)
    %add3A_163 = arith.constant 512 : i32
    %add3A_164 = arith.addi %mul3A_2, %add3A_163 : i32
    "tpu.region"() ({
      %run_scoped3A = tpu.sem_alloc : memref<!tpu.dma_semaphore, #tpu.memory_space<semaphore_mem>>
      %dma_start3A_165 = arith.constant 0 : i32
      %dma_start3A_166 = tpu.memref_slice %arg4[%add3A_164, %dma_start3A_165] : memref<32768x128xf32, #tpu.memory_space<hbm>> -> memref<512x128xf32, #tpu.memory_space<hbm>>
      %dma_start3A_167 = arith.constant 0 : i32
      %dma_start3A_168 = tpu.memref_slice %arg4[%add3A_164, %dma_start3A_167] : memref<32768x128xf32, #tpu.memory_space<hbm>> -> memref<512x128xf32, #tpu.memory_space<hbm>>
      tpu.enqueue_dma source(%arg6 : memref<512x128xf32, #tpu.memory_space<vmem>>) target(%dma_start3A_168 : memref<512x128xf32, #tpu.memory_space<hbm>>) target_semaphore(%run_scoped3A : memref<!tpu.dma_semaphore, #tpu.memory_space<semaphore_mem>>)
      %dma_wait3A_169 = arith.constant 0 : i32
      %dma_wait3A_170 = tpu.memref_slice %arg4[%add3A_164, %dma_wait3A_169] : memref<32768x128xf32, #tpu.memory_space<hbm>> -> memref<512x128xf32, #tpu.memory_space<hbm>>
      %dma_wait3A_171 = arith.constant 0 : i32
      %dma_wait3A_172 = tpu.memref_slice %arg4[%add3A_164, %dma_wait3A_171] : memref<32768x128xf32, #tpu.memory_space<hbm>> -> memref<512x128xf32, #tpu.memory_space<hbm>>
      tpu.wait_dma2 semaphore(%run_scoped3A : memref<!tpu.dma_semaphore, #tpu.memory_space<semaphore_mem>>) src(%arg6 : memref<512x128xf32, #tpu.memory_space<vmem>>) dst(%dma_wait3A_172 : memref<512x128xf32, #tpu.memory_space<hbm>>)
      tpu.yield
    }) : () -> ()
    return
  }
}

#map = affine_map<(d0, d1) -> (0, 0)>
#map1 = affine_map<(d0, d1) -> (0, 0, 0)>
module attributes {stable_mosaic.version = 14 : i64} {
  func.func @gather(%arg0: i32, %arg1: i32, %arg2: memref<1024x128xf32, #tpu.memory_space<hbm>>, %arg3: memref<32x8x128xi32, #tpu.memory_space<hbm>>, %arg4: memref<32768x128xf32, #tpu.memory_space<hbm>>, %arg5: memref<8x128xi32, #tpu.memory_space<vmem>>, %arg6: memref<512x128xf32, #tpu.memory_space<vmem>>, %arg7: memref<!tpu.dma_semaphore, #tpu.memory_space<semaphore_mem>>) attributes {dimension_semantics = [#tpu.dimension_semantics<core_parallel>, #tpu.dimension_semantics<subcore_parallel>], iteration_bounds = array<i64: 2, 16>, scalar_prefetch = 0 : i64, scratch_operands = 3 : i64, tpu.core_type = #tpu.core_type<sc_vector_subcore>, window_params = [{transform_indices = #map}, {transform_indices = #map1}, {transform_indices = #map}]} {
    %mul3A = arith.constant 2 : i32
    %mul3A_0 = arith.muli %arg1, %mul3A : i32
    %add3A = arith.addi %mul3A_0, %arg0 : i32
    %mul3A_1 = arith.constant 1024 : i32
    %mul3A_2 = arith.muli %add3A, %mul3A_1 : i32
    "tpu.region"() ({
      %run_scoped3A = tpu.sem_alloc : memref<!tpu.dma_semaphore, #tpu.memory_space<semaphore_mem>>
      %dma_start3A_165 = arith.constant 0 : i32
      %dma_start3A_166 = arith.constant 0 : i32
      %dma_start3A_167 = tpu.memref_slice %arg3[%add3A, %dma_start3A_165, %dma_start3A_166] : memref<32x8x128xi32, #tpu.memory_space<hbm>> -> memref<1x8x128xi32, #tpu.memory_space<hbm>>
      %dma_start3A_168 = tpu.memref_squeeze %dma_start3A_167 : memref<1x8x128xi32, #tpu.memory_space<hbm>> -> memref<8x128xi32, #tpu.memory_space<hbm>>
      %dma_start3A_169 = arith.constant 0 : i32
      %dma_start3A_170 = arith.constant 0 : i32
      %dma_start3A_171 = tpu.memref_slice %arg3[%add3A, %dma_start3A_169, %dma_start3A_170] : memref<32x8x128xi32, #tpu.memory_space<hbm>> -> memref<1x8x128xi32, #tpu.memory_space<hbm>>
      %dma_start3A_172 = tpu.memref_squeeze %dma_start3A_171 : memref<1x8x128xi32, #tpu.memory_space<hbm>> -> memref<8x128xi32, #tpu.memory_space<hbm>>
      tpu.enqueue_dma source(%dma_start3A_172 : memref<8x128xi32, #tpu.memory_space<hbm>>) target(%arg5 : memref<8x128xi32, #tpu.memory_space<vmem>>) target_semaphore(%run_scoped3A : memref<!tpu.dma_semaphore, #tpu.memory_space<semaphore_mem>>)
      %dma_wait3A_173 = arith.constant 0 : i32
      %dma_wait3A_174 = arith.constant 0 : i32
      %dma_wait3A_175 = tpu.memref_slice %arg3[%add3A, %dma_wait3A_173, %dma_wait3A_174] : memref<32x8x128xi32, #tpu.memory_space<hbm>> -> memref<1x8x128xi32, #tpu.memory_space<hbm>>
      %dma_wait3A_176 = tpu.memref_squeeze %dma_wait3A_175 : memref<1x8x128xi32, #tpu.memory_space<hbm>> -> memref<8x128xi32, #tpu.memory_space<hbm>>
      %dma_wait3A_177 = arith.constant 0 : i32
      %dma_wait3A_178 = arith.constant 0 : i32
      %dma_wait3A_179 = tpu.memref_slice %arg3[%add3A, %dma_wait3A_177, %dma_wait3A_178] : memref<32x8x128xi32, #tpu.memory_space<hbm>> -> memref<1x8x128xi32, #tpu.memory_space<hbm>>
      %dma_wait3A_180 = tpu.memref_squeeze %dma_wait3A_179 : memref<1x8x128xi32, #tpu.memory_space<hbm>> -> memref<8x128xi32, #tpu.memory_space<hbm>>
      tpu.wait_dma2 semaphore(%run_scoped3A : memref<!tpu.dma_semaphore, #tpu.memory_space<semaphore_mem>>) src(%dma_wait3A_180 : memref<8x128xi32, #tpu.memory_space<hbm>>) dst(%arg5 : memref<8x128xi32, #tpu.memory_space<vmem>>)
      tpu.yield
    }) : () -> ()
    %dma_start3A = arith.constant 0 : i32
    %dma_start3A_3 = arith.constant 0 : i32
    %dma_start3A_4 = arith.constant 0 : i32
    %dma_start3A_5 = tpu.memref_slice %arg6[%dma_start3A_3, %dma_start3A_4] : memref<512x128xf32, #tpu.memory_space<vmem>> -> memref<128x128xf32, #tpu.memory_space<vmem>>
    %dma_start3A_6 = arith.constant 0 : i32
    %dma_start3A_7 = tpu.memref_slice %arg5[%dma_start3A, %dma_start3A_6] : memref<8x128xi32, #tpu.memory_space<vmem>> -> memref<1x128xi32, #tpu.memory_space<vmem>>
    %dma_start3A_8 = tpu.memref_squeeze %dma_start3A_7 : memref<1x128xi32, #tpu.memory_space<vmem>> -> memref<128xi32, #tpu.memory_space<vmem>>
    %dma_start3A_9 = arith.constant 0 : i32
    %dma_start3A_10 = arith.constant 0 : i32
    %dma_start3A_11 = tpu.memref_slice %arg2[%dma_start3A_9, %dma_start3A_10] : memref<1024x128xf32, #tpu.memory_space<hbm>> -> memref<1024x128xf32, #tpu.memory_space<hbm>>
    tpu.enqueue_indirect_dma source(%dma_start3A_11 : memref<1024x128xf32, #tpu.memory_space<hbm>>) target(%dma_start3A_5 : memref<128x128xf32, #tpu.memory_space<vmem>>) offsets(%dma_start3A_8 : memref<128xi32, #tpu.memory_space<vmem>>) semaphore(%arg7 : memref<!tpu.dma_semaphore, #tpu.memory_space<semaphore_mem>>)
    %dma_start3A_12 = arith.constant 1 : i32
    %dma_start3A_13 = arith.constant 128 : i32
    %dma_start3A_14 = arith.constant 0 : i32
    %dma_start3A_15 = tpu.memref_slice %arg6[%dma_start3A_13, %dma_start3A_14] : memref<512x128xf32, #tpu.memory_space<vmem>> -> memref<128x128xf32, #tpu.memory_space<vmem>>
    %dma_start3A_16 = arith.constant 0 : i32
    %dma_start3A_17 = tpu.memref_slice %arg5[%dma_start3A_12, %dma_start3A_16] : memref<8x128xi32, #tpu.memory_space<vmem>> -> memref<1x128xi32, #tpu.memory_space<vmem>>
    %dma_start3A_18 = tpu.memref_squeeze %dma_start3A_17 : memref<1x128xi32, #tpu.memory_space<vmem>> -> memref<128xi32, #tpu.memory_space<vmem>>
    %dma_start3A_19 = arith.constant 0 : i32
    %dma_start3A_20 = arith.constant 0 : i32
    %dma_start3A_21 = tpu.memref_slice %arg2[%dma_start3A_19, %dma_start3A_20] : memref<1024x128xf32, #tpu.memory_space<hbm>> -> memref<1024x128xf32, #tpu.memory_space<hbm>>
    tpu.enqueue_indirect_dma source(%dma_start3A_21 : memref<1024x128xf32, #tpu.memory_space<hbm>>) target(%dma_start3A_15 : memref<128x128xf32, #tpu.memory_space<vmem>>) offsets(%dma_start3A_18 : memref<128xi32, #tpu.memory_space<vmem>>) semaphore(%arg7 : memref<!tpu.dma_semaphore, #tpu.memory_space<semaphore_mem>>)
    %dma_start3A_22 = arith.constant 2 : i32
    %dma_start3A_23 = arith.constant 256 : i32
    %dma_start3A_24 = arith.constant 0 : i32
    %dma_start3A_25 = tpu.memref_slice %arg6[%dma_start3A_23, %dma_start3A_24] : memref<512x128xf32, #tpu.memory_space<vmem>> -> memref<128x128xf32, #tpu.memory_space<vmem>>
    %dma_start3A_26 = arith.constant 0 : i32
    %dma_start3A_27 = tpu.memref_slice %arg5[%dma_start3A_22, %dma_start3A_26] : memref<8x128xi32, #tpu.memory_space<vmem>> -> memref<1x128xi32, #tpu.memory_space<vmem>>
    %dma_start3A_28 = tpu.memref_squeeze %dma_start3A_27 : memref<1x128xi32, #tpu.memory_space<vmem>> -> memref<128xi32, #tpu.memory_space<vmem>>
    %dma_start3A_29 = arith.constant 0 : i32
    %dma_start3A_30 = arith.constant 0 : i32
    %dma_start3A_31 = tpu.memref_slice %arg2[%dma_start3A_29, %dma_start3A_30] : memref<1024x128xf32, #tpu.memory_space<hbm>> -> memref<1024x128xf32, #tpu.memory_space<hbm>>
    tpu.enqueue_indirect_dma source(%dma_start3A_31 : memref<1024x128xf32, #tpu.memory_space<hbm>>) target(%dma_start3A_25 : memref<128x128xf32, #tpu.memory_space<vmem>>) offsets(%dma_start3A_28 : memref<128xi32, #tpu.memory_space<vmem>>) semaphore(%arg7 : memref<!tpu.dma_semaphore, #tpu.memory_space<semaphore_mem>>)
    %dma_start3A_32 = arith.constant 3 : i32
    %dma_start3A_33 = arith.constant 384 : i32
    %dma_start3A_34 = arith.constant 0 : i32
    %dma_start3A_35 = tpu.memref_slice %arg6[%dma_start3A_33, %dma_start3A_34] : memref<512x128xf32, #tpu.memory_space<vmem>> -> memref<128x128xf32, #tpu.memory_space<vmem>>
    %dma_start3A_36 = arith.constant 0 : i32
    %dma_start3A_37 = tpu.memref_slice %arg5[%dma_start3A_32, %dma_start3A_36] : memref<8x128xi32, #tpu.memory_space<vmem>> -> memref<1x128xi32, #tpu.memory_space<vmem>>
    %dma_start3A_38 = tpu.memref_squeeze %dma_start3A_37 : memref<1x128xi32, #tpu.memory_space<vmem>> -> memref<128xi32, #tpu.memory_space<vmem>>
    %dma_start3A_39 = arith.constant 0 : i32
    %dma_start3A_40 = arith.constant 0 : i32
    %dma_start3A_41 = tpu.memref_slice %arg2[%dma_start3A_39, %dma_start3A_40] : memref<1024x128xf32, #tpu.memory_space<hbm>> -> memref<1024x128xf32, #tpu.memory_space<hbm>>
    tpu.enqueue_indirect_dma source(%dma_start3A_41 : memref<1024x128xf32, #tpu.memory_space<hbm>>) target(%dma_start3A_35 : memref<128x128xf32, #tpu.memory_space<vmem>>) offsets(%dma_start3A_38 : memref<128xi32, #tpu.memory_space<vmem>>) semaphore(%arg7 : memref<!tpu.dma_semaphore, #tpu.memory_space<semaphore_mem>>)
    %dma_wait3A = arith.constant 0 : i32
    %dma_wait3A_42 = arith.constant 0 : i32
    %dma_wait3A_43 = arith.constant 0 : i32
    %dma_wait3A_44 = tpu.memref_slice %arg6[%dma_wait3A_42, %dma_wait3A_43] : memref<512x128xf32, #tpu.memory_space<vmem>> -> memref<128x128xf32, #tpu.memory_space<vmem>>
    %dma_wait3A_45 = arith.constant 0 : i32
    %dma_wait3A_46 = tpu.memref_slice %arg5[%dma_wait3A, %dma_wait3A_45] : memref<8x128xi32, #tpu.memory_space<vmem>> -> memref<1x128xi32, #tpu.memory_space<vmem>>
    %dma_wait3A_47 = tpu.memref_squeeze %dma_wait3A_46 : memref<1x128xi32, #tpu.memory_space<vmem>> -> memref<128xi32, #tpu.memory_space<vmem>>
    %dma_wait3A_48 = arith.constant 0 : i32
    %dma_wait3A_49 = arith.constant 0 : i32
    %dma_wait3A_50 = tpu.memref_slice %arg2[%dma_wait3A_48, %dma_wait3A_49] : memref<1024x128xf32, #tpu.memory_space<hbm>> -> memref<1024x128xf32, #tpu.memory_space<hbm>>
    tpu.wait_indirect_dma semaphore(%arg7 : memref<!tpu.dma_semaphore, #tpu.memory_space<semaphore_mem>>) src(%dma_wait3A_50 : memref<1024x128xf32, #tpu.memory_space<hbm>>) dst(%dma_wait3A_44 : memref<128x128xf32, #tpu.memory_space<vmem>>)
    %dma_wait3A_51 = arith.constant 1 : i32
    %dma_wait3A_52 = arith.constant 128 : i32
    %dma_wait3A_53 = arith.constant 0 : i32
    %dma_wait3A_54 = tpu.memref_slice %arg6[%dma_wait3A_52, %dma_wait3A_53] : memref<512x128xf32, #tpu.memory_space<vmem>> -> memref<128x128xf32, #tpu.memory_space<vmem>>
    %dma_wait3A_55 = arith.constant 0 : i32
    %dma_wait3A_56 = tpu.memref_slice %arg5[%dma_wait3A_51, %dma_wait3A_55] : memref<8x128xi32, #tpu.memory_space<vmem>> -> memref<1x128xi32, #tpu.memory_space<vmem>>
    %dma_wait3A_57 = tpu.memref_squeeze %dma_wait3A_56 : memref<1x128xi32, #tpu.memory_space<vmem>> -> memref<128xi32, #tpu.memory_space<vmem>>
    %dma_wait3A_58 = arith.constant 0 : i32
    %dma_wait3A_59 = arith.constant 0 : i32
    %dma_wait3A_60 = tpu.memref_slice %arg2[%dma_wait3A_58, %dma_wait3A_59] : memref<1024x128xf32, #tpu.memory_space<hbm>> -> memref<1024x128xf32, #tpu.memory_space<hbm>>
    tpu.wait_indirect_dma semaphore(%arg7 : memref<!tpu.dma_semaphore, #tpu.memory_space<semaphore_mem>>) src(%dma_wait3A_60 : memref<1024x128xf32, #tpu.memory_space<hbm>>) dst(%dma_wait3A_54 : memref<128x128xf32, #tpu.memory_space<vmem>>)
    %dma_wait3A_61 = arith.constant 2 : i32
    %dma_wait3A_62 = arith.constant 256 : i32
    %dma_wait3A_63 = arith.constant 0 : i32
    %dma_wait3A_64 = tpu.memref_slice %arg6[%dma_wait3A_62, %dma_wait3A_63] : memref<512x128xf32, #tpu.memory_space<vmem>> -> memref<128x128xf32, #tpu.memory_space<vmem>>
    %dma_wait3A_65 = arith.constant 0 : i32
    %dma_wait3A_66 = tpu.memref_slice %arg5[%dma_wait3A_61, %dma_wait3A_65] : memref<8x128xi32, #tpu.memory_space<vmem>> -> memref<1x128xi32, #tpu.memory_space<vmem>>
    %dma_wait3A_67 = tpu.memref_squeeze %dma_wait3A_66 : memref<1x128xi32, #tpu.memory_space<vmem>> -> memref<128xi32, #tpu.memory_space<vmem>>
    %dma_wait3A_68 = arith.constant 0 : i32
    %dma_wait3A_69 = arith.constant 0 : i32
    %dma_wait3A_70 = tpu.memref_slice %arg2[%dma_wait3A_68, %dma_wait3A_69] : memref<1024x128xf32, #tpu.memory_space<hbm>> -> memref<1024x128xf32, #tpu.memory_space<hbm>>
    tpu.wait_indirect_dma semaphore(%arg7 : memref<!tpu.dma_semaphore, #tpu.memory_space<semaphore_mem>>) src(%dma_wait3A_70 : memref<1024x128xf32, #tpu.memory_space<hbm>>) dst(%dma_wait3A_64 : memref<128x128xf32, #tpu.memory_space<vmem>>)
    %dma_wait3A_71 = arith.constant 3 : i32
    %dma_wait3A_72 = arith.constant 384 : i32
    %dma_wait3A_73 = arith.constant 0 : i32
    %dma_wait3A_74 = tpu.memref_slice %arg6[%dma_wait3A_72, %dma_wait3A_73] : memref<512x128xf32, #tpu.memory_space<vmem>> -> memref<128x128xf32, #tpu.memory_space<vmem>>
    %dma_wait3A_75 = arith.constant 0 : i32
    %dma_wait3A_76 = tpu.memref_slice %arg5[%dma_wait3A_71, %dma_wait3A_75] : memref<8x128xi32, #tpu.memory_space<vmem>> -> memref<1x128xi32, #tpu.memory_space<vmem>>
    %dma_wait3A_77 = tpu.memref_squeeze %dma_wait3A_76 : memref<1x128xi32, #tpu.memory_space<vmem>> -> memref<128xi32, #tpu.memory_space<vmem>>
    %dma_wait3A_78 = arith.constant 0 : i32
    %dma_wait3A_79 = arith.constant 0 : i32
    %dma_wait3A_80 = tpu.memref_slice %arg2[%dma_wait3A_78, %dma_wait3A_79] : memref<1024x128xf32, #tpu.memory_space<hbm>> -> memref<1024x128xf32, #tpu.memory_space<hbm>>
    tpu.wait_indirect_dma semaphore(%arg7 : memref<!tpu.dma_semaphore, #tpu.memory_space<semaphore_mem>>) src(%dma_wait3A_80 : memref<1024x128xf32, #tpu.memory_space<hbm>>) dst(%dma_wait3A_74 : memref<128x128xf32, #tpu.memory_space<vmem>>)
    %add3A_81 = arith.constant 0 : i32
    %add3A_82 = arith.addi %mul3A_2, %add3A_81 : i32
    "tpu.region"() ({
      %run_scoped3A = tpu.sem_alloc : memref<!tpu.dma_semaphore, #tpu.memory_space<semaphore_mem>>
      %dma_start3A_165 = arith.constant 0 : i32
      %dma_start3A_166 = tpu.memref_slice %arg4[%add3A_82, %dma_start3A_165] : memref<32768x128xf32, #tpu.memory_space<hbm>> -> memref<512x128xf32, #tpu.memory_space<hbm>>
      %dma_start3A_167 = arith.constant 0 : i32
      %dma_start3A_168 = tpu.memref_slice %arg4[%add3A_82, %dma_start3A_167] : memref<32768x128xf32, #tpu.memory_space<hbm>> -> memref<512x128xf32, #tpu.memory_space<hbm>>
      tpu.enqueue_dma source(%arg6 : memref<512x128xf32, #tpu.memory_space<vmem>>) target(%dma_start3A_168 : memref<512x128xf32, #tpu.memory_space<hbm>>) target_semaphore(%run_scoped3A : memref<!tpu.dma_semaphore, #tpu.memory_space<semaphore_mem>>)
      %dma_wait3A_169 = arith.constant 0 : i32
      %dma_wait3A_170 = tpu.memref_slice %arg4[%add3A_82, %dma_wait3A_169] : memref<32768x128xf32, #tpu.memory_space<hbm>> -> memref<512x128xf32, #tpu.memory_space<hbm>>
      %dma_wait3A_171 = arith.constant 0 : i32
      %dma_wait3A_172 = tpu.memref_slice %arg4[%add3A_82, %dma_wait3A_171] : memref<32768x128xf32, #tpu.memory_space<hbm>> -> memref<512x128xf32, #tpu.memory_space<hbm>>
      tpu.wait_dma2 semaphore(%run_scoped3A : memref<!tpu.dma_semaphore, #tpu.memory_space<semaphore_mem>>) src(%arg6 : memref<512x128xf32, #tpu.memory_space<vmem>>) dst(%dma_wait3A_172 : memref<512x128xf32, #tpu.memory_space<hbm>>)
      tpu.yield
    }) : () -> ()
    %dma_start3A_83 = arith.constant 4 : i32
    %dma_start3A_84 = arith.constant 0 : i32
    %dma_start3A_85 = arith.constant 0 : i32
    %dma_start3A_86 = tpu.memref_slice %arg6[%dma_start3A_84, %dma_start3A_85] : memref<512x128xf32, #tpu.memory_space<vmem>> -> memref<128x128xf32, #tpu.memory_space<vmem>>
    %dma_start3A_87 = arith.constant 0 : i32
    %dma_start3A_88 = tpu.memref_slice %arg5[%dma_start3A_83, %dma_start3A_87] : memref<8x128xi32, #tpu.memory_space<vmem>> -> memref<1x128xi32, #tpu.memory_space<vmem>>
    %dma_start3A_89 = tpu.memref_squeeze %dma_start3A_88 : memref<1x128xi32, #tpu.memory_space<vmem>> -> memref<128xi32, #tpu.memory_space<vmem>>
    %dma_start3A_90 = arith.constant 0 : i32
    %dma_start3A_91 = arith.constant 0 : i32
    %dma_start3A_92 = tpu.memref_slice %arg2[%dma_start3A_90, %dma_start3A_91] : memref<1024x128xf32, #tpu.memory_space<hbm>> -> memref<1024x128xf32, #tpu.memory_space<hbm>>
    tpu.enqueue_indirect_dma source(%dma_start3A_92 : memref<1024x128xf32, #tpu.memory_space<hbm>>) target(%dma_start3A_86 : memref<128x128xf32, #tpu.memory_space<vmem>>) offsets(%dma_start3A_89 : memref<128xi32, #tpu.memory_space<vmem>>) semaphore(%arg7 : memref<!tpu.dma_semaphore, #tpu.memory_space<semaphore_mem>>)
    %dma_start3A_93 = arith.constant 5 : i32
    %dma_start3A_94 = arith.constant 128 : i32
    %dma_start3A_95 = arith.constant 0 : i32
    %dma_start3A_96 = tpu.memref_slice %arg6[%dma_start3A_94, %dma_start3A_95] : memref<512x128xf32, #tpu.memory_space<vmem>> -> memref<128x128xf32, #tpu.memory_space<vmem>>
    %dma_start3A_97 = arith.constant 0 : i32
    %dma_start3A_98 = tpu.memref_slice %arg5[%dma_start3A_93, %dma_start3A_97] : memref<8x128xi32, #tpu.memory_space<vmem>> -> memref<1x128xi32, #tpu.memory_space<vmem>>
    %dma_start3A_99 = tpu.memref_squeeze %dma_start3A_98 : memref<1x128xi32, #tpu.memory_space<vmem>> -> memref<128xi32, #tpu.memory_space<vmem>>
    %dma_start3A_100 = arith.constant 0 : i32
    %dma_start3A_101 = arith.constant 0 : i32
    %dma_start3A_102 = tpu.memref_slice %arg2[%dma_start3A_100, %dma_start3A_101] : memref<1024x128xf32, #tpu.memory_space<hbm>> -> memref<1024x128xf32, #tpu.memory_space<hbm>>
    tpu.enqueue_indirect_dma source(%dma_start3A_102 : memref<1024x128xf32, #tpu.memory_space<hbm>>) target(%dma_start3A_96 : memref<128x128xf32, #tpu.memory_space<vmem>>) offsets(%dma_start3A_99 : memref<128xi32, #tpu.memory_space<vmem>>) semaphore(%arg7 : memref<!tpu.dma_semaphore, #tpu.memory_space<semaphore_mem>>)
    %dma_start3A_103 = arith.constant 6 : i32
    %dma_start3A_104 = arith.constant 256 : i32
    %dma_start3A_105 = arith.constant 0 : i32
    %dma_start3A_106 = tpu.memref_slice %arg6[%dma_start3A_104, %dma_start3A_105] : memref<512x128xf32, #tpu.memory_space<vmem>> -> memref<128x128xf32, #tpu.memory_space<vmem>>
    %dma_start3A_107 = arith.constant 0 : i32
    %dma_start3A_108 = tpu.memref_slice %arg5[%dma_start3A_103, %dma_start3A_107] : memref<8x128xi32, #tpu.memory_space<vmem>> -> memref<1x128xi32, #tpu.memory_space<vmem>>
    %dma_start3A_109 = tpu.memref_squeeze %dma_start3A_108 : memref<1x128xi32, #tpu.memory_space<vmem>> -> memref<128xi32, #tpu.memory_space<vmem>>
    %dma_start3A_110 = arith.constant 0 : i32
    %dma_start3A_111 = arith.constant 0 : i32
    %dma_start3A_112 = tpu.memref_slice %arg2[%dma_start3A_110, %dma_start3A_111] : memref<1024x128xf32, #tpu.memory_space<hbm>> -> memref<1024x128xf32, #tpu.memory_space<hbm>>
    tpu.enqueue_indirect_dma source(%dma_start3A_112 : memref<1024x128xf32, #tpu.memory_space<hbm>>) target(%dma_start3A_106 : memref<128x128xf32, #tpu.memory_space<vmem>>) offsets(%dma_start3A_109 : memref<128xi32, #tpu.memory_space<vmem>>) semaphore(%arg7 : memref<!tpu.dma_semaphore, #tpu.memory_space<semaphore_mem>>)
    %dma_start3A_113 = arith.constant 7 : i32
    %dma_start3A_114 = arith.constant 384 : i32
    %dma_start3A_115 = arith.constant 0 : i32
    %dma_start3A_116 = tpu.memref_slice %arg6[%dma_start3A_114, %dma_start3A_115] : memref<512x128xf32, #tpu.memory_space<vmem>> -> memref<128x128xf32, #tpu.memory_space<vmem>>
    %dma_start3A_117 = arith.constant 0 : i32
    %dma_start3A_118 = tpu.memref_slice %arg5[%dma_start3A_113, %dma_start3A_117] : memref<8x128xi32, #tpu.memory_space<vmem>> -> memref<1x128xi32, #tpu.memory_space<vmem>>
    %dma_start3A_119 = tpu.memref_squeeze %dma_start3A_118 : memref<1x128xi32, #tpu.memory_space<vmem>> -> memref<128xi32, #tpu.memory_space<vmem>>
    %dma_start3A_120 = arith.constant 0 : i32
    %dma_start3A_121 = arith.constant 0 : i32
    %dma_start3A_122 = tpu.memref_slice %arg2[%dma_start3A_120, %dma_start3A_121] : memref<1024x128xf32, #tpu.memory_space<hbm>> -> memref<1024x128xf32, #tpu.memory_space<hbm>>
    tpu.enqueue_indirect_dma source(%dma_start3A_122 : memref<1024x128xf32, #tpu.memory_space<hbm>>) target(%dma_start3A_116 : memref<128x128xf32, #tpu.memory_space<vmem>>) offsets(%dma_start3A_119 : memref<128xi32, #tpu.memory_space<vmem>>) semaphore(%arg7 : memref<!tpu.dma_semaphore, #tpu.memory_space<semaphore_mem>>)
    %dma_wait3A_123 = arith.constant 4 : i32
    %dma_wait3A_124 = arith.constant 0 : i32
    %dma_wait3A_125 = arith.constant 0 : i32
    %dma_wait3A_126 = tpu.memref_slice %arg6[%dma_wait3A_124, %dma_wait3A_125] : memref<512x128xf32, #tpu.memory_space<vmem>> -> memref<128x128xf32, #tpu.memory_space<vmem>>
    %dma_wait3A_127 = arith.constant 0 : i32
    %dma_wait3A_128 = tpu.memref_slice %arg5[%dma_wait3A_123, %dma_wait3A_127] : memref<8x128xi32, #tpu.memory_space<vmem>> -> memref<1x128xi32, #tpu.memory_space<vmem>>
    %dma_wait3A_129 = tpu.memref_squeeze %dma_wait3A_128 : memref<1x128xi32, #tpu.memory_space<vmem>> -> memref<128xi32, #tpu.memory_space<vmem>>
    %dma_wait3A_130 = arith.constant 0 : i32
    %dma_wait3A_131 = arith.constant 0 : i32
    %dma_wait3A_132 = tpu.memref_slice %arg2[%dma_wait3A_130, %dma_wait3A_131] : memref<1024x128xf32, #tpu.memory_space<hbm>> -> memref<1024x128xf32, #tpu.memory_space<hbm>>
    tpu.wait_indirect_dma semaphore(%arg7 : memref<!tpu.dma_semaphore, #tpu.memory_space<semaphore_mem>>) src(%dma_wait3A_132 : memref<1024x128xf32, #tpu.memory_space<hbm>>) dst(%dma_wait3A_126 : memref<128x128xf32, #tpu.memory_space<vmem>>)
    %dma_wait3A_133 = arith.constant 5 : i32
    %dma_wait3A_134 = arith.constant 128 : i32
    %dma_wait3A_135 = arith.constant 0 : i32
    %dma_wait3A_136 = tpu.memref_slice %arg6[%dma_wait3A_134, %dma_wait3A_135] : memref<512x128xf32, #tpu.memory_space<vmem>> -> memref<128x128xf32, #tpu.memory_space<vmem>>
    %dma_wait3A_137 = arith.constant 0 : i32
    %dma_wait3A_138 = tpu.memref_slice %arg5[%dma_wait3A_133, %dma_wait3A_137] : memref<8x128xi32, #tpu.memory_space<vmem>> -> memref<1x128xi32, #tpu.memory_space<vmem>>
    %dma_wait3A_139 = tpu.memref_squeeze %dma_wait3A_138 : memref<1x128xi32, #tpu.memory_space<vmem>> -> memref<128xi32, #tpu.memory_space<vmem>>
    %dma_wait3A_140 = arith.constant 0 : i32
    %dma_wait3A_141 = arith.constant 0 : i32
    %dma_wait3A_142 = tpu.memref_slice %arg2[%dma_wait3A_140, %dma_wait3A_141] : memref<1024x128xf32, #tpu.memory_space<hbm>> -> memref<1024x128xf32, #tpu.memory_space<hbm>>
    tpu.wait_indirect_dma semaphore(%arg7 : memref<!tpu.dma_semaphore, #tpu.memory_space<semaphore_mem>>) src(%dma_wait3A_142 : memref<1024x128xf32, #tpu.memory_space<hbm>>) dst(%dma_wait3A_136 : memref<128x128xf32, #tpu.memory_space<vmem>>)
    %dma_wait3A_143 = arith.constant 6 : i32
    %dma_wait3A_144 = arith.constant 256 : i32
    %dma_wait3A_145 = arith.constant 0 : i32
    %dma_wait3A_146 = tpu.memref_slice %arg6[%dma_wait3A_144, %dma_wait3A_145] : memref<512x128xf32, #tpu.memory_space<vmem>> -> memref<128x128xf32, #tpu.memory_space<vmem>>
    %dma_wait3A_147 = arith.constant 0 : i32
    %dma_wait3A_148 = tpu.memref_slice %arg5[%dma_wait3A_143, %dma_wait3A_147] : memref<8x128xi32, #tpu.memory_space<vmem>> -> memref<1x128xi32, #tpu.memory_space<vmem>>
    %dma_wait3A_149 = tpu.memref_squeeze %dma_wait3A_148 : memref<1x128xi32, #tpu.memory_space<vmem>> -> memref<128xi32, #tpu.memory_space<vmem>>
    %dma_wait3A_150 = arith.constant 0 : i32
    %dma_wait3A_151 = arith.constant 0 : i32
    %dma_wait3A_152 = tpu.memref_slice %arg2[%dma_wait3A_150, %dma_wait3A_151] : memref<1024x128xf32, #tpu.memory_space<hbm>> -> memref<1024x128xf32, #tpu.memory_space<hbm>>
    tpu.wait_indirect_dma semaphore(%arg7 : memref<!tpu.dma_semaphore, #tpu.memory_space<semaphore_mem>>) src(%dma_wait3A_152 : memref<1024x128xf32, #tpu.memory_space<hbm>>) dst(%dma_wait3A_146 : memref<128x128xf32, #tpu.memory_space<vmem>>)
    %dma_wait3A_153 = arith.constant 7 : i32
    %dma_wait3A_154 = arith.constant 384 : i32
    %dma_wait3A_155 = arith.constant 0 : i32
    %dma_wait3A_156 = tpu.memref_slice %arg6[%dma_wait3A_154, %dma_wait3A_155] : memref<512x128xf32, #tpu.memory_space<vmem>> -> memref<128x128xf32, #tpu.memory_space<vmem>>
    %dma_wait3A_157 = arith.constant 0 : i32
    %dma_wait3A_158 = tpu.memref_slice %arg5[%dma_wait3A_153, %dma_wait3A_157] : memref<8x128xi32, #tpu.memory_space<vmem>> -> memref<1x128xi32, #tpu.memory_space<vmem>>
    %dma_wait3A_159 = tpu.memref_squeeze %dma_wait3A_158 : memref<1x128xi32, #tpu.memory_space<vmem>> -> memref<128xi32, #tpu.memory_space<vmem>>
    %dma_wait3A_160 = arith.constant 0 : i32
    %dma_wait3A_161 = arith.constant 0 : i32
    %dma_wait3A_162 = tpu.memref_slice %arg2[%dma_wait3A_160, %dma_wait3A_161] : memref<1024x128xf32, #tpu.memory_space<hbm>> -> memref<1024x128xf32, #tpu.memory_space<hbm>>
    tpu.wait_indirect_dma semaphore(%arg7 : memref<!tpu.dma_semaphore, #tpu.memory_space<semaphore_mem>>) src(%dma_wait3A_162 : memref<1024x128xf32, #tpu.memory_space<hbm>>) dst(%dma_wait3A_156 : memref<128x128xf32, #tpu.memory_space<vmem>>)
    %add3A_163 = arith.constant 512 : i32
    %add3A_164 = arith.addi %mul3A_2, %add3A_163 : i32
    "tpu.region"() ({
      %run_scoped3A = tpu.sem_alloc : memref<!tpu.dma_semaphore, #tpu.memory_space<semaphore_mem>>
      %dma_start3A_165 = arith.constant 0 : i32
      %dma_start3A_166 = tpu.memref_slice %arg4[%add3A_164, %dma_start3A_165] : memref<32768x128xf32, #tpu.memory_space<hbm>> -> memref<512x128xf32, #tpu.memory_space<hbm>>
      %dma_start3A_167 = arith.constant 0 : i32
      %dma_start3A_168 = tpu.memref_slice %arg4[%add3A_164, %dma_start3A_167] : memref<32768x128xf32, #tpu.memory_space<hbm>> -> memref<512x128xf32, #tpu.memory_space<hbm>>
      tpu.enqueue_dma source(%arg6 : memref<512x128xf32, #tpu.memory_space<vmem>>) target(%dma_start3A_168 : memref<512x128xf32, #tpu.memory_space<hbm>>) target_semaphore(%run_scoped3A : memref<!tpu.dma_semaphore, #tpu.memory_space<semaphore_mem>>)
      %dma_wait3A_169 = arith.constant 0 : i32
      %dma_wait3A_170 = tpu.memref_slice %arg4[%add3A_164, %dma_wait3A_169] : memref<32768x128xf32, #tpu.memory_space<hbm>> -> memref<512x128xf32, #tpu.memory_space<hbm>>
      %dma_wait3A_171 = arith.constant 0 : i32
      %dma_wait3A_172 = tpu.memref_slice %arg4[%add3A_164, %dma_wait3A_171] : memref<32768x128xf32, #tpu.memory_space<hbm>> -> memref<512x128xf32, #tpu.memory_space<hbm>>
      tpu.wait_dma2 semaphore(%run_scoped3A : memref<!tpu.dma_semaphore, #tpu.memory_space<semaphore_mem>>) src(%arg6 : memref<512x128xf32, #tpu.memory_space<vmem>>) dst(%dma_wait3A_172 : memref<512x128xf32, #tpu.memory_space<hbm>>)
      tpu.yield
    }) : () -> ()
    return
  }
}

#map = affine_map<(d0, d1) -> (0, 0)>
#map1 = affine_map<(d0, d1) -> (0, 0, 0)>
module attributes {stable_mosaic.version = 14 : i64} {
  func.func @gather(%arg0: i32, %arg1: i32, %arg2: memref<1024x128xf32, #tpu.memory_space<hbm>>, %arg3: memref<32x8x128xi32, #tpu.memory_space<hbm>>, %arg4: memref<32768x128xf32, #tpu.memory_space<hbm>>, %arg5: memref<8x128xi32, #tpu.memory_space<vmem>>, %arg6: memref<512x128xf32, #tpu.memory_space<vmem>>, %arg7: memref<!tpu.dma_semaphore, #tpu.memory_space<semaphore_mem>>) attributes {dimension_semantics = [#tpu.dimension_semantics<core_parallel>, #tpu.dimension_semantics<subcore_parallel>], iteration_bounds = array<i64: 2, 16>, scalar_prefetch = 0 : i64, scratch_operands = 3 : i64, tpu.core_type = #tpu.core_type<sc_vector_subcore>, window_params = [{transform_indices = #map}, {transform_indices = #map1}, {transform_indices = #map}]} {
    %mul3A = arith.constant 2 : i32
    %mul3A_0 = arith.muli %arg1, %mul3A : i32
    %add3A = arith.addi %mul3A_0, %arg0 : i32
    %mul3A_1 = arith.constant 1024 : i32
    %mul3A_2 = arith.muli %add3A, %mul3A_1 : i32
    "tpu.region"() ({
      %run_scoped3A = tpu.sem_alloc : memref<!tpu.dma_semaphore, #tpu.memory_space<semaphore_mem>>
      %dma_start3A_165 = arith.constant 0 : i32
      %dma_start3A_166 = arith.constant 0 : i32
      %dma_start3A_167 = tpu.memref_slice %arg3[%add3A, %dma_start3A_165, %dma_start3A_166] : memref<32x8x128xi32, #tpu.memory_space<hbm>> -> memref<1x8x128xi32, #tpu.memory_space<hbm>>
      %dma_start3A_168 = tpu.memref_squeeze %dma_start3A_167 : memref<1x8x128xi32, #tpu.memory_space<hbm>> -> memref<8x128xi32, #tpu.memory_space<hbm>>
      %dma_start3A_169 = arith.constant 0 : i32
      %dma_start3A_170 = arith.constant 0 : i32
      %dma_start3A_171 = tpu.memref_slice %arg3[%add3A, %dma_start3A_169, %dma_start3A_170] : memref<32x8x128xi32, #tpu.memory_space<hbm>> -> memref<1x8x128xi32, #tpu.memory_space<hbm>>
      %dma_start3A_172 = tpu.memref_squeeze %dma_start3A_171 : memref<1x8x128xi32, #tpu.memory_space<hbm>> -> memref<8x128xi32, #tpu.memory_space<hbm>>
      tpu.enqueue_dma source(%dma_start3A_172 : memref<8x128xi32, #tpu.memory_space<hbm>>) target(%arg5 : memref<8x128xi32, #tpu.memory_space<vmem>>) target_semaphore(%run_scoped3A : memref<!tpu.dma_semaphore, #tpu.memory_space<semaphore_mem>>)
      %dma_wait3A_173 = arith.constant 0 : i32
      %dma_wait3A_174 = arith.constant 0 : i32
      %dma_wait3A_175 = tpu.memref_slice %arg3[%add3A, %dma_wait3A_173, %dma_wait3A_174] : memref<32x8x128xi32, #tpu.memory_space<hbm>> -> memref<1x8x128xi32, #tpu.memory_space<hbm>>
      %dma_wait3A_176 = tpu.memref_squeeze %dma_wait3A_175 : memref<1x8x128xi32, #tpu.memory_space<hbm>> -> memref<8x128xi32, #tpu.memory_space<hbm>>
      %dma_wait3A_177 = arith.constant 0 : i32
      %dma_wait3A_178 = arith.constant 0 : i32
      %dma_wait3A_179 = tpu.memref_slice %arg3[%add3A, %dma_wait3A_177, %dma_wait3A_178] : memref<32x8x128xi32, #tpu.memory_space<hbm>> -> memref<1x8x128xi32, #tpu.memory_space<hbm>>
      %dma_wait3A_180 = tpu.memref_squeeze %dma_wait3A_179 : memref<1x8x128xi32, #tpu.memory_space<hbm>> -> memref<8x128xi32, #tpu.memory_space<hbm>>
      tpu.wait_dma2 semaphore(%run_scoped3A : memref<!tpu.dma_semaphore, #tpu.memory_space<semaphore_mem>>) src(%dma_wait3A_180 : memref<8x128xi32, #tpu.memory_space<hbm>>) dst(%arg5 : memref<8x128xi32, #tpu.memory_space<vmem>>)
      tpu.yield
    }) : () -> ()
    %dma_start3A = arith.constant 0 : i32
    %dma_start3A_3 = arith.constant 0 : i32
    %dma_start3A_4 = arith.constant 0 : i32
    %dma_start3A_5 = tpu.memref_slice %arg6[%dma_start3A_3, %dma_start3A_4] : memref<512x128xf32, #tpu.memory_space<vmem>> -> memref<128x128xf32, #tpu.memory_space<vmem>>
    %dma_start3A_6 = arith.constant 0 : i32
    %dma_start3A_7 = tpu.memref_slice %arg5[%dma_start3A, %dma_start3A_6] : memref<8x128xi32, #tpu.memory_space<vmem>> -> memref<1x128xi32, #tpu.memory_space<vmem>>
    %dma_start3A_8 = tpu.memref_squeeze %dma_start3A_7 : memref<1x128xi32, #tpu.memory_space<vmem>> -> memref<128xi32, #tpu.memory_space<vmem>>
    %dma_start3A_9 = arith.constant 0 : i32
    %dma_start3A_10 = arith.constant 0 : i32
    %dma_start3A_11 = tpu.memref_slice %arg2[%dma_start3A_9, %dma_start3A_10] : memref<1024x128xf32, #tpu.memory_space<hbm>> -> memref<1024x128xf32, #tpu.memory_space<hbm>>
    tpu.enqueue_indirect_dma source(%dma_start3A_11 : memref<1024x128xf32, #tpu.memory_space<hbm>>) target(%dma_start3A_5 : memref<128x128xf32, #tpu.memory_space<vmem>>) offsets(%dma_start3A_8 : memref<128xi32, #tpu.memory_space<vmem>>) semaphore(%arg7 : memref<!tpu.dma_semaphore, #tpu.memory_space<semaphore_mem>>)
    %dma_start3A_12 = arith.constant 1 : i32
    %dma_start3A_13 = arith.constant 128 : i32
    %dma_start3A_14 = arith.constant 0 : i32
    %dma_start3A_15 = tpu.memref_slice %arg6[%dma_start3A_13, %dma_start3A_14] : memref<512x128xf32, #tpu.memory_space<vmem>> -> memref<128x128xf32, #tpu.memory_space<vmem>>
    %dma_start3A_16 = arith.constant 0 : i32
    %dma_start3A_17 = tpu.memref_slice %arg5[%dma_start3A_12, %dma_start3A_16] : memref<8x128xi32, #tpu.memory_space<vmem>> -> memref<1x128xi32, #tpu.memory_space<vmem>>
    %dma_start3A_18 = tpu.memref_squeeze %dma_start3A_17 : memref<1x128xi32, #tpu.memory_space<vmem>> -> memref<128xi32, #tpu.memory_space<vmem>>
    %dma_start3A_19 = arith.constant 0 : i32
    %dma_start3A_20 = arith.constant 0 : i32
    %dma_start3A_21 = tpu.memref_slice %arg2[%dma_start3A_19, %dma_start3A_20] : memref<1024x128xf32, #tpu.memory_space<hbm>> -> memref<1024x128xf32, #tpu.memory_space<hbm>>
    tpu.enqueue_indirect_dma source(%dma_start3A_21 : memref<1024x128xf32, #tpu.memory_space<hbm>>) target(%dma_start3A_15 : memref<128x128xf32, #tpu.memory_space<vmem>>) offsets(%dma_start3A_18 : memref<128xi32, #tpu.memory_space<vmem>>) semaphore(%arg7 : memref<!tpu.dma_semaphore, #tpu.memory_space<semaphore_mem>>)
    %dma_start3A_22 = arith.constant 2 : i32
    %dma_start3A_23 = arith.constant 256 : i32
    %dma_start3A_24 = arith.constant 0 : i32
    %dma_start3A_25 = tpu.memref_slice %arg6[%dma_start3A_23, %dma_start3A_24] : memref<512x128xf32, #tpu.memory_space<vmem>> -> memref<128x128xf32, #tpu.memory_space<vmem>>
    %dma_start3A_26 = arith.constant 0 : i32
    %dma_start3A_27 = tpu.memref_slice %arg5[%dma_start3A_22, %dma_start3A_26] : memref<8x128xi32, #tpu.memory_space<vmem>> -> memref<1x128xi32, #tpu.memory_space<vmem>>
    %dma_start3A_28 = tpu.memref_squeeze %dma_start3A_27 : memref<1x128xi32, #tpu.memory_space<vmem>> -> memref<128xi32, #tpu.memory_space<vmem>>
    %dma_start3A_29 = arith.constant 0 : i32
    %dma_start3A_30 = arith.constant 0 : i32
    %dma_start3A_31 = tpu.memref_slice %arg2[%dma_start3A_29, %dma_start3A_30] : memref<1024x128xf32, #tpu.memory_space<hbm>> -> memref<1024x128xf32, #tpu.memory_space<hbm>>
    tpu.enqueue_indirect_dma source(%dma_start3A_31 : memref<1024x128xf32, #tpu.memory_space<hbm>>) target(%dma_start3A_25 : memref<128x128xf32, #tpu.memory_space<vmem>>) offsets(%dma_start3A_28 : memref<128xi32, #tpu.memory_space<vmem>>) semaphore(%arg7 : memref<!tpu.dma_semaphore, #tpu.memory_space<semaphore_mem>>)
    %dma_start3A_32 = arith.constant 3 : i32
    %dma_start3A_33 = arith.constant 384 : i32
    %dma_start3A_34 = arith.constant 0 : i32
    %dma_start3A_35 = tpu.memref_slice %arg6[%dma_start3A_33, %dma_start3A_34] : memref<512x128xf32, #tpu.memory_space<vmem>> -> memref<128x128xf32, #tpu.memory_space<vmem>>
    %dma_start3A_36 = arith.constant 0 : i32
    %dma_start3A_37 = tpu.memref_slice %arg5[%dma_start3A_32, %dma_start3A_36] : memref<8x128xi32, #tpu.memory_space<vmem>> -> memref<1x128xi32, #tpu.memory_space<vmem>>
    %dma_start3A_38 = tpu.memref_squeeze %dma_start3A_37 : memref<1x128xi32, #tpu.memory_space<vmem>> -> memref<128xi32, #tpu.memory_space<vmem>>
    %dma_start3A_39 = arith.constant 0 : i32
    %dma_start3A_40 = arith.constant 0 : i32
    %dma_start3A_41 = tpu.memref_slice %arg2[%dma_start3A_39, %dma_start3A_40] : memref<1024x128xf32, #tpu.memory_space<hbm>> -> memref<1024x128xf32, #tpu.memory_space<hbm>>
    tpu.enqueue_indirect_dma source(%dma_start3A_41 : memref<1024x128xf32, #tpu.memory_space<hbm>>) target(%dma_start3A_35 : memref<128x128xf32, #tpu.memory_space<vmem>>) offsets(%dma_start3A_38 : memref<128xi32, #tpu.memory_space<vmem>>) semaphore(%arg7 : memref<!tpu.dma_semaphore, #tpu.memory_space<semaphore_mem>>)
    %dma_wait3A = arith.constant 0 : i32
    %dma_wait3A_42 = arith.constant 0 : i32
    %dma_wait3A_43 = arith.constant 0 : i32
    %dma_wait3A_44 = tpu.memref_slice %arg6[%dma_wait3A_42, %dma_wait3A_43] : memref<512x128xf32, #tpu.memory_space<vmem>> -> memref<128x128xf32, #tpu.memory_space<vmem>>
    %dma_wait3A_45 = arith.constant 0 : i32
    %dma_wait3A_46 = tpu.memref_slice %arg5[%dma_wait3A, %dma_wait3A_45] : memref<8x128xi32, #tpu.memory_space<vmem>> -> memref<1x128xi32, #tpu.memory_space<vmem>>
    %dma_wait3A_47 = tpu.memref_squeeze %dma_wait3A_46 : memref<1x128xi32, #tpu.memory_space<vmem>> -> memref<128xi32, #tpu.memory_space<vmem>>
    %dma_wait3A_48 = arith.constant 0 : i32
    %dma_wait3A_49 = arith.constant 0 : i32
    %dma_wait3A_50 = tpu.memref_slice %arg2[%dma_wait3A_48, %dma_wait3A_49] : memref<1024x128xf32, #tpu.memory_space<hbm>> -> memref<1024x128xf32, #tpu.memory_space<hbm>>
    tpu.wait_indirect_dma semaphore(%arg7 : memref<!tpu.dma_semaphore, #tpu.memory_space<semaphore_mem>>) src(%dma_wait3A_50 : memref<1024x128xf32, #tpu.memory_space<hbm>>) dst(%dma_wait3A_44 : memref<128x128xf32, #tpu.memory_space<vmem>>)
    %dma_wait3A_51 = arith.constant 1 : i32
    %dma_wait3A_52 = arith.constant 128 : i32
    %dma_wait3A_53 = arith.constant 0 : i32
    %dma_wait3A_54 = tpu.memref_slice %arg6[%dma_wait3A_52, %dma_wait3A_53] : memref<512x128xf32, #tpu.memory_space<vmem>> -> memref<128x128xf32, #tpu.memory_space<vmem>>
    %dma_wait3A_55 = arith.constant 0 : i32
    %dma_wait3A_56 = tpu.memref_slice %arg5[%dma_wait3A_51, %dma_wait3A_55] : memref<8x128xi32, #tpu.memory_space<vmem>> -> memref<1x128xi32, #tpu.memory_space<vmem>>
    %dma_wait3A_57 = tpu.memref_squeeze %dma_wait3A_56 : memref<1x128xi32, #tpu.memory_space<vmem>> -> memref<128xi32, #tpu.memory_space<vmem>>
    %dma_wait3A_58 = arith.constant 0 : i32
    %dma_wait3A_59 = arith.constant 0 : i32
    %dma_wait3A_60 = tpu.memref_slice %arg2[%dma_wait3A_58, %dma_wait3A_59] : memref<1024x128xf32, #tpu.memory_space<hbm>> -> memref<1024x128xf32, #tpu.memory_space<hbm>>
    tpu.wait_indirect_dma semaphore(%arg7 : memref<!tpu.dma_semaphore, #tpu.memory_space<semaphore_mem>>) src(%dma_wait3A_60 : memref<1024x128xf32, #tpu.memory_space<hbm>>) dst(%dma_wait3A_54 : memref<128x128xf32, #tpu.memory_space<vmem>>)
    %dma_wait3A_61 = arith.constant 2 : i32
    %dma_wait3A_62 = arith.constant 256 : i32
    %dma_wait3A_63 = arith.constant 0 : i32
    %dma_wait3A_64 = tpu.memref_slice %arg6[%dma_wait3A_62, %dma_wait3A_63] : memref<512x128xf32, #tpu.memory_space<vmem>> -> memref<128x128xf32, #tpu.memory_space<vmem>>
    %dma_wait3A_65 = arith.constant 0 : i32
    %dma_wait3A_66 = tpu.memref_slice %arg5[%dma_wait3A_61, %dma_wait3A_65] : memref<8x128xi32, #tpu.memory_space<vmem>> -> memref<1x128xi32, #tpu.memory_space<vmem>>
    %dma_wait3A_67 = tpu.memref_squeeze %dma_wait3A_66 : memref<1x128xi32, #tpu.memory_space<vmem>> -> memref<128xi32, #tpu.memory_space<vmem>>
    %dma_wait3A_68 = arith.constant 0 : i32
    %dma_wait3A_69 = arith.constant 0 : i32
    %dma_wait3A_70 = tpu.memref_slice %arg2[%dma_wait3A_68, %dma_wait3A_69] : memref<1024x128xf32, #tpu.memory_space<hbm>> -> memref<1024x128xf32, #tpu.memory_space<hbm>>
    tpu.wait_indirect_dma semaphore(%arg7 : memref<!tpu.dma_semaphore, #tpu.memory_space<semaphore_mem>>) src(%dma_wait3A_70 : memref<1024x128xf32, #tpu.memory_space<hbm>>) dst(%dma_wait3A_64 : memref<128x128xf32, #tpu.memory_space<vmem>>)
    %dma_wait3A_71 = arith.constant 3 : i32
    %dma_wait3A_72 = arith.constant 384 : i32
    %dma_wait3A_73 = arith.constant 0 : i32
    %dma_wait3A_74 = tpu.memref_slice %arg6[%dma_wait3A_72, %dma_wait3A_73] : memref<512x128xf32, #tpu.memory_space<vmem>> -> memref<128x128xf32, #tpu.memory_space<vmem>>
    %dma_wait3A_75 = arith.constant 0 : i32
    %dma_wait3A_76 = tpu.memref_slice %arg5[%dma_wait3A_71, %dma_wait3A_75] : memref<8x128xi32, #tpu.memory_space<vmem>> -> memref<1x128xi32, #tpu.memory_space<vmem>>
    %dma_wait3A_77 = tpu.memref_squeeze %dma_wait3A_76 : memref<1x128xi32, #tpu.memory_space<vmem>> -> memref<128xi32, #tpu.memory_space<vmem>>
    %dma_wait3A_78 = arith.constant 0 : i32
    %dma_wait3A_79 = arith.constant 0 : i32
    %dma_wait3A_80 = tpu.memref_slice %arg2[%dma_wait3A_78, %dma_wait3A_79] : memref<1024x128xf32, #tpu.memory_space<hbm>> -> memref<1024x128xf32, #tpu.memory_space<hbm>>
    tpu.wait_indirect_dma semaphore(%arg7 : memref<!tpu.dma_semaphore, #tpu.memory_space<semaphore_mem>>) src(%dma_wait3A_80 : memref<1024x128xf32, #tpu.memory_space<hbm>>) dst(%dma_wait3A_74 : memref<128x128xf32, #tpu.memory_space<vmem>>)
    %add3A_81 = arith.constant 0 : i32
    %add3A_82 = arith.addi %mul3A_2, %add3A_81 : i32
    "tpu.region"() ({
      %run_scoped3A = tpu.sem_alloc : memref<!tpu.dma_semaphore, #tpu.memory_space<semaphore_mem>>
      %dma_start3A_165 = arith.constant 0 : i32
      %dma_start3A_166 = tpu.memref_slice %arg4[%add3A_82, %dma_start3A_165] : memref<32768x128xf32, #tpu.memory_space<hbm>> -> memref<512x128xf32, #tpu.memory_space<hbm>>
      %dma_start3A_167 = arith.constant 0 : i32
      %dma_start3A_168 = tpu.memref_slice %arg4[%add3A_82, %dma_start3A_167] : memref<32768x128xf32, #tpu.memory_space<hbm>> -> memref<512x128xf32, #tpu.memory_space<hbm>>
      tpu.enqueue_dma source(%arg6 : memref<512x128xf32, #tpu.memory_space<vmem>>) target(%dma_start3A_168 : memref<512x128xf32, #tpu.memory_space<hbm>>) target_semaphore(%run_scoped3A : memref<!tpu.dma_semaphore, #tpu.memory_space<semaphore_mem>>)
      %dma_wait3A_169 = arith.constant 0 : i32
      %dma_wait3A_170 = tpu.memref_slice %arg4[%add3A_82, %dma_wait3A_169] : memref<32768x128xf32, #tpu.memory_space<hbm>> -> memref<512x128xf32, #tpu.memory_space<hbm>>
      %dma_wait3A_171 = arith.constant 0 : i32
      %dma_wait3A_172 = tpu.memref_slice %arg4[%add3A_82, %dma_wait3A_171] : memref<32768x128xf32, #tpu.memory_space<hbm>> -> memref<512x128xf32, #tpu.memory_space<hbm>>
      tpu.wait_dma2 semaphore(%run_scoped3A : memref<!tpu.dma_semaphore, #tpu.memory_space<semaphore_mem>>) src(%arg6 : memref<512x128xf32, #tpu.memory_space<vmem>>) dst(%dma_wait3A_172 : memref<512x128xf32, #tpu.memory_space<hbm>>)
      tpu.yield
    }) : () -> ()
    %dma_start3A_83 = arith.constant 4 : i32
    %dma_start3A_84 = arith.constant 0 : i32
    %dma_start3A_85 = arith.constant 0 : i32
    %dma_start3A_86 = tpu.memref_slice %arg6[%dma_start3A_84, %dma_start3A_85] : memref<512x128xf32, #tpu.memory_space<vmem>> -> memref<128x128xf32, #tpu.memory_space<vmem>>
    %dma_start3A_87 = arith.constant 0 : i32
    %dma_start3A_88 = tpu.memref_slice %arg5[%dma_start3A_83, %dma_start3A_87] : memref<8x128xi32, #tpu.memory_space<vmem>> -> memref<1x128xi32, #tpu.memory_space<vmem>>
    %dma_start3A_89 = tpu.memref_squeeze %dma_start3A_88 : memref<1x128xi32, #tpu.memory_space<vmem>> -> memref<128xi32, #tpu.memory_space<vmem>>
    %dma_start3A_90 = arith.constant 0 : i32
    %dma_start3A_91 = arith.constant 0 : i32
    %dma_start3A_92 = tpu.memref_slice %arg2[%dma_start3A_90, %dma_start3A_91] : memref<1024x128xf32, #tpu.memory_space<hbm>> -> memref<1024x128xf32, #tpu.memory_space<hbm>>
    tpu.enqueue_indirect_dma source(%dma_start3A_92 : memref<1024x128xf32, #tpu.memory_space<hbm>>) target(%dma_start3A_86 : memref<128x128xf32, #tpu.memory_space<vmem>>) offsets(%dma_start3A_89 : memref<128xi32, #tpu.memory_space<vmem>>) semaphore(%arg7 : memref<!tpu.dma_semaphore, #tpu.memory_space<semaphore_mem>>)
    %dma_start3A_93 = arith.constant 5 : i32
    %dma_start3A_94 = arith.constant 128 : i32
    %dma_start3A_95 = arith.constant 0 : i32
    %dma_start3A_96 = tpu.memref_slice %arg6[%dma_start3A_94, %dma_start3A_95] : memref<512x128xf32, #tpu.memory_space<vmem>> -> memref<128x128xf32, #tpu.memory_space<vmem>>
    %dma_start3A_97 = arith.constant 0 : i32
    %dma_start3A_98 = tpu.memref_slice %arg5[%dma_start3A_93, %dma_start3A_97] : memref<8x128xi32, #tpu.memory_space<vmem>> -> memref<1x128xi32, #tpu.memory_space<vmem>>
    %dma_start3A_99 = tpu.memref_squeeze %dma_start3A_98 : memref<1x128xi32, #tpu.memory_space<vmem>> -> memref<128xi32, #tpu.memory_space<vmem>>
    %dma_start3A_100 = arith.constant 0 : i32
    %dma_start3A_101 = arith.constant 0 : i32
    %dma_start3A_102 = tpu.memref_slice %arg2[%dma_start3A_100, %dma_start3A_101] : memref<1024x128xf32, #tpu.memory_space<hbm>> -> memref<1024x128xf32, #tpu.memory_space<hbm>>
    tpu.enqueue_indirect_dma source(%dma_start3A_102 : memref<1024x128xf32, #tpu.memory_space<hbm>>) target(%dma_start3A_96 : memref<128x128xf32, #tpu.memory_space<vmem>>) offsets(%dma_start3A_99 : memref<128xi32, #tpu.memory_space<vmem>>) semaphore(%arg7 : memref<!tpu.dma_semaphore, #tpu.memory_space<semaphore_mem>>)
    %dma_start3A_103 = arith.constant 6 : i32
    %dma_start3A_104 = arith.constant 256 : i32
    %dma_start3A_105 = arith.constant 0 : i32
    %dma_start3A_106 = tpu.memref_slice %arg6[%dma_start3A_104, %dma_start3A_105] : memref<512x128xf32, #tpu.memory_space<vmem>> -> memref<128x128xf32, #tpu.memory_space<vmem>>
    %dma_start3A_107 = arith.constant 0 : i32
    %dma_start3A_108 = tpu.memref_slice %arg5[%dma_start3A_103, %dma_start3A_107] : memref<8x128xi32, #tpu.memory_space<vmem>> -> memref<1x128xi32, #tpu.memory_space<vmem>>
    %dma_start3A_109 = tpu.memref_squeeze %dma_start3A_108 : memref<1x128xi32, #tpu.memory_space<vmem>> -> memref<128xi32, #tpu.memory_space<vmem>>
    %dma_start3A_110 = arith.constant 0 : i32
    %dma_start3A_111 = arith.constant 0 : i32
    %dma_start3A_112 = tpu.memref_slice %arg2[%dma_start3A_110, %dma_start3A_111] : memref<1024x128xf32, #tpu.memory_space<hbm>> -> memref<1024x128xf32, #tpu.memory_space<hbm>>
    tpu.enqueue_indirect_dma source(%dma_start3A_112 : memref<1024x128xf32, #tpu.memory_space<hbm>>) target(%dma_start3A_106 : memref<128x128xf32, #tpu.memory_space<vmem>>) offsets(%dma_start3A_109 : memref<128xi32, #tpu.memory_space<vmem>>) semaphore(%arg7 : memref<!tpu.dma_semaphore, #tpu.memory_space<semaphore_mem>>)
    %dma_start3A_113 = arith.constant 7 : i32
    %dma_start3A_114 = arith.constant 384 : i32
    %dma_start3A_115 = arith.constant 0 : i32
    %dma_start3A_116 = tpu.memref_slice %arg6[%dma_start3A_114, %dma_start3A_115] : memref<512x128xf32, #tpu.memory_space<vmem>> -> memref<128x128xf32, #tpu.memory_space<vmem>>
    %dma_start3A_117 = arith.constant 0 : i32
    %dma_start3A_118 = tpu.memref_slice %arg5[%dma_start3A_113, %dma_start3A_117] : memref<8x128xi32, #tpu.memory_space<vmem>> -> memref<1x128xi32, #tpu.memory_space<vmem>>
    %dma_start3A_119 = tpu.memref_squeeze %dma_start3A_118 : memref<1x128xi32, #tpu.memory_space<vmem>> -> memref<128xi32, #tpu.memory_space<vmem>>
    %dma_start3A_120 = arith.constant 0 : i32
    %dma_start3A_121 = arith.constant 0 : i32
    %dma_start3A_122 = tpu.memref_slice %arg2[%dma_start3A_120, %dma_start3A_121] : memref<1024x128xf32, #tpu.memory_space<hbm>> -> memref<1024x128xf32, #tpu.memory_space<hbm>>
    tpu.enqueue_indirect_dma source(%dma_start3A_122 : memref<1024x128xf32, #tpu.memory_space<hbm>>) target(%dma_start3A_116 : memref<128x128xf32, #tpu.memory_space<vmem>>) offsets(%dma_start3A_119 : memref<128xi32, #tpu.memory_space<vmem>>) semaphore(%arg7 : memref<!tpu.dma_semaphore, #tpu.memory_space<semaphore_mem>>)
    %dma_wait3A_123 = arith.constant 4 : i32
    %dma_wait3A_124 = arith.constant 0 : i32
    %dma_wait3A_125 = arith.constant 0 : i32
    %dma_wait3A_126 = tpu.memref_slice %arg6[%dma_wait3A_124, %dma_wait3A_125] : memref<512x128xf32, #tpu.memory_space<vmem>> -> memref<128x128xf32, #tpu.memory_space<vmem>>
    %dma_wait3A_127 = arith.constant 0 : i32
    %dma_wait3A_128 = tpu.memref_slice %arg5[%dma_wait3A_123, %dma_wait3A_127] : memref<8x128xi32, #tpu.memory_space<vmem>> -> memref<1x128xi32, #tpu.memory_space<vmem>>
    %dma_wait3A_129 = tpu.memref_squeeze %dma_wait3A_128 : memref<1x128xi32, #tpu.memory_space<vmem>> -> memref<128xi32, #tpu.memory_space<vmem>>
    %dma_wait3A_130 = arith.constant 0 : i32
    %dma_wait3A_131 = arith.constant 0 : i32
    %dma_wait3A_132 = tpu.memref_slice %arg2[%dma_wait3A_130, %dma_wait3A_131] : memref<1024x128xf32, #tpu.memory_space<hbm>> -> memref<1024x128xf32, #tpu.memory_space<hbm>>
    tpu.wait_indirect_dma semaphore(%arg7 : memref<!tpu.dma_semaphore, #tpu.memory_space<semaphore_mem>>) src(%dma_wait3A_132 : memref<1024x128xf32, #tpu.memory_space<hbm>>) dst(%dma_wait3A_126 : memref<128x128xf32, #tpu.memory_space<vmem>>)
    %dma_wait3A_133 = arith.constant 5 : i32
    %dma_wait3A_134 = arith.constant 128 : i32
    %dma_wait3A_135 = arith.constant 0 : i32
    %dma_wait3A_136 = tpu.memref_slice %arg6[%dma_wait3A_134, %dma_wait3A_135] : memref<512x128xf32, #tpu.memory_space<vmem>> -> memref<128x128xf32, #tpu.memory_space<vmem>>
    %dma_wait3A_137 = arith.constant 0 : i32
    %dma_wait3A_138 = tpu.memref_slice %arg5[%dma_wait3A_133, %dma_wait3A_137] : memref<8x128xi32, #tpu.memory_space<vmem>> -> memref<1x128xi32, #tpu.memory_space<vmem>>
    %dma_wait3A_139 = tpu.memref_squeeze %dma_wait3A_138 : memref<1x128xi32, #tpu.memory_space<vmem>> -> memref<128xi32, #tpu.memory_space<vmem>>
    %dma_wait3A_140 = arith.constant 0 : i32
    %dma_wait3A_141 = arith.constant 0 : i32
    %dma_wait3A_142 = tpu.memref_slice %arg2[%dma_wait3A_140, %dma_wait3A_141] : memref<1024x128xf32, #tpu.memory_space<hbm>> -> memref<1024x128xf32, #tpu.memory_space<hbm>>
    tpu.wait_indirect_dma semaphore(%arg7 : memref<!tpu.dma_semaphore, #tpu.memory_space<semaphore_mem>>) src(%dma_wait3A_142 : memref<1024x128xf32, #tpu.memory_space<hbm>>) dst(%dma_wait3A_136 : memref<128x128xf32, #tpu.memory_space<vmem>>)
    %dma_wait3A_143 = arith.constant 6 : i32
    %dma_wait3A_144 = arith.constant 256 : i32
    %dma_wait3A_145 = arith.constant 0 : i32
    %dma_wait3A_146 = tpu.memref_slice %arg6[%dma_wait3A_144, %dma_wait3A_145] : memref<512x128xf32, #tpu.memory_space<vmem>> -> memref<128x128xf32, #tpu.memory_space<vmem>>
    %dma_wait3A_147 = arith.constant 0 : i32
    %dma_wait3A_148 = tpu.memref_slice %arg5[%dma_wait3A_143, %dma_wait3A_147] : memref<8x128xi32, #tpu.memory_space<vmem>> -> memref<1x128xi32, #tpu.memory_space<vmem>>
    %dma_wait3A_149 = tpu.memref_squeeze %dma_wait3A_148 : memref<1x128xi32, #tpu.memory_space<vmem>> -> memref<128xi32, #tpu.memory_space<vmem>>
    %dma_wait3A_150 = arith.constant 0 : i32
    %dma_wait3A_151 = arith.constant 0 : i32
    %dma_wait3A_152 = tpu.memref_slice %arg2[%dma_wait3A_150, %dma_wait3A_151] : memref<1024x128xf32, #tpu.memory_space<hbm>> -> memref<1024x128xf32, #tpu.memory_space<hbm>>
    tpu.wait_indirect_dma semaphore(%arg7 : memref<!tpu.dma_semaphore, #tpu.memory_space<semaphore_mem>>) src(%dma_wait3A_152 : memref<1024x128xf32, #tpu.memory_space<hbm>>) dst(%dma_wait3A_146 : memref<128x128xf32, #tpu.memory_space<vmem>>)
    %dma_wait3A_153 = arith.constant 7 : i32
    %dma_wait3A_154 = arith.constant 384 : i32
    %dma_wait3A_155 = arith.constant 0 : i32
    %dma_wait3A_156 = tpu.memref_slice %arg6[%dma_wait3A_154, %dma_wait3A_155] : memref<512x128xf32, #tpu.memory_space<vmem>> -> memref<128x128xf32, #tpu.memory_space<vmem>>
    %dma_wait3A_157 = arith.constant 0 : i32
    %dma_wait3A_158 = tpu.memref_slice %arg5[%dma_wait3A_153, %dma_wait3A_157] : memref<8x128xi32, #tpu.memory_space<vmem>> -> memref<1x128xi32, #tpu.memory_space<vmem>>
    %dma_wait3A_159 = tpu.memref_squeeze %dma_wait3A_158 : memref<1x128xi32, #tpu.memory_space<vmem>> -> memref<128xi32, #tpu.memory_space<vmem>>
    %dma_wait3A_160 = arith.constant 0 : i32
    %dma_wait3A_161 = arith.constant 0 : i32
    %dma_wait3A_162 = tpu.memref_slice %arg2[%dma_wait3A_160, %dma_wait3A_161] : memref<1024x128xf32, #tpu.memory_space<hbm>> -> memref<1024x128xf32, #tpu.memory_space<hbm>>
    tpu.wait_indirect_dma semaphore(%arg7 : memref<!tpu.dma_semaphore, #tpu.memory_space<semaphore_mem>>) src(%dma_wait3A_162 : memref<1024x128xf32, #tpu.memory_space<hbm>>) dst(%dma_wait3A_156 : memref<128x128xf32, #tpu.memory_space<vmem>>)
    %add3A_163 = arith.constant 512 : i32
    %add3A_164 = arith.addi %mul3A_2, %add3A_163 : i32
    "tpu.region"() ({
      %run_scoped3A = tpu.sem_alloc : memref<!tpu.dma_semaphore, #tpu.memory_space<semaphore_mem>>
      %dma_start3A_165 = arith.constant 0 : i32
      %dma_start3A_166 = tpu.memref_slice %arg4[%add3A_164, %dma_start3A_165] : memref<32768x128xf32, #tpu.memory_space<hbm>> -> memref<512x128xf32, #tpu.memory_space<hbm>>
      %dma_start3A_167 = arith.constant 0 : i32
      %dma_start3A_168 = tpu.memref_slice %arg4[%add3A_164, %dma_start3A_167] : memref<32768x128xf32, #tpu.memory_space<hbm>> -> memref<512x128xf32, #tpu.memory_space<hbm>>
      tpu.enqueue_dma source(%arg6 : memref<512x128xf32, #tpu.memory_space<vmem>>) target(%dma_start3A_168 : memref<512x128xf32, #tpu.memory_space<hbm>>) target_semaphore(%run_scoped3A : memref<!tpu.dma_semaphore, #tpu.memory_space<semaphore_mem>>)
      %dma_wait3A_169 = arith.constant 0 : i32
      %dma_wait3A_170 = tpu.memref_slice %arg4[%add3A_164, %dma_wait3A_169] : memref<32768x128xf32, #tpu.memory_space<hbm>> -> memref<512x128xf32, #tpu.memory_space<hbm>>
      %dma_wait3A_171 = arith.constant 0 : i32
      %dma_wait3A_172 = tpu.memref_slice %arg4[%add3A_164, %dma_wait3A_171] : memref<32768x128xf32, #tpu.memory_space<hbm>> -> memref<512x128xf32, #tpu.memory_space<hbm>>
      tpu.wait_dma2 semaphore(%run_scoped3A : memref<!tpu.dma_semaphore, #tpu.memory_space<semaphore_mem>>) src(%arg6 : memref<512x128xf32, #tpu.memory_space<vmem>>) dst(%dma_wait3A_172 : memref<512x128xf32, #tpu.memory_space<hbm>>)
      tpu.yield
    }) : () -> ()
    return
  }
}

#map = affine_map<(d0, d1) -> (0, 0)>
#map1 = affine_map<(d0, d1) -> (0, 0, 0)>
module attributes {stable_mosaic.version = 14 : i64} {
  func.func @gather(%arg0: i32, %arg1: i32, %arg2: memref<1024x128xf32, #tpu.memory_space<hbm>>, %arg3: memref<32x8x128xi32, #tpu.memory_space<hbm>>, %arg4: memref<32768x128xf32, #tpu.memory_space<hbm>>, %arg5: memref<8x128xi32, #tpu.memory_space<vmem>>, %arg6: memref<512x128xf32, #tpu.memory_space<vmem>>, %arg7: memref<!tpu.dma_semaphore, #tpu.memory_space<semaphore_mem>>) attributes {dimension_semantics = [#tpu.dimension_semantics<core_parallel>, #tpu.dimension_semantics<subcore_parallel>], iteration_bounds = array<i64: 2, 16>, scalar_prefetch = 0 : i64, scratch_operands = 3 : i64, tpu.core_type = #tpu.core_type<sc_vector_subcore>, window_params = [{transform_indices = #map}, {transform_indices = #map1}, {transform_indices = #map}]} {
    %mul3A = arith.constant 2 : i32
    %mul3A_0 = arith.muli %arg1, %mul3A : i32
    %add3A = arith.addi %mul3A_0, %arg0 : i32
    %mul3A_1 = arith.constant 1024 : i32
    %mul3A_2 = arith.muli %add3A, %mul3A_1 : i32
    "tpu.region"() ({
      %run_scoped3A = tpu.sem_alloc : memref<!tpu.dma_semaphore, #tpu.memory_space<semaphore_mem>>
      %dma_start3A_165 = arith.constant 0 : i32
      %dma_start3A_166 = arith.constant 0 : i32
      %dma_start3A_167 = tpu.memref_slice %arg3[%add3A, %dma_start3A_165, %dma_start3A_166] : memref<32x8x128xi32, #tpu.memory_space<hbm>> -> memref<1x8x128xi32, #tpu.memory_space<hbm>>
      %dma_start3A_168 = tpu.memref_squeeze %dma_start3A_167 : memref<1x8x128xi32, #tpu.memory_space<hbm>> -> memref<8x128xi32, #tpu.memory_space<hbm>>
      %dma_start3A_169 = arith.constant 0 : i32
      %dma_start3A_170 = arith.constant 0 : i32
      %dma_start3A_171 = tpu.memref_slice %arg3[%add3A, %dma_start3A_169, %dma_start3A_170] : memref<32x8x128xi32, #tpu.memory_space<hbm>> -> memref<1x8x128xi32, #tpu.memory_space<hbm>>
      %dma_start3A_172 = tpu.memref_squeeze %dma_start3A_171 : memref<1x8x128xi32, #tpu.memory_space<hbm>> -> memref<8x128xi32, #tpu.memory_space<hbm>>
      tpu.enqueue_dma source(%dma_start3A_172 : memref<8x128xi32, #tpu.memory_space<hbm>>) target(%arg5 : memref<8x128xi32, #tpu.memory_space<vmem>>) target_semaphore(%run_scoped3A : memref<!tpu.dma_semaphore, #tpu.memory_space<semaphore_mem>>)
      %dma_wait3A_173 = arith.constant 0 : i32
      %dma_wait3A_174 = arith.constant 0 : i32
      %dma_wait3A_175 = tpu.memref_slice %arg3[%add3A, %dma_wait3A_173, %dma_wait3A_174] : memref<32x8x128xi32, #tpu.memory_space<hbm>> -> memref<1x8x128xi32, #tpu.memory_space<hbm>>
      %dma_wait3A_176 = tpu.memref_squeeze %dma_wait3A_175 : memref<1x8x128xi32, #tpu.memory_space<hbm>> -> memref<8x128xi32, #tpu.memory_space<hbm>>
      %dma_wait3A_177 = arith.constant 0 : i32
      %dma_wait3A_178 = arith.constant 0 : i32
      %dma_wait3A_179 = tpu.memref_slice %arg3[%add3A, %dma_wait3A_177, %dma_wait3A_178] : memref<32x8x128xi32, #tpu.memory_space<hbm>> -> memref<1x8x128xi32, #tpu.memory_space<hbm>>
      %dma_wait3A_180 = tpu.memref_squeeze %dma_wait3A_179 : memref<1x8x128xi32, #tpu.memory_space<hbm>> -> memref<8x128xi32, #tpu.memory_space<hbm>>
      tpu.wait_dma2 semaphore(%run_scoped3A : memref<!tpu.dma_semaphore, #tpu.memory_space<semaphore_mem>>) src(%dma_wait3A_180 : memref<8x128xi32, #tpu.memory_space<hbm>>) dst(%arg5 : memref<8x128xi32, #tpu.memory_space<vmem>>)
      tpu.yield
    }) : () -> ()
    %dma_start3A = arith.constant 0 : i32
    %dma_start3A_3 = arith.constant 0 : i32
    %dma_start3A_4 = arith.constant 0 : i32
    %dma_start3A_5 = tpu.memref_slice %arg6[%dma_start3A_3, %dma_start3A_4] : memref<512x128xf32, #tpu.memory_space<vmem>> -> memref<128x128xf32, #tpu.memory_space<vmem>>
    %dma_start3A_6 = arith.constant 0 : i32
    %dma_start3A_7 = tpu.memref_slice %arg5[%dma_start3A, %dma_start3A_6] : memref<8x128xi32, #tpu.memory_space<vmem>> -> memref<1x128xi32, #tpu.memory_space<vmem>>
    %dma_start3A_8 = tpu.memref_squeeze %dma_start3A_7 : memref<1x128xi32, #tpu.memory_space<vmem>> -> memref<128xi32, #tpu.memory_space<vmem>>
    %dma_start3A_9 = arith.constant 0 : i32
    %dma_start3A_10 = arith.constant 0 : i32
    %dma_start3A_11 = tpu.memref_slice %arg2[%dma_start3A_9, %dma_start3A_10] : memref<1024x128xf32, #tpu.memory_space<hbm>> -> memref<1024x128xf32, #tpu.memory_space<hbm>>
    tpu.enqueue_indirect_dma source(%dma_start3A_11 : memref<1024x128xf32, #tpu.memory_space<hbm>>) target(%dma_start3A_5 : memref<128x128xf32, #tpu.memory_space<vmem>>) offsets(%dma_start3A_8 : memref<128xi32, #tpu.memory_space<vmem>>) semaphore(%arg7 : memref<!tpu.dma_semaphore, #tpu.memory_space<semaphore_mem>>)
    %dma_start3A_12 = arith.constant 1 : i32
    %dma_start3A_13 = arith.constant 128 : i32
    %dma_start3A_14 = arith.constant 0 : i32
    %dma_start3A_15 = tpu.memref_slice %arg6[%dma_start3A_13, %dma_start3A_14] : memref<512x128xf32, #tpu.memory_space<vmem>> -> memref<128x128xf32, #tpu.memory_space<vmem>>
    %dma_start3A_16 = arith.constant 0 : i32
    %dma_start3A_17 = tpu.memref_slice %arg5[%dma_start3A_12, %dma_start3A_16] : memref<8x128xi32, #tpu.memory_space<vmem>> -> memref<1x128xi32, #tpu.memory_space<vmem>>
    %dma_start3A_18 = tpu.memref_squeeze %dma_start3A_17 : memref<1x128xi32, #tpu.memory_space<vmem>> -> memref<128xi32, #tpu.memory_space<vmem>>
    %dma_start3A_19 = arith.constant 0 : i32
    %dma_start3A_20 = arith.constant 0 : i32
    %dma_start3A_21 = tpu.memref_slice %arg2[%dma_start3A_19, %dma_start3A_20] : memref<1024x128xf32, #tpu.memory_space<hbm>> -> memref<1024x128xf32, #tpu.memory_space<hbm>>
    tpu.enqueue_indirect_dma source(%dma_start3A_21 : memref<1024x128xf32, #tpu.memory_space<hbm>>) target(%dma_start3A_15 : memref<128x128xf32, #tpu.memory_space<vmem>>) offsets(%dma_start3A_18 : memref<128xi32, #tpu.memory_space<vmem>>) semaphore(%arg7 : memref<!tpu.dma_semaphore, #tpu.memory_space<semaphore_mem>>)
    %dma_start3A_22 = arith.constant 2 : i32
    %dma_start3A_23 = arith.constant 256 : i32
    %dma_start3A_24 = arith.constant 0 : i32
    %dma_start3A_25 = tpu.memref_slice %arg6[%dma_start3A_23, %dma_start3A_24] : memref<512x128xf32, #tpu.memory_space<vmem>> -> memref<128x128xf32, #tpu.memory_space<vmem>>
    %dma_start3A_26 = arith.constant 0 : i32
    %dma_start3A_27 = tpu.memref_slice %arg5[%dma_start3A_22, %dma_start3A_26] : memref<8x128xi32, #tpu.memory_space<vmem>> -> memref<1x128xi32, #tpu.memory_space<vmem>>
    %dma_start3A_28 = tpu.memref_squeeze %dma_start3A_27 : memref<1x128xi32, #tpu.memory_space<vmem>> -> memref<128xi32, #tpu.memory_space<vmem>>
    %dma_start3A_29 = arith.constant 0 : i32
    %dma_start3A_30 = arith.constant 0 : i32
    %dma_start3A_31 = tpu.memref_slice %arg2[%dma_start3A_29, %dma_start3A_30] : memref<1024x128xf32, #tpu.memory_space<hbm>> -> memref<1024x128xf32, #tpu.memory_space<hbm>>
    tpu.enqueue_indirect_dma source(%dma_start3A_31 : memref<1024x128xf32, #tpu.memory_space<hbm>>) target(%dma_start3A_25 : memref<128x128xf32, #tpu.memory_space<vmem>>) offsets(%dma_start3A_28 : memref<128xi32, #tpu.memory_space<vmem>>) semaphore(%arg7 : memref<!tpu.dma_semaphore, #tpu.memory_space<semaphore_mem>>)
    %dma_start3A_32 = arith.constant 3 : i32
    %dma_start3A_33 = arith.constant 384 : i32
    %dma_start3A_34 = arith.constant 0 : i32
    %dma_start3A_35 = tpu.memref_slice %arg6[%dma_start3A_33, %dma_start3A_34] : memref<512x128xf32, #tpu.memory_space<vmem>> -> memref<128x128xf32, #tpu.memory_space<vmem>>
    %dma_start3A_36 = arith.constant 0 : i32
    %dma_start3A_37 = tpu.memref_slice %arg5[%dma_start3A_32, %dma_start3A_36] : memref<8x128xi32, #tpu.memory_space<vmem>> -> memref<1x128xi32, #tpu.memory_space<vmem>>
    %dma_start3A_38 = tpu.memref_squeeze %dma_start3A_37 : memref<1x128xi32, #tpu.memory_space<vmem>> -> memref<128xi32, #tpu.memory_space<vmem>>
    %dma_start3A_39 = arith.constant 0 : i32
    %dma_start3A_40 = arith.constant 0 : i32
    %dma_start3A_41 = tpu.memref_slice %arg2[%dma_start3A_39, %dma_start3A_40] : memref<1024x128xf32, #tpu.memory_space<hbm>> -> memref<1024x128xf32, #tpu.memory_space<hbm>>
    tpu.enqueue_indirect_dma source(%dma_start3A_41 : memref<1024x128xf32, #tpu.memory_space<hbm>>) target(%dma_start3A_35 : memref<128x128xf32, #tpu.memory_space<vmem>>) offsets(%dma_start3A_38 : memref<128xi32, #tpu.memory_space<vmem>>) semaphore(%arg7 : memref<!tpu.dma_semaphore, #tpu.memory_space<semaphore_mem>>)
    %dma_wait3A = arith.constant 0 : i32
    %dma_wait3A_42 = arith.constant 0 : i32
    %dma_wait3A_43 = arith.constant 0 : i32
    %dma_wait3A_44 = tpu.memref_slice %arg6[%dma_wait3A_42, %dma_wait3A_43] : memref<512x128xf32, #tpu.memory_space<vmem>> -> memref<128x128xf32, #tpu.memory_space<vmem>>
    %dma_wait3A_45 = arith.constant 0 : i32
    %dma_wait3A_46 = tpu.memref_slice %arg5[%dma_wait3A, %dma_wait3A_45] : memref<8x128xi32, #tpu.memory_space<vmem>> -> memref<1x128xi32, #tpu.memory_space<vmem>>
    %dma_wait3A_47 = tpu.memref_squeeze %dma_wait3A_46 : memref<1x128xi32, #tpu.memory_space<vmem>> -> memref<128xi32, #tpu.memory_space<vmem>>
    %dma_wait3A_48 = arith.constant 0 : i32
    %dma_wait3A_49 = arith.constant 0 : i32
    %dma_wait3A_50 = tpu.memref_slice %arg2[%dma_wait3A_48, %dma_wait3A_49] : memref<1024x128xf32, #tpu.memory_space<hbm>> -> memref<1024x128xf32, #tpu.memory_space<hbm>>
    tpu.wait_indirect_dma semaphore(%arg7 : memref<!tpu.dma_semaphore, #tpu.memory_space<semaphore_mem>>) src(%dma_wait3A_50 : memref<1024x128xf32, #tpu.memory_space<hbm>>) dst(%dma_wait3A_44 : memref<128x128xf32, #tpu.memory_space<vmem>>)
    %dma_wait3A_51 = arith.constant 1 : i32
    %dma_wait3A_52 = arith.constant 128 : i32
    %dma_wait3A_53 = arith.constant 0 : i32
    %dma_wait3A_54 = tpu.memref_slice %arg6[%dma_wait3A_52, %dma_wait3A_53] : memref<512x128xf32, #tpu.memory_space<vmem>> -> memref<128x128xf32, #tpu.memory_space<vmem>>
    %dma_wait3A_55 = arith.constant 0 : i32
    %dma_wait3A_56 = tpu.memref_slice %arg5[%dma_wait3A_51, %dma_wait3A_55] : memref<8x128xi32, #tpu.memory_space<vmem>> -> memref<1x128xi32, #tpu.memory_space<vmem>>
    %dma_wait3A_57 = tpu.memref_squeeze %dma_wait3A_56 : memref<1x128xi32, #tpu.memory_space<vmem>> -> memref<128xi32, #tpu.memory_space<vmem>>
    %dma_wait3A_58 = arith.constant 0 : i32
    %dma_wait3A_59 = arith.constant 0 : i32
    %dma_wait3A_60 = tpu.memref_slice %arg2[%dma_wait3A_58, %dma_wait3A_59] : memref<1024x128xf32, #tpu.memory_space<hbm>> -> memref<1024x128xf32, #tpu.memory_space<hbm>>
    tpu.wait_indirect_dma semaphore(%arg7 : memref<!tpu.dma_semaphore, #tpu.memory_space<semaphore_mem>>) src(%dma_wait3A_60 : memref<1024x128xf32, #tpu.memory_space<hbm>>) dst(%dma_wait3A_54 : memref<128x128xf32, #tpu.memory_space<vmem>>)
    %dma_wait3A_61 = arith.constant 2 : i32
    %dma_wait3A_62 = arith.constant 256 : i32
    %dma_wait3A_63 = arith.constant 0 : i32
    %dma_wait3A_64 = tpu.memref_slice %arg6[%dma_wait3A_62, %dma_wait3A_63] : memref<512x128xf32, #tpu.memory_space<vmem>> -> memref<128x128xf32, #tpu.memory_space<vmem>>
    %dma_wait3A_65 = arith.constant 0 : i32
    %dma_wait3A_66 = tpu.memref_slice %arg5[%dma_wait3A_61, %dma_wait3A_65] : memref<8x128xi32, #tpu.memory_space<vmem>> -> memref<1x128xi32, #tpu.memory_space<vmem>>
    %dma_wait3A_67 = tpu.memref_squeeze %dma_wait3A_66 : memref<1x128xi32, #tpu.memory_space<vmem>> -> memref<128xi32, #tpu.memory_space<vmem>>
    %dma_wait3A_68 = arith.constant 0 : i32
    %dma_wait3A_69 = arith.constant 0 : i32
    %dma_wait3A_70 = tpu.memref_slice %arg2[%dma_wait3A_68, %dma_wait3A_69] : memref<1024x128xf32, #tpu.memory_space<hbm>> -> memref<1024x128xf32, #tpu.memory_space<hbm>>
    tpu.wait_indirect_dma semaphore(%arg7 : memref<!tpu.dma_semaphore, #tpu.memory_space<semaphore_mem>>) src(%dma_wait3A_70 : memref<1024x128xf32, #tpu.memory_space<hbm>>) dst(%dma_wait3A_64 : memref<128x128xf32, #tpu.memory_space<vmem>>)
    %dma_wait3A_71 = arith.constant 3 : i32
    %dma_wait3A_72 = arith.constant 384 : i32
    %dma_wait3A_73 = arith.constant 0 : i32
    %dma_wait3A_74 = tpu.memref_slice %arg6[%dma_wait3A_72, %dma_wait3A_73] : memref<512x128xf32, #tpu.memory_space<vmem>> -> memref<128x128xf32, #tpu.memory_space<vmem>>
    %dma_wait3A_75 = arith.constant 0 : i32
    %dma_wait3A_76 = tpu.memref_slice %arg5[%dma_wait3A_71, %dma_wait3A_75] : memref<8x128xi32, #tpu.memory_space<vmem>> -> memref<1x128xi32, #tpu.memory_space<vmem>>
    %dma_wait3A_77 = tpu.memref_squeeze %dma_wait3A_76 : memref<1x128xi32, #tpu.memory_space<vmem>> -> memref<128xi32, #tpu.memory_space<vmem>>
    %dma_wait3A_78 = arith.constant 0 : i32
    %dma_wait3A_79 = arith.constant 0 : i32
    %dma_wait3A_80 = tpu.memref_slice %arg2[%dma_wait3A_78, %dma_wait3A_79] : memref<1024x128xf32, #tpu.memory_space<hbm>> -> memref<1024x128xf32, #tpu.memory_space<hbm>>
    tpu.wait_indirect_dma semaphore(%arg7 : memref<!tpu.dma_semaphore, #tpu.memory_space<semaphore_mem>>) src(%dma_wait3A_80 : memref<1024x128xf32, #tpu.memory_space<hbm>>) dst(%dma_wait3A_74 : memref<128x128xf32, #tpu.memory_space<vmem>>)
    %add3A_81 = arith.constant 0 : i32
    %add3A_82 = arith.addi %mul3A_2, %add3A_81 : i32
    "tpu.region"() ({
      %run_scoped3A = tpu.sem_alloc : memref<!tpu.dma_semaphore, #tpu.memory_space<semaphore_mem>>
      %dma_start3A_165 = arith.constant 0 : i32
      %dma_start3A_166 = tpu.memref_slice %arg4[%add3A_82, %dma_start3A_165] : memref<32768x128xf32, #tpu.memory_space<hbm>> -> memref<512x128xf32, #tpu.memory_space<hbm>>
      %dma_start3A_167 = arith.constant 0 : i32
      %dma_start3A_168 = tpu.memref_slice %arg4[%add3A_82, %dma_start3A_167] : memref<32768x128xf32, #tpu.memory_space<hbm>> -> memref<512x128xf32, #tpu.memory_space<hbm>>
      tpu.enqueue_dma source(%arg6 : memref<512x128xf32, #tpu.memory_space<vmem>>) target(%dma_start3A_168 : memref<512x128xf32, #tpu.memory_space<hbm>>) target_semaphore(%run_scoped3A : memref<!tpu.dma_semaphore, #tpu.memory_space<semaphore_mem>>)
      %dma_wait3A_169 = arith.constant 0 : i32
      %dma_wait3A_170 = tpu.memref_slice %arg4[%add3A_82, %dma_wait3A_169] : memref<32768x128xf32, #tpu.memory_space<hbm>> -> memref<512x128xf32, #tpu.memory_space<hbm>>
      %dma_wait3A_171 = arith.constant 0 : i32
      %dma_wait3A_172 = tpu.memref_slice %arg4[%add3A_82, %dma_wait3A_171] : memref<32768x128xf32, #tpu.memory_space<hbm>> -> memref<512x128xf32, #tpu.memory_space<hbm>>
      tpu.wait_dma2 semaphore(%run_scoped3A : memref<!tpu.dma_semaphore, #tpu.memory_space<semaphore_mem>>) src(%arg6 : memref<512x128xf32, #tpu.memory_space<vmem>>) dst(%dma_wait3A_172 : memref<512x128xf32, #tpu.memory_space<hbm>>)
      tpu.yield
    }) : () -> ()
    %dma_start3A_83 = arith.constant 4 : i32
    %dma_start3A_84 = arith.constant 0 : i32
    %dma_start3A_85 = arith.constant 0 : i32
    %dma_start3A_86 = tpu.memref_slice %arg6[%dma_start3A_84, %dma_start3A_85] : memref<512x128xf32, #tpu.memory_space<vmem>> -> memref<128x128xf32, #tpu.memory_space<vmem>>
    %dma_start3A_87 = arith.constant 0 : i32
    %dma_start3A_88 = tpu.memref_slice %arg5[%dma_start3A_83, %dma_start3A_87] : memref<8x128xi32, #tpu.memory_space<vmem>> -> memref<1x128xi32, #tpu.memory_space<vmem>>
    %dma_start3A_89 = tpu.memref_squeeze %dma_start3A_88 : memref<1x128xi32, #tpu.memory_space<vmem>> -> memref<128xi32, #tpu.memory_space<vmem>>
    %dma_start3A_90 = arith.constant 0 : i32
    %dma_start3A_91 = arith.constant 0 : i32
    %dma_start3A_92 = tpu.memref_slice %arg2[%dma_start3A_90, %dma_start3A_91] : memref<1024x128xf32, #tpu.memory_space<hbm>> -> memref<1024x128xf32, #tpu.memory_space<hbm>>
    tpu.enqueue_indirect_dma source(%dma_start3A_92 : memref<1024x128xf32, #tpu.memory_space<hbm>>) target(%dma_start3A_86 : memref<128x128xf32, #tpu.memory_space<vmem>>) offsets(%dma_start3A_89 : memref<128xi32, #tpu.memory_space<vmem>>) semaphore(%arg7 : memref<!tpu.dma_semaphore, #tpu.memory_space<semaphore_mem>>)
    %dma_start3A_93 = arith.constant 5 : i32
    %dma_start3A_94 = arith.constant 128 : i32
    %dma_start3A_95 = arith.constant 0 : i32
    %dma_start3A_96 = tpu.memref_slice %arg6[%dma_start3A_94, %dma_start3A_95] : memref<512x128xf32, #tpu.memory_space<vmem>> -> memref<128x128xf32, #tpu.memory_space<vmem>>
    %dma_start3A_97 = arith.constant 0 : i32
    %dma_start3A_98 = tpu.memref_slice %arg5[%dma_start3A_93, %dma_start3A_97] : memref<8x128xi32, #tpu.memory_space<vmem>> -> memref<1x128xi32, #tpu.memory_space<vmem>>
    %dma_start3A_99 = tpu.memref_squeeze %dma_start3A_98 : memref<1x128xi32, #tpu.memory_space<vmem>> -> memref<128xi32, #tpu.memory_space<vmem>>
    %dma_start3A_100 = arith.constant 0 : i32
    %dma_start3A_101 = arith.constant 0 : i32
    %dma_start3A_102 = tpu.memref_slice %arg2[%dma_start3A_100, %dma_start3A_101] : memref<1024x128xf32, #tpu.memory_space<hbm>> -> memref<1024x128xf32, #tpu.memory_space<hbm>>
    tpu.enqueue_indirect_dma source(%dma_start3A_102 : memref<1024x128xf32, #tpu.memory_space<hbm>>) target(%dma_start3A_96 : memref<128x128xf32, #tpu.memory_space<vmem>>) offsets(%dma_start3A_99 : memref<128xi32, #tpu.memory_space<vmem>>) semaphore(%arg7 : memref<!tpu.dma_semaphore, #tpu.memory_space<semaphore_mem>>)
    %dma_start3A_103 = arith.constant 6 : i32
    %dma_start3A_104 = arith.constant 256 : i32
    %dma_start3A_105 = arith.constant 0 : i32
    %dma_start3A_106 = tpu.memref_slice %arg6[%dma_start3A_104, %dma_start3A_105] : memref<512x128xf32, #tpu.memory_space<vmem>> -> memref<128x128xf32, #tpu.memory_space<vmem>>
    %dma_start3A_107 = arith.constant 0 : i32
    %dma_start3A_108 = tpu.memref_slice %arg5[%dma_start3A_103, %dma_start3A_107] : memref<8x128xi32, #tpu.memory_space<vmem>> -> memref<1x128xi32, #tpu.memory_space<vmem>>
    %dma_start3A_109 = tpu.memref_squeeze %dma_start3A_108 : memref<1x128xi32, #tpu.memory_space<vmem>> -> memref<128xi32, #tpu.memory_space<vmem>>
    %dma_start3A_110 = arith.constant 0 : i32
    %dma_start3A_111 = arith.constant 0 : i32
    %dma_start3A_112 = tpu.memref_slice %arg2[%dma_start3A_110, %dma_start3A_111] : memref<1024x128xf32, #tpu.memory_space<hbm>> -> memref<1024x128xf32, #tpu.memory_space<hbm>>
    tpu.enqueue_indirect_dma source(%dma_start3A_112 : memref<1024x128xf32, #tpu.memory_space<hbm>>) target(%dma_start3A_106 : memref<128x128xf32, #tpu.memory_space<vmem>>) offsets(%dma_start3A_109 : memref<128xi32, #tpu.memory_space<vmem>>) semaphore(%arg7 : memref<!tpu.dma_semaphore, #tpu.memory_space<semaphore_mem>>)
    %dma_start3A_113 = arith.constant 7 : i32
    %dma_start3A_114 = arith.constant 384 : i32
    %dma_start3A_115 = arith.constant 0 : i32
    %dma_start3A_116 = tpu.memref_slice %arg6[%dma_start3A_114, %dma_start3A_115] : memref<512x128xf32, #tpu.memory_space<vmem>> -> memref<128x128xf32, #tpu.memory_space<vmem>>
    %dma_start3A_117 = arith.constant 0 : i32
    %dma_start3A_118 = tpu.memref_slice %arg5[%dma_start3A_113, %dma_start3A_117] : memref<8x128xi32, #tpu.memory_space<vmem>> -> memref<1x128xi32, #tpu.memory_space<vmem>>
    %dma_start3A_119 = tpu.memref_squeeze %dma_start3A_118 : memref<1x128xi32, #tpu.memory_space<vmem>> -> memref<128xi32, #tpu.memory_space<vmem>>
    %dma_start3A_120 = arith.constant 0 : i32
    %dma_start3A_121 = arith.constant 0 : i32
    %dma_start3A_122 = tpu.memref_slice %arg2[%dma_start3A_120, %dma_start3A_121] : memref<1024x128xf32, #tpu.memory_space<hbm>> -> memref<1024x128xf32, #tpu.memory_space<hbm>>
    tpu.enqueue_indirect_dma source(%dma_start3A_122 : memref<1024x128xf32, #tpu.memory_space<hbm>>) target(%dma_start3A_116 : memref<128x128xf32, #tpu.memory_space<vmem>>) offsets(%dma_start3A_119 : memref<128xi32, #tpu.memory_space<vmem>>) semaphore(%arg7 : memref<!tpu.dma_semaphore, #tpu.memory_space<semaphore_mem>>)
    %dma_wait3A_123 = arith.constant 4 : i32
    %dma_wait3A_124 = arith.constant 0 : i32
    %dma_wait3A_125 = arith.constant 0 : i32
    %dma_wait3A_126 = tpu.memref_slice %arg6[%dma_wait3A_124, %dma_wait3A_125] : memref<512x128xf32, #tpu.memory_space<vmem>> -> memref<128x128xf32, #tpu.memory_space<vmem>>
    %dma_wait3A_127 = arith.constant 0 : i32
    %dma_wait3A_128 = tpu.memref_slice %arg5[%dma_wait3A_123, %dma_wait3A_127] : memref<8x128xi32, #tpu.memory_space<vmem>> -> memref<1x128xi32, #tpu.memory_space<vmem>>
    %dma_wait3A_129 = tpu.memref_squeeze %dma_wait3A_128 : memref<1x128xi32, #tpu.memory_space<vmem>> -> memref<128xi32, #tpu.memory_space<vmem>>
    %dma_wait3A_130 = arith.constant 0 : i32
    %dma_wait3A_131 = arith.constant 0 : i32
    %dma_wait3A_132 = tpu.memref_slice %arg2[%dma_wait3A_130, %dma_wait3A_131] : memref<1024x128xf32, #tpu.memory_space<hbm>> -> memref<1024x128xf32, #tpu.memory_space<hbm>>
    tpu.wait_indirect_dma semaphore(%arg7 : memref<!tpu.dma_semaphore, #tpu.memory_space<semaphore_mem>>) src(%dma_wait3A_132 : memref<1024x128xf32, #tpu.memory_space<hbm>>) dst(%dma_wait3A_126 : memref<128x128xf32, #tpu.memory_space<vmem>>)
    %dma_wait3A_133 = arith.constant 5 : i32
    %dma_wait3A_134 = arith.constant 128 : i32
    %dma_wait3A_135 = arith.constant 0 : i32
    %dma_wait3A_136 = tpu.memref_slice %arg6[%dma_wait3A_134, %dma_wait3A_135] : memref<512x128xf32, #tpu.memory_space<vmem>> -> memref<128x128xf32, #tpu.memory_space<vmem>>
    %dma_wait3A_137 = arith.constant 0 : i32
    %dma_wait3A_138 = tpu.memref_slice %arg5[%dma_wait3A_133, %dma_wait3A_137] : memref<8x128xi32, #tpu.memory_space<vmem>> -> memref<1x128xi32, #tpu.memory_space<vmem>>
    %dma_wait3A_139 = tpu.memref_squeeze %dma_wait3A_138 : memref<1x128xi32, #tpu.memory_space<vmem>> -> memref<128xi32, #tpu.memory_space<vmem>>
    %dma_wait3A_140 = arith.constant 0 : i32
    %dma_wait3A_141 = arith.constant 0 : i32
    %dma_wait3A_142 = tpu.memref_slice %arg2[%dma_wait3A_140, %dma_wait3A_141] : memref<1024x128xf32, #tpu.memory_space<hbm>> -> memref<1024x128xf32, #tpu.memory_space<hbm>>
    tpu.wait_indirect_dma semaphore(%arg7 : memref<!tpu.dma_semaphore, #tpu.memory_space<semaphore_mem>>) src(%dma_wait3A_142 : memref<1024x128xf32, #tpu.memory_space<hbm>>) dst(%dma_wait3A_136 : memref<128x128xf32, #tpu.memory_space<vmem>>)
    %dma_wait3A_143 = arith.constant 6 : i32
    %dma_wait3A_144 = arith.constant 256 : i32
    %dma_wait3A_145 = arith.constant 0 : i32
    %dma_wait3A_146 = tpu.memref_slice %arg6[%dma_wait3A_144, %dma_wait3A_145] : memref<512x128xf32, #tpu.memory_space<vmem>> -> memref<128x128xf32, #tpu.memory_space<vmem>>
    %dma_wait3A_147 = arith.constant 0 : i32
    %dma_wait3A_148 = tpu.memref_slice %arg5[%dma_wait3A_143, %dma_wait3A_147] : memref<8x128xi32, #tpu.memory_space<vmem>> -> memref<1x128xi32, #tpu.memory_space<vmem>>
    %dma_wait3A_149 = tpu.memref_squeeze %dma_wait3A_148 : memref<1x128xi32, #tpu.memory_space<vmem>> -> memref<128xi32, #tpu.memory_space<vmem>>
    %dma_wait3A_150 = arith.constant 0 : i32
    %dma_wait3A_151 = arith.constant 0 : i32
    %dma_wait3A_152 = tpu.memref_slice %arg2[%dma_wait3A_150, %dma_wait3A_151] : memref<1024x128xf32, #tpu.memory_space<hbm>> -> memref<1024x128xf32, #tpu.memory_space<hbm>>
    tpu.wait_indirect_dma semaphore(%arg7 : memref<!tpu.dma_semaphore, #tpu.memory_space<semaphore_mem>>) src(%dma_wait3A_152 : memref<1024x128xf32, #tpu.memory_space<hbm>>) dst(%dma_wait3A_146 : memref<128x128xf32, #tpu.memory_space<vmem>>)
    %dma_wait3A_153 = arith.constant 7 : i32
    %dma_wait3A_154 = arith.constant 384 : i32
    %dma_wait3A_155 = arith.constant 0 : i32
    %dma_wait3A_156 = tpu.memref_slice %arg6[%dma_wait3A_154, %dma_wait3A_155] : memref<512x128xf32, #tpu.memory_space<vmem>> -> memref<128x128xf32, #tpu.memory_space<vmem>>
    %dma_wait3A_157 = arith.constant 0 : i32
    %dma_wait3A_158 = tpu.memref_slice %arg5[%dma_wait3A_153, %dma_wait3A_157] : memref<8x128xi32, #tpu.memory_space<vmem>> -> memref<1x128xi32, #tpu.memory_space<vmem>>
    %dma_wait3A_159 = tpu.memref_squeeze %dma_wait3A_158 : memref<1x128xi32, #tpu.memory_space<vmem>> -> memref<128xi32, #tpu.memory_space<vmem>>
    %dma_wait3A_160 = arith.constant 0 : i32
    %dma_wait3A_161 = arith.constant 0 : i32
    %dma_wait3A_162 = tpu.memref_slice %arg2[%dma_wait3A_160, %dma_wait3A_161] : memref<1024x128xf32, #tpu.memory_space<hbm>> -> memref<1024x128xf32, #tpu.memory_space<hbm>>
    tpu.wait_indirect_dma semaphore(%arg7 : memref<!tpu.dma_semaphore, #tpu.memory_space<semaphore_mem>>) src(%dma_wait3A_162 : memref<1024x128xf32, #tpu.memory_space<hbm>>) dst(%dma_wait3A_156 : memref<128x128xf32, #tpu.memory_space<vmem>>)
    %add3A_163 = arith.constant 512 : i32
    %add3A_164 = arith.addi %mul3A_2, %add3A_163 : i32
    "tpu.region"() ({
      %run_scoped3A = tpu.sem_alloc : memref<!tpu.dma_semaphore, #tpu.memory_space<semaphore_mem>>
      %dma_start3A_165 = arith.constant 0 : i32
      %dma_start3A_166 = tpu.memref_slice %arg4[%add3A_164, %dma_start3A_165] : memref<32768x128xf32, #tpu.memory_space<hbm>> -> memref<512x128xf32, #tpu.memory_space<hbm>>
      %dma_start3A_167 = arith.constant 0 : i32
      %dma_start3A_168 = tpu.memref_slice %arg4[%add3A_164, %dma_start3A_167] : memref<32768x128xf32, #tpu.memory_space<hbm>> -> memref<512x128xf32, #tpu.memory_space<hbm>>
      tpu.enqueue_dma source(%arg6 : memref<512x128xf32, #tpu.memory_space<vmem>>) target(%dma_start3A_168 : memref<512x128xf32, #tpu.memory_space<hbm>>) target_semaphore(%run_scoped3A : memref<!tpu.dma_semaphore, #tpu.memory_space<semaphore_mem>>)
      %dma_wait3A_169 = arith.constant 0 : i32
      %dma_wait3A_170 = tpu.memref_slice %arg4[%add3A_164, %dma_wait3A_169] : memref<32768x128xf32, #tpu.memory_space<hbm>> -> memref<512x128xf32, #tpu.memory_space<hbm>>
      %dma_wait3A_171 = arith.constant 0 : i32
      %dma_wait3A_172 = tpu.memref_slice %arg4[%add3A_164, %dma_wait3A_171] : memref<32768x128xf32, #tpu.memory_space<hbm>> -> memref<512x128xf32, #tpu.memory_space<hbm>>
      tpu.wait_dma2 semaphore(%run_scoped3A : memref<!tpu.dma_semaphore, #tpu.memory_space<semaphore_mem>>) src(%arg6 : memref<512x128xf32, #tpu.memory_space<vmem>>) dst(%dma_wait3A_172 : memref<512x128xf32, #tpu.memory_space<hbm>>)
      tpu.yield
    }) : () -> ()
    return
  }
}

#map = affine_map<(d0, d1) -> (0, 0)>
#map1 = affine_map<(d0, d1) -> (0, 0, 0)>
module attributes {stable_mosaic.version = 14 : i64} {
  func.func @gather(%arg0: i32, %arg1: i32, %arg2: memref<1024x128xf32, #tpu.memory_space<hbm>>, %arg3: memref<32x8x128xi32, #tpu.memory_space<hbm>>, %arg4: memref<32768x128xf32, #tpu.memory_space<hbm>>, %arg5: memref<8x128xi32, #tpu.memory_space<vmem>>, %arg6: memref<512x128xf32, #tpu.memory_space<vmem>>, %arg7: memref<!tpu.dma_semaphore, #tpu.memory_space<semaphore_mem>>) attributes {dimension_semantics = [#tpu.dimension_semantics<core_parallel>, #tpu.dimension_semantics<subcore_parallel>], iteration_bounds = array<i64: 2, 16>, scalar_prefetch = 0 : i64, scratch_operands = 3 : i64, tpu.core_type = #tpu.core_type<sc_vector_subcore>, window_params = [{transform_indices = #map}, {transform_indices = #map1}, {transform_indices = #map}]} {
    %mul3A = arith.constant 2 : i32
    %mul3A_0 = arith.muli %arg1, %mul3A : i32
    %add3A = arith.addi %mul3A_0, %arg0 : i32
    %mul3A_1 = arith.constant 1024 : i32
    %mul3A_2 = arith.muli %add3A, %mul3A_1 : i32
    "tpu.region"() ({
      %run_scoped3A = tpu.sem_alloc : memref<!tpu.dma_semaphore, #tpu.memory_space<semaphore_mem>>
      %dma_start3A_165 = arith.constant 0 : i32
      %dma_start3A_166 = arith.constant 0 : i32
      %dma_start3A_167 = tpu.memref_slice %arg3[%add3A, %dma_start3A_165, %dma_start3A_166] : memref<32x8x128xi32, #tpu.memory_space<hbm>> -> memref<1x8x128xi32, #tpu.memory_space<hbm>>
      %dma_start3A_168 = tpu.memref_squeeze %dma_start3A_167 : memref<1x8x128xi32, #tpu.memory_space<hbm>> -> memref<8x128xi32, #tpu.memory_space<hbm>>
      %dma_start3A_169 = arith.constant 0 : i32
      %dma_start3A_170 = arith.constant 0 : i32
      %dma_start3A_171 = tpu.memref_slice %arg3[%add3A, %dma_start3A_169, %dma_start3A_170] : memref<32x8x128xi32, #tpu.memory_space<hbm>> -> memref<1x8x128xi32, #tpu.memory_space<hbm>>
      %dma_start3A_172 = tpu.memref_squeeze %dma_start3A_171 : memref<1x8x128xi32, #tpu.memory_space<hbm>> -> memref<8x128xi32, #tpu.memory_space<hbm>>
      tpu.enqueue_dma source(%dma_start3A_172 : memref<8x128xi32, #tpu.memory_space<hbm>>) target(%arg5 : memref<8x128xi32, #tpu.memory_space<vmem>>) target_semaphore(%run_scoped3A : memref<!tpu.dma_semaphore, #tpu.memory_space<semaphore_mem>>)
      %dma_wait3A_173 = arith.constant 0 : i32
      %dma_wait3A_174 = arith.constant 0 : i32
      %dma_wait3A_175 = tpu.memref_slice %arg3[%add3A, %dma_wait3A_173, %dma_wait3A_174] : memref<32x8x128xi32, #tpu.memory_space<hbm>> -> memref<1x8x128xi32, #tpu.memory_space<hbm>>
      %dma_wait3A_176 = tpu.memref_squeeze %dma_wait3A_175 : memref<1x8x128xi32, #tpu.memory_space<hbm>> -> memref<8x128xi32, #tpu.memory_space<hbm>>
      %dma_wait3A_177 = arith.constant 0 : i32
      %dma_wait3A_178 = arith.constant 0 : i32
      %dma_wait3A_179 = tpu.memref_slice %arg3[%add3A, %dma_wait3A_177, %dma_wait3A_178] : memref<32x8x128xi32, #tpu.memory_space<hbm>> -> memref<1x8x128xi32, #tpu.memory_space<hbm>>
      %dma_wait3A_180 = tpu.memref_squeeze %dma_wait3A_179 : memref<1x8x128xi32, #tpu.memory_space<hbm>> -> memref<8x128xi32, #tpu.memory_space<hbm>>
      tpu.wait_dma2 semaphore(%run_scoped3A : memref<!tpu.dma_semaphore, #tpu.memory_space<semaphore_mem>>) src(%dma_wait3A_180 : memref<8x128xi32, #tpu.memory_space<hbm>>) dst(%arg5 : memref<8x128xi32, #tpu.memory_space<vmem>>)
      tpu.yield
    }) : () -> ()
    %dma_start3A = arith.constant 0 : i32
    %dma_start3A_3 = arith.constant 0 : i32
    %dma_start3A_4 = arith.constant 0 : i32
    %dma_start3A_5 = tpu.memref_slice %arg6[%dma_start3A_3, %dma_start3A_4] : memref<512x128xf32, #tpu.memory_space<vmem>> -> memref<128x128xf32, #tpu.memory_space<vmem>>
    %dma_start3A_6 = arith.constant 0 : i32
    %dma_start3A_7 = tpu.memref_slice %arg5[%dma_start3A, %dma_start3A_6] : memref<8x128xi32, #tpu.memory_space<vmem>> -> memref<1x128xi32, #tpu.memory_space<vmem>>
    %dma_start3A_8 = tpu.memref_squeeze %dma_start3A_7 : memref<1x128xi32, #tpu.memory_space<vmem>> -> memref<128xi32, #tpu.memory_space<vmem>>
    %dma_start3A_9 = arith.constant 0 : i32
    %dma_start3A_10 = arith.constant 0 : i32
    %dma_start3A_11 = tpu.memref_slice %arg2[%dma_start3A_9, %dma_start3A_10] : memref<1024x128xf32, #tpu.memory_space<hbm>> -> memref<1024x128xf32, #tpu.memory_space<hbm>>
    tpu.enqueue_indirect_dma source(%dma_start3A_11 : memref<1024x128xf32, #tpu.memory_space<hbm>>) target(%dma_start3A_5 : memref<128x128xf32, #tpu.memory_space<vmem>>) offsets(%dma_start3A_8 : memref<128xi32, #tpu.memory_space<vmem>>) semaphore(%arg7 : memref<!tpu.dma_semaphore, #tpu.memory_space<semaphore_mem>>)
    %dma_start3A_12 = arith.constant 1 : i32
    %dma_start3A_13 = arith.constant 128 : i32
    %dma_start3A_14 = arith.constant 0 : i32
    %dma_start3A_15 = tpu.memref_slice %arg6[%dma_start3A_13, %dma_start3A_14] : memref<512x128xf32, #tpu.memory_space<vmem>> -> memref<128x128xf32, #tpu.memory_space<vmem>>
    %dma_start3A_16 = arith.constant 0 : i32
    %dma_start3A_17 = tpu.memref_slice %arg5[%dma_start3A_12, %dma_start3A_16] : memref<8x128xi32, #tpu.memory_space<vmem>> -> memref<1x128xi32, #tpu.memory_space<vmem>>
    %dma_start3A_18 = tpu.memref_squeeze %dma_start3A_17 : memref<1x128xi32, #tpu.memory_space<vmem>> -> memref<128xi32, #tpu.memory_space<vmem>>
    %dma_start3A_19 = arith.constant 0 : i32
    %dma_start3A_20 = arith.constant 0 : i32
    %dma_start3A_21 = tpu.memref_slice %arg2[%dma_start3A_19, %dma_start3A_20] : memref<1024x128xf32, #tpu.memory_space<hbm>> -> memref<1024x128xf32, #tpu.memory_space<hbm>>
    tpu.enqueue_indirect_dma source(%dma_start3A_21 : memref<1024x128xf32, #tpu.memory_space<hbm>>) target(%dma_start3A_15 : memref<128x128xf32, #tpu.memory_space<vmem>>) offsets(%dma_start3A_18 : memref<128xi32, #tpu.memory_space<vmem>>) semaphore(%arg7 : memref<!tpu.dma_semaphore, #tpu.memory_space<semaphore_mem>>)
    %dma_start3A_22 = arith.constant 2 : i32
    %dma_start3A_23 = arith.constant 256 : i32
    %dma_start3A_24 = arith.constant 0 : i32
    %dma_start3A_25 = tpu.memref_slice %arg6[%dma_start3A_23, %dma_start3A_24] : memref<512x128xf32, #tpu.memory_space<vmem>> -> memref<128x128xf32, #tpu.memory_space<vmem>>
    %dma_start3A_26 = arith.constant 0 : i32
    %dma_start3A_27 = tpu.memref_slice %arg5[%dma_start3A_22, %dma_start3A_26] : memref<8x128xi32, #tpu.memory_space<vmem>> -> memref<1x128xi32, #tpu.memory_space<vmem>>
    %dma_start3A_28 = tpu.memref_squeeze %dma_start3A_27 : memref<1x128xi32, #tpu.memory_space<vmem>> -> memref<128xi32, #tpu.memory_space<vmem>>
    %dma_start3A_29 = arith.constant 0 : i32
    %dma_start3A_30 = arith.constant 0 : i32
    %dma_start3A_31 = tpu.memref_slice %arg2[%dma_start3A_29, %dma_start3A_30] : memref<1024x128xf32, #tpu.memory_space<hbm>> -> memref<1024x128xf32, #tpu.memory_space<hbm>>
    tpu.enqueue_indirect_dma source(%dma_start3A_31 : memref<1024x128xf32, #tpu.memory_space<hbm>>) target(%dma_start3A_25 : memref<128x128xf32, #tpu.memory_space<vmem>>) offsets(%dma_start3A_28 : memref<128xi32, #tpu.memory_space<vmem>>) semaphore(%arg7 : memref<!tpu.dma_semaphore, #tpu.memory_space<semaphore_mem>>)
    %dma_start3A_32 = arith.constant 3 : i32
    %dma_start3A_33 = arith.constant 384 : i32
    %dma_start3A_34 = arith.constant 0 : i32
    %dma_start3A_35 = tpu.memref_slice %arg6[%dma_start3A_33, %dma_start3A_34] : memref<512x128xf32, #tpu.memory_space<vmem>> -> memref<128x128xf32, #tpu.memory_space<vmem>>
    %dma_start3A_36 = arith.constant 0 : i32
    %dma_start3A_37 = tpu.memref_slice %arg5[%dma_start3A_32, %dma_start3A_36] : memref<8x128xi32, #tpu.memory_space<vmem>> -> memref<1x128xi32, #tpu.memory_space<vmem>>
    %dma_start3A_38 = tpu.memref_squeeze %dma_start3A_37 : memref<1x128xi32, #tpu.memory_space<vmem>> -> memref<128xi32, #tpu.memory_space<vmem>>
    %dma_start3A_39 = arith.constant 0 : i32
    %dma_start3A_40 = arith.constant 0 : i32
    %dma_start3A_41 = tpu.memref_slice %arg2[%dma_start3A_39, %dma_start3A_40] : memref<1024x128xf32, #tpu.memory_space<hbm>> -> memref<1024x128xf32, #tpu.memory_space<hbm>>
    tpu.enqueue_indirect_dma source(%dma_start3A_41 : memref<1024x128xf32, #tpu.memory_space<hbm>>) target(%dma_start3A_35 : memref<128x128xf32, #tpu.memory_space<vmem>>) offsets(%dma_start3A_38 : memref<128xi32, #tpu.memory_space<vmem>>) semaphore(%arg7 : memref<!tpu.dma_semaphore, #tpu.memory_space<semaphore_mem>>)
    %dma_wait3A = arith.constant 0 : i32
    %dma_wait3A_42 = arith.constant 0 : i32
    %dma_wait3A_43 = arith.constant 0 : i32
    %dma_wait3A_44 = tpu.memref_slice %arg6[%dma_wait3A_42, %dma_wait3A_43] : memref<512x128xf32, #tpu.memory_space<vmem>> -> memref<128x128xf32, #tpu.memory_space<vmem>>
    %dma_wait3A_45 = arith.constant 0 : i32
    %dma_wait3A_46 = tpu.memref_slice %arg5[%dma_wait3A, %dma_wait3A_45] : memref<8x128xi32, #tpu.memory_space<vmem>> -> memref<1x128xi32, #tpu.memory_space<vmem>>
    %dma_wait3A_47 = tpu.memref_squeeze %dma_wait3A_46 : memref<1x128xi32, #tpu.memory_space<vmem>> -> memref<128xi32, #tpu.memory_space<vmem>>
    %dma_wait3A_48 = arith.constant 0 : i32
    %dma_wait3A_49 = arith.constant 0 : i32
    %dma_wait3A_50 = tpu.memref_slice %arg2[%dma_wait3A_48, %dma_wait3A_49] : memref<1024x128xf32, #tpu.memory_space<hbm>> -> memref<1024x128xf32, #tpu.memory_space<hbm>>
    tpu.wait_indirect_dma semaphore(%arg7 : memref<!tpu.dma_semaphore, #tpu.memory_space<semaphore_mem>>) src(%dma_wait3A_50 : memref<1024x128xf32, #tpu.memory_space<hbm>>) dst(%dma_wait3A_44 : memref<128x128xf32, #tpu.memory_space<vmem>>)
    %dma_wait3A_51 = arith.constant 1 : i32
    %dma_wait3A_52 = arith.constant 128 : i32
    %dma_wait3A_53 = arith.constant 0 : i32
    %dma_wait3A_54 = tpu.memref_slice %arg6[%dma_wait3A_52, %dma_wait3A_53] : memref<512x128xf32, #tpu.memory_space<vmem>> -> memref<128x128xf32, #tpu.memory_space<vmem>>
    %dma_wait3A_55 = arith.constant 0 : i32
    %dma_wait3A_56 = tpu.memref_slice %arg5[%dma_wait3A_51, %dma_wait3A_55] : memref<8x128xi32, #tpu.memory_space<vmem>> -> memref<1x128xi32, #tpu.memory_space<vmem>>
    %dma_wait3A_57 = tpu.memref_squeeze %dma_wait3A_56 : memref<1x128xi32, #tpu.memory_space<vmem>> -> memref<128xi32, #tpu.memory_space<vmem>>
    %dma_wait3A_58 = arith.constant 0 : i32
    %dma_wait3A_59 = arith.constant 0 : i32
    %dma_wait3A_60 = tpu.memref_slice %arg2[%dma_wait3A_58, %dma_wait3A_59] : memref<1024x128xf32, #tpu.memory_space<hbm>> -> memref<1024x128xf32, #tpu.memory_space<hbm>>
    tpu.wait_indirect_dma semaphore(%arg7 : memref<!tpu.dma_semaphore, #tpu.memory_space<semaphore_mem>>) src(%dma_wait3A_60 : memref<1024x128xf32, #tpu.memory_space<hbm>>) dst(%dma_wait3A_54 : memref<128x128xf32, #tpu.memory_space<vmem>>)
    %dma_wait3A_61 = arith.constant 2 : i32
    %dma_wait3A_62 = arith.constant 256 : i32
    %dma_wait3A_63 = arith.constant 0 : i32
    %dma_wait3A_64 = tpu.memref_slice %arg6[%dma_wait3A_62, %dma_wait3A_63] : memref<512x128xf32, #tpu.memory_space<vmem>> -> memref<128x128xf32, #tpu.memory_space<vmem>>
    %dma_wait3A_65 = arith.constant 0 : i32
    %dma_wait3A_66 = tpu.memref_slice %arg5[%dma_wait3A_61, %dma_wait3A_65] : memref<8x128xi32, #tpu.memory_space<vmem>> -> memref<1x128xi32, #tpu.memory_space<vmem>>
    %dma_wait3A_67 = tpu.memref_squeeze %dma_wait3A_66 : memref<1x128xi32, #tpu.memory_space<vmem>> -> memref<128xi32, #tpu.memory_space<vmem>>
    %dma_wait3A_68 = arith.constant 0 : i32
    %dma_wait3A_69 = arith.constant 0 : i32
    %dma_wait3A_70 = tpu.memref_slice %arg2[%dma_wait3A_68, %dma_wait3A_69] : memref<1024x128xf32, #tpu.memory_space<hbm>> -> memref<1024x128xf32, #tpu.memory_space<hbm>>
    tpu.wait_indirect_dma semaphore(%arg7 : memref<!tpu.dma_semaphore, #tpu.memory_space<semaphore_mem>>) src(%dma_wait3A_70 : memref<1024x128xf32, #tpu.memory_space<hbm>>) dst(%dma_wait3A_64 : memref<128x128xf32, #tpu.memory_space<vmem>>)
    %dma_wait3A_71 = arith.constant 3 : i32
    %dma_wait3A_72 = arith.constant 384 : i32
    %dma_wait3A_73 = arith.constant 0 : i32
    %dma_wait3A_74 = tpu.memref_slice %arg6[%dma_wait3A_72, %dma_wait3A_73] : memref<512x128xf32, #tpu.memory_space<vmem>> -> memref<128x128xf32, #tpu.memory_space<vmem>>
    %dma_wait3A_75 = arith.constant 0 : i32
    %dma_wait3A_76 = tpu.memref_slice %arg5[%dma_wait3A_71, %dma_wait3A_75] : memref<8x128xi32, #tpu.memory_space<vmem>> -> memref<1x128xi32, #tpu.memory_space<vmem>>
    %dma_wait3A_77 = tpu.memref_squeeze %dma_wait3A_76 : memref<1x128xi32, #tpu.memory_space<vmem>> -> memref<128xi32, #tpu.memory_space<vmem>>
    %dma_wait3A_78 = arith.constant 0 : i32
    %dma_wait3A_79 = arith.constant 0 : i32
    %dma_wait3A_80 = tpu.memref_slice %arg2[%dma_wait3A_78, %dma_wait3A_79] : memref<1024x128xf32, #tpu.memory_space<hbm>> -> memref<1024x128xf32, #tpu.memory_space<hbm>>
    tpu.wait_indirect_dma semaphore(%arg7 : memref<!tpu.dma_semaphore, #tpu.memory_space<semaphore_mem>>) src(%dma_wait3A_80 : memref<1024x128xf32, #tpu.memory_space<hbm>>) dst(%dma_wait3A_74 : memref<128x128xf32, #tpu.memory_space<vmem>>)
    %add3A_81 = arith.constant 0 : i32
    %add3A_82 = arith.addi %mul3A_2, %add3A_81 : i32
    "tpu.region"() ({
      %run_scoped3A = tpu.sem_alloc : memref<!tpu.dma_semaphore, #tpu.memory_space<semaphore_mem>>
      %dma_start3A_165 = arith.constant 0 : i32
      %dma_start3A_166 = tpu.memref_slice %arg4[%add3A_82, %dma_start3A_165] : memref<32768x128xf32, #tpu.memory_space<hbm>> -> memref<512x128xf32, #tpu.memory_space<hbm>>
      %dma_start3A_167 = arith.constant 0 : i32
      %dma_start3A_168 = tpu.memref_slice %arg4[%add3A_82, %dma_start3A_167] : memref<32768x128xf32, #tpu.memory_space<hbm>> -> memref<512x128xf32, #tpu.memory_space<hbm>>
      tpu.enqueue_dma source(%arg6 : memref<512x128xf32, #tpu.memory_space<vmem>>) target(%dma_start3A_168 : memref<512x128xf32, #tpu.memory_space<hbm>>) target_semaphore(%run_scoped3A : memref<!tpu.dma_semaphore, #tpu.memory_space<semaphore_mem>>)
      %dma_wait3A_169 = arith.constant 0 : i32
      %dma_wait3A_170 = tpu.memref_slice %arg4[%add3A_82, %dma_wait3A_169] : memref<32768x128xf32, #tpu.memory_space<hbm>> -> memref<512x128xf32, #tpu.memory_space<hbm>>
      %dma_wait3A_171 = arith.constant 0 : i32
      %dma_wait3A_172 = tpu.memref_slice %arg4[%add3A_82, %dma_wait3A_171] : memref<32768x128xf32, #tpu.memory_space<hbm>> -> memref<512x128xf32, #tpu.memory_space<hbm>>
      tpu.wait_dma2 semaphore(%run_scoped3A : memref<!tpu.dma_semaphore, #tpu.memory_space<semaphore_mem>>) src(%arg6 : memref<512x128xf32, #tpu.memory_space<vmem>>) dst(%dma_wait3A_172 : memref<512x128xf32, #tpu.memory_space<hbm>>)
      tpu.yield
    }) : () -> ()
    %dma_start3A_83 = arith.constant 4 : i32
    %dma_start3A_84 = arith.constant 0 : i32
    %dma_start3A_85 = arith.constant 0 : i32
    %dma_start3A_86 = tpu.memref_slice %arg6[%dma_start3A_84, %dma_start3A_85] : memref<512x128xf32, #tpu.memory_space<vmem>> -> memref<128x128xf32, #tpu.memory_space<vmem>>
    %dma_start3A_87 = arith.constant 0 : i32
    %dma_start3A_88 = tpu.memref_slice %arg5[%dma_start3A_83, %dma_start3A_87] : memref<8x128xi32, #tpu.memory_space<vmem>> -> memref<1x128xi32, #tpu.memory_space<vmem>>
    %dma_start3A_89 = tpu.memref_squeeze %dma_start3A_88 : memref<1x128xi32, #tpu.memory_space<vmem>> -> memref<128xi32, #tpu.memory_space<vmem>>
    %dma_start3A_90 = arith.constant 0 : i32
    %dma_start3A_91 = arith.constant 0 : i32
    %dma_start3A_92 = tpu.memref_slice %arg2[%dma_start3A_90, %dma_start3A_91] : memref<1024x128xf32, #tpu.memory_space<hbm>> -> memref<1024x128xf32, #tpu.memory_space<hbm>>
    tpu.enqueue_indirect_dma source(%dma_start3A_92 : memref<1024x128xf32, #tpu.memory_space<hbm>>) target(%dma_start3A_86 : memref<128x128xf32, #tpu.memory_space<vmem>>) offsets(%dma_start3A_89 : memref<128xi32, #tpu.memory_space<vmem>>) semaphore(%arg7 : memref<!tpu.dma_semaphore, #tpu.memory_space<semaphore_mem>>)
    %dma_start3A_93 = arith.constant 5 : i32
    %dma_start3A_94 = arith.constant 128 : i32
    %dma_start3A_95 = arith.constant 0 : i32
    %dma_start3A_96 = tpu.memref_slice %arg6[%dma_start3A_94, %dma_start3A_95] : memref<512x128xf32, #tpu.memory_space<vmem>> -> memref<128x128xf32, #tpu.memory_space<vmem>>
    %dma_start3A_97 = arith.constant 0 : i32
    %dma_start3A_98 = tpu.memref_slice %arg5[%dma_start3A_93, %dma_start3A_97] : memref<8x128xi32, #tpu.memory_space<vmem>> -> memref<1x128xi32, #tpu.memory_space<vmem>>
    %dma_start3A_99 = tpu.memref_squeeze %dma_start3A_98 : memref<1x128xi32, #tpu.memory_space<vmem>> -> memref<128xi32, #tpu.memory_space<vmem>>
    %dma_start3A_100 = arith.constant 0 : i32
    %dma_start3A_101 = arith.constant 0 : i32
    %dma_start3A_102 = tpu.memref_slice %arg2[%dma_start3A_100, %dma_start3A_101] : memref<1024x128xf32, #tpu.memory_space<hbm>> -> memref<1024x128xf32, #tpu.memory_space<hbm>>
    tpu.enqueue_indirect_dma source(%dma_start3A_102 : memref<1024x128xf32, #tpu.memory_space<hbm>>) target(%dma_start3A_96 : memref<128x128xf32, #tpu.memory_space<vmem>>) offsets(%dma_start3A_99 : memref<128xi32, #tpu.memory_space<vmem>>) semaphore(%arg7 : memref<!tpu.dma_semaphore, #tpu.memory_space<semaphore_mem>>)
    %dma_start3A_103 = arith.constant 6 : i32
    %dma_start3A_104 = arith.constant 256 : i32
    %dma_start3A_105 = arith.constant 0 : i32
    %dma_start3A_106 = tpu.memref_slice %arg6[%dma_start3A_104, %dma_start3A_105] : memref<512x128xf32, #tpu.memory_space<vmem>> -> memref<128x128xf32, #tpu.memory_space<vmem>>
    %dma_start3A_107 = arith.constant 0 : i32
    %dma_start3A_108 = tpu.memref_slice %arg5[%dma_start3A_103, %dma_start3A_107] : memref<8x128xi32, #tpu.memory_space<vmem>> -> memref<1x128xi32, #tpu.memory_space<vmem>>
    %dma_start3A_109 = tpu.memref_squeeze %dma_start3A_108 : memref<1x128xi32, #tpu.memory_space<vmem>> -> memref<128xi32, #tpu.memory_space<vmem>>
    %dma_start3A_110 = arith.constant 0 : i32
    %dma_start3A_111 = arith.constant 0 : i32
    %dma_start3A_112 = tpu.memref_slice %arg2[%dma_start3A_110, %dma_start3A_111] : memref<1024x128xf32, #tpu.memory_space<hbm>> -> memref<1024x128xf32, #tpu.memory_space<hbm>>
    tpu.enqueue_indirect_dma source(%dma_start3A_112 : memref<1024x128xf32, #tpu.memory_space<hbm>>) target(%dma_start3A_106 : memref<128x128xf32, #tpu.memory_space<vmem>>) offsets(%dma_start3A_109 : memref<128xi32, #tpu.memory_space<vmem>>) semaphore(%arg7 : memref<!tpu.dma_semaphore, #tpu.memory_space<semaphore_mem>>)
    %dma_start3A_113 = arith.constant 7 : i32
    %dma_start3A_114 = arith.constant 384 : i32
    %dma_start3A_115 = arith.constant 0 : i32
    %dma_start3A_116 = tpu.memref_slice %arg6[%dma_start3A_114, %dma_start3A_115] : memref<512x128xf32, #tpu.memory_space<vmem>> -> memref<128x128xf32, #tpu.memory_space<vmem>>
    %dma_start3A_117 = arith.constant 0 : i32
    %dma_start3A_118 = tpu.memref_slice %arg5[%dma_start3A_113, %dma_start3A_117] : memref<8x128xi32, #tpu.memory_space<vmem>> -> memref<1x128xi32, #tpu.memory_space<vmem>>
    %dma_start3A_119 = tpu.memref_squeeze %dma_start3A_118 : memref<1x128xi32, #tpu.memory_space<vmem>> -> memref<128xi32, #tpu.memory_space<vmem>>
    %dma_start3A_120 = arith.constant 0 : i32
    %dma_start3A_121 = arith.constant 0 : i32
    %dma_start3A_122 = tpu.memref_slice %arg2[%dma_start3A_120, %dma_start3A_121] : memref<1024x128xf32, #tpu.memory_space<hbm>> -> memref<1024x128xf32, #tpu.memory_space<hbm>>
    tpu.enqueue_indirect_dma source(%dma_start3A_122 : memref<1024x128xf32, #tpu.memory_space<hbm>>) target(%dma_start3A_116 : memref<128x128xf32, #tpu.memory_space<vmem>>) offsets(%dma_start3A_119 : memref<128xi32, #tpu.memory_space<vmem>>) semaphore(%arg7 : memref<!tpu.dma_semaphore, #tpu.memory_space<semaphore_mem>>)
    %dma_wait3A_123 = arith.constant 4 : i32
    %dma_wait3A_124 = arith.constant 0 : i32
    %dma_wait3A_125 = arith.constant 0 : i32
    %dma_wait3A_126 = tpu.memref_slice %arg6[%dma_wait3A_124, %dma_wait3A_125] : memref<512x128xf32, #tpu.memory_space<vmem>> -> memref<128x128xf32, #tpu.memory_space<vmem>>
    %dma_wait3A_127 = arith.constant 0 : i32
    %dma_wait3A_128 = tpu.memref_slice %arg5[%dma_wait3A_123, %dma_wait3A_127] : memref<8x128xi32, #tpu.memory_space<vmem>> -> memref<1x128xi32, #tpu.memory_space<vmem>>
    %dma_wait3A_129 = tpu.memref_squeeze %dma_wait3A_128 : memref<1x128xi32, #tpu.memory_space<vmem>> -> memref<128xi32, #tpu.memory_space<vmem>>
    %dma_wait3A_130 = arith.constant 0 : i32
    %dma_wait3A_131 = arith.constant 0 : i32
    %dma_wait3A_132 = tpu.memref_slice %arg2[%dma_wait3A_130, %dma_wait3A_131] : memref<1024x128xf32, #tpu.memory_space<hbm>> -> memref<1024x128xf32, #tpu.memory_space<hbm>>
    tpu.wait_indirect_dma semaphore(%arg7 : memref<!tpu.dma_semaphore, #tpu.memory_space<semaphore_mem>>) src(%dma_wait3A_132 : memref<1024x128xf32, #tpu.memory_space<hbm>>) dst(%dma_wait3A_126 : memref<128x128xf32, #tpu.memory_space<vmem>>)
    %dma_wait3A_133 = arith.constant 5 : i32
    %dma_wait3A_134 = arith.constant 128 : i32
    %dma_wait3A_135 = arith.constant 0 : i32
    %dma_wait3A_136 = tpu.memref_slice %arg6[%dma_wait3A_134, %dma_wait3A_135] : memref<512x128xf32, #tpu.memory_space<vmem>> -> memref<128x128xf32, #tpu.memory_space<vmem>>
    %dma_wait3A_137 = arith.constant 0 : i32
    %dma_wait3A_138 = tpu.memref_slice %arg5[%dma_wait3A_133, %dma_wait3A_137] : memref<8x128xi32, #tpu.memory_space<vmem>> -> memref<1x128xi32, #tpu.memory_space<vmem>>
    %dma_wait3A_139 = tpu.memref_squeeze %dma_wait3A_138 : memref<1x128xi32, #tpu.memory_space<vmem>> -> memref<128xi32, #tpu.memory_space<vmem>>
    %dma_wait3A_140 = arith.constant 0 : i32
    %dma_wait3A_141 = arith.constant 0 : i32
    %dma_wait3A_142 = tpu.memref_slice %arg2[%dma_wait3A_140, %dma_wait3A_141] : memref<1024x128xf32, #tpu.memory_space<hbm>> -> memref<1024x128xf32, #tpu.memory_space<hbm>>
    tpu.wait_indirect_dma semaphore(%arg7 : memref<!tpu.dma_semaphore, #tpu.memory_space<semaphore_mem>>) src(%dma_wait3A_142 : memref<1024x128xf32, #tpu.memory_space<hbm>>) dst(%dma_wait3A_136 : memref<128x128xf32, #tpu.memory_space<vmem>>)
    %dma_wait3A_143 = arith.constant 6 : i32
    %dma_wait3A_144 = arith.constant 256 : i32
    %dma_wait3A_145 = arith.constant 0 : i32
    %dma_wait3A_146 = tpu.memref_slice %arg6[%dma_wait3A_144, %dma_wait3A_145] : memref<512x128xf32, #tpu.memory_space<vmem>> -> memref<128x128xf32, #tpu.memory_space<vmem>>
    %dma_wait3A_147 = arith.constant 0 : i32
    %dma_wait3A_148 = tpu.memref_slice %arg5[%dma_wait3A_143, %dma_wait3A_147] : memref<8x128xi32, #tpu.memory_space<vmem>> -> memref<1x128xi32, #tpu.memory_space<vmem>>
    %dma_wait3A_149 = tpu.memref_squeeze %dma_wait3A_148 : memref<1x128xi32, #tpu.memory_space<vmem>> -> memref<128xi32, #tpu.memory_space<vmem>>
    %dma_wait3A_150 = arith.constant 0 : i32
    %dma_wait3A_151 = arith.constant 0 : i32
    %dma_wait3A_152 = tpu.memref_slice %arg2[%dma_wait3A_150, %dma_wait3A_151] : memref<1024x128xf32, #tpu.memory_space<hbm>> -> memref<1024x128xf32, #tpu.memory_space<hbm>>
    tpu.wait_indirect_dma semaphore(%arg7 : memref<!tpu.dma_semaphore, #tpu.memory_space<semaphore_mem>>) src(%dma_wait3A_152 : memref<1024x128xf32, #tpu.memory_space<hbm>>) dst(%dma_wait3A_146 : memref<128x128xf32, #tpu.memory_space<vmem>>)
    %dma_wait3A_153 = arith.constant 7 : i32
    %dma_wait3A_154 = arith.constant 384 : i32
    %dma_wait3A_155 = arith.constant 0 : i32
    %dma_wait3A_156 = tpu.memref_slice %arg6[%dma_wait3A_154, %dma_wait3A_155] : memref<512x128xf32, #tpu.memory_space<vmem>> -> memref<128x128xf32, #tpu.memory_space<vmem>>
    %dma_wait3A_157 = arith.constant 0 : i32
    %dma_wait3A_158 = tpu.memref_slice %arg5[%dma_wait3A_153, %dma_wait3A_157] : memref<8x128xi32, #tpu.memory_space<vmem>> -> memref<1x128xi32, #tpu.memory_space<vmem>>
    %dma_wait3A_159 = tpu.memref_squeeze %dma_wait3A_158 : memref<1x128xi32, #tpu.memory_space<vmem>> -> memref<128xi32, #tpu.memory_space<vmem>>
    %dma_wait3A_160 = arith.constant 0 : i32
    %dma_wait3A_161 = arith.constant 0 : i32
    %dma_wait3A_162 = tpu.memref_slice %arg2[%dma_wait3A_160, %dma_wait3A_161] : memref<1024x128xf32, #tpu.memory_space<hbm>> -> memref<1024x128xf32, #tpu.memory_space<hbm>>
    tpu.wait_indirect_dma semaphore(%arg7 : memref<!tpu.dma_semaphore, #tpu.memory_space<semaphore_mem>>) src(%dma_wait3A_162 : memref<1024x128xf32, #tpu.memory_space<hbm>>) dst(%dma_wait3A_156 : memref<128x128xf32, #tpu.memory_space<vmem>>)
    %add3A_163 = arith.constant 512 : i32
    %add3A_164 = arith.addi %mul3A_2, %add3A_163 : i32
    "tpu.region"() ({
      %run_scoped3A = tpu.sem_alloc : memref<!tpu.dma_semaphore, #tpu.memory_space<semaphore_mem>>
      %dma_start3A_165 = arith.constant 0 : i32
      %dma_start3A_166 = tpu.memref_slice %arg4[%add3A_164, %dma_start3A_165] : memref<32768x128xf32, #tpu.memory_space<hbm>> -> memref<512x128xf32, #tpu.memory_space<hbm>>
      %dma_start3A_167 = arith.constant 0 : i32
      %dma_start3A_168 = tpu.memref_slice %arg4[%add3A_164, %dma_start3A_167] : memref<32768x128xf32, #tpu.memory_space<hbm>> -> memref<512x128xf32, #tpu.memory_space<hbm>>
      tpu.enqueue_dma source(%arg6 : memref<512x128xf32, #tpu.memory_space<vmem>>) target(%dma_start3A_168 : memref<512x128xf32, #tpu.memory_space<hbm>>) target_semaphore(%run_scoped3A : memref<!tpu.dma_semaphore, #tpu.memory_space<semaphore_mem>>)
      %dma_wait3A_169 = arith.constant 0 : i32
      %dma_wait3A_170 = tpu.memref_slice %arg4[%add3A_164, %dma_wait3A_169] : memref<32768x128xf32, #tpu.memory_space<hbm>> -> memref<512x128xf32, #tpu.memory_space<hbm>>
      %dma_wait3A_171 = arith.constant 0 : i32
      %dma_wait3A_172 = tpu.memref_slice %arg4[%add3A_164, %dma_wait3A_171] : memref<32768x128xf32, #tpu.memory_space<hbm>> -> memref<512x128xf32, #tpu.memory_space<hbm>>
      tpu.wait_dma2 semaphore(%run_scoped3A : memref<!tpu.dma_semaphore, #tpu.memory_space<semaphore_mem>>) src(%arg6 : memref<512x128xf32, #tpu.memory_space<vmem>>) dst(%dma_wait3A_172 : memref<512x128xf32, #tpu.memory_space<hbm>>)
      tpu.yield
    }) : () -> ()
    return
  }
}

#map = affine_map<(d0, d1) -> (0, 0)>
#map1 = affine_map<(d0, d1) -> (0, 0, 0)>
module attributes {stable_mosaic.version = 14 : i64} {
  func.func @gather(%arg0: i32, %arg1: i32, %arg2: memref<1024x128xf32, #tpu.memory_space<hbm>>, %arg3: memref<32x8x128xi32, #tpu.memory_space<hbm>>, %arg4: memref<32768x128xf32, #tpu.memory_space<hbm>>, %arg5: memref<8x128xi32, #tpu.memory_space<vmem>>, %arg6: memref<512x128xf32, #tpu.memory_space<vmem>>, %arg7: memref<!tpu.dma_semaphore, #tpu.memory_space<semaphore_mem>>) attributes {dimension_semantics = [#tpu.dimension_semantics<core_parallel>, #tpu.dimension_semantics<subcore_parallel>], iteration_bounds = array<i64: 2, 16>, scalar_prefetch = 0 : i64, scratch_operands = 3 : i64, tpu.core_type = #tpu.core_type<sc_vector_subcore>, window_params = [{transform_indices = #map}, {transform_indices = #map1}, {transform_indices = #map}]} {
    %mul3A = arith.constant 2 : i32
    %mul3A_0 = arith.muli %arg1, %mul3A : i32
    %add3A = arith.addi %mul3A_0, %arg0 : i32
    %mul3A_1 = arith.constant 1024 : i32
    %mul3A_2 = arith.muli %add3A, %mul3A_1 : i32
    "tpu.region"() ({
      %run_scoped3A = tpu.sem_alloc : memref<!tpu.dma_semaphore, #tpu.memory_space<semaphore_mem>>
      %dma_start3A_165 = arith.constant 0 : i32
      %dma_start3A_166 = arith.constant 0 : i32
      %dma_start3A_167 = tpu.memref_slice %arg3[%add3A, %dma_start3A_165, %dma_start3A_166] : memref<32x8x128xi32, #tpu.memory_space<hbm>> -> memref<1x8x128xi32, #tpu.memory_space<hbm>>
      %dma_start3A_168 = tpu.memref_squeeze %dma_start3A_167 : memref<1x8x128xi32, #tpu.memory_space<hbm>> -> memref<8x128xi32, #tpu.memory_space<hbm>>
      %dma_start3A_169 = arith.constant 0 : i32
      %dma_start3A_170 = arith.constant 0 : i32
      %dma_start3A_171 = tpu.memref_slice %arg3[%add3A, %dma_start3A_169, %dma_start3A_170] : memref<32x8x128xi32, #tpu.memory_space<hbm>> -> memref<1x8x128xi32, #tpu.memory_space<hbm>>
      %dma_start3A_172 = tpu.memref_squeeze %dma_start3A_171 : memref<1x8x128xi32, #tpu.memory_space<hbm>> -> memref<8x128xi32, #tpu.memory_space<hbm>>
      tpu.enqueue_dma source(%dma_start3A_172 : memref<8x128xi32, #tpu.memory_space<hbm>>) target(%arg5 : memref<8x128xi32, #tpu.memory_space<vmem>>) target_semaphore(%run_scoped3A : memref<!tpu.dma_semaphore, #tpu.memory_space<semaphore_mem>>)
      %dma_wait3A_173 = arith.constant 0 : i32
      %dma_wait3A_174 = arith.constant 0 : i32
      %dma_wait3A_175 = tpu.memref_slice %arg3[%add3A, %dma_wait3A_173, %dma_wait3A_174] : memref<32x8x128xi32, #tpu.memory_space<hbm>> -> memref<1x8x128xi32, #tpu.memory_space<hbm>>
      %dma_wait3A_176 = tpu.memref_squeeze %dma_wait3A_175 : memref<1x8x128xi32, #tpu.memory_space<hbm>> -> memref<8x128xi32, #tpu.memory_space<hbm>>
      %dma_wait3A_177 = arith.constant 0 : i32
      %dma_wait3A_178 = arith.constant 0 : i32
      %dma_wait3A_179 = tpu.memref_slice %arg3[%add3A, %dma_wait3A_177, %dma_wait3A_178] : memref<32x8x128xi32, #tpu.memory_space<hbm>> -> memref<1x8x128xi32, #tpu.memory_space<hbm>>
      %dma_wait3A_180 = tpu.memref_squeeze %dma_wait3A_179 : memref<1x8x128xi32, #tpu.memory_space<hbm>> -> memref<8x128xi32, #tpu.memory_space<hbm>>
      tpu.wait_dma2 semaphore(%run_scoped3A : memref<!tpu.dma_semaphore, #tpu.memory_space<semaphore_mem>>) src(%dma_wait3A_180 : memref<8x128xi32, #tpu.memory_space<hbm>>) dst(%arg5 : memref<8x128xi32, #tpu.memory_space<vmem>>)
      tpu.yield
    }) : () -> ()
    %dma_start3A = arith.constant 0 : i32
    %dma_start3A_3 = arith.constant 0 : i32
    %dma_start3A_4 = arith.constant 0 : i32
    %dma_start3A_5 = tpu.memref_slice %arg6[%dma_start3A_3, %dma_start3A_4] : memref<512x128xf32, #tpu.memory_space<vmem>> -> memref<128x128xf32, #tpu.memory_space<vmem>>
    %dma_start3A_6 = arith.constant 0 : i32
    %dma_start3A_7 = tpu.memref_slice %arg5[%dma_start3A, %dma_start3A_6] : memref<8x128xi32, #tpu.memory_space<vmem>> -> memref<1x128xi32, #tpu.memory_space<vmem>>
    %dma_start3A_8 = tpu.memref_squeeze %dma_start3A_7 : memref<1x128xi32, #tpu.memory_space<vmem>> -> memref<128xi32, #tpu.memory_space<vmem>>
    %dma_start3A_9 = arith.constant 0 : i32
    %dma_start3A_10 = arith.constant 0 : i32
    %dma_start3A_11 = tpu.memref_slice %arg2[%dma_start3A_9, %dma_start3A_10] : memref<1024x128xf32, #tpu.memory_space<hbm>> -> memref<1024x128xf32, #tpu.memory_space<hbm>>
    tpu.enqueue_indirect_dma source(%dma_start3A_11 : memref<1024x128xf32, #tpu.memory_space<hbm>>) target(%dma_start3A_5 : memref<128x128xf32, #tpu.memory_space<vmem>>) offsets(%dma_start3A_8 : memref<128xi32, #tpu.memory_space<vmem>>) semaphore(%arg7 : memref<!tpu.dma_semaphore, #tpu.memory_space<semaphore_mem>>)
    %dma_start3A_12 = arith.constant 1 : i32
    %dma_start3A_13 = arith.constant 128 : i32
    %dma_start3A_14 = arith.constant 0 : i32
    %dma_start3A_15 = tpu.memref_slice %arg6[%dma_start3A_13, %dma_start3A_14] : memref<512x128xf32, #tpu.memory_space<vmem>> -> memref<128x128xf32, #tpu.memory_space<vmem>>
    %dma_start3A_16 = arith.constant 0 : i32
    %dma_start3A_17 = tpu.memref_slice %arg5[%dma_start3A_12, %dma_start3A_16] : memref<8x128xi32, #tpu.memory_space<vmem>> -> memref<1x128xi32, #tpu.memory_space<vmem>>
    %dma_start3A_18 = tpu.memref_squeeze %dma_start3A_17 : memref<1x128xi32, #tpu.memory_space<vmem>> -> memref<128xi32, #tpu.memory_space<vmem>>
    %dma_start3A_19 = arith.constant 0 : i32
    %dma_start3A_20 = arith.constant 0 : i32
    %dma_start3A_21 = tpu.memref_slice %arg2[%dma_start3A_19, %dma_start3A_20] : memref<1024x128xf32, #tpu.memory_space<hbm>> -> memref<1024x128xf32, #tpu.memory_space<hbm>>
    tpu.enqueue_indirect_dma source(%dma_start3A_21 : memref<1024x128xf32, #tpu.memory_space<hbm>>) target(%dma_start3A_15 : memref<128x128xf32, #tpu.memory_space<vmem>>) offsets(%dma_start3A_18 : memref<128xi32, #tpu.memory_space<vmem>>) semaphore(%arg7 : memref<!tpu.dma_semaphore, #tpu.memory_space<semaphore_mem>>)
    %dma_start3A_22 = arith.constant 2 : i32
    %dma_start3A_23 = arith.constant 256 : i32
    %dma_start3A_24 = arith.constant 0 : i32
    %dma_start3A_25 = tpu.memref_slice %arg6[%dma_start3A_23, %dma_start3A_24] : memref<512x128xf32, #tpu.memory_space<vmem>> -> memref<128x128xf32, #tpu.memory_space<vmem>>
    %dma_start3A_26 = arith.constant 0 : i32
    %dma_start3A_27 = tpu.memref_slice %arg5[%dma_start3A_22, %dma_start3A_26] : memref<8x128xi32, #tpu.memory_space<vmem>> -> memref<1x128xi32, #tpu.memory_space<vmem>>
    %dma_start3A_28 = tpu.memref_squeeze %dma_start3A_27 : memref<1x128xi32, #tpu.memory_space<vmem>> -> memref<128xi32, #tpu.memory_space<vmem>>
    %dma_start3A_29 = arith.constant 0 : i32
    %dma_start3A_30 = arith.constant 0 : i32
    %dma_start3A_31 = tpu.memref_slice %arg2[%dma_start3A_29, %dma_start3A_30] : memref<1024x128xf32, #tpu.memory_space<hbm>> -> memref<1024x128xf32, #tpu.memory_space<hbm>>
    tpu.enqueue_indirect_dma source(%dma_start3A_31 : memref<1024x128xf32, #tpu.memory_space<hbm>>) target(%dma_start3A_25 : memref<128x128xf32, #tpu.memory_space<vmem>>) offsets(%dma_start3A_28 : memref<128xi32, #tpu.memory_space<vmem>>) semaphore(%arg7 : memref<!tpu.dma_semaphore, #tpu.memory_space<semaphore_mem>>)
    %dma_start3A_32 = arith.constant 3 : i32
    %dma_start3A_33 = arith.constant 384 : i32
    %dma_start3A_34 = arith.constant 0 : i32
    %dma_start3A_35 = tpu.memref_slice %arg6[%dma_start3A_33, %dma_start3A_34] : memref<512x128xf32, #tpu.memory_space<vmem>> -> memref<128x128xf32, #tpu.memory_space<vmem>>
    %dma_start3A_36 = arith.constant 0 : i32
    %dma_start3A_37 = tpu.memref_slice %arg5[%dma_start3A_32, %dma_start3A_36] : memref<8x128xi32, #tpu.memory_space<vmem>> -> memref<1x128xi32, #tpu.memory_space<vmem>>
    %dma_start3A_38 = tpu.memref_squeeze %dma_start3A_37 : memref<1x128xi32, #tpu.memory_space<vmem>> -> memref<128xi32, #tpu.memory_space<vmem>>
    %dma_start3A_39 = arith.constant 0 : i32
    %dma_start3A_40 = arith.constant 0 : i32
    %dma_start3A_41 = tpu.memref_slice %arg2[%dma_start3A_39, %dma_start3A_40] : memref<1024x128xf32, #tpu.memory_space<hbm>> -> memref<1024x128xf32, #tpu.memory_space<hbm>>
    tpu.enqueue_indirect_dma source(%dma_start3A_41 : memref<1024x128xf32, #tpu.memory_space<hbm>>) target(%dma_start3A_35 : memref<128x128xf32, #tpu.memory_space<vmem>>) offsets(%dma_start3A_38 : memref<128xi32, #tpu.memory_space<vmem>>) semaphore(%arg7 : memref<!tpu.dma_semaphore, #tpu.memory_space<semaphore_mem>>)
    %dma_wait3A = arith.constant 0 : i32
    %dma_wait3A_42 = arith.constant 0 : i32
    %dma_wait3A_43 = arith.constant 0 : i32
    %dma_wait3A_44 = tpu.memref_slice %arg6[%dma_wait3A_42, %dma_wait3A_43] : memref<512x128xf32, #tpu.memory_space<vmem>> -> memref<128x128xf32, #tpu.memory_space<vmem>>
    %dma_wait3A_45 = arith.constant 0 : i32
    %dma_wait3A_46 = tpu.memref_slice %arg5[%dma_wait3A, %dma_wait3A_45] : memref<8x128xi32, #tpu.memory_space<vmem>> -> memref<1x128xi32, #tpu.memory_space<vmem>>
    %dma_wait3A_47 = tpu.memref_squeeze %dma_wait3A_46 : memref<1x128xi32, #tpu.memory_space<vmem>> -> memref<128xi32, #tpu.memory_space<vmem>>
    %dma_wait3A_48 = arith.constant 0 : i32
    %dma_wait3A_49 = arith.constant 0 : i32
    %dma_wait3A_50 = tpu.memref_slice %arg2[%dma_wait3A_48, %dma_wait3A_49] : memref<1024x128xf32, #tpu.memory_space<hbm>> -> memref<1024x128xf32, #tpu.memory_space<hbm>>
    tpu.wait_indirect_dma semaphore(%arg7 : memref<!tpu.dma_semaphore, #tpu.memory_space<semaphore_mem>>) src(%dma_wait3A_50 : memref<1024x128xf32, #tpu.memory_space<hbm>>) dst(%dma_wait3A_44 : memref<128x128xf32, #tpu.memory_space<vmem>>)
    %dma_wait3A_51 = arith.constant 1 : i32
    %dma_wait3A_52 = arith.constant 128 : i32
    %dma_wait3A_53 = arith.constant 0 : i32
    %dma_wait3A_54 = tpu.memref_slice %arg6[%dma_wait3A_52, %dma_wait3A_53] : memref<512x128xf32, #tpu.memory_space<vmem>> -> memref<128x128xf32, #tpu.memory_space<vmem>>
    %dma_wait3A_55 = arith.constant 0 : i32
    %dma_wait3A_56 = tpu.memref_slice %arg5[%dma_wait3A_51, %dma_wait3A_55] : memref<8x128xi32, #tpu.memory_space<vmem>> -> memref<1x128xi32, #tpu.memory_space<vmem>>
    %dma_wait3A_57 = tpu.memref_squeeze %dma_wait3A_56 : memref<1x128xi32, #tpu.memory_space<vmem>> -> memref<128xi32, #tpu.memory_space<vmem>>
    %dma_wait3A_58 = arith.constant 0 : i32
    %dma_wait3A_59 = arith.constant 0 : i32
    %dma_wait3A_60 = tpu.memref_slice %arg2[%dma_wait3A_58, %dma_wait3A_59] : memref<1024x128xf32, #tpu.memory_space<hbm>> -> memref<1024x128xf32, #tpu.memory_space<hbm>>
    tpu.wait_indirect_dma semaphore(%arg7 : memref<!tpu.dma_semaphore, #tpu.memory_space<semaphore_mem>>) src(%dma_wait3A_60 : memref<1024x128xf32, #tpu.memory_space<hbm>>) dst(%dma_wait3A_54 : memref<128x128xf32, #tpu.memory_space<vmem>>)
    %dma_wait3A_61 = arith.constant 2 : i32
    %dma_wait3A_62 = arith.constant 256 : i32
    %dma_wait3A_63 = arith.constant 0 : i32
    %dma_wait3A_64 = tpu.memref_slice %arg6[%dma_wait3A_62, %dma_wait3A_63] : memref<512x128xf32, #tpu.memory_space<vmem>> -> memref<128x128xf32, #tpu.memory_space<vmem>>
    %dma_wait3A_65 = arith.constant 0 : i32
    %dma_wait3A_66 = tpu.memref_slice %arg5[%dma_wait3A_61, %dma_wait3A_65] : memref<8x128xi32, #tpu.memory_space<vmem>> -> memref<1x128xi32, #tpu.memory_space<vmem>>
    %dma_wait3A_67 = tpu.memref_squeeze %dma_wait3A_66 : memref<1x128xi32, #tpu.memory_space<vmem>> -> memref<128xi32, #tpu.memory_space<vmem>>
    %dma_wait3A_68 = arith.constant 0 : i32
    %dma_wait3A_69 = arith.constant 0 : i32
    %dma_wait3A_70 = tpu.memref_slice %arg2[%dma_wait3A_68, %dma_wait3A_69] : memref<1024x128xf32, #tpu.memory_space<hbm>> -> memref<1024x128xf32, #tpu.memory_space<hbm>>
    tpu.wait_indirect_dma semaphore(%arg7 : memref<!tpu.dma_semaphore, #tpu.memory_space<semaphore_mem>>) src(%dma_wait3A_70 : memref<1024x128xf32, #tpu.memory_space<hbm>>) dst(%dma_wait3A_64 : memref<128x128xf32, #tpu.memory_space<vmem>>)
    %dma_wait3A_71 = arith.constant 3 : i32
    %dma_wait3A_72 = arith.constant 384 : i32
    %dma_wait3A_73 = arith.constant 0 : i32
    %dma_wait3A_74 = tpu.memref_slice %arg6[%dma_wait3A_72, %dma_wait3A_73] : memref<512x128xf32, #tpu.memory_space<vmem>> -> memref<128x128xf32, #tpu.memory_space<vmem>>
    %dma_wait3A_75 = arith.constant 0 : i32
    %dma_wait3A_76 = tpu.memref_slice %arg5[%dma_wait3A_71, %dma_wait3A_75] : memref<8x128xi32, #tpu.memory_space<vmem>> -> memref<1x128xi32, #tpu.memory_space<vmem>>
    %dma_wait3A_77 = tpu.memref_squeeze %dma_wait3A_76 : memref<1x128xi32, #tpu.memory_space<vmem>> -> memref<128xi32, #tpu.memory_space<vmem>>
    %dma_wait3A_78 = arith.constant 0 : i32
    %dma_wait3A_79 = arith.constant 0 : i32
    %dma_wait3A_80 = tpu.memref_slice %arg2[%dma_wait3A_78, %dma_wait3A_79] : memref<1024x128xf32, #tpu.memory_space<hbm>> -> memref<1024x128xf32, #tpu.memory_space<hbm>>
    tpu.wait_indirect_dma semaphore(%arg7 : memref<!tpu.dma_semaphore, #tpu.memory_space<semaphore_mem>>) src(%dma_wait3A_80 : memref<1024x128xf32, #tpu.memory_space<hbm>>) dst(%dma_wait3A_74 : memref<128x128xf32, #tpu.memory_space<vmem>>)
    %add3A_81 = arith.constant 0 : i32
    %add3A_82 = arith.addi %mul3A_2, %add3A_81 : i32
    "tpu.region"() ({
      %run_scoped3A = tpu.sem_alloc : memref<!tpu.dma_semaphore, #tpu.memory_space<semaphore_mem>>
      %dma_start3A_165 = arith.constant 0 : i32
      %dma_start3A_166 = tpu.memref_slice %arg4[%add3A_82, %dma_start3A_165] : memref<32768x128xf32, #tpu.memory_space<hbm>> -> memref<512x128xf32, #tpu.memory_space<hbm>>
      %dma_start3A_167 = arith.constant 0 : i32
      %dma_start3A_168 = tpu.memref_slice %arg4[%add3A_82, %dma_start3A_167] : memref<32768x128xf32, #tpu.memory_space<hbm>> -> memref<512x128xf32, #tpu.memory_space<hbm>>
      tpu.enqueue_dma source(%arg6 : memref<512x128xf32, #tpu.memory_space<vmem>>) target(%dma_start3A_168 : memref<512x128xf32, #tpu.memory_space<hbm>>) target_semaphore(%run_scoped3A : memref<!tpu.dma_semaphore, #tpu.memory_space<semaphore_mem>>)
      %dma_wait3A_169 = arith.constant 0 : i32
      %dma_wait3A_170 = tpu.memref_slice %arg4[%add3A_82, %dma_wait3A_169] : memref<32768x128xf32, #tpu.memory_space<hbm>> -> memref<512x128xf32, #tpu.memory_space<hbm>>
      %dma_wait3A_171 = arith.constant 0 : i32
      %dma_wait3A_172 = tpu.memref_slice %arg4[%add3A_82, %dma_wait3A_171] : memref<32768x128xf32, #tpu.memory_space<hbm>> -> memref<512x128xf32, #tpu.memory_space<hbm>>
      tpu.wait_dma2 semaphore(%run_scoped3A : memref<!tpu.dma_semaphore, #tpu.memory_space<semaphore_mem>>) src(%arg6 : memref<512x128xf32, #tpu.memory_space<vmem>>) dst(%dma_wait3A_172 : memref<512x128xf32, #tpu.memory_space<hbm>>)
      tpu.yield
    }) : () -> ()
    %dma_start3A_83 = arith.constant 4 : i32
    %dma_start3A_84 = arith.constant 0 : i32
    %dma_start3A_85 = arith.constant 0 : i32
    %dma_start3A_86 = tpu.memref_slice %arg6[%dma_start3A_84, %dma_start3A_85] : memref<512x128xf32, #tpu.memory_space<vmem>> -> memref<128x128xf32, #tpu.memory_space<vmem>>
    %dma_start3A_87 = arith.constant 0 : i32
    %dma_start3A_88 = tpu.memref_slice %arg5[%dma_start3A_83, %dma_start3A_87] : memref<8x128xi32, #tpu.memory_space<vmem>> -> memref<1x128xi32, #tpu.memory_space<vmem>>
    %dma_start3A_89 = tpu.memref_squeeze %dma_start3A_88 : memref<1x128xi32, #tpu.memory_space<vmem>> -> memref<128xi32, #tpu.memory_space<vmem>>
    %dma_start3A_90 = arith.constant 0 : i32
    %dma_start3A_91 = arith.constant 0 : i32
    %dma_start3A_92 = tpu.memref_slice %arg2[%dma_start3A_90, %dma_start3A_91] : memref<1024x128xf32, #tpu.memory_space<hbm>> -> memref<1024x128xf32, #tpu.memory_space<hbm>>
    tpu.enqueue_indirect_dma source(%dma_start3A_92 : memref<1024x128xf32, #tpu.memory_space<hbm>>) target(%dma_start3A_86 : memref<128x128xf32, #tpu.memory_space<vmem>>) offsets(%dma_start3A_89 : memref<128xi32, #tpu.memory_space<vmem>>) semaphore(%arg7 : memref<!tpu.dma_semaphore, #tpu.memory_space<semaphore_mem>>)
    %dma_start3A_93 = arith.constant 5 : i32
    %dma_start3A_94 = arith.constant 128 : i32
    %dma_start3A_95 = arith.constant 0 : i32
    %dma_start3A_96 = tpu.memref_slice %arg6[%dma_start3A_94, %dma_start3A_95] : memref<512x128xf32, #tpu.memory_space<vmem>> -> memref<128x128xf32, #tpu.memory_space<vmem>>
    %dma_start3A_97 = arith.constant 0 : i32
    %dma_start3A_98 = tpu.memref_slice %arg5[%dma_start3A_93, %dma_start3A_97] : memref<8x128xi32, #tpu.memory_space<vmem>> -> memref<1x128xi32, #tpu.memory_space<vmem>>
    %dma_start3A_99 = tpu.memref_squeeze %dma_start3A_98 : memref<1x128xi32, #tpu.memory_space<vmem>> -> memref<128xi32, #tpu.memory_space<vmem>>
    %dma_start3A_100 = arith.constant 0 : i32
    %dma_start3A_101 = arith.constant 0 : i32
    %dma_start3A_102 = tpu.memref_slice %arg2[%dma_start3A_100, %dma_start3A_101] : memref<1024x128xf32, #tpu.memory_space<hbm>> -> memref<1024x128xf32, #tpu.memory_space<hbm>>
    tpu.enqueue_indirect_dma source(%dma_start3A_102 : memref<1024x128xf32, #tpu.memory_space<hbm>>) target(%dma_start3A_96 : memref<128x128xf32, #tpu.memory_space<vmem>>) offsets(%dma_start3A_99 : memref<128xi32, #tpu.memory_space<vmem>>) semaphore(%arg7 : memref<!tpu.dma_semaphore, #tpu.memory_space<semaphore_mem>>)
    %dma_start3A_103 = arith.constant 6 : i32
    %dma_start3A_104 = arith.constant 256 : i32
    %dma_start3A_105 = arith.constant 0 : i32
    %dma_start3A_106 = tpu.memref_slice %arg6[%dma_start3A_104, %dma_start3A_105] : memref<512x128xf32, #tpu.memory_space<vmem>> -> memref<128x128xf32, #tpu.memory_space<vmem>>
    %dma_start3A_107 = arith.constant 0 : i32
    %dma_start3A_108 = tpu.memref_slice %arg5[%dma_start3A_103, %dma_start3A_107] : memref<8x128xi32, #tpu.memory_space<vmem>> -> memref<1x128xi32, #tpu.memory_space<vmem>>
    %dma_start3A_109 = tpu.memref_squeeze %dma_start3A_108 : memref<1x128xi32, #tpu.memory_space<vmem>> -> memref<128xi32, #tpu.memory_space<vmem>>
    %dma_start3A_110 = arith.constant 0 : i32
    %dma_start3A_111 = arith.constant 0 : i32
    %dma_start3A_112 = tpu.memref_slice %arg2[%dma_start3A_110, %dma_start3A_111] : memref<1024x128xf32, #tpu.memory_space<hbm>> -> memref<1024x128xf32, #tpu.memory_space<hbm>>
    tpu.enqueue_indirect_dma source(%dma_start3A_112 : memref<1024x128xf32, #tpu.memory_space<hbm>>) target(%dma_start3A_106 : memref<128x128xf32, #tpu.memory_space<vmem>>) offsets(%dma_start3A_109 : memref<128xi32, #tpu.memory_space<vmem>>) semaphore(%arg7 : memref<!tpu.dma_semaphore, #tpu.memory_space<semaphore_mem>>)
    %dma_start3A_113 = arith.constant 7 : i32
    %dma_start3A_114 = arith.constant 384 : i32
    %dma_start3A_115 = arith.constant 0 : i32
    %dma_start3A_116 = tpu.memref_slice %arg6[%dma_start3A_114, %dma_start3A_115] : memref<512x128xf32, #tpu.memory_space<vmem>> -> memref<128x128xf32, #tpu.memory_space<vmem>>
    %dma_start3A_117 = arith.constant 0 : i32
    %dma_start3A_118 = tpu.memref_slice %arg5[%dma_start3A_113, %dma_start3A_117] : memref<8x128xi32, #tpu.memory_space<vmem>> -> memref<1x128xi32, #tpu.memory_space<vmem>>
    %dma_start3A_119 = tpu.memref_squeeze %dma_start3A_118 : memref<1x128xi32, #tpu.memory_space<vmem>> -> memref<128xi32, #tpu.memory_space<vmem>>
    %dma_start3A_120 = arith.constant 0 : i32
    %dma_start3A_121 = arith.constant 0 : i32
    %dma_start3A_122 = tpu.memref_slice %arg2[%dma_start3A_120, %dma_start3A_121] : memref<1024x128xf32, #tpu.memory_space<hbm>> -> memref<1024x128xf32, #tpu.memory_space<hbm>>
    tpu.enqueue_indirect_dma source(%dma_start3A_122 : memref<1024x128xf32, #tpu.memory_space<hbm>>) target(%dma_start3A_116 : memref<128x128xf32, #tpu.memory_space<vmem>>) offsets(%dma_start3A_119 : memref<128xi32, #tpu.memory_space<vmem>>) semaphore(%arg7 : memref<!tpu.dma_semaphore, #tpu.memory_space<semaphore_mem>>)
    %dma_wait3A_123 = arith.constant 4 : i32
    %dma_wait3A_124 = arith.constant 0 : i32
    %dma_wait3A_125 = arith.constant 0 : i32
    %dma_wait3A_126 = tpu.memref_slice %arg6[%dma_wait3A_124, %dma_wait3A_125] : memref<512x128xf32, #tpu.memory_space<vmem>> -> memref<128x128xf32, #tpu.memory_space<vmem>>
    %dma_wait3A_127 = arith.constant 0 : i32
    %dma_wait3A_128 = tpu.memref_slice %arg5[%dma_wait3A_123, %dma_wait3A_127] : memref<8x128xi32, #tpu.memory_space<vmem>> -> memref<1x128xi32, #tpu.memory_space<vmem>>
    %dma_wait3A_129 = tpu.memref_squeeze %dma_wait3A_128 : memref<1x128xi32, #tpu.memory_space<vmem>> -> memref<128xi32, #tpu.memory_space<vmem>>
    %dma_wait3A_130 = arith.constant 0 : i32
    %dma_wait3A_131 = arith.constant 0 : i32
    %dma_wait3A_132 = tpu.memref_slice %arg2[%dma_wait3A_130, %dma_wait3A_131] : memref<1024x128xf32, #tpu.memory_space<hbm>> -> memref<1024x128xf32, #tpu.memory_space<hbm>>
    tpu.wait_indirect_dma semaphore(%arg7 : memref<!tpu.dma_semaphore, #tpu.memory_space<semaphore_mem>>) src(%dma_wait3A_132 : memref<1024x128xf32, #tpu.memory_space<hbm>>) dst(%dma_wait3A_126 : memref<128x128xf32, #tpu.memory_space<vmem>>)
    %dma_wait3A_133 = arith.constant 5 : i32
    %dma_wait3A_134 = arith.constant 128 : i32
    %dma_wait3A_135 = arith.constant 0 : i32
    %dma_wait3A_136 = tpu.memref_slice %arg6[%dma_wait3A_134, %dma_wait3A_135] : memref<512x128xf32, #tpu.memory_space<vmem>> -> memref<128x128xf32, #tpu.memory_space<vmem>>
    %dma_wait3A_137 = arith.constant 0 : i32
    %dma_wait3A_138 = tpu.memref_slice %arg5[%dma_wait3A_133, %dma_wait3A_137] : memref<8x128xi32, #tpu.memory_space<vmem>> -> memref<1x128xi32, #tpu.memory_space<vmem>>
    %dma_wait3A_139 = tpu.memref_squeeze %dma_wait3A_138 : memref<1x128xi32, #tpu.memory_space<vmem>> -> memref<128xi32, #tpu.memory_space<vmem>>
    %dma_wait3A_140 = arith.constant 0 : i32
    %dma_wait3A_141 = arith.constant 0 : i32
    %dma_wait3A_142 = tpu.memref_slice %arg2[%dma_wait3A_140, %dma_wait3A_141] : memref<1024x128xf32, #tpu.memory_space<hbm>> -> memref<1024x128xf32, #tpu.memory_space<hbm>>
    tpu.wait_indirect_dma semaphore(%arg7 : memref<!tpu.dma_semaphore, #tpu.memory_space<semaphore_mem>>) src(%dma_wait3A_142 : memref<1024x128xf32, #tpu.memory_space<hbm>>) dst(%dma_wait3A_136 : memref<128x128xf32, #tpu.memory_space<vmem>>)
    %dma_wait3A_143 = arith.constant 6 : i32
    %dma_wait3A_144 = arith.constant 256 : i32
    %dma_wait3A_145 = arith.constant 0 : i32
    %dma_wait3A_146 = tpu.memref_slice %arg6[%dma_wait3A_144, %dma_wait3A_145] : memref<512x128xf32, #tpu.memory_space<vmem>> -> memref<128x128xf32, #tpu.memory_space<vmem>>
    %dma_wait3A_147 = arith.constant 0 : i32
    %dma_wait3A_148 = tpu.memref_slice %arg5[%dma_wait3A_143, %dma_wait3A_147] : memref<8x128xi32, #tpu.memory_space<vmem>> -> memref<1x128xi32, #tpu.memory_space<vmem>>
    %dma_wait3A_149 = tpu.memref_squeeze %dma_wait3A_148 : memref<1x128xi32, #tpu.memory_space<vmem>> -> memref<128xi32, #tpu.memory_space<vmem>>
    %dma_wait3A_150 = arith.constant 0 : i32
    %dma_wait3A_151 = arith.constant 0 : i32
    %dma_wait3A_152 = tpu.memref_slice %arg2[%dma_wait3A_150, %dma_wait3A_151] : memref<1024x128xf32, #tpu.memory_space<hbm>> -> memref<1024x128xf32, #tpu.memory_space<hbm>>
    tpu.wait_indirect_dma semaphore(%arg7 : memref<!tpu.dma_semaphore, #tpu.memory_space<semaphore_mem>>) src(%dma_wait3A_152 : memref<1024x128xf32, #tpu.memory_space<hbm>>) dst(%dma_wait3A_146 : memref<128x128xf32, #tpu.memory_space<vmem>>)
    %dma_wait3A_153 = arith.constant 7 : i32
    %dma_wait3A_154 = arith.constant 384 : i32
    %dma_wait3A_155 = arith.constant 0 : i32
    %dma_wait3A_156 = tpu.memref_slice %arg6[%dma_wait3A_154, %dma_wait3A_155] : memref<512x128xf32, #tpu.memory_space<vmem>> -> memref<128x128xf32, #tpu.memory_space<vmem>>
    %dma_wait3A_157 = arith.constant 0 : i32
    %dma_wait3A_158 = tpu.memref_slice %arg5[%dma_wait3A_153, %dma_wait3A_157] : memref<8x128xi32, #tpu.memory_space<vmem>> -> memref<1x128xi32, #tpu.memory_space<vmem>>
    %dma_wait3A_159 = tpu.memref_squeeze %dma_wait3A_158 : memref<1x128xi32, #tpu.memory_space<vmem>> -> memref<128xi32, #tpu.memory_space<vmem>>
    %dma_wait3A_160 = arith.constant 0 : i32
    %dma_wait3A_161 = arith.constant 0 : i32
    %dma_wait3A_162 = tpu.memref_slice %arg2[%dma_wait3A_160, %dma_wait3A_161] : memref<1024x128xf32, #tpu.memory_space<hbm>> -> memref<1024x128xf32, #tpu.memory_space<hbm>>
    tpu.wait_indirect_dma semaphore(%arg7 : memref<!tpu.dma_semaphore, #tpu.memory_space<semaphore_mem>>) src(%dma_wait3A_162 : memref<1024x128xf32, #tpu.memory_space<hbm>>) dst(%dma_wait3A_156 : memref<128x128xf32, #tpu.memory_space<vmem>>)
    %add3A_163 = arith.constant 512 : i32
    %add3A_164 = arith.addi %mul3A_2, %add3A_163 : i32
    "tpu.region"() ({
      %run_scoped3A = tpu.sem_alloc : memref<!tpu.dma_semaphore, #tpu.memory_space<semaphore_mem>>
      %dma_start3A_165 = arith.constant 0 : i32
      %dma_start3A_166 = tpu.memref_slice %arg4[%add3A_164, %dma_start3A_165] : memref<32768x128xf32, #tpu.memory_space<hbm>> -> memref<512x128xf32, #tpu.memory_space<hbm>>
      %dma_start3A_167 = arith.constant 0 : i32
      %dma_start3A_168 = tpu.memref_slice %arg4[%add3A_164, %dma_start3A_167] : memref<32768x128xf32, #tpu.memory_space<hbm>> -> memref<512x128xf32, #tpu.memory_space<hbm>>
      tpu.enqueue_dma source(%arg6 : memref<512x128xf32, #tpu.memory_space<vmem>>) target(%dma_start3A_168 : memref<512x128xf32, #tpu.memory_space<hbm>>) target_semaphore(%run_scoped3A : memref<!tpu.dma_semaphore, #tpu.memory_space<semaphore_mem>>)
      %dma_wait3A_169 = arith.constant 0 : i32
      %dma_wait3A_170 = tpu.memref_slice %arg4[%add3A_164, %dma_wait3A_169] : memref<32768x128xf32, #tpu.memory_space<hbm>> -> memref<512x128xf32, #tpu.memory_space<hbm>>
      %dma_wait3A_171 = arith.constant 0 : i32
      %dma_wait3A_172 = tpu.memref_slice %arg4[%add3A_164, %dma_wait3A_171] : memref<32768x128xf32, #tpu.memory_space<hbm>> -> memref<512x128xf32, #tpu.memory_space<hbm>>
      tpu.wait_dma2 semaphore(%run_scoped3A : memref<!tpu.dma_semaphore, #tpu.memory_space<semaphore_mem>>) src(%arg6 : memref<512x128xf32, #tpu.memory_space<vmem>>) dst(%dma_wait3A_172 : memref<512x128xf32, #tpu.memory_space<hbm>>)
      tpu.yield
    }) : () -> ()
    return
  }
}

module attributes {stable_mosaic.version = 14 : i64} {
  func.func @_stage_body(%arg0: i32, %arg1: memref<1024x32xf32, #tpu.memory_space<vmem>>, %arg2: memref<1024x128xf32, #tpu.memory_space<vmem>>, %arg3: memref<32x1024xbf16, #tpu.memory_space<vmem>>, %arg4: memref<1x1024xf32, #tpu.memory_space<vmem>>, %arg5: memref<1024x32xf32, #tpu.memory_space<vmem>>, %arg6: memref<1024x1xi32, #tpu.memory_space<vmem>>, %arg7: memref<1024x32xf32, #tpu.memory_space<vmem>>, %arg8: memref<1x1xf32, #tpu.memory_space<vmem>>) attributes {dimension_semantics = [#tpu.dimension_semantics<arbitrary>], iteration_bounds = array<i64: 32>, scalar_prefetch = 0 : i64, scratch_operands = 0 : i64, tpu.core_type = #tpu.core_type<tc>, window_params = [{transform_indices = @transform_0, window_bounds = array<i64: 1024, 32>}, {transform_indices = @transform_1, window_bounds = array<i64: 1024, 128>}, {pipeline_mode = #tpu.pipeline_mode<synchronous>, transform_indices = @transform_2, window_bounds = array<i64: 32, 1024>}, {pipeline_mode = #tpu.pipeline_mode<synchronous>, transform_indices = @transform_3, window_bounds = array<i64: 1, 1024>}, {transform_indices = @transform_4, window_bounds = array<i64: 1024, 32>}, {transform_indices = @transform_5, window_bounds = array<i64: 1024, 1>}, {transform_indices = @transform_6, window_bounds = array<i64: 1024, 32>}, {pipeline_mode = #tpu.pipeline_mode<synchronous>, transform_indices = @transform_7, window_bounds = array<i64: 1, 1>}]} {
    %get3A = arith.constant 0 : index
    %get3A_0 = arith.constant 0 : index
    %get3A_1 = vector.load %arg1[%get3A, %get3A_0] : memref<1024x32xf32, #tpu.memory_space<vmem>>, vector<1024x32xf32>
    %get3A_2 = arith.constant 0 : index
    %get3A_3 = arith.constant 0 : index
    %get3A_4 = vector.load %arg2[%get3A_2, %get3A_3] : memref<1024x128xf32, #tpu.memory_space<vmem>>, vector<1024x32xf32>
    %sub3A = arith.subf %get3A_1, %get3A_4 : vector<1024x32xf32>
    %sub3A_5 = arith.subf %get3A_4, %get3A_1 : vector<1024x32xf32>
    %add3A = arith.addf %get3A_1, %sub3A_5 : vector<1024x32xf32>
    %swap3A = arith.constant 0 : index
    %swap3A_6 = arith.constant 0 : index
    %swap3A_7 = vector.load %arg7[%swap3A, %swap3A_6] : memref<1024x32xf32, #tpu.memory_space<vmem>>, vector<1024x32xf32>
    tpu.vector_store %arg7[%swap3A, %swap3A_6], %add3A {strides = array<i32>} : memref<1024x32xf32, #tpu.memory_space<vmem>>, vector<1024x32xf32>,
    %convert_element_type3A = arith.truncf %sub3A : vector<1024x32xf32> to vector<1024x32xbf16>
    %get3A_8 = arith.constant 0 : index
    %get3A_9 = arith.constant 0 : index
    %get3A_10 = vector.load %arg3[%get3A_8, %get3A_9] : memref<32x1024xbf16, #tpu.memory_space<vmem>>, vector<32x1024xbf16>
    %dot_general3A = arith.constant dense<0.000000e+00> : vector<1024x1024xf32>
    %dot_general3A_11 = tpu.matmul %convert_element_type3A, %get3A_10, %dot_general3A {dimension_numbers = #tpu.dot_dimension_numbers<[1], [0], [0], [1], [0, 0, 1, 1], [], []>, transpose_lhs_hint = false} : vector<1024x32xbf16>, vector<32x1024xbf16>, vector<1024x1024xf32> -> vector<1024x1024xf32>
    %mul3A = arith.mulf %sub3A, %sub3A : vector<1024x32xf32>
    %reduce_sum3A = arith.constant dense<0.000000e+00> : vector<1024xf32>
    %reduce_sum3A_12 = vector.multi_reduction <add>, %mul3A, %reduce_sum3A [1] : vector<1024x32xf32> to vector<1024xf32>
    %broadcast_in_dim3A = vector.shape_cast %reduce_sum3A_12 : vector<1024xf32> to vector<1024x1xf32>
    %get3A_13 = arith.constant 0 : index
    %get3A_14 = arith.constant 0 : index
    %get3A_15 = vector.load %arg4[%get3A_13, %get3A_14] : memref<1x1024xf32, #tpu.memory_space<vmem>>, vector<1x1024xf32>
    %add3A_16 = vector.broadcast %broadcast_in_dim3A : vector<1024x1xf32> to vector<1024x1024xf32>
    %add3A_17 = vector.broadcast %get3A_15 : vector<1x1024xf32> to vector<1024x1024xf32>
    %add3A_18 = arith.addf %add3A_16, %add3A_17 : vector<1024x1024xf32>
    %sub3A_19 = arith.subf %add3A_18, %dot_general3A_11 : vector<1024x1024xf32>
    %argmin3A = tpu.reduce_index %sub3A_19 {axis = 1 : i32, kind = #tpu.reduction_kind<arg_min>} : vector<1024x1024xf32> -> vector<1024xi32>
    %broadcast_in_dim3A_20 = vector.shape_cast %argmin3A : vector<1024xi32> to vector<1024x1xi32>
    %swap3A_21 = arith.constant 0 : index
    %swap3A_22 = arith.constant 0 : index
    %swap3A_23 = vector.load %arg6[%swap3A_21, %swap3A_22] : memref<1024x1xi32, #tpu.memory_space<vmem>>, vector<1024x1xi32>
    tpu.vector_store %arg6[%swap3A_21, %swap3A_22], %broadcast_in_dim3A_20 {strides = array<i32>} : memref<1024x1xi32, #tpu.memory_space<vmem>>, vector<1024x1xi32>,
    %swap3A_24 = arith.constant 0 : index
    %swap3A_25 = arith.constant 0 : index
    %swap3A_26 = vector.load %arg5[%swap3A_24, %swap3A_25] : memref<1024x32xf32, #tpu.memory_space<vmem>>, vector<1024x32xf32>
    tpu.vector_store %arg5[%swap3A_24, %swap3A_25], %sub3A {strides = array<i32>} : memref<1024x32xf32, #tpu.memory_space<vmem>>, vector<1024x32xf32>,
    %eq3A = arith.constant 0 : i32
    %eq3A_27 = arith.cmpi eq, %arg0, %eq3A : i32
    %convert_element_type3A_28 = arith.extui %eq3A_27 : i1 to i32
    %cond3A = arith.constant 0 : i32
    %cond3A_29 = arith.cmpi ne, %convert_element_type3A_28, %cond3A : i32
    scf.if %cond3A_29 {
      %broadcast_in_dim3A_43 = arith.constant 0.000000e+00 : f32
      %broadcast_in_dim3A_44 = vector.broadcast %broadcast_in_dim3A_43 : f32 to vector<1x1xf32>
      %swap3A_45 = arith.constant 0 : index
      %swap3A_46 = arith.constant 0 : index
      %swap3A_47 = vector.load %arg8[%swap3A_45, %swap3A_46] : memref<1x1xf32, #tpu.memory_space<vmem>>, vector<1x1xf32>
      tpu.vector_store %arg8[%swap3A_45, %swap3A_46], %broadcast_in_dim3A_44 {strides = array<i32>} : memref<1x1xf32, #tpu.memory_space<vmem>>, vector<1x1xf32>,
    } else {
    }
    %get3A_30 = arith.constant 0 : index
    %get3A_31 = arith.constant 0 : index
    %get3A_32 = vector.load %arg8[%get3A_30, %get3A_31] : memref<1x1xf32, #tpu.memory_space<vmem>>, vector<1x1xf32>
    %mul3A_33 = arith.mulf %sub3A, %sub3A : vector<1024x32xf32>
    %reduce_sum3A_34 = vector.shape_cast %mul3A_33 : vector<1024x32xf32> to vector<1x1024x32xf32>
    %reduce_sum3A_35 = arith.constant dense<0.000000e+00> : vector<1xf32>
    %reduce_sum3A_36 = vector.multi_reduction <add>, %reduce_sum3A_34, %reduce_sum3A_35 [1, 2] : vector<1x1024x32xf32> to vector<1xf32>
    %reduce_sum3A_37 = vector.shape_cast %reduce_sum3A_36 : vector<1xf32> to vector<1x1x1xf32>
    %reduce_sum3A_38 = vector.extract %reduce_sum3A_37[0, 0, 0] : f32 from vector<1x1x1xf32>
    %reshape3A = vector.broadcast %reduce_sum3A_38 : f32 to vector<1x1xf32>
    %add3A_39 = arith.addf %get3A_32, %reshape3A : vector<1x1xf32>
    %swap3A_40 = arith.constant 0 : index
    %swap3A_41 = arith.constant 0 : index
    %swap3A_42 = vector.load %arg8[%swap3A_40, %swap3A_41] : memref<1x1xf32, #tpu.memory_space<vmem>>, vector<1x1xf32>
    tpu.vector_store %arg8[%swap3A_40, %swap3A_41], %add3A_39 {strides = array<i32>} : memref<1x1xf32, #tpu.memory_space<vmem>>, vector<1x1xf32>,
    return
  }
  func.func @transform_0(%arg0: i32) -> (i32, i32) {
    %c0_i32 = arith.constant 0 : i32
    %c0_i32_0 = arith.constant 0 : i32
    return %arg0, %c0_i32 : i32, i32
  }
  func.func @transform_1(%arg0: i32) -> (i32, i32) {
    %c0_i32 = arith.constant 0 : i32
    %c0_i32_0 = arith.constant 0 : i32
    return %arg0, %c0_i32 : i32, i32
  }
  func.func @transform_2(%arg0: i32) -> (i32, i32) {
    %c0_i32 = arith.constant 0 : i32
    %c0_i32_0 = arith.constant 0 : i32
    %c0_i32_1 = arith.constant 0 : i32
    return %c0_i32, %c0_i32_0 : i32, i32
  }
  func.func @transform_3(%arg0: i32) -> (i32, i32) {
    %c0_i32 = arith.constant 0 : i32
    %c0_i32_0 = arith.constant 0 : i32
    %c0_i32_1 = arith.constant 0 : i32
    return %c0_i32, %c0_i32_0 : i32, i32
  }
  func.func @transform_4(%arg0: i32) -> (i32, i32) {
    %c0_i32 = arith.constant 0 : i32
    %c0_i32_0 = arith.constant 0 : i32
    return %arg0, %c0_i32 : i32, i32
  }
  func.func @transform_5(%arg0: i32) -> (i32, i32) {
    %c0_i32 = arith.constant 0 : i32
    %c0_i32_0 = arith.constant 0 : i32
    return %arg0, %c0_i32 : i32, i32
  }
  func.func @transform_6(%arg0: i32) -> (i32, i32) {
    %c0_i32 = arith.constant 0 : i32
    %c0_i32_0 = arith.constant 0 : i32
    return %arg0, %c0_i32 : i32, i32
  }
  func.func @transform_7(%arg0: i32) -> (i32, i32) {
    %c0_i32 = arith.constant 0 : i32
    %c0_i32_0 = arith.constant 0 : i32
    %c0_i32_1 = arith.constant 0 : i32
    return %c0_i32, %c0_i32_0 : i32, i32
  }
}

module attributes {stable_mosaic.version = 14 : i64} {
  func.func @_finish_body(%arg0: i32, %arg1: memref<1024x32xf32, #tpu.memory_space<vmem>>, %arg2: memref<1024x128xf32, #tpu.memory_space<vmem>>, %arg3: memref<1024x32xf32, #tpu.memory_space<vmem>>, %arg4: memref<1x1xf32, #tpu.memory_space<vmem>>) attributes {dimension_semantics = [#tpu.dimension_semantics<arbitrary>], iteration_bounds = array<i64: 32>, scalar_prefetch = 0 : i64, scratch_operands = 0 : i64, tpu.core_type = #tpu.core_type<tc>, window_params = [{transform_indices = @transform_0, window_bounds = array<i64: 1024, 32>}, {transform_indices = @transform_1, window_bounds = array<i64: 1024, 128>}, {transform_indices = @transform_2, window_bounds = array<i64: 1024, 32>}, {pipeline_mode = #tpu.pipeline_mode<synchronous>, transform_indices = @transform_3, window_bounds = array<i64: 1, 1>}]} {
    %get3A = arith.constant 0 : index
    %get3A_0 = arith.constant 0 : index
    %get3A_1 = vector.load %arg1[%get3A, %get3A_0] : memref<1024x32xf32, #tpu.memory_space<vmem>>, vector<1024x32xf32>
    %get3A_2 = arith.constant 0 : index
    %get3A_3 = arith.constant 0 : index
    %get3A_4 = vector.load %arg2[%get3A_2, %get3A_3] : memref<1024x128xf32, #tpu.memory_space<vmem>>, vector<1024x32xf32>
    %sub3A = arith.subf %get3A_1, %get3A_4 : vector<1024x32xf32>
    %sub3A_5 = arith.subf %get3A_4, %get3A_1 : vector<1024x32xf32>
    %add3A = arith.addf %get3A_1, %sub3A_5 : vector<1024x32xf32>
    %swap3A = arith.constant 0 : index
    %swap3A_6 = arith.constant 0 : index
    %swap3A_7 = vector.load %arg3[%swap3A, %swap3A_6] : memref<1024x32xf32, #tpu.memory_space<vmem>>, vector<1024x32xf32>
    tpu.vector_store %arg3[%swap3A, %swap3A_6], %add3A {strides = array<i32>} : memref<1024x32xf32, #tpu.memory_space<vmem>>, vector<1024x32xf32>,
    %eq3A = arith.constant 0 : i32
    %eq3A_8 = arith.cmpi eq, %arg0, %eq3A : i32
    %convert_element_type3A = arith.extui %eq3A_8 : i1 to i32
    %cond3A = arith.constant 0 : i32
    %cond3A_9 = arith.cmpi ne, %convert_element_type3A, %cond3A : i32
    scf.if %cond3A_9 {
      %broadcast_in_dim3A = arith.constant 0.000000e+00 : f32
      %broadcast_in_dim3A_21 = vector.broadcast %broadcast_in_dim3A : f32 to vector<1x1xf32>
      %swap3A_22 = arith.constant 0 : index
      %swap3A_23 = arith.constant 0 : index
      %swap3A_24 = vector.load %arg4[%swap3A_22, %swap3A_23] : memref<1x1xf32, #tpu.memory_space<vmem>>, vector<1x1xf32>
      tpu.vector_store %arg4[%swap3A_22, %swap3A_23], %broadcast_in_dim3A_21 {strides = array<i32>} : memref<1x1xf32, #tpu.memory_space<vmem>>, vector<1x1xf32>,
    } else {
    }
    %get3A_10 = arith.constant 0 : index
    %get3A_11 = arith.constant 0 : index
    %get3A_12 = vector.load %arg4[%get3A_10, %get3A_11] : memref<1x1xf32, #tpu.memory_space<vmem>>, vector<1x1xf32>
    %mul3A = arith.mulf %sub3A, %sub3A : vector<1024x32xf32>
    %reduce_sum3A = vector.shape_cast %mul3A : vector<1024x32xf32> to vector<1x1024x32xf32>
    %reduce_sum3A_13 = arith.constant dense<0.000000e+00> : vector<1xf32>
    %reduce_sum3A_14 = vector.multi_reduction <add>, %reduce_sum3A, %reduce_sum3A_13 [1, 2] : vector<1x1024x32xf32> to vector<1xf32>
    %reduce_sum3A_15 = vector.shape_cast %reduce_sum3A_14 : vector<1xf32> to vector<1x1x1xf32>
    %reduce_sum3A_16 = vector.extract %reduce_sum3A_15[0, 0, 0] : f32 from vector<1x1x1xf32>
    %reshape3A = vector.broadcast %reduce_sum3A_16 : f32 to vector<1x1xf32>
    %add3A_17 = arith.addf %get3A_12, %reshape3A : vector<1x1xf32>
    %swap3A_18 = arith.constant 0 : index
    %swap3A_19 = arith.constant 0 : index
    %swap3A_20 = vector.load %arg4[%swap3A_18, %swap3A_19] : memref<1x1xf32, #tpu.memory_space<vmem>>, vector<1x1xf32>
    tpu.vector_store %arg4[%swap3A_18, %swap3A_19], %add3A_17 {strides = array<i32>} : memref<1x1xf32, #tpu.memory_space<vmem>>, vector<1x1xf32>,
    return
  }
  func.func @transform_0(%arg0: i32) -> (i32, i32) {
    %c0_i32 = arith.constant 0 : i32
    %c0_i32_0 = arith.constant 0 : i32
    return %arg0, %c0_i32 : i32, i32
  }
  func.func @transform_1(%arg0: i32) -> (i32, i32) {
    %c0_i32 = arith.constant 0 : i32
    %c0_i32_0 = arith.constant 0 : i32
    return %arg0, %c0_i32 : i32, i32
  }
  func.func @transform_2(%arg0: i32) -> (i32, i32) {
    %c0_i32 = arith.constant 0 : i32
    %c0_i32_0 = arith.constant 0 : i32
    return %arg0, %c0_i32 : i32, i32
  }
  func.func @transform_3(%arg0: i32) -> (i32, i32) {
    %c0_i32 = arith.constant 0 : i32
    %c0_i32_0 = arith.constant 0 : i32
    %c0_i32_1 = arith.constant 0 : i32
    return %c0_i32, %c0_i32_0 : i32, i32
  }
}

</mosaic_0001>

<sc_bundles>
// kernel: kernel.19.cloned.1.call-start
scs
__scs_entry_jumppad:
0x0: {  	(pc) =	sbr.rel $0x88, $3  }
0x1: {  	(tag) =	ssettag $0x0;
	lr =	simm.s32 $0x1  }
0x2: {  	[smem:$0x3F9F] =	sst lr;
	_ =	strace $0xD0000000  }
0x3: {  	_ = 	snop  }
0x4: {  	_ = 	snop  }
0x5: {  	_ = 	snop  }
0x6: {  	_ = 	snop  }
0x7: {  	_ = 	snop  }
__scs_overlays_trampoline_lowered:
0x8: {  	[smem:$0x3FAE] =	sst s0  }
0x9: {  	[smem:$0x3FAF] =	sst s1  }
0xa: {  	[smem:$0x3FB0] =	sst s2  }
0xb: {  	[smem:$0x3FB1] =	sst s3  }
0xc: {  	[smem:$0x3FB2] =	sst s4  }
0xd: {  	[smem:$0x3FB3] =	sst s5  }
0xe: {  	[smem:$0x3FB4] =	sst s6  }
0xf: {  	[smem:$0x3FB5] =	sst s7  }
0x10: {  	[smem:$0x3FB6] =	sst s8  }
0x11: {  	[smem:$0x3FB7] =	sst s9;
	s0 =	simm.s32 @!p0 $0x0  }
0x12: {  	s1 =	sld [smem:$0x3F9D];
	s0 =	simm.s32 @p0 $0x1  }
0x13: {  	[smem:$0x3FB8] =	sst s0;
	s0 =	simm.s32 @!p1 $0x0  }
0x14: {  	s2 =	sld [smem:$0x3F9C];
	s0 =	simm.s32 @p1 $0x1  }
0x15: {  	[smem:$0x3FB9] =	sst s0;
	s0 =	simm.s32 @!p2 $0x0  }
0x16: {  	s3 =	sld [smem:$0x3FDB];
	s0 =	simm.s32 @p2 $0x1  }
0x17: {  	s4 =	simm.s32 $0x1BF5;
	[smem:$0x3FBB] =	sst s0  }
0x18: {  	s0 =	sld [smem:$0x3F9E];
	_ =	swait.ge [sflag:s4], $0x0  }
0x19: {  	s7 =	sld [smem:$0x3F9F]  }
0x1a: {  	s8 =	sadd.s32 $0xFFFFE003, lr  }
0x1b: {  	s9 =	sadd.s32 $0xFFFFFEF7, lr;
	s5 =	simm.s32 $0xFFFFFFFF;
	p2 =	slt.u32 s8, $0xFFFFF086  }
0x1c: {  	p1 =	slt.u32 s9, $0xF7A;
	s5 =	simm.s32 @!p2 $0x0  }
0x1d: {  	s5 =	simm.s32 @p1 $0x1;
	p0 =	seq.s32 s7, s2  }
0x1e: {  	s7 =	smul.u32 @!p0 $0xF7A, s2;
	p2 =	seq.s32 @!p0 s5, $0x0  }
0x1f: {  	s9 =	smul.u32 $0xF7A, s1;
	s8 =	simm.s32 @!p0 $0x1BF5;
	p2 =	por !p2, p0  }
0x20: {  	[sflag:s8] =	ssyncset.s32 @!p0 $0xFFFFF086;
	s6 =	sadd.s32 @!p0 s3, s7;
	s7 =	simm.s32 @!p0 $0x108  }
0x21: {  	s3 =	sadd.s32 s3, s9;
	s6 =	sadd.s32 @!p0 $0x88, s6;
	s7 =	simm.s32 @p2 $0x1082  }
0x22: {  	[simem:s7], [sflag:s8] =	dma.local @!p0 [hbm:s6], $0xF7A  }
0x23: {  	s9 =	sor.u32 $0xD0000000, s2;
	s6 =	simm.s32 $0x108;
	_ =	swait.ge @!p0 [sflag:s8], $0x0  }
0x24: {  	s3 =	sadd.s32 $0x88, s3;
	s6 =	simm.s32 @!p1 $0x1082;
	[sflag:s4] =	ssyncset.s32 $0xFFFFF086  }
0x25: {  	[simem:s6], [sflag:s4] =	dma.local [hbm:s3], $0xF7A  }
0x26: {  	[smem:$0x3F9F] =	sst s1;
	(tag) =	ssettag s2;
	_ =	strace s9  }
0x27: {  	s1 =	sld [smem:$0x3FAF]  }
0x28: {  	s2 =	sld [smem:$0x3FB0]  }
0x29: {  	s4 =	sld [smem:$0x3FB2]  }
0x2a: {  	p0 =	seq.s32 s5, $0x0;
	s5 =	sld [smem:$0x3FB3]  }
0x2b: {  	s6 =	sld [smem:$0x3FB4]  }
0x2c: {  	s7 =	sld [smem:$0x3FB5]  }
0x2d: {  	s3 =	simm.s32 $0x108;
	s8 =	sld [smem:$0x3FB6]  }
0x2e: {  	s3 =	simm.s32 @!p0 $0x1082;
	s9 =	sld [smem:$0x3FB7]  }
0x2f: {  	lr =	sadd.s32 s0, s3;
	s0 =	sld [smem:$0x3FAE]  }
0x30: {  	s3 =	sld [smem:$0x3FB1]  }
0x31: {  	[smem:$0x3FBA] =	sst s10  }
0x32: {  	s10 =	sld [smem:$0x3FB8];
	_ =	sdelay $0x3  }
0x33: {  	p0 =	seq.s32 s10, $0x1;
	s10 =	sld [smem:$0x3FBA];
	_ =	sdelay $0x3  }
0x34: {  	[smem:$0x3FBA] =	sst s10  }
0x35: {  	s10 =	sld [smem:$0x3FB9];
	_ =	sdelay $0x3  }
0x36: {  	p1 =	seq.s32 s10, $0x1;
	s10 =	sld [smem:$0x3FBA];
	_ =	sdelay $0x3  }
0x37: {  	[smem:$0x3FBA] =	sst s10  }
0x38: {  	s10 =	sld [smem:$0x3FBB]  }
0x39: {  	_ = 	snop;
	(pc) =	sbr.ind lr, $3  }
0x3a: {  	_ = 	snop  }
0x3b: {  	_ = 	snop  }
0x3c: {  	p2 =	seq.s32 s10, $0x1;
	s10 =	sld [smem:$0x3FBA]  }
0x3d: {  	_ =	shalt  }
0x3e: {  	_ =	shalt  }
0x3f: {  	_ =	shalt  }
0x40: {  	_ =	shalt  }
0x41: {  	_ =	shalt  }
0x42: {  	_ =	shalt  }
0x43: {  	_ =	shalt  }
0x44: {  	_ =	shalt  }
0x45: {  	_ =	shalt  }
0x46: {  	_ =	shalt  }
0x47: {  	_ =	shalt  }
0x48: {  	_ =	shalt  }
0x49: {  	_ =	shalt  }
0x4a: {  	_ =	shalt  }
0x4b: {  	_ =	shalt  }
0x4c: {  	_ =	shalt  }
0x4d: {  	_ =	shalt  }
0x4e: {  	_ =	shalt  }
0x4f: {  	_ =	shalt  }
0x50: {  	_ =	shalt  }
0x51: {  	_ =	shalt  }
0x52: {  	_ =	shalt  }
0x53: {  	_ =	shalt  }
0x54: {  	_ =	shalt  }
0x55: {  	_ =	shalt  }
0x56: {  	_ =	shalt  }
0x57: {  	_ =	shalt  }
0x58: {  	_ =	shalt  }
0x59: {  	_ =	shalt  }
0x5a: {  	_ =	shalt  }
0x5b: {  	_ =	shalt  }
0x5c: {  	_ =	shalt  }
0x5d: {  	_ =	shalt  }
0x5e: {  	_ =	shalt  }
0x5f: {  	_ =	shalt  }
0x60: {  	_ =	shalt  }
0x61: {  	_ =	shalt  }
0x62: {  	_ =	shalt  }
0x63: {  	_ =	shalt  }
0x64: {  	_ =	shalt  }
0x65: {  	_ =	shalt  }
0x66: {  	_ =	shalt  }
0x67: {  	_ =	shalt  }
0x68: {  	_ =	shalt  }
0x69: {  	_ =	shalt  }
0x6a: {  	_ =	shalt  }
0x6b: {  	_ =	shalt  }
0x6c: {  	_ =	shalt  }
0x6d: {  	_ =	shalt  }
0x6e: {  	_ =	shalt  }
0x6f: {  	_ =	shalt  }
0x70: {  	_ =	shalt  }
0x71: {  	_ =	shalt  }
0x72: {  	_ =	shalt  }
0x73: {  	_ =	shalt  }
0x74: {  	_ =	shalt  }
0x75: {  	_ =	shalt  }
0x76: {  	_ =	shalt  }
0x77: {  	_ =	shalt  }
0x78: {  	_ =	shalt  }
0x79: {  	_ =	shalt  }
0x7a: {  	_ =	shalt  }
0x7b: {  	_ =	shalt  }
0x7c: {  	_ =	shalt  }
0x7d: {  	_ =	shalt  }
0x7e: {  	_ =	shalt  }
0x7f: {  	_ =	shalt  }
0x80: {  	_ =	shalt  }
0x81: {  	_ =	shalt  }
0x82: {  	_ =	shalt  }
0x83: {  	_ =	shalt  }
0x84: {  	_ =	shalt  }
0x85: {  	_ =	shalt  }
0x86: {  	_ =	shalt  }
0x87: {  	_ =	shalt  }
.Lfunc_end0:
.L_simem_size_0:
called_computation_lowered:
.L_overlay_start_0:
0x88: {  	s2 =	sld [smem:$0x3FD9]  }
0x89: {  	s3 =	sld [smem:$0x3FFE];
	_ =	sdelay $0x1  }
0x8a: {  	s1 =	srdreg.scid  }
0x8b: {  	s0 =	sand.u32 $0x1, s1  }
0x8c: {  	s16 =	sshll.u32 s0, $0xA;
	s2 =	sadd.s32 s3, s2  }
0x8d: {  	s2 =	sadd.s32 s2, s16  }
0x8e: {  	[smem:$0x3FC6] =	sst s2  }
0x8f: {  	_ = 	snop  }
0x90: {  	(tm) =	ssettm $0x1  }
0x91: {  	s17 =	sld [smem:$0x3FFB];
	_ =	sdelay $0x3  }
0x92: {  	_ =	strace s17  }
0x93: {  	s2 =	sld [smem:$0x3FFC];
	_ =	sdelay $0x3  }
0x94: {  	_ =	strace s2  }
0x95: {  	s2 =	sld [smem:$0x3FFD];
	_ =	sdelay $0x3  }
0x96: {  	_ =	strace s2  }
0x97: {  	_ =	strace $0x8FFFFFFF  }
0x98: {  	s18 =	sld [smem:$0x3FDB];
	_ =	sdelay $0x1  }
0x99: {  	s19 =	simm.s32 $_scs_section_size  }
0x9a: {  	s4 =	simm.s32 $_size__tile_overlayer_lowered;
	s5 =	simm.s32 $_tile_overlayer_lowered  }
0x9b: {  	s22 =	simm.s32 $0x1BFF;
	s21 =	sshll.u32 s5, $0x1;
	s2 =	sadd.s32 s19, s18  }
0x9c: {  	s6 =	simm.s32 $0x0;
	s20 =	sshll.u32 s4, $0x1;
	s4 =	sadd.s32 s21, s2  }
0x9d: {  	[timem:s6], [sflag:s22] =	dma.local [hbm:s4], s20  }
0x9e: {  	_ =	swait.ge [sflag:s22], s20  }
0x9f: {  	s3 =	ssub.s32 $0x0, s20;
	[sflag:s22] =	ssyncset.done $0x0  }
0xa0: {  	[sflag:s22] =	ssyncadd.s32 s3;
	_ =	sdelay $0x1  }
0xa1: {  	s23 =	simm.s32 $0x1B8B  }
0xa2: {  	_ =	swait.ge [sflag:s23], $0x1  }
0xa3: {  	[sflag:s23] =	ssyncset.done $0x0  }
0xa4: {  	s25 =	simm.s32 $0x1B8E;
	s24 =	sld [smem:$0x3FFE];
	[sflag:s23] =	ssyncadd.s32 $0xFFFFFFFF  }
0xa5: {  	s26 =	simm.s32 $execute0_lowered;
	[smem:$0x3FD2] =	sst s25  }
0xa6: {  	s4 =	sshll.u32 s26, $0x1;
	_ =	strace $0x80000046;
	[dreg:$0x1] =	wrdreg $0xFFFFFFFF  }
0xa7: {  	s28 =	simm.s32 $_size_execute0_lowered;
	s2 =	sadd.s32 s2, s4;
	[dreg:$0x0] =	wrdreg $0x0  }
0xa8: {  	s4 =	sshll.u32 s28, $0x1;
	[dreg:$0x2] =	wrdreg s2  }
0xa9: {  	[dreg:$0x3] =	wrdreg s4  }
0xaa: {  	[dreg:$0x4] =	wrdreg $0xC0  }
0xab: {  	_ =	task [dreg:s6], $0x5FFFF  }
0xac: {  	[dreg:$0x1] =	wrdreg $0xFFFFFFFF  }
0xad: {  	[dreg:$0x0] =	wrdreg $0x60  }
0xae: {  	[dreg:$0x2] =	wrdreg s24  }
0xaf: {  	[dreg:$0x3] =	wrdreg $0x9  }
0xb0: {  	_ =	task.clear_ibuf [dreg:s6], $0x4FFFF;
	_ =	strace $0x90000046  }
0xb1: {  	s29 =	simm.s32 $0x9;
	_ =	strace $0x80000048  }
0xb2: {  	_ =	swait.ge [sflag:s29], $0x1  }
0xb3: {  	[sflag:s29] =	ssyncadd.s32 $0xFFFFFFFF  }
0xb4: {  	_ =	strace $0x90000048  }
0xb5: {  	_ =	sfence  }
0xb6: {  	s30 =	sld [smem:$0x0];
	_ =	sdelay $0x2  }
0xb7: {  	s31 =	sshll.u32 s1, $0xD;
	s1 =	sshrl.u32 s1, $0x2  }
0xb8: {  	s3 =	sand.u32 $0x4000, s31;
	s1 =	sadd.s32 s1, s30  }
0xb9: {  	s0 =	sor.u32 s3, s0;
	s1 =	sshll.u32 s1, $0x11  }
0xba: {  	s0 =	sor.u32 s1, s0  }
0xbb: {  	s0 =	sadd.s32 $0x8F2B, s0  }
0xbc: {  	[sflag:s0] =	ssyncadd.remote.s32 $0x1  }
0xbd: {  	_ =	sfence.sel $0xFFFF  }
0xbe: {  	[dreg:$0x0] =	wrdreg $0xFFFFFFFF;
	(pc) =	sbr.abs _section_cstart, $3  }
0xbf: {  	[dreg:$0x1] =	wrdreg $0xFFFFFFFF  }
0xc0: {  	_ =	task.clear_ibuf [dreg:s6], $0x2FFFF;
	_ =	strace $0x9FFFFFFF  }
0xc1: {  	(tm) =	ssettm $0x7FFFFFFF  }
tec
execute0_lowered:
.L_overlay_start_1:
0x0: {  	(tag) =	ssettag $0x1  }
0x1: {  	s1 =	srdreg.scid  }
0x2: {  	s0 =	stileid.u32;
	s19 =	sand.u32 $0x1, s1  }
0x3: {  	s30 =	sshll.u32 s0, $0xB;
	s2 =	sshll.u32 s19, $0xA  }
0x4: {  	s14 =	rddreg [dreg:$0x0];
	s15 =	sor.u32 s2, s30  }
0x5: {  	s1 =	rddreg [dreg:$0x1];
	s2 =	simm.s32 $0x0;
	s3 =	sshrl.u32 s15, $0x3  }
0x6: {  	[smem:$0x7FF] =	sst s2;
	s3 =	sadd.s32 s3, s14  }
0x7: {  	_ =	strace $0x80000047;
	s4 =	sadd.s32 $0x25A00, s3;
	s3 =	simm.s32 $0x2  }
0x8: {  	[tilespmem:s2], [sflag:$0x2] =	stream.linear.gather [hbm4b:s4+s2], $0x400, $0x38;
	[tilespmem:$0x10400] =	vst v63  }
0x9: {  	_ =	swait.ge [sflag:s3], $0x400  }
0xa: {  	s6 =	simm.s32 $0x80;
	[sflag:s3] =	ssyncset.done $0x0  }
0xb: {  	s7 =	simm.s32 $0x400;
	s5 =	sadd.s32 $0x9A00, s14;
	[sflag:s3] =	ssyncadd.s32 $0xFFFFFC00  }
0xc: {  	[tilespmem:s7], [sflag:$0x1] =	stream.indirect.gather [hbm4b:s5+s6], $0x80, s2, s6, $0xb8;
	[tilespmem:$0x10400] =	vst v63  }
0xd: {  	s8 =	simm.s32 $0x4400  }
0xe: {  	[tilespmem:s8], [sflag:$0x1] =	stream.indirect.gather [hbm4b:s5+s6], $0x80, s6, s6, $0xb8;
	[tilespmem:$0x10400] =	vst v63  }
0xf: {  	s9 =	simm.s32 $0x100;
	s10 =	simm.s32 $0x8400  }
0x10: {  	[tilespmem:s10], [sflag:$0x1] =	stream.indirect.gather [hbm4b:s5+s6], $0x80, s9, s6, $0xb8;
	[tilespmem:$0x10400] =	vst v63  }
0x11: {  	s11 =	simm.s32 $0x180;
	s12 =	simm.s32 $0xC400;
	s13 =	simm.s32 $0x1  }
0x12: {  	[tilespmem:s12], [sflag:$0x1] =	stream.indirect.gather [hbm4b:s5+s6], $0x80, s11, s6, $0xb8;
	[tilespmem:$0x10400] =	vst v63  }
0x13: {  	_ =	swait.ge [sflag:s13], $0x4000  }
0x14: {  	[sflag:s13] =	ssyncset.done $0x0  }
0x15: {  	[sflag:s13] =	ssyncadd.s32 $0xFFFFC000  }
0x16: {  	_ =	swait.ge [sflag:s13], $0x4000  }
0x17: {  	[sflag:s13] =	ssyncset.done $0x0  }
0x18: {  	[sflag:s13] =	ssyncadd.s32 $0xFFFFC000  }
0x19: {  	_ =	swait.ge [sflag:s13], $0x4000  }
0x1a: {  	[sflag:s13] =	ssyncset.done $0x0  }
0x1b: {  	[sflag:s13] =	ssyncadd.s32 $0xFFFFC000  }
0x1c: {  	s15 =	sshll.u32 s15, $0x4;
	_ =	swait.ge [sflag:s13], $0x4000  }
0x1d: {  	s20 =	sadd.s32 s15, s14;
	[sflag:s13] =	ssyncset.done $0x0  }
0x1e: {  	s14 =	sadd.s32 $0x26A00, s20;
	[sflag:s13] =	ssyncadd.s32 $0xFFFFC000  }
0x1f: {  	[hbm4b:s14+s2] =	stream.linear.scatter [tilespmem:s7], [sflag:$0x2], $0x10000, $0x38;
	[tilespmem:$0x10400] =	vst v63  }
0x20: {  	_ =	swait.ge [sflag:s3], $0x10000  }
0x21: {  	[sflag:s3] =	ssyncset.done $0x0  }
0x22: {  	s15 =	simm.s32 $0x200;
	[sflag:s3] =	ssyncadd.s32 $0xFFFF0000  }
0x23: {  	[tilespmem:s7], [sflag:$0x1] =	stream.indirect.gather [hbm4b:s5+s6], $0x80, s15, s6, $0xb8;
	[tilespmem:$0x10400] =	vst v63  }
0x24: {  	s16 =	simm.s32 $0x280  }
0x25: {  	[tilespmem:s8], [sflag:$0x1] =	stream.indirect.gather [hbm4b:s5+s6], $0x80, s16, s6, $0xb8;
	[tilespmem:$0x10400] =	vst v63  }
0x26: {  	s17 =	simm.s32 $0x300  }
0x27: {  	[tilespmem:s10], [sflag:$0x1] =	stream.indirect.gather [hbm4b:s5+s6], $0x80, s17, s6, $0xb8;
	[tilespmem:$0x10400] =	vst v63  }
0x28: {  	s18 =	simm.s32 $0x380  }
0x29: {  	[tilespmem:s12], [sflag:$0x1] =	stream.indirect.gather [hbm4b:s5+s6], $0x80, s18, s6, $0xb8;
	[tilespmem:$0x10400] =	vst v63  }
0x2a: {  	_ =	swait.ge [sflag:s13], $0x4000  }
0x2b: {  	[sflag:s13] =	ssyncset.done $0x0  }
0x2c: {  	[sflag:s13] =	ssyncadd.s32 $0xFFFFC000  }
0x2d: {  	_ =	swait.ge [sflag:s13], $0x4000  }
0x2e: {  	[sflag:s13] =	ssyncset.done $0x0  }
0x2f: {  	s19 =	ssub.s32 $0x2, s19;
	[sflag:s13] =	ssyncadd.s32 $0xFFFFC000  }
0x30: {  	s21 =	sshrl.u32 s19, $0x1;
	_ =	swait.ge [sflag:s13], $0x4000  }
0x31: {  	s21 =	ssub.s32 s19, s21;
	[sflag:s13] =	ssyncset.done $0x0  }
0x32: {  	s31 =	smax.u32 s21, $0x1;
	[sflag:s13] =	ssyncadd.s32 $0xFFFFC000  }
0x33: {  	p0 =	sne.s32 s31, $0x1;
	_ =	swait.ge [sflag:s13], $0x4000  }
.Ltmp0:
0x34: {  	[sflag:s13] =	ssyncset.done $0x0;
	(pc) =	sbr.rel @!p0 .LBB2_2-.Ltmp0, $4  }
0x35: {  	s19 =	sadd.s32 $0x28A00, s20;
	[sflag:s13] =	ssyncadd.s32 $0xFFFFC000  }
0x36: {  	[hbm4b:s19+s2] =	stream.linear.scatter [tilespmem:s7], [sflag:$0x2], $0x10000, $0x38;
	[tilespmem:$0x10400] =	vst v63  }
0x37: {  	_ =	swait.ge [sflag:s3], $0x10000  }
0x38: {  	s20 =	sadd.s32 $0xFFFFFFFF, s31;
	[sflag:s3] =	ssyncset.done $0x0  }
.LBB2_1:
0x39: {  	p0 =	sne.s32 s20, $0x1;
	s20 =	sadd.s32 $0xFFFFFFFF, s20;
	[sflag:s3] =	ssyncadd.s32 $0xFFFF0000  }
0x3a: {  	[tilespmem:s2], [sflag:$0x2] =	stream.linear.gather [hbm4b:s4+s2], $0x400, $0x38;
	[tilespmem:$0x10400] =	vst v63  }
0x3b: {  	_ =	swait.ge [sflag:s3], $0x400  }
0x3c: {  	[sflag:s3] =	ssyncset.done $0x0  }
0x3d: {  	[sflag:s3] =	ssyncadd.s32 $0xFFFFFC00  }
0x3e: {  	[tilespmem:s7], [sflag:$0x1] =	stream.indirect.gather [hbm4b:s5+s6], $0x80, s2, s6, $0xb8;
	[tilespmem:$0x10400] =	vst v63  }
0x3f: {  	_ = 	snop  }
0x40: {  	[tilespmem:s8], [sflag:$0x1] =	stream.indirect.gather [hbm4b:s5+s6], $0x80, s6, s6, $0xb8;
	[tilespmem:$0x10400] =	vst v63  }
0x41: {  	_ = 	snop  }
0x42: {  	[tilespmem:s10], [sflag:$0x1] =	stream.indirect.gather [hbm4b:s5+s6], $0x80, s9, s6, $0xb8;
	[tilespmem:$0x10400] =	vst v63  }
0x43: {  	_ = 	snop  }
0x44: {  	[tilespmem:s12], [sflag:$0x1] =	stream.indirect.gather [hbm4b:s5+s6], $0x80, s11, s6, $0xb8;
	[tilespmem:$0x10400] =	vst v63  }
0x45: {  	_ =	swait.ge [sflag:s13], $0x4000  }
0x46: {  	[sflag:s13] =	ssyncset.done $0x0  }
0x47: {  	[sflag:s13] =	ssyncadd.s32 $0xFFFFC000  }
0x48: {  	_ =	swait.ge [sflag:s13], $0x4000  }
0x49: {  	[sflag:s13] =	ssyncset.done $0x0  }
0x4a: {  	[sflag:s13] =	ssyncadd.s32 $0xFFFFC000  }
0x4b: {  	_ =	swait.ge [sflag:s13], $0x4000  }
0x4c: {  	[sflag:s13] =	ssyncset.done $0x0  }
0x4d: {  	[sflag:s13] =	ssyncadd.s32 $0xFFFFC000  }
0x4e: {  	_ =	swait.ge [sflag:s13], $0x4000  }
0x4f: {  	[sflag:s13] =	ssyncset.done $0x0  }
0x50: {  	[sflag:s13] =	ssyncadd.s32 $0xFFFFC000  }
0x51: {  	[hbm4b:s14+s2] =	stream.linear.scatter [tilespmem:s7], [sflag:$0x2], $0x10000, $0x38;
	[tilespmem:$0x10400] =	vst v63  }
0x52: {  	_ =	swait.ge [sflag:s3], $0x10000  }
0x53: {  	[sflag:s3] =	ssyncset.done $0x0  }
0x54: {  	[sflag:s3] =	ssyncadd.s32 $0xFFFF0000  }
0x55: {  	[tilespmem:s7], [sflag:$0x1] =	stream.indirect.gather [hbm4b:s5+s6], $0x80, s15, s6, $0xb8;
	[tilespmem:$0x10400] =	vst v63  }
0x56: {  	_ = 	snop  }
0x57: {  	[tilespmem:s8], [sflag:$0x1] =	stream.indirect.gather [hbm4b:s5+s6], $0x80, s16, s6, $0xb8;
	[tilespmem:$0x10400] =	vst v63  }
0x58: {  	_ = 	snop  }
0x59: {  	[tilespmem:s10], [sflag:$0x1] =	stream.indirect.gather [hbm4b:s5+s6], $0x80, s17, s6, $0xb8;
	[tilespmem:$0x10400] =	vst v63  }
0x5a: {  	_ = 	snop  }
0x5b: {  	[tilespmem:s12], [sflag:$0x1] =	stream.indirect.gather [hbm4b:s5+s6], $0x80, s18, s6, $0xb8;
	[tilespmem:$0x10400] =	vst v63  }
0x5c: {  	_ =	swait.ge [sflag:s13], $0x4000  }
0x5d: {  	[sflag:s13] =	ssyncset.done $0x0  }
0x5e: {  	[sflag:s13] =	ssyncadd.s32 $0xFFFFC000  }
0x5f: {  	_ =	swait.ge [sflag:s13], $0x4000  }
0x60: {  	[sflag:s13] =	ssyncset.done $0x0  }
0x61: {  	[sflag:s13] =	ssyncadd.s32 $0xFFFFC000  }
0x62: {  	_ =	swait.ge [sflag:s13], $0x4000  }
0x63: {  	[sflag:s13] =	ssyncset.done $0x0  }
0x64: {  	[sflag:s13] =	ssyncadd.s32 $0xFFFFC000  }
0x65: {  	_ =	swait.ge [sflag:s13], $0x4000  }
.Ltmp1:
0x66: {  	[sflag:s13] =	ssyncset.done $0x0;
	(pc) =	sbr.rel @p0 .LBB2_1-.Ltmp1, $4  }
0x67: {  	[sflag:s13] =	ssyncadd.s32 $0xFFFFC000  }
0x68: {  	[hbm4b:s19+s2] =	stream.linear.scatter [tilespmem:s7], [sflag:$0x2], $0x10000, $0x38;
	[tilespmem:$0x10400] =	vst v63  }
0x69: {  	_ =	swait.ge [sflag:s3], $0x10000  }
0x6a: {  	[sflag:s3] =	ssyncset.done $0x0  }
.LBB2_2:
0x6b: {  	[sflag:s3] =	ssyncadd.s32 $0xFFFF0000  }
0x6c: {  	_ =	sfence.sel $0x180000  }
0x6d: {  	[bflag:$0x0] =	sbarrier.arrive $0xFFFF  }
0x6e: {  	p0 =	sne.s32 s0, $0x0;
	_ =	strace $0x90000047  }
0x6f: {  	s0 =	sadd.s32 @!p0 $0x100000, s1;
	[bflag:$0x2] =	sbarrier.arrive $0xFFFF  }
0x70: {  	[sflag:s0] =	ssyncadd.tile.s32 @!p0 $0x1;
	_ =	shalt  }
.Lfunc_end2:
_tile_overlayer_lowered:
.L_overlay_start_2:
0x71: {  	(tag) =	ssettag $0x2  }
0x72: {  	s0 =	rddreg [dreg:$0x0];
	s2 =	stileid.u32  }
0x73: {  	s1 =	rddreg [dreg:$0x1];
	p0 =	sne.s32 s2, $0x0  }
0x74: {  	s3 =	rddreg [dreg:$0x2];
	[bflag:$0x3] =	sbarrier.arrive $0xFFFF;
	s2 =	simm.s32 @!p0 $0x1C02  }
0x75: {  	[timem:s3], [sflag:s2] =	dma.local @!p0 [hbm:s0], s1  }
0x76: {  	s0 =	simm.s32 @!p0 $0x2  }
0x77: {  	_ =	swait.ge @!p0 [sflag:s0], s1  }
0x78: {  	s1 =	ssub.s32 @!p0 $0x0, s1;
	[sflag:s0] =	ssyncset.done @!p0 $0x0  }
0x79: {  	[sflag:s0] =	ssyncadd.s32 @!p0 s1  }
0x7a: {  	[bflag:$0x3] =	sbarrier.arrive $0xFFFF  }
0x7b: {  	_ =	shalt  }

// kernel: kernel.22.cloned.1.call-start
scs
__scs_entry_jumppad:
0x0: {  	(pc) =	sbr.rel $0x88, $3  }
0x1: {  	(tag) =	ssettag $0x0;
	lr =	simm.s32 $0x1  }
0x2: {  	[smem:$0x3F9F] =	sst lr;
	_ =	strace $0xD0000000  }
0x3: {  	_ = 	snop  }
0x4: {  	_ = 	snop  }
0x5: {  	_ = 	snop  }
0x6: {  	_ = 	snop  }
0x7: {  	_ = 	snop  }
__scs_overlays_trampoline_lowered:
0x8: {  	[smem:$0x3FAE] =	sst s0  }
0x9: {  	[smem:$0x3FAF] =	sst s1  }
0xa: {  	[smem:$0x3FB0] =	sst s2  }
0xb: {  	[smem:$0x3FB1] =	sst s3  }
0xc: {  	[smem:$0x3FB2] =	sst s4  }
0xd: {  	[smem:$0x3FB3] =	sst s5  }
0xe: {  	[smem:$0x3FB4] =	sst s6  }
0xf: {  	[smem:$0x3FB5] =	sst s7  }
0x10: {  	[smem:$0x3FB6] =	sst s8  }
0x11: {  	[smem:$0x3FB7] =	sst s9;
	s0 =	simm.s32 @!p0 $0x0  }
0x12: {  	s1 =	sld [smem:$0x3F9D];
	s0 =	simm.s32 @p0 $0x1  }
0x13: {  	[smem:$0x3FB8] =	sst s0;
	s0 =	simm.s32 @!p1 $0x0  }
0x14: {  	s2 =	sld [smem:$0x3F9C];
	s0 =	simm.s32 @p1 $0x1  }
0x15: {  	[smem:$0x3FB9] =	sst s0;
	s0 =	simm.s32 @!p2 $0x0  }
0x16: {  	s3 =	sld [smem:$0x3FDB];
	s0 =	simm.s32 @p2 $0x1  }
0x17: {  	s4 =	simm.s32 $0x1BF5;
	[smem:$0x3FBB] =	sst s0  }
0x18: {  	s0 =	sld [smem:$0x3F9E];
	_ =	swait.ge [sflag:s4], $0x0  }
0x19: {  	s7 =	sld [smem:$0x3F9F]  }
0x1a: {  	s8 =	sadd.s32 $0xFFFFE003, lr  }
0x1b: {  	s9 =	sadd.s32 $0xFFFFFEF7, lr;
	s5 =	simm.s32 $0xFFFFFFFF;
	p2 =	slt.u32 s8, $0xFFFFF086  }
0x1c: {  	p1 =	slt.u32 s9, $0xF7A;
	s5 =	simm.s32 @!p2 $0x0  }
0x1d: {  	s5 =	simm.s32 @p1 $0x1;
	p0 =	seq.s32 s7, s2  }
0x1e: {  	s7 =	smul.u32 @!p0 $0xF7A, s2;
	p2 =	seq.s32 @!p0 s5, $0x0  }
0x1f: {  	s9 =	smul.u32 $0xF7A, s1;
	s8 =	simm.s32 @!p0 $0x1BF5;
	p2 =	por !p2, p0  }
0x20: {  	[sflag:s8] =	ssyncset.s32 @!p0 $0xFFFFF086;
	s6 =	sadd.s32 @!p0 s3, s7;
	s7 =	simm.s32 @!p0 $0x108  }
0x21: {  	s3 =	sadd.s32 s3, s9;
	s6 =	sadd.s32 @!p0 $0x88, s6;
	s7 =	simm.s32 @p2 $0x1082  }
0x22: {  	[simem:s7], [sflag:s8] =	dma.local @!p0 [hbm:s6], $0xF7A  }
0x23: {  	s9 =	sor.u32 $0xD0000000, s2;
	s6 =	simm.s32 $0x108;
	_ =	swait.ge @!p0 [sflag:s8], $0x0  }
0x24: {  	s3 =	sadd.s32 $0x88, s3;
	s6 =	simm.s32 @!p1 $0x1082;
	[sflag:s4] =	ssyncset.s32 $0xFFFFF086  }
0x25: {  	[simem:s6], [sflag:s4] =	dma.local [hbm:s3], $0xF7A  }
0x26: {  	[smem:$0x3F9F] =	sst s1;
	(tag) =	ssettag s2;
	_ =	strace s9  }
0x27: {  	s1 =	sld [smem:$0x3FAF]  }
0x28: {  	s2 =	sld [smem:$0x3FB0]  }
0x29: {  	s4 =	sld [smem:$0x3FB2]  }
0x2a: {  	p0 =	seq.s32 s5, $0x0;
	s5 =	sld [smem:$0x3FB3]  }
0x2b: {  	s6 =	sld [smem:$0x3FB4]  }
0x2c: {  	s7 =	sld [smem:$0x3FB5]  }
0x2d: {  	s3 =	simm.s32 $0x108;
	s8 =	sld [smem:$0x3FB6]  }
0x2e: {  	s3 =	simm.s32 @!p0 $0x1082;
	s9 =	sld [smem:$0x3FB7]  }
0x2f: {  	lr =	sadd.s32 s0, s3;
	s0 =	sld [smem:$0x3FAE]  }
0x30: {  	s3 =	sld [smem:$0x3FB1]  }
0x31: {  	[smem:$0x3FBA] =	sst s10  }
0x32: {  	s10 =	sld [smem:$0x3FB8];
	_ =	sdelay $0x3  }
0x33: {  	p0 =	seq.s32 s10, $0x1;
	s10 =	sld [smem:$0x3FBA];
	_ =	sdelay $0x3  }
0x34: {  	[smem:$0x3FBA] =	sst s10  }
0x35: {  	s10 =	sld [smem:$0x3FB9];
	_ =	sdelay $0x3  }
0x36: {  	p1 =	seq.s32 s10, $0x1;
	s10 =	sld [smem:$0x3FBA];
	_ =	sdelay $0x3  }
0x37: {  	[smem:$0x3FBA] =	sst s10  }
0x38: {  	s10 =	sld [smem:$0x3FBB]  }
0x39: {  	_ = 	snop;
	(pc) =	sbr.ind lr, $3  }
0x3a: {  	_ = 	snop  }
0x3b: {  	_ = 	snop  }
0x3c: {  	p2 =	seq.s32 s10, $0x1;
	s10 =	sld [smem:$0x3FBA]  }
0x3d: {  	_ =	shalt  }
0x3e: {  	_ =	shalt  }
0x3f: {  	_ =	shalt  }
0x40: {  	_ =	shalt  }
0x41: {  	_ =	shalt  }
0x42: {  	_ =	shalt  }
0x43: {  	_ =	shalt  }
0x44: {  	_ =	shalt  }
0x45: {  	_ =	shalt  }
0x46: {  	_ =	shalt  }
0x47: {  	_ =	shalt  }
0x48: {  	_ =	shalt  }
0x49: {  	_ =	shalt  }
0x4a: {  	_ =	shalt  }
0x4b: {  	_ =	shalt  }
0x4c: {  	_ =	shalt  }
0x4d: {  	_ =	shalt  }
0x4e: {  	_ =	shalt  }
0x4f: {  	_ =	shalt  }
0x50: {  	_ =	shalt  }
0x51: {  	_ =	shalt  }
0x52: {  	_ =	shalt  }
0x53: {  	_ =	shalt  }
0x54: {  	_ =	shalt  }
0x55: {  	_ =	shalt  }
0x56: {  	_ =	shalt  }
0x57: {  	_ =	shalt  }
0x58: {  	_ =	shalt  }
0x59: {  	_ =	shalt  }
0x5a: {  	_ =	shalt  }
0x5b: {  	_ =	shalt  }
0x5c: {  	_ =	shalt  }
0x5d: {  	_ =	shalt  }
0x5e: {  	_ =	shalt  }
0x5f: {  	_ =	shalt  }
0x60: {  	_ =	shalt  }
0x61: {  	_ =	shalt  }
0x62: {  	_ =	shalt  }
0x63: {  	_ =	shalt  }
0x64: {  	_ =	shalt  }
0x65: {  	_ =	shalt  }
0x66: {  	_ =	shalt  }
0x67: {  	_ =	shalt  }
0x68: {  	_ =	shalt  }
0x69: {  	_ =	shalt  }
0x6a: {  	_ =	shalt  }
0x6b: {  	_ =	shalt  }
0x6c: {  	_ =	shalt  }
0x6d: {  	_ =	shalt  }
0x6e: {  	_ =	shalt  }
0x6f: {  	_ =	shalt  }
0x70: {  	_ =	shalt  }
0x71: {  	_ =	shalt  }
0x72: {  	_ =	shalt  }
0x73: {  	_ =	shalt  }
0x74: {  	_ =	shalt  }
0x75: {  	_ =	shalt  }
0x76: {  	_ =	shalt  }
0x77: {  	_ =	shalt  }
0x78: {  	_ =	shalt  }
0x79: {  	_ =	shalt  }
0x7a: {  	_ =	shalt  }
0x7b: {  	_ =	shalt  }
0x7c: {  	_ =	shalt  }
0x7d: {  	_ =	shalt  }
0x7e: {  	_ =	shalt  }
0x7f: {  	_ =	shalt  }
0x80: {  	_ =	shalt  }
0x81: {  	_ =	shalt  }
0x82: {  	_ =	shalt  }
0x83: {  	_ =	shalt  }
0x84: {  	_ =	shalt  }
0x85: {  	_ =	shalt  }
0x86: {  	_ =	shalt  }
0x87: {  	_ =	shalt  }
.Lfunc_end0:
.L_simem_size_0:
called_computation.1_lowered:
.L_overlay_start_0:
0x88: {  	s2 =	sld [smem:$0x3FD9]  }
0x89: {  	s3 =	sld [smem:$0x3FFE];
	_ =	sdelay $0x1  }
0x8a: {  	s1 =	srdreg.scid  }
0x8b: {  	s0 =	sand.u32 $0x1, s1  }
0x8c: {  	s14 =	sshll.u32 s0, $0xA;
	s2 =	sadd.s32 s3, s2  }
0x8d: {  	s2 =	sadd.s32 s2, s14  }
0x8e: {  	[smem:$0x3FC6] =	sst s2  }
0x8f: {  	_ = 	snop  }
0x90: {  	s2 =	sld [smem:$0x3FD0];
	_ =	sdelay $0x2  }
0x91: {  	s15 =	simm.s32 $0xA;
	s4 =	simm.s32 $0x10  }
0x92: {  	[smem:s4], [sflag:s15] =	dma.local [hbm:s2], $0x1  }
0x93: {  	_ =	swait.eq [sflag:s15], $0x1  }
0x94: {  	[sflag:s15] =	ssyncset.done $0x0  }
0x95: {  	[sflag:s15] =	ssyncadd.s32 $0xFFFFFFFF  }
0x96: {  	s16 =	sld [smem:$0x11];
	(tm) =	ssettm $0x1  }
0x97: {  	s17 =	sld [smem:$0x3FFB];
	_ =	sdelay $0x3  }
0x98: {  	_ =	strace s17  }
0x99: {  	s3 =	sld [smem:$0x3FFC];
	_ =	sdelay $0x3  }
0x9a: {  	_ =	strace s3  }
0x9b: {  	s3 =	sld [smem:$0x3FFD];
	_ =	sdelay $0x3  }
0x9c: {  	_ =	strace s3  }
0x9d: {  	_ =	strace $0x8FFFFFFF  }
0x9e: {  	s18 =	sld [smem:$0x3FDB];
	_ =	sdelay $0x1  }
0x9f: {  	s19 =	simm.s32 $_scs_section_size  }
0xa0: {  	s5 =	simm.s32 $_size__tile_overlayer_lowered;
	s6 =	simm.s32 $_tile_overlayer_lowered  }
0xa1: {  	s22 =	simm.s32 $0x1BFF;
	s21 =	sshll.u32 s6, $0x1;
	s3 =	sadd.s32 s19, s18  }
0xa2: {  	s7 =	simm.s32 $0x0;
	s20 =	sshll.u32 s5, $0x1;
	s5 =	sadd.s32 s21, s3  }
0xa3: {  	[timem:s7], [sflag:s22] =	dma.local [hbm:s5], s20  }
0xa4: {  	_ =	swait.ge [sflag:s22], s20  }
0xa5: {  	s4 =	ssub.s32 $0x0, s20;
	[sflag:s22] =	ssyncset.done $0x0  }
0xa6: {  	[sflag:s22] =	ssyncadd.s32 s4;
	_ =	sdelay $0x1  }
0xa7: {  	s23 =	simm.s32 $0x1B8B  }
0xa8: {  	_ =	swait.ge [sflag:s23], $0x1  }
0xa9: {  	[sflag:s23] =	ssyncset.done $0x0  }
0xaa: {  	s25 =	simm.s32 $0x1B8E;
	s24 =	sld [smem:$0x3FFE];
	[sflag:s23] =	ssyncadd.s32 $0xFFFFFFFF  }
0xab: {  	s26 =	simm.s32 $execute0_lowered;
	[smem:$0x3FD2] =	sst s25  }
0xac: {  	s5 =	sshll.u32 s26, $0x1;
	_ =	strace $0x80000049;
	[dreg:$0x1] =	wrdreg $0xFFFFFFFF  }
0xad: {  	s28 =	simm.s32 $_size_execute0_lowered;
	s3 =	sadd.s32 s3, s5;
	[dreg:$0x0] =	wrdreg $0x0  }
0xae: {  	s5 =	sshll.u32 s28, $0x1;
	[dreg:$0x2] =	wrdreg s3  }
0xaf: {  	[dreg:$0x3] =	wrdreg s5  }
0xb0: {  	[dreg:$0x4] =	wrdreg $0xC0  }
0xb1: {  	_ =	task [dreg:s7], $0x5FFFF  }
0xb2: {  	[dreg:$0x1] =	wrdreg $0xFFFFFFFF  }
0xb3: {  	[dreg:$0x0] =	wrdreg $0x60  }
0xb4: {  	[dreg:$0x2] =	wrdreg s16  }
0xb5: {  	[dreg:$0x3] =	wrdreg s24  }
0xb6: {  	[dreg:$0x4] =	wrdreg $0x9  }
0xb7: {  	_ =	task.clear_ibuf [dreg:s7], $0x5FFFF;
	_ =	strace $0x90000049  }
0xb8: {  	s29 =	simm.s32 $0x9;
	_ =	strace $0x8000004B  }
0xb9: {  	_ =	swait.ge [sflag:s29], $0x1  }
0xba: {  	[sflag:s29] =	ssyncadd.s32 $0xFFFFFFFF  }
0xbb: {  	_ =	strace $0x9000004B  }
0xbc: {  	_ =	sfence  }
0xbd: {  	s30 =	sld [smem:$0x0];
	_ =	sdelay $0x2  }
0xbe: {  	s31 =	sshll.u32 s1, $0xD;
	s1 =	sshrl.u32 s1, $0x2  }
0xbf: {  	s3 =	sand.u32 $0x4000, s31;
	s1 =	sadd.s32 s1, s30  }
0xc0: {  	s0 =	sor.u32 s3, s0;
	s1 =	sshll.u32 s1, $0x11  }
0xc1: {  	s0 =	sor.u32 s1, s0  }
0xc2: {  	s0 =	sadd.s32 $0x8F2B, s0  }
0xc3: {  	[sflag:s0] =	ssyncadd.remote.s32 $0x1  }
0xc4: {  	_ =	sfence.sel $0xFFFF  }
0xc5: {  	[dreg:$0x0] =	wrdreg $0xFFFFFFFF;
	(pc) =	sbr.abs _section_cstart, $3  }
0xc6: {  	[dreg:$0x1] =	wrdreg $0xFFFFFFFF  }
0xc7: {  	_ =	task.clear_ibuf [dreg:s7], $0x2FFFF;
	_ =	strace $0x9FFFFFFF  }
0xc8: {  	(tm) =	ssettm $0x7FFFFFFF  }
0xc9: {  	_ =	shalt  }
tec
execute0_lowered:
.L_overlay_start_1:
0x0: {  	(tag) =	ssettag $0x1  }
0x1: {  	s1 =	srdreg.scid  }
0x2: {  	s0 =	stileid.u32;
	s19 =	sand.u32 $0x1, s1  }
0x3: {  	s2 =	rddreg [dreg:$0x0];
	s30 =	sshll.u32 s0, $0xB;
	s3 =	sshll.u32 s19, $0xA  }
0x4: {  	s14 =	rddreg [dreg:$0x1];
	s15 =	sor.u32 s3, s30  }
0x5: {  	s1 =	rddreg [dreg:$0x2];
	s3 =	simm.s32 $0x0;
	s4 =	sshrl.u32 s15, $0x3  }
0x6: {  	[smem:$0x7FF] =	sst s3;
	s4 =	sadd.s32 s4, s14  }
0x7: {  	_ =	strace $0x8000004A;
	s5 =	sadd.s32 $0x9A00, s4;
	s4 =	simm.s32 $0x2  }
0x8: {  	[tilespmem:s3], [sflag:$0x2] =	stream.linear.gather [hbm4b:s5+s3], $0x400, $0x38;
	[tilespmem:$0x10400] =	vst v63  }
0x9: {  	_ =	swait.ge [sflag:s4], $0x400  }
0xa: {  	[sflag:s4] =	ssyncset.done $0x0  }
0xb: {  	s6 =	simm.s32 $0x80;
	s7 =	simm.s32 $0x400;
	[sflag:s4] =	ssyncadd.s32 $0xFFFFFC00  }
0xc: {  	[tilespmem:s7], [sflag:$0x1] =	stream.indirect.gather [hbm4b:s2+s6], $0x80, s3, s6, $0xb8;
	[tilespmem:$0x10400] =	vst v63  }
0xd: {  	s8 =	simm.s32 $0x4400  }
0xe: {  	[tilespmem:s8], [sflag:$0x1] =	stream.indirect.gather [hbm4b:s2+s6], $0x80, s6, s6, $0xb8;
	[tilespmem:$0x10400] =	vst v63  }
0xf: {  	s9 =	simm.s32 $0x100;
	s10 =	simm.s32 $0x8400  }
0x10: {  	[tilespmem:s10], [sflag:$0x1] =	stream.indirect.gather [hbm4b:s2+s6], $0x80, s9, s6, $0xb8;
	[tilespmem:$0x10400] =	vst v63  }
0x11: {  	s11 =	simm.s32 $0x180;
	s12 =	simm.s32 $0xC400;
	s13 =	simm.s32 $0x1  }
0x12: {  	[tilespmem:s12], [sflag:$0x1] =	stream.indirect.gather [hbm4b:s2+s6], $0x80, s11, s6, $0xb8;
	[tilespmem:$0x10400] =	vst v63  }
0x13: {  	_ =	swait.ge [sflag:s13], $0x4000  }
0x14: {  	[sflag:s13] =	ssyncset.done $0x0  }
0x15: {  	[sflag:s13] =	ssyncadd.s32 $0xFFFFC000  }
0x16: {  	_ =	swait.ge [sflag:s13], $0x4000  }
0x17: {  	[sflag:s13] =	ssyncset.done $0x0  }
0x18: {  	[sflag:s13] =	ssyncadd.s32 $0xFFFFC000  }
0x19: {  	_ =	swait.ge [sflag:s13], $0x4000  }
0x1a: {  	[sflag:s13] =	ssyncset.done $0x0  }
0x1b: {  	[sflag:s13] =	ssyncadd.s32 $0xFFFFC000  }
0x1c: {  	s15 =	sshll.u32 s15, $0x4;
	_ =	swait.ge [sflag:s13], $0x4000  }
0x1d: {  	s20 =	sadd.s32 s15, s14;
	[sflag:s13] =	ssyncset.done $0x0  }
0x1e: {  	s14 =	sadd.s32 $0x25A00, s20;
	[sflag:s13] =	ssyncadd.s32 $0xFFFFC000  }
0x1f: {  	[hbm4b:s14+s3] =	stream.linear.scatter [tilespmem:s7], [sflag:$0x2], $0x10000, $0x38;
	[tilespmem:$0x10400] =	vst v63  }
0x20: {  	_ =	swait.ge [sflag:s4], $0x10000  }
0x21: {  	[sflag:s4] =	ssyncset.done $0x0  }
0x22: {  	s15 =	simm.s32 $0x200;
	[sflag:s4] =	ssyncadd.s32 $0xFFFF0000  }
0x23: {  	[tilespmem:s7], [sflag:$0x1] =	stream.indirect.gather [hbm4b:s2+s6], $0x80, s15, s6, $0xb8;
	[tilespmem:$0x10400] =	vst v63  }
0x24: {  	s16 =	simm.s32 $0x280  }
0x25: {  	[tilespmem:s8], [sflag:$0x1] =	stream.indirect.gather [hbm4b:s2+s6], $0x80, s16, s6, $0xb8;
	[tilespmem:$0x10400] =	vst v63  }
0x26: {  	s17 =	simm.s32 $0x300  }
0x27: {  	[tilespmem:s10], [sflag:$0x1] =	stream.indirect.gather [hbm4b:s2+s6], $0x80, s17, s6, $0xb8;
	[tilespmem:$0x10400] =	vst v63  }
0x28: {  	s18 =	simm.s32 $0x380  }
0x29: {  	[tilespmem:s12], [sflag:$0x1] =	stream.indirect.gather [hbm4b:s2+s6], $0x80, s18, s6, $0xb8;
	[tilespmem:$0x10400] =	vst v63  }
0x2a: {  	_ =	swait.ge [sflag:s13], $0x4000  }
0x2b: {  	[sflag:s13] =	ssyncset.done $0x0  }
0x2c: {  	[sflag:s13] =	ssyncadd.s32 $0xFFFFC000  }
0x2d: {  	_ =	swait.ge [sflag:s13], $0x4000  }
0x2e: {  	[sflag:s13] =	ssyncset.done $0x0  }
0x2f: {  	s19 =	ssub.s32 $0x2, s19;
	[sflag:s13] =	ssyncadd.s32 $0xFFFFC000  }
0x30: {  	s21 =	sshrl.u32 s19, $0x1;
	_ =	swait.ge [sflag:s13], $0x4000  }
0x31: {  	s21 =	ssub.s32 s19, s21;
	[sflag:s13] =	ssyncset.done $0x0  }
0x32: {  	s31 =	smax.u32 s21, $0x1;
	[sflag:s13] =	ssyncadd.s32 $0xFFFFC000  }
0x33: {  	p0 =	sne.s32 s31, $0x1;
	_ =	swait.ge [sflag:s13], $0x4000  }
.Ltmp0:
0x34: {  	[sflag:s13] =	ssyncset.done $0x0;
	(pc) =	sbr.rel @!p0 .LBB2_2-.Ltmp0, $4  }
0x35: {  	s19 =	sadd.s32 $0x27A00, s20;
	[sflag:s13] =	ssyncadd.s32 $0xFFFFC000  }
0x36: {  	[hbm4b:s19+s3] =	stream.linear.scatter [tilespmem:s7], [sflag:$0x2], $0x10000, $0x38;
	[tilespmem:$0x10400] =	vst v63  }
0x37: {  	_ =	swait.ge [sflag:s4], $0x10000  }
0x38: {  	s20 =	sadd.s32 $0xFFFFFFFF, s31;
	[sflag:s4] =	ssyncset.done $0x0  }
.LBB2_1:
0x39: {  	p0 =	sne.s32 s20, $0x1;
	s20 =	sadd.s32 $0xFFFFFFFF, s20;
	[sflag:s4] =	ssyncadd.s32 $0xFFFF0000  }
0x3a: {  	[tilespmem:s3], [sflag:$0x2] =	stream.linear.gather [hbm4b:s5+s3], $0x400, $0x38;
	[tilespmem:$0x10400] =	vst v63  }
0x3b: {  	_ =	swait.ge [sflag:s4], $0x400  }
0x3c: {  	[sflag:s4] =	ssyncset.done $0x0  }
0x3d: {  	[sflag:s4] =	ssyncadd.s32 $0xFFFFFC00  }
0x3e: {  	[tilespmem:s7], [sflag:$0x1] =	stream.indirect.gather [hbm4b:s2+s6], $0x80, s3, s6, $0xb8;
	[tilespmem:$0x10400] =	vst v63  }
0x3f: {  	_ = 	snop  }
0x40: {  	[tilespmem:s8], [sflag:$0x1] =	stream.indirect.gather [hbm4b:s2+s6], $0x80, s6, s6, $0xb8;
	[tilespmem:$0x10400] =	vst v63  }
0x41: {  	_ = 	snop  }
0x42: {  	[tilespmem:s10], [sflag:$0x1] =	stream.indirect.gather [hbm4b:s2+s6], $0x80, s9, s6, $0xb8;
	[tilespmem:$0x10400] =	vst v63  }
0x43: {  	_ = 	snop  }
0x44: {  	[tilespmem:s12], [sflag:$0x1] =	stream.indirect.gather [hbm4b:s2+s6], $0x80, s11, s6, $0xb8;
	[tilespmem:$0x10400] =	vst v63  }
0x45: {  	_ =	swait.ge [sflag:s13], $0x4000  }
0x46: {  	[sflag:s13] =	ssyncset.done $0x0  }
0x47: {  	[sflag:s13] =	ssyncadd.s32 $0xFFFFC000  }
0x48: {  	_ =	swait.ge [sflag:s13], $0x4000  }
0x49: {  	[sflag:s13] =	ssyncset.done $0x0  }
0x4a: {  	[sflag:s13] =	ssyncadd.s32 $0xFFFFC000  }
0x4b: {  	_ =	swait.ge [sflag:s13], $0x4000  }
0x4c: {  	[sflag:s13] =	ssyncset.done $0x0  }
0x4d: {  	[sflag:s13] =	ssyncadd.s32 $0xFFFFC000  }
0x4e: {  	_ =	swait.ge [sflag:s13], $0x4000  }
0x4f: {  	[sflag:s13] =	ssyncset.done $0x0  }
0x50: {  	[sflag:s13] =	ssyncadd.s32 $0xFFFFC000  }
0x51: {  	[hbm4b:s14+s3] =	stream.linear.scatter [tilespmem:s7], [sflag:$0x2], $0x10000, $0x38;
	[tilespmem:$0x10400] =	vst v63  }
0x52: {  	_ =	swait.ge [sflag:s4], $0x10000  }
0x53: {  	[sflag:s4] =	ssyncset.done $0x0  }
0x54: {  	[sflag:s4] =	ssyncadd.s32 $0xFFFF0000  }
0x55: {  	[tilespmem:s7], [sflag:$0x1] =	stream.indirect.gather [hbm4b:s2+s6], $0x80, s15, s6, $0xb8;
	[tilespmem:$0x10400] =	vst v63  }
0x56: {  	_ = 	snop  }
0x57: {  	[tilespmem:s8], [sflag:$0x1] =	stream.indirect.gather [hbm4b:s2+s6], $0x80, s16, s6, $0xb8;
	[tilespmem:$0x10400] =	vst v63  }
0x58: {  	_ = 	snop  }
0x59: {  	[tilespmem:s10], [sflag:$0x1] =	stream.indirect.gather [hbm4b:s2+s6], $0x80, s17, s6, $0xb8;
	[tilespmem:$0x10400] =	vst v63  }
0x5a: {  	_ = 	snop  }
0x5b: {  	[tilespmem:s12], [sflag:$0x1] =	stream.indirect.gather [hbm4b:s2+s6], $0x80, s18, s6, $0xb8;
	[tilespmem:$0x10400] =	vst v63  }
0x5c: {  	_ =	swait.ge [sflag:s13], $0x4000  }
0x5d: {  	[sflag:s13] =	ssyncset.done $0x0  }
0x5e: {  	[sflag:s13] =	ssyncadd.s32 $0xFFFFC000  }
0x5f: {  	_ =	swait.ge [sflag:s13], $0x4000  }
0x60: {  	[sflag:s13] =	ssyncset.done $0x0  }
0x61: {  	[sflag:s13] =	ssyncadd.s32 $0xFFFFC000  }
0x62: {  	_ =	swait.ge [sflag:s13], $0x4000  }
0x63: {  	[sflag:s13] =	ssyncset.done $0x0  }
0x64: {  	[sflag:s13] =	ssyncadd.s32 $0xFFFFC000  }
0x65: {  	_ =	swait.ge [sflag:s13], $0x4000  }
.Ltmp1:
0x66: {  	[sflag:s13] =	ssyncset.done $0x0;
	(pc) =	sbr.rel @p0 .LBB2_1-.Ltmp1, $4  }
0x67: {  	[sflag:s13] =	ssyncadd.s32 $0xFFFFC000  }
0x68: {  	[hbm4b:s19+s3] =	stream.linear.scatter [tilespmem:s7], [sflag:$0x2], $0x10000, $0x38;
	[tilespmem:$0x10400] =	vst v63  }
0x69: {  	_ =	swait.ge [sflag:s4], $0x10000  }
0x6a: {  	[sflag:s4] =	ssyncset.done $0x0  }
.LBB2_2:
0x6b: {  	[sflag:s4] =	ssyncadd.s32 $0xFFFF0000  }
0x6c: {  	_ =	sfence.sel $0x180000  }
0x6d: {  	[bflag:$0x0] =	sbarrier.arrive $0xFFFF  }
0x6e: {  	p0 =	sne.s32 s0, $0x0;
	_ =	strace $0x9000004A  }
0x6f: {  	s0 =	sadd.s32 @!p0 $0x100000, s1;
	[bflag:$0x2] =	sbarrier.arrive $0xFFFF  }
0x70: {  	[sflag:s0] =	ssyncadd.tile.s32 @!p0 $0x1;
	_ =	shalt  }
.Lfunc_end2:
_tile_overlayer_lowered:
.L_overlay_start_2:
0x71: {  	(tag) =	ssettag $0x2  }
0x72: {  	s0 =	rddreg [dreg:$0x0];
	s2 =	stileid.u32  }
0x73: {  	s1 =	rddreg [dreg:$0x1];
	p0 =	sne.s32 s2, $0x0  }
0x74: {  	s3 =	rddreg [dreg:$0x2];
	[bflag:$0x3] =	sbarrier.arrive $0xFFFF;
	s2 =	simm.s32 @!p0 $0x1C02  }
0x75: {  	[timem:s3], [sflag:s2] =	dma.local @!p0 [hbm:s0], s1  }
0x76: {  	s0 =	simm.s32 @!p0 $0x2  }
0x77: {  	_ =	swait.ge @!p0 [sflag:s0], s1  }
0x78: {  	s1 =	ssub.s32 @!p0 $0x0, s1;
	[sflag:s0] =	ssyncset.done @!p0 $0x0  }
0x79: {  	[sflag:s0] =	ssyncadd.s32 @!p0 s1  }
0x7a: {  	[bflag:$0x3] =	sbarrier.arrive $0xFFFF  }
0x7b: {  	_ =	shalt  }

// kernel: kernel.25.cloned.1.call-start
scs
__scs_entry_jumppad:
0x0: {  	(pc) =	sbr.rel $0x88, $3  }
0x1: {  	(tag) =	ssettag $0x0;
	lr =	simm.s32 $0x1  }
0x2: {  	[smem:$0x3F9F] =	sst lr;
	_ =	strace $0xD0000000  }
0x3: {  	_ = 	snop  }
0x4: {  	_ = 	snop  }
0x5: {  	_ = 	snop  }
0x6: {  	_ = 	snop  }
0x7: {  	_ = 	snop  }
__scs_overlays_trampoline_lowered:
0x8: {  	[smem:$0x3FAE] =	sst s0  }
0x9: {  	[smem:$0x3FAF] =	sst s1  }
0xa: {  	[smem:$0x3FB0] =	sst s2  }
0xb: {  	[smem:$0x3FB1] =	sst s3  }
0xc: {  	[smem:$0x3FB2] =	sst s4  }
0xd: {  	[smem:$0x3FB3] =	sst s5  }
0xe: {  	[smem:$0x3FB4] =	sst s6  }
0xf: {  	[smem:$0x3FB5] =	sst s7  }
0x10: {  	[smem:$0x3FB6] =	sst s8  }
0x11: {  	[smem:$0x3FB7] =	sst s9;
	s0 =	simm.s32 @!p0 $0x0  }
0x12: {  	s1 =	sld [smem:$0x3F9D];
	s0 =	simm.s32 @p0 $0x1  }
0x13: {  	[smem:$0x3FB8] =	sst s0;
	s0 =	simm.s32 @!p1 $0x0  }
0x14: {  	s2 =	sld [smem:$0x3F9C];
	s0 =	simm.s32 @p1 $0x1  }
0x15: {  	[smem:$0x3FB9] =	sst s0;
	s0 =	simm.s32 @!p2 $0x0  }
0x16: {  	s3 =	sld [smem:$0x3FDB];
	s0 =	simm.s32 @p2 $0x1  }
0x17: {  	s4 =	simm.s32 $0x1BF5;
	[smem:$0x3FBB] =	sst s0  }
0x18: {  	s0 =	sld [smem:$0x3F9E];
	_ =	swait.ge [sflag:s4], $0x0  }
0x19: {  	s7 =	sld [smem:$0x3F9F]  }
0x1a: {  	s8 =	sadd.s32 $0xFFFFE003, lr  }
0x1b: {  	s9 =	sadd.s32 $0xFFFFFEF7, lr;
	s5 =	simm.s32 $0xFFFFFFFF;
	p2 =	slt.u32 s8, $0xFFFFF086  }
0x1c: {  	p1 =	slt.u32 s9, $0xF7A;
	s5 =	simm.s32 @!p2 $0x0  }
0x1d: {  	s5 =	simm.s32 @p1 $0x1;
	p0 =	seq.s32 s7, s2  }
0x1e: {  	s7 =	smul.u32 @!p0 $0xF7A, s2;
	p2 =	seq.s32 @!p0 s5, $0x0  }
0x1f: {  	s9 =	smul.u32 $0xF7A, s1;
	s8 =	simm.s32 @!p0 $0x1BF5;
	p2 =	por !p2, p0  }
0x20: {  	[sflag:s8] =	ssyncset.s32 @!p0 $0xFFFFF086;
	s6 =	sadd.s32 @!p0 s3, s7;
	s7 =	simm.s32 @!p0 $0x108  }
0x21: {  	s3 =	sadd.s32 s3, s9;
	s6 =	sadd.s32 @!p0 $0x88, s6;
	s7 =	simm.s32 @p2 $0x1082  }
0x22: {  	[simem:s7], [sflag:s8] =	dma.local @!p0 [hbm:s6], $0xF7A  }
0x23: {  	s9 =	sor.u32 $0xD0000000, s2;
	s6 =	simm.s32 $0x108;
	_ =	swait.ge @!p0 [sflag:s8], $0x0  }
0x24: {  	s3 =	sadd.s32 $0x88, s3;
	s6 =	simm.s32 @!p1 $0x1082;
	[sflag:s4] =	ssyncset.s32 $0xFFFFF086  }
0x25: {  	[simem:s6], [sflag:s4] =	dma.local [hbm:s3], $0xF7A  }
0x26: {  	[smem:$0x3F9F] =	sst s1;
	(tag) =	ssettag s2;
	_ =	strace s9  }
0x27: {  	s1 =	sld [smem:$0x3FAF]  }
0x28: {  	s2 =	sld [smem:$0x3FB0]  }
0x29: {  	s4 =	sld [smem:$0x3FB2]  }
0x2a: {  	p0 =	seq.s32 s5, $0x0;
	s5 =	sld [smem:$0x3FB3]  }
0x2b: {  	s6 =	sld [smem:$0x3FB4]  }
0x2c: {  	s7 =	sld [smem:$0x3FB5]  }
0x2d: {  	s3 =	simm.s32 $0x108;
	s8 =	sld [smem:$0x3FB6]  }
0x2e: {  	s3 =	simm.s32 @!p0 $0x1082;
	s9 =	sld [smem:$0x3FB7]  }
0x2f: {  	lr =	sadd.s32 s0, s3;
	s0 =	sld [smem:$0x3FAE]  }
0x30: {  	s3 =	sld [smem:$0x3FB1]  }
0x31: {  	[smem:$0x3FBA] =	sst s10  }
0x32: {  	s10 =	sld [smem:$0x3FB8];
	_ =	sdelay $0x3  }
0x33: {  	p0 =	seq.s32 s10, $0x1;
	s10 =	sld [smem:$0x3FBA];
	_ =	sdelay $0x3  }
0x34: {  	[smem:$0x3FBA] =	sst s10  }
0x35: {  	s10 =	sld [smem:$0x3FB9];
	_ =	sdelay $0x3  }
0x36: {  	p1 =	seq.s32 s10, $0x1;
	s10 =	sld [smem:$0x3FBA];
	_ =	sdelay $0x3  }
0x37: {  	[smem:$0x3FBA] =	sst s10  }
0x38: {  	s10 =	sld [smem:$0x3FBB]  }
0x39: {  	_ = 	snop;
	(pc) =	sbr.ind lr, $3  }
0x3a: {  	_ = 	snop  }
0x3b: {  	_ = 	snop  }
0x3c: {  	p2 =	seq.s32 s10, $0x1;
	s10 =	sld [smem:$0x3FBA]  }
0x3d: {  	_ =	shalt  }
0x3e: {  	_ =	shalt  }
0x3f: {  	_ =	shalt  }
0x40: {  	_ =	shalt  }
0x41: {  	_ =	shalt  }
0x42: {  	_ =	shalt  }
0x43: {  	_ =	shalt  }
0x44: {  	_ =	shalt  }
0x45: {  	_ =	shalt  }
0x46: {  	_ =	shalt  }
0x47: {  	_ =	shalt  }
0x48: {  	_ =	shalt  }
0x49: {  	_ =	shalt  }
0x4a: {  	_ =	shalt  }
0x4b: {  	_ =	shalt  }
0x4c: {  	_ =	shalt  }
0x4d: {  	_ =	shalt  }
0x4e: {  	_ =	shalt  }
0x4f: {  	_ =	shalt  }
0x50: {  	_ =	shalt  }
0x51: {  	_ =	shalt  }
0x52: {  	_ =	shalt  }
0x53: {  	_ =	shalt  }
0x54: {  	_ =	shalt  }
0x55: {  	_ =	shalt  }
0x56: {  	_ =	shalt  }
0x57: {  	_ =	shalt  }
0x58: {  	_ =	shalt  }
0x59: {  	_ =	shalt  }
0x5a: {  	_ =	shalt  }
0x5b: {  	_ =	shalt  }
0x5c: {  	_ =	shalt  }
0x5d: {  	_ =	shalt  }
0x5e: {  	_ =	shalt  }
0x5f: {  	_ =	shalt  }
0x60: {  	_ =	shalt  }
0x61: {  	_ =	shalt  }
0x62: {  	_ =	shalt  }
0x63: {  	_ =	shalt  }
0x64: {  	_ =	shalt  }
0x65: {  	_ =	shalt  }
0x66: {  	_ =	shalt  }
0x67: {  	_ =	shalt  }
0x68: {  	_ =	shalt  }
0x69: {  	_ =	shalt  }
0x6a: {  	_ =	shalt  }
0x6b: {  	_ =	shalt  }
0x6c: {  	_ =	shalt  }
0x6d: {  	_ =	shalt  }
0x6e: {  	_ =	shalt  }
0x6f: {  	_ =	shalt  }
0x70: {  	_ =	shalt  }
0x71: {  	_ =	shalt  }
0x72: {  	_ =	shalt  }
0x73: {  	_ =	shalt  }
0x74: {  	_ =	shalt  }
0x75: {  	_ =	shalt  }
0x76: {  	_ =	shalt  }
0x77: {  	_ =	shalt  }
0x78: {  	_ =	shalt  }
0x79: {  	_ =	shalt  }
0x7a: {  	_ =	shalt  }
0x7b: {  	_ =	shalt  }
0x7c: {  	_ =	shalt  }
0x7d: {  	_ =	shalt  }
0x7e: {  	_ =	shalt  }
0x7f: {  	_ =	shalt  }
0x80: {  	_ =	shalt  }
0x81: {  	_ =	shalt  }
0x82: {  	_ =	shalt  }
0x83: {  	_ =	shalt  }
0x84: {  	_ =	shalt  }
0x85: {  	_ =	shalt  }
0x86: {  	_ =	shalt  }
0x87: {  	_ =	shalt  }
.Lfunc_end0:
.L_simem_size_0:
called_computation.2_lowered:
.L_overlay_start_0:
0x88: {  	s2 =	sld [smem:$0x3FD9]  }
0x89: {  	s3 =	sld [smem:$0x3FFE];
	_ =	sdelay $0x1  }
0x8a: {  	s1 =	srdreg.scid  }
0x8b: {  	s0 =	sand.u32 $0x1, s1  }
0x8c: {  	s14 =	sshll.u32 s0, $0xA;
	s2 =	sadd.s32 s3, s2  }
0x8d: {  	s2 =	sadd.s32 s2, s14  }
0x8e: {  	[smem:$0x3FC6] =	sst s2  }
0x8f: {  	_ = 	snop  }
0x90: {  	s2 =	sld [smem:$0x3FD0];
	_ =	sdelay $0x2  }
0x91: {  	s15 =	simm.s32 $0xA;
	s4 =	simm.s32 $0x10  }
0x92: {  	[smem:s4], [sflag:s15] =	dma.local [hbm:s2], $0x1  }
0x93: {  	_ =	swait.eq [sflag:s15], $0x1  }
0x94: {  	[sflag:s15] =	ssyncset.done $0x0  }
0x95: {  	[sflag:s15] =	ssyncadd.s32 $0xFFFFFFFF  }
0x96: {  	s16 =	sld [smem:$0x11];
	(tm) =	ssettm $0x1  }
0x97: {  	s17 =	sld [smem:$0x3FFB];
	_ =	sdelay $0x3  }
0x98: {  	_ =	strace s17  }
0x99: {  	s3 =	sld [smem:$0x3FFC];
	_ =	sdelay $0x3  }
0x9a: {  	_ =	strace s3  }
0x9b: {  	s3 =	sld [smem:$0x3FFD];
	_ =	sdelay $0x3  }
0x9c: {  	_ =	strace s3  }
0x9d: {  	_ =	strace $0x8FFFFFFF  }
0x9e: {  	s18 =	sld [smem:$0x3FDB];
	_ =	sdelay $0x1  }
0x9f: {  	s19 =	simm.s32 $_scs_section_size  }
0xa0: {  	s5 =	simm.s32 $_size__tile_overlayer_lowered;
	s6 =	simm.s32 $_tile_overlayer_lowered  }
0xa1: {  	s22 =	simm.s32 $0x1BFF;
	s21 =	sshll.u32 s6, $0x1;
	s3 =	sadd.s32 s19, s18  }
0xa2: {  	s7 =	simm.s32 $0x0;
	s20 =	sshll.u32 s5, $0x1;
	s5 =	sadd.s32 s21, s3  }
0xa3: {  	[timem:s7], [sflag:s22] =	dma.local [hbm:s5], s20  }
0xa4: {  	_ =	swait.ge [sflag:s22], s20  }
0xa5: {  	s4 =	ssub.s32 $0x0, s20;
	[sflag:s22] =	ssyncset.done $0x0  }
0xa6: {  	[sflag:s22] =	ssyncadd.s32 s4;
	_ =	sdelay $0x1  }
0xa7: {  	s23 =	simm.s32 $0x1B8B  }
0xa8: {  	_ =	swait.ge [sflag:s23], $0x1  }
0xa9: {  	[sflag:s23] =	ssyncset.done $0x0  }
0xaa: {  	s25 =	simm.s32 $0x1B8E;
	s24 =	sld [smem:$0x3FFE];
	[sflag:s23] =	ssyncadd.s32 $0xFFFFFFFF  }
0xab: {  	s26 =	simm.s32 $execute0_lowered;
	[smem:$0x3FD2] =	sst s25  }
0xac: {  	s5 =	sshll.u32 s26, $0x1;
	_ =	strace $0x8000004C;
	[dreg:$0x1] =	wrdreg $0xFFFFFFFF  }
0xad: {  	s28 =	simm.s32 $_size_execute0_lowered;
	s3 =	sadd.s32 s3, s5;
	[dreg:$0x0] =	wrdreg $0x0  }
0xae: {  	s5 =	sshll.u32 s28, $0x1;
	[dreg:$0x2] =	wrdreg s3  }
0xaf: {  	[dreg:$0x3] =	wrdreg s5  }
0xb0: {  	[dreg:$0x4] =	wrdreg $0xC0  }
0xb1: {  	_ =	task [dreg:s7], $0x5FFFF  }
0xb2: {  	[dreg:$0x1] =	wrdreg $0xFFFFFFFF  }
0xb3: {  	[dreg:$0x0] =	wrdreg $0x60  }
0xb4: {  	[dreg:$0x2] =	wrdreg s24  }
0xb5: {  	[dreg:$0x3] =	wrdreg s16  }
0xb6: {  	[dreg:$0x4] =	wrdreg $0x9  }
0xb7: {  	_ =	task.clear_ibuf [dreg:s7], $0x5FFFF;
	_ =	strace $0x9000004C  }
0xb8: {  	s29 =	simm.s32 $0x9;
	_ =	strace $0x8000004E  }
0xb9: {  	_ =	swait.ge [sflag:s29], $0x1  }
0xba: {  	[sflag:s29] =	ssyncadd.s32 $0xFFFFFFFF  }
0xbb: {  	_ =	strace $0x9000004E  }
0xbc: {  	_ =	sfence  }
0xbd: {  	s30 =	sld [smem:$0x0];
	_ =	sdelay $0x2  }
0xbe: {  	s31 =	sshll.u32 s1, $0xD;
	s1 =	sshrl.u32 s1, $0x2  }
0xbf: {  	s3 =	sand.u32 $0x4000, s31;
	s1 =	sadd.s32 s1, s30  }
0xc0: {  	s0 =	sor.u32 s3, s0;
	s1 =	sshll.u32 s1, $0x11  }
0xc1: {  	s0 =	sor.u32 s1, s0  }
0xc2: {  	s0 =	sadd.s32 $0x8F2B, s0  }
0xc3: {  	[sflag:s0] =	ssyncadd.remote.s32 $0x1  }
0xc4: {  	_ =	sfence.sel $0xFFFF  }
0xc5: {  	[dreg:$0x0] =	wrdreg $0xFFFFFFFF;
	(pc) =	sbr.abs _section_cstart, $3  }
0xc6: {  	[dreg:$0x1] =	wrdreg $0xFFFFFFFF  }
0xc7: {  	_ =	task.clear_ibuf [dreg:s7], $0x2FFFF;
	_ =	strace $0x9FFFFFFF  }
0xc8: {  	(tm) =	ssettm $0x7FFFFFFF  }
0xc9: {  	_ =	shalt  }
tec
execute0_lowered:
.L_overlay_start_1:
0x0: {  	(tag) =	ssettag $0x1  }
0x1: {  	s1 =	srdreg.scid  }
0x2: {  	s14 =	rddreg [dreg:$0x0];
	s0 =	stileid.u32;
	s19 =	sand.u32 $0x1, s1  }
0x3: {  	s3 =	rddreg [dreg:$0x1];
	s4 =	sshll.u32 s0, $0xB;
	s5 =	sshll.u32 s19, $0xA  }
0x4: {  	s2 =	simm.s32 $0x0;
	s1 =	rddreg [dreg:$0x2];
	s15 =	sor.u32 s5, s4  }
0x5: {  	[smem:$0x7FF] =	sst s2;
	s4 =	sshrl.u32 s15, $0x3  }
0x6: {  	_ =	strace $0x8000004D;
	s4 =	sadd.s32 s3, s4;
	s3 =	simm.s32 $0x2  }
0x7: {  	[tilespmem:s2], [sflag:$0x2] =	stream.linear.gather [hbm4b:s4+s2], $0x400, $0x38;
	[tilespmem:$0x10400] =	vst v63  }
0x8: {  	_ =	swait.ge [sflag:s3], $0x400  }
0x9: {  	s6 =	simm.s32 $0x80;
	[sflag:s3] =	ssyncset.done $0x0  }
0xa: {  	s7 =	simm.s32 $0x400;
	s5 =	sadd.s32 $0xDA00, s14;
	[sflag:s3] =	ssyncadd.s32 $0xFFFFFC00  }
0xb: {  	[tilespmem:s7], [sflag:$0x1] =	stream.indirect.gather [hbm4b:s5+s6], $0x80, s2, s6, $0xb8;
	[tilespmem:$0x10400] =	vst v63  }
0xc: {  	s8 =	simm.s32 $0x4400  }
0xd: {  	[tilespmem:s8], [sflag:$0x1] =	stream.indirect.gather [hbm4b:s5+s6], $0x80, s6, s6, $0xb8;
	[tilespmem:$0x10400] =	vst v63  }
0xe: {  	s9 =	simm.s32 $0x100;
	s10 =	simm.s32 $0x8400  }
0xf: {  	[tilespmem:s10], [sflag:$0x1] =	stream.indirect.gather [hbm4b:s5+s6], $0x80, s9, s6, $0xb8;
	[tilespmem:$0x10400] =	vst v63  }
0x10: {  	s11 =	simm.s32 $0x180;
	s12 =	simm.s32 $0xC400;
	s13 =	simm.s32 $0x1  }
0x11: {  	[tilespmem:s12], [sflag:$0x1] =	stream.indirect.gather [hbm4b:s5+s6], $0x80, s11, s6, $0xb8;
	[tilespmem:$0x10400] =	vst v63  }
0x12: {  	_ =	swait.ge [sflag:s13], $0x4000  }
0x13: {  	[sflag:s13] =	ssyncset.done $0x0  }
0x14: {  	[sflag:s13] =	ssyncadd.s32 $0xFFFFC000  }
0x15: {  	_ =	swait.ge [sflag:s13], $0x4000  }
0x16: {  	[sflag:s13] =	ssyncset.done $0x0  }
0x17: {  	[sflag:s13] =	ssyncadd.s32 $0xFFFFC000  }
0x18: {  	_ =	swait.ge [sflag:s13], $0x4000  }
0x19: {  	[sflag:s13] =	ssyncset.done $0x0  }
0x1a: {  	[sflag:s13] =	ssyncadd.s32 $0xFFFFC000  }
0x1b: {  	s15 =	sshll.u32 s15, $0x4;
	_ =	swait.ge [sflag:s13], $0x4000  }
0x1c: {  	s20 =	sadd.s32 s15, s14;
	[sflag:s13] =	ssyncset.done $0x0  }
0x1d: {  	s14 =	sadd.s32 $0x25A00, s20;
	[sflag:s13] =	ssyncadd.s32 $0xFFFFC000  }
0x1e: {  	[hbm4b:s14+s2] =	stream.linear.scatter [tilespmem:s7], [sflag:$0x2], $0x10000, $0x38;
	[tilespmem:$0x10400] =	vst v63  }
0x1f: {  	_ =	swait.ge [sflag:s3], $0x10000  }
0x20: {  	[sflag:s3] =	ssyncset.done $0x0  }
0x21: {  	s15 =	simm.s32 $0x200;
	[sflag:s3] =	ssyncadd.s32 $0xFFFF0000  }
0x22: {  	[tilespmem:s7], [sflag:$0x1] =	stream.indirect.gather [hbm4b:s5+s6], $0x80, s15, s6, $0xb8;
	[tilespmem:$0x10400] =	vst v63  }
0x23: {  	s16 =	simm.s32 $0x280  }
0x24: {  	[tilespmem:s8], [sflag:$0x1] =	stream.indirect.gather [hbm4b:s5+s6], $0x80, s16, s6, $0xb8;
	[tilespmem:$0x10400] =	vst v63  }
0x25: {  	s17 =	simm.s32 $0x300  }
0x26: {  	[tilespmem:s10], [sflag:$0x1] =	stream.indirect.gather [hbm4b:s5+s6], $0x80, s17, s6, $0xb8;
	[tilespmem:$0x10400] =	vst v63  }
0x27: {  	s18 =	simm.s32 $0x380  }
0x28: {  	[tilespmem:s12], [sflag:$0x1] =	stream.indirect.gather [hbm4b:s5+s6], $0x80, s18, s6, $0xb8;
	[tilespmem:$0x10400] =	vst v63  }
0x29: {  	_ =	swait.ge [sflag:s13], $0x4000  }
0x2a: {  	[sflag:s13] =	ssyncset.done $0x0  }
0x2b: {  	[sflag:s13] =	ssyncadd.s32 $0xFFFFC000  }
0x2c: {  	_ =	swait.ge [sflag:s13], $0x4000  }
0x2d: {  	[sflag:s13] =	ssyncset.done $0x0  }
0x2e: {  	s19 =	ssub.s32 $0x2, s19;
	[sflag:s13] =	ssyncadd.s32 $0xFFFFC000  }
0x2f: {  	s21 =	sshrl.u32 s19, $0x1;
	_ =	swait.ge [sflag:s13], $0x4000  }
0x30: {  	s21 =	ssub.s32 s19, s21;
	[sflag:s13] =	ssyncset.done $0x0  }
0x31: {  	s31 =	smax.u32 s21, $0x1;
	[sflag:s13] =	ssyncadd.s32 $0xFFFFC000  }
0x32: {  	p0 =	sne.s32 s31, $0x1;
	_ =	swait.ge [sflag:s13], $0x4000  }
.Ltmp0:
0x33: {  	[sflag:s13] =	ssyncset.done $0x0;
	(pc) =	sbr.rel @!p0 .LBB2_2-.Ltmp0, $4  }
0x34: {  	s19 =	sadd.s32 $0x27A00, s20;
	[sflag:s13] =	ssyncadd.s32 $0xFFFFC000  }
0x35: {  	[hbm4b:s19+s2] =	stream.linear.scatter [tilespmem:s7], [sflag:$0x2], $0x10000, $0x38;
	[tilespmem:$0x10400] =	vst v63  }
0x36: {  	_ =	swait.ge [sflag:s3], $0x10000  }
0x37: {  	s20 =	sadd.s32 $0xFFFFFFFF, s31;
	[sflag:s3] =	ssyncset.done $0x0  }
.LBB2_1:
0x38: {  	p0 =	sne.s32 s20, $0x1;
	s20 =	sadd.s32 $0xFFFFFFFF, s20;
	[sflag:s3] =	ssyncadd.s32 $0xFFFF0000  }
0x39: {  	[tilespmem:s2], [sflag:$0x2] =	stream.linear.gather [hbm4b:s4+s2], $0x400, $0x38;
	[tilespmem:$0x10400] =	vst v63  }
0x3a: {  	_ =	swait.ge [sflag:s3], $0x400  }
0x3b: {  	[sflag:s3] =	ssyncset.done $0x0  }
0x3c: {  	[sflag:s3] =	ssyncadd.s32 $0xFFFFFC00  }
0x3d: {  	[tilespmem:s7], [sflag:$0x1] =	stream.indirect.gather [hbm4b:s5+s6], $0x80, s2, s6, $0xb8;
	[tilespmem:$0x10400] =	vst v63  }
0x3e: {  	_ = 	snop  }
0x3f: {  	[tilespmem:s8], [sflag:$0x1] =	stream.indirect.gather [hbm4b:s5+s6], $0x80, s6, s6, $0xb8;
	[tilespmem:$0x10400] =	vst v63  }
0x40: {  	_ = 	snop  }
0x41: {  	[tilespmem:s10], [sflag:$0x1] =	stream.indirect.gather [hbm4b:s5+s6], $0x80, s9, s6, $0xb8;
	[tilespmem:$0x10400] =	vst v63  }
0x42: {  	_ = 	snop  }
0x43: {  	[tilespmem:s12], [sflag:$0x1] =	stream.indirect.gather [hbm4b:s5+s6], $0x80, s11, s6, $0xb8;
	[tilespmem:$0x10400] =	vst v63  }
0x44: {  	_ =	swait.ge [sflag:s13], $0x4000  }
0x45: {  	[sflag:s13] =	ssyncset.done $0x0  }
0x46: {  	[sflag:s13] =	ssyncadd.s32 $0xFFFFC000  }
0x47: {  	_ =	swait.ge [sflag:s13], $0x4000  }
0x48: {  	[sflag:s13] =	ssyncset.done $0x0  }
0x49: {  	[sflag:s13] =	ssyncadd.s32 $0xFFFFC000  }
0x4a: {  	_ =	swait.ge [sflag:s13], $0x4000  }
0x4b: {  	[sflag:s13] =	ssyncset.done $0x0  }
0x4c: {  	[sflag:s13] =	ssyncadd.s32 $0xFFFFC000  }
0x4d: {  	_ =	swait.ge [sflag:s13], $0x4000  }
0x4e: {  	[sflag:s13] =	ssyncset.done $0x0  }
0x4f: {  	[sflag:s13] =	ssyncadd.s32 $0xFFFFC000  }
0x50: {  	[hbm4b:s14+s2] =	stream.linear.scatter [tilespmem:s7], [sflag:$0x2], $0x10000, $0x38;
	[tilespmem:$0x10400] =	vst v63  }
0x51: {  	_ =	swait.ge [sflag:s3], $0x10000  }
0x52: {  	[sflag:s3] =	ssyncset.done $0x0  }
0x53: {  	[sflag:s3] =	ssyncadd.s32 $0xFFFF0000  }
0x54: {  	[tilespmem:s7], [sflag:$0x1] =	stream.indirect.gather [hbm4b:s5+s6], $0x80, s15, s6, $0xb8;
	[tilespmem:$0x10400] =	vst v63  }
0x55: {  	_ = 	snop  }
0x56: {  	[tilespmem:s8], [sflag:$0x1] =	stream.indirect.gather [hbm4b:s5+s6], $0x80, s16, s6, $0xb8;
	[tilespmem:$0x10400] =	vst v63  }
0x57: {  	_ = 	snop  }
0x58: {  	[tilespmem:s10], [sflag:$0x1] =	stream.indirect.gather [hbm4b:s5+s6], $0x80, s17, s6, $0xb8;
	[tilespmem:$0x10400] =	vst v63  }
0x59: {  	_ = 	snop  }
0x5a: {  	[tilespmem:s12], [sflag:$0x1] =	stream.indirect.gather [hbm4b:s5+s6], $0x80, s18, s6, $0xb8;
	[tilespmem:$0x10400] =	vst v63  }
0x5b: {  	_ =	swait.ge [sflag:s13], $0x4000  }
0x5c: {  	[sflag:s13] =	ssyncset.done $0x0  }
0x5d: {  	[sflag:s13] =	ssyncadd.s32 $0xFFFFC000  }
0x5e: {  	_ =	swait.ge [sflag:s13], $0x4000  }
0x5f: {  	[sflag:s13] =	ssyncset.done $0x0  }
0x60: {  	[sflag:s13] =	ssyncadd.s32 $0xFFFFC000  }
0x61: {  	_ =	swait.ge [sflag:s13], $0x4000  }
0x62: {  	[sflag:s13] =	ssyncset.done $0x0  }
0x63: {  	[sflag:s13] =	ssyncadd.s32 $0xFFFFC000  }
0x64: {  	_ =	swait.ge [sflag:s13], $0x4000  }
.Ltmp1:
0x65: {  	[sflag:s13] =	ssyncset.done $0x0;
	(pc) =	sbr.rel @p0 .LBB2_1-.Ltmp1, $4  }
0x66: {  	[sflag:s13] =	ssyncadd.s32 $0xFFFFC000  }
0x67: {  	[hbm4b:s19+s2] =	stream.linear.scatter [tilespmem:s7], [sflag:$0x2], $0x10000, $0x38;
	[tilespmem:$0x10400] =	vst v63  }
0x68: {  	_ =	swait.ge [sflag:s3], $0x10000  }
0x69: {  	[sflag:s3] =	ssyncset.done $0x0  }
.LBB2_2:
0x6a: {  	[sflag:s3] =	ssyncadd.s32 $0xFFFF0000  }
0x6b: {  	_ =	sfence.sel $0x180000  }
0x6c: {  	[bflag:$0x0] =	sbarrier.arrive $0xFFFF  }
0x6d: {  	p0 =	sne.s32 s0, $0x0;
	_ =	strace $0x9000004D  }
0x6e: {  	s0 =	sadd.s32 @!p0 $0x100000, s1;
	[bflag:$0x2] =	sbarrier.arrive $0xFFFF  }
0x6f: {  	[sflag:s0] =	ssyncadd.tile.s32 @!p0 $0x1;
	_ =	shalt  }
.Lfunc_end2:
_tile_overlayer_lowered:
.L_overlay_start_2:
0x70: {  	(tag) =	ssettag $0x2  }
0x71: {  	s0 =	rddreg [dreg:$0x0];
	s2 =	stileid.u32  }
0x72: {  	s1 =	rddreg [dreg:$0x1];
	p0 =	sne.s32 s2, $0x0  }
0x73: {  	s3 =	rddreg [dreg:$0x2];
	[bflag:$0x3] =	sbarrier.arrive $0xFFFF;
	s2 =	simm.s32 @!p0 $0x1C02  }
0x74: {  	[timem:s3], [sflag:s2] =	dma.local @!p0 [hbm:s0], s1  }
0x75: {  	s0 =	simm.s32 @!p0 $0x2  }
0x76: {  	_ =	swait.ge @!p0 [sflag:s0], s1  }
0x77: {  	s1 =	ssub.s32 @!p0 $0x0, s1;
	[sflag:s0] =	ssyncset.done @!p0 $0x0  }
0x78: {  	[sflag:s0] =	ssyncadd.s32 @!p0 s1  }
0x79: {  	[bflag:$0x3] =	sbarrier.arrive $0xFFFF  }
0x7a: {  	_ =	shalt  }

// kernel: kernel.28.cloned.1.call-start
scs
__scs_entry_jumppad:
0x0: {  	(pc) =	sbr.rel $0x88, $3  }
0x1: {  	(tag) =	ssettag $0x0;
	lr =	simm.s32 $0x1  }
0x2: {  	[smem:$0x3F9F] =	sst lr;
	_ =	strace $0xD0000000  }
0x3: {  	_ = 	snop  }
0x4: {  	_ = 	snop  }
0x5: {  	_ = 	snop  }
0x6: {  	_ = 	snop  }
0x7: {  	_ = 	snop  }
__scs_overlays_trampoline_lowered:
0x8: {  	[smem:$0x3FAE] =	sst s0  }
0x9: {  	[smem:$0x3FAF] =	sst s1  }
0xa: {  	[smem:$0x3FB0] =	sst s2  }
0xb: {  	[smem:$0x3FB1] =	sst s3  }
0xc: {  	[smem:$0x3FB2] =	sst s4  }
0xd: {  	[smem:$0x3FB3] =	sst s5  }
0xe: {  	[smem:$0x3FB4] =	sst s6  }
0xf: {  	[smem:$0x3FB5] =	sst s7  }
0x10: {  	[smem:$0x3FB6] =	sst s8  }
0x11: {  	[smem:$0x3FB7] =	sst s9;
	s0 =	simm.s32 @!p0 $0x0  }
0x12: {  	s1 =	sld [smem:$0x3F9D];
	s0 =	simm.s32 @p0 $0x1  }
0x13: {  	[smem:$0x3FB8] =	sst s0;
	s0 =	simm.s32 @!p1 $0x0  }
0x14: {  	s2 =	sld [smem:$0x3F9C];
	s0 =	simm.s32 @p1 $0x1  }
0x15: {  	[smem:$0x3FB9] =	sst s0;
	s0 =	simm.s32 @!p2 $0x0  }
0x16: {  	s3 =	sld [smem:$0x3FDB];
	s0 =	simm.s32 @p2 $0x1  }
0x17: {  	s4 =	simm.s32 $0x1BF5;
	[smem:$0x3FBB] =	sst s0  }
0x18: {  	s0 =	sld [smem:$0x3F9E];
	_ =	swait.ge [sflag:s4], $0x0  }
0x19: {  	s7 =	sld [smem:$0x3F9F]  }
0x1a: {  	s8 =	sadd.s32 $0xFFFFE003, lr  }
0x1b: {  	s9 =	sadd.s32 $0xFFFFFEF7, lr;
	s5 =	simm.s32 $0xFFFFFFFF;
	p2 =	slt.u32 s8, $0xFFFFF086  }
0x1c: {  	p1 =	slt.u32 s9, $0xF7A;
	s5 =	simm.s32 @!p2 $0x0  }
0x1d: {  	s5 =	simm.s32 @p1 $0x1;
	p0 =	seq.s32 s7, s2  }
0x1e: {  	s7 =	smul.u32 @!p0 $0xF7A, s2;
	p2 =	seq.s32 @!p0 s5, $0x0  }
0x1f: {  	s9 =	smul.u32 $0xF7A, s1;
	s8 =	simm.s32 @!p0 $0x1BF5;
	p2 =	por !p2, p0  }
0x20: {  	[sflag:s8] =	ssyncset.s32 @!p0 $0xFFFFF086;
	s6 =	sadd.s32 @!p0 s3, s7;
	s7 =	simm.s32 @!p0 $0x108  }
0x21: {  	s3 =	sadd.s32 s3, s9;
	s6 =	sadd.s32 @!p0 $0x88, s6;
	s7 =	simm.s32 @p2 $0x1082  }
0x22: {  	[simem:s7], [sflag:s8] =	dma.local @!p0 [hbm:s6], $0xF7A  }
0x23: {  	s9 =	sor.u32 $0xD0000000, s2;
	s6 =	simm.s32 $0x108;
	_ =	swait.ge @!p0 [sflag:s8], $0x0  }
0x24: {  	s3 =	sadd.s32 $0x88, s3;
	s6 =	simm.s32 @!p1 $0x1082;
	[sflag:s4] =	ssyncset.s32 $0xFFFFF086  }
0x25: {  	[simem:s6], [sflag:s4] =	dma.local [hbm:s3], $0xF7A  }
0x26: {  	[smem:$0x3F9F] =	sst s1;
	(tag) =	ssettag s2;
	_ =	strace s9  }
0x27: {  	s1 =	sld [smem:$0x3FAF]  }
0x28: {  	s2 =	sld [smem:$0x3FB0]  }
0x29: {  	s4 =	sld [smem:$0x3FB2]  }
0x2a: {  	p0 =	seq.s32 s5, $0x0;
	s5 =	sld [smem:$0x3FB3]  }
0x2b: {  	s6 =	sld [smem:$0x3FB4]  }
0x2c: {  	s7 =	sld [smem:$0x3FB5]  }
0x2d: {  	s3 =	simm.s32 $0x108;
	s8 =	sld [smem:$0x3FB6]  }
0x2e: {  	s3 =	simm.s32 @!p0 $0x1082;
	s9 =	sld [smem:$0x3FB7]  }
0x2f: {  	lr =	sadd.s32 s0, s3;
	s0 =	sld [smem:$0x3FAE]  }
0x30: {  	s3 =	sld [smem:$0x3FB1]  }
0x31: {  	[smem:$0x3FBA] =	sst s10  }
0x32: {  	s10 =	sld [smem:$0x3FB8];
	_ =	sdelay $0x3  }
0x33: {  	p0 =	seq.s32 s10, $0x1;
	s10 =	sld [smem:$0x3FBA];
	_ =	sdelay $0x3  }
0x34: {  	[smem:$0x3FBA] =	sst s10  }
0x35: {  	s10 =	sld [smem:$0x3FB9];
	_ =	sdelay $0x3  }
0x36: {  	p1 =	seq.s32 s10, $0x1;
	s10 =	sld [smem:$0x3FBA];
	_ =	sdelay $0x3  }
0x37: {  	[smem:$0x3FBA] =	sst s10  }
0x38: {  	s10 =	sld [smem:$0x3FBB]  }
0x39: {  	_ = 	snop;
	(pc) =	sbr.ind lr, $3  }
0x3a: {  	_ = 	snop  }
0x3b: {  	_ = 	snop  }
0x3c: {  	p2 =	seq.s32 s10, $0x1;
	s10 =	sld [smem:$0x3FBA]  }
0x3d: {  	_ =	shalt  }
0x3e: {  	_ =	shalt  }
0x3f: {  	_ =	shalt  }
0x40: {  	_ =	shalt  }
0x41: {  	_ =	shalt  }
0x42: {  	_ =	shalt  }
0x43: {  	_ =	shalt  }
0x44: {  	_ =	shalt  }
0x45: {  	_ =	shalt  }
0x46: {  	_ =	shalt  }
0x47: {  	_ =	shalt  }
0x48: {  	_ =	shalt  }
0x49: {  	_ =	shalt  }
0x4a: {  	_ =	shalt  }
0x4b: {  	_ =	shalt  }
0x4c: {  	_ =	shalt  }
0x4d: {  	_ =	shalt  }
0x4e: {  	_ =	shalt  }
0x4f: {  	_ =	shalt  }
0x50: {  	_ =	shalt  }
0x51: {  	_ =	shalt  }
0x52: {  	_ =	shalt  }
0x53: {  	_ =	shalt  }
0x54: {  	_ =	shalt  }
0x55: {  	_ =	shalt  }
0x56: {  	_ =	shalt  }
0x57: {  	_ =	shalt  }
0x58: {  	_ =	shalt  }
0x59: {  	_ =	shalt  }
0x5a: {  	_ =	shalt  }
0x5b: {  	_ =	shalt  }
0x5c: {  	_ =	shalt  }
0x5d: {  	_ =	shalt  }
0x5e: {  	_ =	shalt  }
0x5f: {  	_ =	shalt  }
0x60: {  	_ =	shalt  }
0x61: {  	_ =	shalt  }
0x62: {  	_ =	shalt  }
0x63: {  	_ =	shalt  }
0x64: {  	_ =	shalt  }
0x65: {  	_ =	shalt  }
0x66: {  	_ =	shalt  }
0x67: {  	_ =	shalt  }
0x68: {  	_ =	shalt  }
0x69: {  	_ =	shalt  }
0x6a: {  	_ =	shalt  }
0x6b: {  	_ =	shalt  }
0x6c: {  	_ =	shalt  }
0x6d: {  	_ =	shalt  }
0x6e: {  	_ =	shalt  }
0x6f: {  	_ =	shalt  }
0x70: {  	_ =	shalt  }
0x71: {  	_ =	shalt  }
0x72: {  	_ =	shalt  }
0x73: {  	_ =	shalt  }
0x74: {  	_ =	shalt  }
0x75: {  	_ =	shalt  }
0x76: {  	_ =	shalt  }
0x77: {  	_ =	shalt  }
0x78: {  	_ =	shalt  }
0x79: {  	_ =	shalt  }
0x7a: {  	_ =	shalt  }
0x7b: {  	_ =	shalt  }
0x7c: {  	_ =	shalt  }
0x7d: {  	_ =	shalt  }
0x7e: {  	_ =	shalt  }
0x7f: {  	_ =	shalt  }
0x80: {  	_ =	shalt  }
0x81: {  	_ =	shalt  }
0x82: {  	_ =	shalt  }
0x83: {  	_ =	shalt  }
0x84: {  	_ =	shalt  }
0x85: {  	_ =	shalt  }
0x86: {  	_ =	shalt  }
0x87: {  	_ =	shalt  }
.Lfunc_end0:
.L_simem_size_0:
called_computation.3_lowered:
.L_overlay_start_0:
0x88: {  	s2 =	sld [smem:$0x3FD9]  }
0x89: {  	s3 =	sld [smem:$0x3FFE];
	_ =	sdelay $0x1  }
0x8a: {  	s1 =	srdreg.scid  }
0x8b: {  	s0 =	sand.u32 $0x1, s1  }
0x8c: {  	s14 =	sshll.u32 s0, $0xA;
	s2 =	sadd.s32 s3, s2  }
0x8d: {  	s2 =	sadd.s32 s2, s14  }
0x8e: {  	[smem:$0x3FC6] =	sst s2  }
0x8f: {  	_ = 	snop  }
0x90: {  	s2 =	sld [smem:$0x3FD0];
	_ =	sdelay $0x2  }
0x91: {  	s15 =	simm.s32 $0xA;
	s4 =	simm.s32 $0x10  }
0x92: {  	[smem:s4], [sflag:s15] =	dma.local [hbm:s2], $0x1  }
0x93: {  	_ =	swait.eq [sflag:s15], $0x1  }
0x94: {  	[sflag:s15] =	ssyncset.done $0x0  }
0x95: {  	[sflag:s15] =	ssyncadd.s32 $0xFFFFFFFF  }
0x96: {  	s16 =	sld [smem:$0x11];
	(tm) =	ssettm $0x1  }
0x97: {  	s17 =	sld [smem:$0x3FFB];
	_ =	sdelay $0x3  }
0x98: {  	_ =	strace s17  }
0x99: {  	s3 =	sld [smem:$0x3FFC];
	_ =	sdelay $0x3  }
0x9a: {  	_ =	strace s3  }
0x9b: {  	s3 =	sld [smem:$0x3FFD];
	_ =	sdelay $0x3  }
0x9c: {  	_ =	strace s3  }
0x9d: {  	_ =	strace $0x8FFFFFFF  }
0x9e: {  	s18 =	sld [smem:$0x3FDB];
	_ =	sdelay $0x1  }
0x9f: {  	s19 =	simm.s32 $_scs_section_size  }
0xa0: {  	s5 =	simm.s32 $_size__tile_overlayer_lowered;
	s6 =	simm.s32 $_tile_overlayer_lowered  }
0xa1: {  	s22 =	simm.s32 $0x1BFF;
	s21 =	sshll.u32 s6, $0x1;
	s3 =	sadd.s32 s19, s18  }
0xa2: {  	s7 =	simm.s32 $0x0;
	s20 =	sshll.u32 s5, $0x1;
	s5 =	sadd.s32 s21, s3  }
0xa3: {  	[timem:s7], [sflag:s22] =	dma.local [hbm:s5], s20  }
0xa4: {  	_ =	swait.ge [sflag:s22], s20  }
0xa5: {  	s4 =	ssub.s32 $0x0, s20;
	[sflag:s22] =	ssyncset.done $0x0  }
0xa6: {  	[sflag:s22] =	ssyncadd.s32 s4;
	_ =	sdelay $0x1  }
0xa7: {  	s23 =	simm.s32 $0x1B8B  }
0xa8: {  	_ =	swait.ge [sflag:s23], $0x1  }
0xa9: {  	[sflag:s23] =	ssyncset.done $0x0  }
0xaa: {  	s25 =	simm.s32 $0x1B8E;
	s24 =	sld [smem:$0x3FFE];
	[sflag:s23] =	ssyncadd.s32 $0xFFFFFFFF  }
0xab: {  	s26 =	simm.s32 $execute0_lowered;
	[smem:$0x3FD2] =	sst s25  }
0xac: {  	s5 =	sshll.u32 s26, $0x1;
	_ =	strace $0x8000004F;
	[dreg:$0x1] =	wrdreg $0xFFFFFFFF  }
0xad: {  	s28 =	simm.s32 $_size_execute0_lowered;
	s3 =	sadd.s32 s3, s5;
	[dreg:$0x0] =	wrdreg $0x0  }
0xae: {  	s5 =	sshll.u32 s28, $0x1;
	[dreg:$0x2] =	wrdreg s3  }
0xaf: {  	[dreg:$0x3] =	wrdreg s5  }
0xb0: {  	[dreg:$0x4] =	wrdreg $0xC0  }
0xb1: {  	_ =	task [dreg:s7], $0x5FFFF  }
0xb2: {  	[dreg:$0x1] =	wrdreg $0xFFFFFFFF  }
0xb3: {  	[dreg:$0x0] =	wrdreg $0x60  }
0xb4: {  	[dreg:$0x2] =	wrdreg s24  }
0xb5: {  	[dreg:$0x3] =	wrdreg s16  }
0xb6: {  	[dreg:$0x4] =	wrdreg $0x9  }
0xb7: {  	_ =	task.clear_ibuf [dreg:s7], $0x5FFFF;
	_ =	strace $0x9000004F  }
0xb8: {  	s29 =	simm.s32 $0x9;
	_ =	strace $0x80000051  }
0xb9: {  	_ =	swait.ge [sflag:s29], $0x1  }
0xba: {  	[sflag:s29] =	ssyncadd.s32 $0xFFFFFFFF  }
0xbb: {  	_ =	strace $0x90000051  }
0xbc: {  	_ =	sfence  }
0xbd: {  	s30 =	sld [smem:$0x0];
	_ =	sdelay $0x2  }
0xbe: {  	s31 =	sshll.u32 s1, $0xD;
	s1 =	sshrl.u32 s1, $0x2  }
0xbf: {  	s3 =	sand.u32 $0x4000, s31;
	s1 =	sadd.s32 s1, s30  }
0xc0: {  	s0 =	sor.u32 s3, s0;
	s1 =	sshll.u32 s1, $0x11  }
0xc1: {  	s0 =	sor.u32 s1, s0  }
0xc2: {  	s0 =	sadd.s32 $0x8F2B, s0  }
0xc3: {  	[sflag:s0] =	ssyncadd.remote.s32 $0x1  }
0xc4: {  	_ =	sfence.sel $0xFFFF  }
0xc5: {  	[dreg:$0x0] =	wrdreg $0xFFFFFFFF;
	(pc) =	sbr.abs _section_cstart, $3  }
0xc6: {  	[dreg:$0x1] =	wrdreg $0xFFFFFFFF  }
0xc7: {  	_ =	task.clear_ibuf [dreg:s7], $0x2FFFF;
	_ =	strace $0x9FFFFFFF  }
0xc8: {  	(tm) =	ssettm $0x7FFFFFFF  }
0xc9: {  	_ =	shalt  }
tec
execute0_lowered:
.L_overlay_start_1:
0x0: {  	(tag) =	ssettag $0x1  }
0x1: {  	s1 =	srdreg.scid  }
0x2: {  	s14 =	rddreg [dreg:$0x0];
	s0 =	stileid.u32;
	s19 =	sand.u32 $0x1, s1  }
0x3: {  	s3 =	rddreg [dreg:$0x1];
	s4 =	sshll.u32 s0, $0xB;
	s5 =	sshll.u32 s19, $0xA  }
0x4: {  	s2 =	simm.s32 $0x0;
	s1 =	rddreg [dreg:$0x2];
	s15 =	sor.u32 s5, s4  }
0x5: {  	[smem:$0x7FF] =	sst s2;
	s4 =	sshrl.u32 s15, $0x3  }
0x6: {  	_ =	strace $0x80000050;
	s4 =	sadd.s32 s3, s4;
	s3 =	simm.s32 $0x2  }
0x7: {  	[tilespmem:s2], [sflag:$0x2] =	stream.linear.gather [hbm4b:s4+s2], $0x400, $0x38;
	[tilespmem:$0x10400] =	vst v63  }
0x8: {  	_ =	swait.ge [sflag:s3], $0x400  }
0x9: {  	s6 =	simm.s32 $0x80;
	[sflag:s3] =	ssyncset.done $0x0  }
0xa: {  	s7 =	simm.s32 $0x400;
	s5 =	sadd.s32 $0x11A00, s14;
	[sflag:s3] =	ssyncadd.s32 $0xFFFFFC00  }
0xb: {  	[tilespmem:s7], [sflag:$0x1] =	stream.indirect.gather [hbm4b:s5+s6], $0x80, s2, s6, $0xb8;
	[tilespmem:$0x10400] =	vst v63  }
0xc: {  	s8 =	simm.s32 $0x4400  }
0xd: {  	[tilespmem:s8], [sflag:$0x1] =	stream.indirect.gather [hbm4b:s5+s6], $0x80, s6, s6, $0xb8;
	[tilespmem:$0x10400] =	vst v63  }
0xe: {  	s9 =	simm.s32 $0x100;
	s10 =	simm.s32 $0x8400  }
0xf: {  	[tilespmem:s10], [sflag:$0x1] =	stream.indirect.gather [hbm4b:s5+s6], $0x80, s9, s6, $0xb8;
	[tilespmem:$0x10400] =	vst v63  }
0x10: {  	s11 =	simm.s32 $0x180;
	s12 =	simm.s32 $0xC400;
	s13 =	simm.s32 $0x1  }
0x11: {  	[tilespmem:s12], [sflag:$0x1] =	stream.indirect.gather [hbm4b:s5+s6], $0x80, s11, s6, $0xb8;
	[tilespmem:$0x10400] =	vst v63  }
0x12: {  	_ =	swait.ge [sflag:s13], $0x4000  }
0x13: {  	[sflag:s13] =	ssyncset.done $0x0  }
0x14: {  	[sflag:s13] =	ssyncadd.s32 $0xFFFFC000  }
0x15: {  	_ =	swait.ge [sflag:s13], $0x4000  }
0x16: {  	[sflag:s13] =	ssyncset.done $0x0  }
0x17: {  	[sflag:s13] =	ssyncadd.s32 $0xFFFFC000  }
0x18: {  	_ =	swait.ge [sflag:s13], $0x4000  }
0x19: {  	[sflag:s13] =	ssyncset.done $0x0  }
0x1a: {  	[sflag:s13] =	ssyncadd.s32 $0xFFFFC000  }
0x1b: {  	s15 =	sshll.u32 s15, $0x4;
	_ =	swait.ge [sflag:s13], $0x4000  }
0x1c: {  	s20 =	sadd.s32 s15, s14;
	[sflag:s13] =	ssyncset.done $0x0  }
0x1d: {  	s14 =	sadd.s32 $0x25A00, s20;
	[sflag:s13] =	ssyncadd.s32 $0xFFFFC000  }
0x1e: {  	[hbm4b:s14+s2] =	stream.linear.scatter [tilespmem:s7], [sflag:$0x2], $0x10000, $0x38;
	[tilespmem:$0x10400] =	vst v63  }
0x1f: {  	_ =	swait.ge [sflag:s3], $0x10000  }
0x20: {  	[sflag:s3] =	ssyncset.done $0x0  }
0x21: {  	s15 =	simm.s32 $0x200;
	[sflag:s3] =	ssyncadd.s32 $0xFFFF0000  }
0x22: {  	[tilespmem:s7], [sflag:$0x1] =	stream.indirect.gather [hbm4b:s5+s6], $0x80, s15, s6, $0xb8;
	[tilespmem:$0x10400] =	vst v63  }
0x23: {  	s16 =	simm.s32 $0x280  }
0x24: {  	[tilespmem:s8], [sflag:$0x1] =	stream.indirect.gather [hbm4b:s5+s6], $0x80, s16, s6, $0xb8;
	[tilespmem:$0x10400] =	vst v63  }
0x25: {  	s17 =	simm.s32 $0x300  }
0x26: {  	[tilespmem:s10], [sflag:$0x1] =	stream.indirect.gather [hbm4b:s5+s6], $0x80, s17, s6, $0xb8;
	[tilespmem:$0x10400] =	vst v63  }
0x27: {  	s18 =	simm.s32 $0x380  }
0x28: {  	[tilespmem:s12], [sflag:$0x1] =	stream.indirect.gather [hbm4b:s5+s6], $0x80, s18, s6, $0xb8;
	[tilespmem:$0x10400] =	vst v63  }
0x29: {  	_ =	swait.ge [sflag:s13], $0x4000  }
0x2a: {  	[sflag:s13] =	ssyncset.done $0x0  }
0x2b: {  	[sflag:s13] =	ssyncadd.s32 $0xFFFFC000  }
0x2c: {  	_ =	swait.ge [sflag:s13], $0x4000  }
0x2d: {  	[sflag:s13] =	ssyncset.done $0x0  }
0x2e: {  	s19 =	ssub.s32 $0x2, s19;
	[sflag:s13] =	ssyncadd.s32 $0xFFFFC000  }
0x2f: {  	s21 =	sshrl.u32 s19, $0x1;
	_ =	swait.ge [sflag:s13], $0x4000  }
0x30: {  	s21 =	ssub.s32 s19, s21;
	[sflag:s13] =	ssyncset.done $0x0  }
0x31: {  	s31 =	smax.u32 s21, $0x1;
	[sflag:s13] =	ssyncadd.s32 $0xFFFFC000  }
0x32: {  	p0 =	sne.s32 s31, $0x1;
	_ =	swait.ge [sflag:s13], $0x4000  }
.Ltmp0:
0x33: {  	[sflag:s13] =	ssyncset.done $0x0;
	(pc) =	sbr.rel @!p0 .LBB2_2-.Ltmp0, $4  }
0x34: {  	s19 =	sadd.s32 $0x27A00, s20;
	[sflag:s13] =	ssyncadd.s32 $0xFFFFC000  }
0x35: {  	[hbm4b:s19+s2] =	stream.linear.scatter [tilespmem:s7], [sflag:$0x2], $0x10000, $0x38;
	[tilespmem:$0x10400] =	vst v63  }
0x36: {  	_ =	swait.ge [sflag:s3], $0x10000  }
0x37: {  	s20 =	sadd.s32 $0xFFFFFFFF, s31;
	[sflag:s3] =	ssyncset.done $0x0  }
.LBB2_1:
0x38: {  	p0 =	sne.s32 s20, $0x1;
	s20 =	sadd.s32 $0xFFFFFFFF, s20;
	[sflag:s3] =	ssyncadd.s32 $0xFFFF0000  }
0x39: {  	[tilespmem:s2], [sflag:$0x2] =	stream.linear.gather [hbm4b:s4+s2], $0x400, $0x38;
	[tilespmem:$0x10400] =	vst v63  }
0x3a: {  	_ =	swait.ge [sflag:s3], $0x400  }
0x3b: {  	[sflag:s3] =	ssyncset.done $0x0  }
0x3c: {  	[sflag:s3] =	ssyncadd.s32 $0xFFFFFC00  }
0x3d: {  	[tilespmem:s7], [sflag:$0x1] =	stream.indirect.gather [hbm4b:s5+s6], $0x80, s2, s6, $0xb8;
	[tilespmem:$0x10400] =	vst v63  }
0x3e: {  	_ = 	snop  }
0x3f: {  	[tilespmem:s8], [sflag:$0x1] =	stream.indirect.gather [hbm4b:s5+s6], $0x80, s6, s6, $0xb8;
	[tilespmem:$0x10400] =	vst v63  }
0x40: {  	_ = 	snop  }
0x41: {  	[tilespmem:s10], [sflag:$0x1] =	stream.indirect.gather [hbm4b:s5+s6], $0x80, s9, s6, $0xb8;
	[tilespmem:$0x10400] =	vst v63  }
0x42: {  	_ = 	snop  }
0x43: {  	[tilespmem:s12], [sflag:$0x1] =	stream.indirect.gather [hbm4b:s5+s6], $0x80, s11, s6, $0xb8;
	[tilespmem:$0x10400] =	vst v63  }
0x44: {  	_ =	swait.ge [sflag:s13], $0x4000  }
0x45: {  	[sflag:s13] =	ssyncset.done $0x0  }
0x46: {  	[sflag:s13] =	ssyncadd.s32 $0xFFFFC000  }
0x47: {  	_ =	swait.ge [sflag:s13], $0x4000  }
0x48: {  	[sflag:s13] =	ssyncset.done $0x0  }
0x49: {  	[sflag:s13] =	ssyncadd.s32 $0xFFFFC000  }
0x4a: {  	_ =	swait.ge [sflag:s13], $0x4000  }
0x4b: {  	[sflag:s13] =	ssyncset.done $0x0  }
0x4c: {  	[sflag:s13] =	ssyncadd.s32 $0xFFFFC000  }
0x4d: {  	_ =	swait.ge [sflag:s13], $0x4000  }
0x4e: {  	[sflag:s13] =	ssyncset.done $0x0  }
0x4f: {  	[sflag:s13] =	ssyncadd.s32 $0xFFFFC000  }
0x50: {  	[hbm4b:s14+s2] =	stream.linear.scatter [tilespmem:s7], [sflag:$0x2], $0x10000, $0x38;
	[tilespmem:$0x10400] =	vst v63  }
0x51: {  	_ =	swait.ge [sflag:s3], $0x10000  }
0x52: {  	[sflag:s3] =	ssyncset.done $0x0  }
0x53: {  	[sflag:s3] =	ssyncadd.s32 $0xFFFF0000  }
0x54: {  	[tilespmem:s7], [sflag:$0x1] =	stream.indirect.gather [hbm4b:s5+s6], $0x80, s15, s6, $0xb8;
	[tilespmem:$0x10400] =	vst v63  }
0x55: {  	_ = 	snop  }
0x56: {  	[tilespmem:s8], [sflag:$0x1] =	stream.indirect.gather [hbm4b:s5+s6], $0x80, s16, s6, $0xb8;
	[tilespmem:$0x10400] =	vst v63  }
0x57: {  	_ = 	snop  }
0x58: {  	[tilespmem:s10], [sflag:$0x1] =	stream.indirect.gather [hbm4b:s5+s6], $0x80, s17, s6, $0xb8;
	[tilespmem:$0x10400] =	vst v63  }
0x59: {  	_ = 	snop  }
0x5a: {  	[tilespmem:s12], [sflag:$0x1] =	stream.indirect.gather [hbm4b:s5+s6], $0x80, s18, s6, $0xb8;
	[tilespmem:$0x10400] =	vst v63  }
0x5b: {  	_ =	swait.ge [sflag:s13], $0x4000  }
0x5c: {  	[sflag:s13] =	ssyncset.done $0x0  }
0x5d: {  	[sflag:s13] =	ssyncadd.s32 $0xFFFFC000  }
0x5e: {  	_ =	swait.ge [sflag:s13], $0x4000  }
0x5f: {  	[sflag:s13] =	ssyncset.done $0x0  }
0x60: {  	[sflag:s13] =	ssyncadd.s32 $0xFFFFC000  }
0x61: {  	_ =	swait.ge [sflag:s13], $0x4000  }
0x62: {  	[sflag:s13] =	ssyncset.done $0x0  }
0x63: {  	[sflag:s13] =	ssyncadd.s32 $0xFFFFC000  }
0x64: {  	_ =	swait.ge [sflag:s13], $0x4000  }
.Ltmp1:
0x65: {  	[sflag:s13] =	ssyncset.done $0x0;
	(pc) =	sbr.rel @p0 .LBB2_1-.Ltmp1, $4  }
0x66: {  	[sflag:s13] =	ssyncadd.s32 $0xFFFFC000  }
0x67: {  	[hbm4b:s19+s2] =	stream.linear.scatter [tilespmem:s7], [sflag:$0x2], $0x10000, $0x38;
	[tilespmem:$0x10400] =	vst v63  }
0x68: {  	_ =	swait.ge [sflag:s3], $0x10000  }
0x69: {  	[sflag:s3] =	ssyncset.done $0x0  }
.LBB2_2:
0x6a: {  	[sflag:s3] =	ssyncadd.s32 $0xFFFF0000  }
0x6b: {  	_ =	sfence.sel $0x180000  }
0x6c: {  	[bflag:$0x0] =	sbarrier.arrive $0xFFFF  }
0x6d: {  	p0 =	sne.s32 s0, $0x0;
	_ =	strace $0x90000050  }
0x6e: {  	s0 =	sadd.s32 @!p0 $0x100000, s1;
	[bflag:$0x2] =	sbarrier.arrive $0xFFFF  }
0x6f: {  	[sflag:s0] =	ssyncadd.tile.s32 @!p0 $0x1;
	_ =	shalt  }
.Lfunc_end2:
_tile_overlayer_lowered:
.L_overlay_start_2:
0x70: {  	(tag) =	ssettag $0x2  }
0x71: {  	s0 =	rddreg [dreg:$0x0];
	s2 =	stileid.u32  }
0x72: {  	s1 =	rddreg [dreg:$0x1];
	p0 =	sne.s32 s2, $0x0  }
0x73: {  	s3 =	rddreg [dreg:$0x2];
	[bflag:$0x3] =	sbarrier.arrive $0xFFFF;
	s2 =	simm.s32 @!p0 $0x1C02  }
0x74: {  	[timem:s3], [sflag:s2] =	dma.local @!p0 [hbm:s0], s1  }
0x75: {  	s0 =	simm.s32 @!p0 $0x2  }
0x76: {  	_ =	swait.ge @!p0 [sflag:s0], s1  }
0x77: {  	s1 =	ssub.s32 @!p0 $0x0, s1;
	[sflag:s0] =	ssyncset.done @!p0 $0x0  }
0x78: {  	[sflag:s0] =	ssyncadd.s32 @!p0 s1  }
0x79: {  	[bflag:$0x3] =	sbarrier.arrive $0xFFFF  }
0x7a: {  	_ =	shalt  }

// kernel: kernel.31.cloned.1.call-start
scs
__scs_entry_jumppad:
0x0: {  	(pc) =	sbr.rel $0x88, $3  }
0x1: {  	(tag) =	ssettag $0x0;
	lr =	simm.s32 $0x1  }
0x2: {  	[smem:$0x3F9F] =	sst lr;
	_ =	strace $0xD0000000  }
0x3: {  	_ = 	snop  }
0x4: {  	_ = 	snop  }
0x5: {  	_ = 	snop  }
0x6: {  	_ = 	snop  }
0x7: {  	_ = 	snop  }
__scs_overlays_trampoline_lowered:
0x8: {  	[smem:$0x3FAE] =	sst s0  }
0x9: {  	[smem:$0x3FAF] =	sst s1  }
0xa: {  	[smem:$0x3FB0] =	sst s2  }
0xb: {  	[smem:$0x3FB1] =	sst s3  }
0xc: {  	[smem:$0x3FB2] =	sst s4  }
0xd: {  	[smem:$0x3FB3] =	sst s5  }
0xe: {  	[smem:$0x3FB4] =	sst s6  }
0xf: {  	[smem:$0x3FB5] =	sst s7  }
0x10: {  	[smem:$0x3FB6] =	sst s8  }
0x11: {  	[smem:$0x3FB7] =	sst s9;
	s0 =	simm.s32 @!p0 $0x0  }
0x12: {  	s1 =	sld [smem:$0x3F9D];
	s0 =	simm.s32 @p0 $0x1  }
0x13: {  	[smem:$0x3FB8] =	sst s0;
	s0 =	simm.s32 @!p1 $0x0  }
0x14: {  	s2 =	sld [smem:$0x3F9C];
	s0 =	simm.s32 @p1 $0x1  }
0x15: {  	[smem:$0x3FB9] =	sst s0;
	s0 =	simm.s32 @!p2 $0x0  }
0x16: {  	s3 =	sld [smem:$0x3FDB];
	s0 =	simm.s32 @p2 $0x1  }
0x17: {  	s4 =	simm.s32 $0x1BF5;
	[smem:$0x3FBB] =	sst s0  }
0x18: {  	s0 =	sld [smem:$0x3F9E];
	_ =	swait.ge [sflag:s4], $0x0  }
0x19: {  	s7 =	sld [smem:$0x3F9F]  }
0x1a: {  	s8 =	sadd.s32 $0xFFFFE003, lr  }
0x1b: {  	s9 =	sadd.s32 $0xFFFFFEF7, lr;
	s5 =	simm.s32 $0xFFFFFFFF;
	p2 =	slt.u32 s8, $0xFFFFF086  }
0x1c: {  	p1 =	slt.u32 s9, $0xF7A;
	s5 =	simm.s32 @!p2 $0x0  }
0x1d: {  	s5 =	simm.s32 @p1 $0x1;
	p0 =	seq.s32 s7, s2  }
0x1e: {  	s7 =	smul.u32 @!p0 $0xF7A, s2;
	p2 =	seq.s32 @!p0 s5, $0x0  }
0x1f: {  	s9 =	smul.u32 $0xF7A, s1;
	s8 =	simm.s32 @!p0 $0x1BF5;
	p2 =	por !p2, p0  }
0x20: {  	[sflag:s8] =	ssyncset.s32 @!p0 $0xFFFFF086;
	s6 =	sadd.s32 @!p0 s3, s7;
	s7 =	simm.s32 @!p0 $0x108  }
0x21: {  	s3 =	sadd.s32 s3, s9;
	s6 =	sadd.s32 @!p0 $0x88, s6;
	s7 =	simm.s32 @p2 $0x1082  }
0x22: {  	[simem:s7], [sflag:s8] =	dma.local @!p0 [hbm:s6], $0xF7A  }
0x23: {  	s9 =	sor.u32 $0xD0000000, s2;
	s6 =	simm.s32 $0x108;
	_ =	swait.ge @!p0 [sflag:s8], $0x0  }
0x24: {  	s3 =	sadd.s32 $0x88, s3;
	s6 =	simm.s32 @!p1 $0x1082;
	[sflag:s4] =	ssyncset.s32 $0xFFFFF086  }
0x25: {  	[simem:s6], [sflag:s4] =	dma.local [hbm:s3], $0xF7A  }
0x26: {  	[smem:$0x3F9F] =	sst s1;
	(tag) =	ssettag s2;
	_ =	strace s9  }
0x27: {  	s1 =	sld [smem:$0x3FAF]  }
0x28: {  	s2 =	sld [smem:$0x3FB0]  }
0x29: {  	s4 =	sld [smem:$0x3FB2]  }
0x2a: {  	p0 =	seq.s32 s5, $0x0;
	s5 =	sld [smem:$0x3FB3]  }
0x2b: {  	s6 =	sld [smem:$0x3FB4]  }
0x2c: {  	s7 =	sld [smem:$0x3FB5]  }
0x2d: {  	s3 =	simm.s32 $0x108;
	s8 =	sld [smem:$0x3FB6]  }
0x2e: {  	s3 =	simm.s32 @!p0 $0x1082;
	s9 =	sld [smem:$0x3FB7]  }
0x2f: {  	lr =	sadd.s32 s0, s3;
	s0 =	sld [smem:$0x3FAE]  }
0x30: {  	s3 =	sld [smem:$0x3FB1]  }
0x31: {  	[smem:$0x3FBA] =	sst s10  }
0x32: {  	s10 =	sld [smem:$0x3FB8];
	_ =	sdelay $0x3  }
0x33: {  	p0 =	seq.s32 s10, $0x1;
	s10 =	sld [smem:$0x3FBA];
	_ =	sdelay $0x3  }
0x34: {  	[smem:$0x3FBA] =	sst s10  }
0x35: {  	s10 =	sld [smem:$0x3FB9];
	_ =	sdelay $0x3  }
0x36: {  	p1 =	seq.s32 s10, $0x1;
	s10 =	sld [smem:$0x3FBA];
	_ =	sdelay $0x3  }
0x37: {  	[smem:$0x3FBA] =	sst s10  }
0x38: {  	s10 =	sld [smem:$0x3FBB]  }
0x39: {  	_ = 	snop;
	(pc) =	sbr.ind lr, $3  }
0x3a: {  	_ = 	snop  }
0x3b: {  	_ = 	snop  }
0x3c: {  	p2 =	seq.s32 s10, $0x1;
	s10 =	sld [smem:$0x3FBA]  }
0x3d: {  	_ =	shalt  }
0x3e: {  	_ =	shalt  }
0x3f: {  	_ =	shalt  }
0x40: {  	_ =	shalt  }
0x41: {  	_ =	shalt  }
0x42: {  	_ =	shalt  }
0x43: {  	_ =	shalt  }
0x44: {  	_ =	shalt  }
0x45: {  	_ =	shalt  }
0x46: {  	_ =	shalt  }
0x47: {  	_ =	shalt  }
0x48: {  	_ =	shalt  }
0x49: {  	_ =	shalt  }
0x4a: {  	_ =	shalt  }
0x4b: {  	_ =	shalt  }
0x4c: {  	_ =	shalt  }
0x4d: {  	_ =	shalt  }
0x4e: {  	_ =	shalt  }
0x4f: {  	_ =	shalt  }
0x50: {  	_ =	shalt  }
0x51: {  	_ =	shalt  }
0x52: {  	_ =	shalt  }
0x53: {  	_ =	shalt  }
0x54: {  	_ =	shalt  }
0x55: {  	_ =	shalt  }
0x56: {  	_ =	shalt  }
0x57: {  	_ =	shalt  }
0x58: {  	_ =	shalt  }
0x59: {  	_ =	shalt  }
0x5a: {  	_ =	shalt  }
0x5b: {  	_ =	shalt  }
0x5c: {  	_ =	shalt  }
0x5d: {  	_ =	shalt  }
0x5e: {  	_ =	shalt  }
0x5f: {  	_ =	shalt  }
0x60: {  	_ =	shalt  }
0x61: {  	_ =	shalt  }
0x62: {  	_ =	shalt  }
0x63: {  	_ =	shalt  }
0x64: {  	_ =	shalt  }
0x65: {  	_ =	shalt  }
0x66: {  	_ =	shalt  }
0x67: {  	_ =	shalt  }
0x68: {  	_ =	shalt  }
0x69: {  	_ =	shalt  }
0x6a: {  	_ =	shalt  }
0x6b: {  	_ =	shalt  }
0x6c: {  	_ =	shalt  }
0x6d: {  	_ =	shalt  }
0x6e: {  	_ =	shalt  }
0x6f: {  	_ =	shalt  }
0x70: {  	_ =	shalt  }
0x71: {  	_ =	shalt  }
0x72: {  	_ =	shalt  }
0x73: {  	_ =	shalt  }
0x74: {  	_ =	shalt  }
0x75: {  	_ =	shalt  }
0x76: {  	_ =	shalt  }
0x77: {  	_ =	shalt  }
0x78: {  	_ =	shalt  }
0x79: {  	_ =	shalt  }
0x7a: {  	_ =	shalt  }
0x7b: {  	_ =	shalt  }
0x7c: {  	_ =	shalt  }
0x7d: {  	_ =	shalt  }
0x7e: {  	_ =	shalt  }
0x7f: {  	_ =	shalt  }
0x80: {  	_ =	shalt  }
0x81: {  	_ =	shalt  }
0x82: {  	_ =	shalt  }
0x83: {  	_ =	shalt  }
0x84: {  	_ =	shalt  }
0x85: {  	_ =	shalt  }
0x86: {  	_ =	shalt  }
0x87: {  	_ =	shalt  }
.Lfunc_end0:
.L_simem_size_0:
called_computation.4_lowered:
.L_overlay_start_0:
0x88: {  	s2 =	sld [smem:$0x3FD9]  }
0x89: {  	s3 =	sld [smem:$0x3FFE];
	_ =	sdelay $0x1  }
0x8a: {  	s1 =	srdreg.scid  }
0x8b: {  	s0 =	sand.u32 $0x1, s1  }
0x8c: {  	s14 =	sshll.u32 s0, $0xA;
	s2 =	sadd.s32 s3, s2  }
0x8d: {  	s2 =	sadd.s32 s2, s14  }
0x8e: {  	[smem:$0x3FC6] =	sst s2  }
0x8f: {  	_ = 	snop  }
0x90: {  	s2 =	sld [smem:$0x3FD0];
	_ =	sdelay $0x2  }
0x91: {  	s15 =	simm.s32 $0xA;
	s4 =	simm.s32 $0x10  }
0x92: {  	[smem:s4], [sflag:s15] =	dma.local [hbm:s2], $0x1  }
0x93: {  	_ =	swait.eq [sflag:s15], $0x1  }
0x94: {  	[sflag:s15] =	ssyncset.done $0x0  }
0x95: {  	[sflag:s15] =	ssyncadd.s32 $0xFFFFFFFF  }
0x96: {  	s16 =	sld [smem:$0x11];
	(tm) =	ssettm $0x1  }
0x97: {  	s17 =	sld [smem:$0x3FFB];
	_ =	sdelay $0x3  }
0x98: {  	_ =	strace s17  }
0x99: {  	s3 =	sld [smem:$0x3FFC];
	_ =	sdelay $0x3  }
0x9a: {  	_ =	strace s3  }
0x9b: {  	s3 =	sld [smem:$0x3FFD];
	_ =	sdelay $0x3  }
0x9c: {  	_ =	strace s3  }
0x9d: {  	_ =	strace $0x8FFFFFFF  }
0x9e: {  	s18 =	sld [smem:$0x3FDB];
	_ =	sdelay $0x1  }
0x9f: {  	s19 =	simm.s32 $_scs_section_size  }
0xa0: {  	s5 =	simm.s32 $_size__tile_overlayer_lowered;
	s6 =	simm.s32 $_tile_overlayer_lowered  }
0xa1: {  	s22 =	simm.s32 $0x1BFF;
	s21 =	sshll.u32 s6, $0x1;
	s3 =	sadd.s32 s19, s18  }
0xa2: {  	s7 =	simm.s32 $0x0;
	s20 =	sshll.u32 s5, $0x1;
	s5 =	sadd.s32 s21, s3  }
0xa3: {  	[timem:s7], [sflag:s22] =	dma.local [hbm:s5], s20  }
0xa4: {  	_ =	swait.ge [sflag:s22], s20  }
0xa5: {  	s4 =	ssub.s32 $0x0, s20;
	[sflag:s22] =	ssyncset.done $0x0  }
0xa6: {  	[sflag:s22] =	ssyncadd.s32 s4;
	_ =	sdelay $0x1  }
0xa7: {  	s23 =	simm.s32 $0x1B8B  }
0xa8: {  	_ =	swait.ge [sflag:s23], $0x1  }
0xa9: {  	[sflag:s23] =	ssyncset.done $0x0  }
0xaa: {  	s25 =	simm.s32 $0x1B8E;
	s24 =	sld [smem:$0x3FFE];
	[sflag:s23] =	ssyncadd.s32 $0xFFFFFFFF  }
0xab: {  	s26 =	simm.s32 $execute0_lowered;
	[smem:$0x3FD2] =	sst s25  }
0xac: {  	s5 =	sshll.u32 s26, $0x1;
	_ =	strace $0x80000052;
	[dreg:$0x1] =	wrdreg $0xFFFFFFFF  }
0xad: {  	s28 =	simm.s32 $_size_execute0_lowered;
	s3 =	sadd.s32 s3, s5;
	[dreg:$0x0] =	wrdreg $0x0  }
0xae: {  	s5 =	sshll.u32 s28, $0x1;
	[dreg:$0x2] =	wrdreg s3  }
0xaf: {  	[dreg:$0x3] =	wrdreg s5  }
0xb0: {  	[dreg:$0x4] =	wrdreg $0xC0  }
0xb1: {  	_ =	task [dreg:s7], $0x5FFFF  }
0xb2: {  	[dreg:$0x1] =	wrdreg $0xFFFFFFFF  }
0xb3: {  	[dreg:$0x0] =	wrdreg $0x60  }
0xb4: {  	[dreg:$0x2] =	wrdreg s24  }
0xb5: {  	[dreg:$0x3] =	wrdreg s16  }
0xb6: {  	[dreg:$0x4] =	wrdreg $0x9  }
0xb7: {  	_ =	task.clear_ibuf [dreg:s7], $0x5FFFF;
	_ =	strace $0x90000052  }
0xb8: {  	s29 =	simm.s32 $0x9;
	_ =	strace $0x80000054  }
0xb9: {  	_ =	swait.ge [sflag:s29], $0x1  }
0xba: {  	[sflag:s29] =	ssyncadd.s32 $0xFFFFFFFF  }
0xbb: {  	_ =	strace $0x90000054  }
0xbc: {  	_ =	sfence  }
0xbd: {  	s30 =	sld [smem:$0x0];
	_ =	sdelay $0x2  }
0xbe: {  	s31 =	sshll.u32 s1, $0xD;
	s1 =	sshrl.u32 s1, $0x2  }
0xbf: {  	s3 =	sand.u32 $0x4000, s31;
	s1 =	sadd.s32 s1, s30  }
0xc0: {  	s0 =	sor.u32 s3, s0;
	s1 =	sshll.u32 s1, $0x11  }
0xc1: {  	s0 =	sor.u32 s1, s0  }
0xc2: {  	s0 =	sadd.s32 $0x8F2B, s0  }
0xc3: {  	[sflag:s0] =	ssyncadd.remote.s32 $0x1  }
0xc4: {  	_ =	sfence.sel $0xFFFF  }
0xc5: {  	[dreg:$0x0] =	wrdreg $0xFFFFFFFF;
	(pc) =	sbr.abs _section_cstart, $3  }
0xc6: {  	[dreg:$0x1] =	wrdreg $0xFFFFFFFF  }
0xc7: {  	_ =	task.clear_ibuf [dreg:s7], $0x2FFFF;
	_ =	strace $0x9FFFFFFF  }
0xc8: {  	(tm) =	ssettm $0x7FFFFFFF  }
0xc9: {  	_ =	shalt  }
tec
execute0_lowered:
.L_overlay_start_1:
0x0: {  	(tag) =	ssettag $0x1  }
0x1: {  	s1 =	srdreg.scid  }
0x2: {  	s14 =	rddreg [dreg:$0x0];
	s0 =	stileid.u32;
	s19 =	sand.u32 $0x1, s1  }
0x3: {  	s3 =	rddreg [dreg:$0x1];
	s4 =	sshll.u32 s0, $0xB;
	s5 =	sshll.u32 s19, $0xA  }
0x4: {  	s2 =	simm.s32 $0x0;
	s1 =	rddreg [dreg:$0x2];
	s15 =	sor.u32 s5, s4  }
0x5: {  	[smem:$0x7FF] =	sst s2;
	s4 =	sshrl.u32 s15, $0x3  }
0x6: {  	_ =	strace $0x80000053;
	s4 =	sadd.s32 s3, s4;
	s3 =	simm.s32 $0x2  }
0x7: {  	[tilespmem:s2], [sflag:$0x2] =	stream.linear.gather [hbm4b:s4+s2], $0x400, $0x38;
	[tilespmem:$0x10400] =	vst v63  }
0x8: {  	_ =	swait.ge [sflag:s3], $0x400  }
0x9: {  	s6 =	simm.s32 $0x80;
	[sflag:s3] =	ssyncset.done $0x0  }
0xa: {  	s7 =	simm.s32 $0x400;
	s5 =	sadd.s32 $0x15A00, s14;
	[sflag:s3] =	ssyncadd.s32 $0xFFFFFC00  }
0xb: {  	[tilespmem:s7], [sflag:$0x1] =	stream.indirect.gather [hbm4b:s5+s6], $0x80, s2, s6, $0xb8;
	[tilespmem:$0x10400] =	vst v63  }
0xc: {  	s8 =	simm.s32 $0x4400  }
0xd: {  	[tilespmem:s8], [sflag:$0x1] =	stream.indirect.gather [hbm4b:s5+s6], $0x80, s6, s6, $0xb8;
	[tilespmem:$0x10400] =	vst v63  }
0xe: {  	s9 =	simm.s32 $0x100;
	s10 =	simm.s32 $0x8400  }
0xf: {  	[tilespmem:s10], [sflag:$0x1] =	stream.indirect.gather [hbm4b:s5+s6], $0x80, s9, s6, $0xb8;
	[tilespmem:$0x10400] =	vst v63  }
0x10: {  	s11 =	simm.s32 $0x180;
	s12 =	simm.s32 $0xC400;
	s13 =	simm.s32 $0x1  }
0x11: {  	[tilespmem:s12], [sflag:$0x1] =	stream.indirect.gather [hbm4b:s5+s6], $0x80, s11, s6, $0xb8;
	[tilespmem:$0x10400] =	vst v63  }
0x12: {  	_ =	swait.ge [sflag:s13], $0x4000  }
0x13: {  	[sflag:s13] =	ssyncset.done $0x0  }
0x14: {  	[sflag:s13] =	ssyncadd.s32 $0xFFFFC000  }
0x15: {  	_ =	swait.ge [sflag:s13], $0x4000  }
0x16: {  	[sflag:s13] =	ssyncset.done $0x0  }
0x17: {  	[sflag:s13] =	ssyncadd.s32 $0xFFFFC000  }
0x18: {  	_ =	swait.ge [sflag:s13], $0x4000  }
0x19: {  	[sflag:s13] =	ssyncset.done $0x0  }
0x1a: {  	[sflag:s13] =	ssyncadd.s32 $0xFFFFC000  }
0x1b: {  	s15 =	sshll.u32 s15, $0x4;
	_ =	swait.ge [sflag:s13], $0x4000  }
0x1c: {  	s20 =	sadd.s32 s15, s14;
	[sflag:s13] =	ssyncset.done $0x0  }
0x1d: {  	s14 =	sadd.s32 $0x25A00, s20;
	[sflag:s13] =	ssyncadd.s32 $0xFFFFC000  }
0x1e: {  	[hbm4b:s14+s2] =	stream.linear.scatter [tilespmem:s7], [sflag:$0x2], $0x10000, $0x38;
	[tilespmem:$0x10400] =	vst v63  }
0x1f: {  	_ =	swait.ge [sflag:s3], $0x10000  }
0x20: {  	[sflag:s3] =	ssyncset.done $0x0  }
0x21: {  	s15 =	simm.s32 $0x200;
	[sflag:s3] =	ssyncadd.s32 $0xFFFF0000  }
0x22: {  	[tilespmem:s7], [sflag:$0x1] =	stream.indirect.gather [hbm4b:s5+s6], $0x80, s15, s6, $0xb8;
	[tilespmem:$0x10400] =	vst v63  }
0x23: {  	s16 =	simm.s32 $0x280  }
0x24: {  	[tilespmem:s8], [sflag:$0x1] =	stream.indirect.gather [hbm4b:s5+s6], $0x80, s16, s6, $0xb8;
	[tilespmem:$0x10400] =	vst v63  }
0x25: {  	s17 =	simm.s32 $0x300  }
0x26: {  	[tilespmem:s10], [sflag:$0x1] =	stream.indirect.gather [hbm4b:s5+s6], $0x80, s17, s6, $0xb8;
	[tilespmem:$0x10400] =	vst v63  }
0x27: {  	s18 =	simm.s32 $0x380  }
0x28: {  	[tilespmem:s12], [sflag:$0x1] =	stream.indirect.gather [hbm4b:s5+s6], $0x80, s18, s6, $0xb8;
	[tilespmem:$0x10400] =	vst v63  }
0x29: {  	_ =	swait.ge [sflag:s13], $0x4000  }
0x2a: {  	[sflag:s13] =	ssyncset.done $0x0  }
0x2b: {  	[sflag:s13] =	ssyncadd.s32 $0xFFFFC000  }
0x2c: {  	_ =	swait.ge [sflag:s13], $0x4000  }
0x2d: {  	[sflag:s13] =	ssyncset.done $0x0  }
0x2e: {  	s19 =	ssub.s32 $0x2, s19;
	[sflag:s13] =	ssyncadd.s32 $0xFFFFC000  }
0x2f: {  	s21 =	sshrl.u32 s19, $0x1;
	_ =	swait.ge [sflag:s13], $0x4000  }
0x30: {  	s21 =	ssub.s32 s19, s21;
	[sflag:s13] =	ssyncset.done $0x0  }
0x31: {  	s31 =	smax.u32 s21, $0x1;
	[sflag:s13] =	ssyncadd.s32 $0xFFFFC000  }
0x32: {  	p0 =	sne.s32 s31, $0x1;
	_ =	swait.ge [sflag:s13], $0x4000  }
.Ltmp0:
0x33: {  	[sflag:s13] =	ssyncset.done $0x0;
	(pc) =	sbr.rel @!p0 .LBB2_2-.Ltmp0, $4  }
0x34: {  	s19 =	sadd.s32 $0x27A00, s20;
	[sflag:s13] =	ssyncadd.s32 $0xFFFFC000  }
0x35: {  	[hbm4b:s19+s2] =	stream.linear.scatter [tilespmem:s7], [sflag:$0x2], $0x10000, $0x38;
	[tilespmem:$0x10400] =	vst v63  }
0x36: {  	_ =	swait.ge [sflag:s3], $0x10000  }
0x37: {  	s20 =	sadd.s32 $0xFFFFFFFF, s31;
	[sflag:s3] =	ssyncset.done $0x0  }
.LBB2_1:
0x38: {  	p0 =	sne.s32 s20, $0x1;
	s20 =	sadd.s32 $0xFFFFFFFF, s20;
	[sflag:s3] =	ssyncadd.s32 $0xFFFF0000  }
0x39: {  	[tilespmem:s2], [sflag:$0x2] =	stream.linear.gather [hbm4b:s4+s2], $0x400, $0x38;
	[tilespmem:$0x10400] =	vst v63  }
0x3a: {  	_ =	swait.ge [sflag:s3], $0x400  }
0x3b: {  	[sflag:s3] =	ssyncset.done $0x0  }
0x3c: {  	[sflag:s3] =	ssyncadd.s32 $0xFFFFFC00  }
0x3d: {  	[tilespmem:s7], [sflag:$0x1] =	stream.indirect.gather [hbm4b:s5+s6], $0x80, s2, s6, $0xb8;
	[tilespmem:$0x10400] =	vst v63  }
0x3e: {  	_ = 	snop  }
0x3f: {  	[tilespmem:s8], [sflag:$0x1] =	stream.indirect.gather [hbm4b:s5+s6], $0x80, s6, s6, $0xb8;
	[tilespmem:$0x10400] =	vst v63  }
0x40: {  	_ = 	snop  }
0x41: {  	[tilespmem:s10], [sflag:$0x1] =	stream.indirect.gather [hbm4b:s5+s6], $0x80, s9, s6, $0xb8;
	[tilespmem:$0x10400] =	vst v63  }
0x42: {  	_ = 	snop  }
0x43: {  	[tilespmem:s12], [sflag:$0x1] =	stream.indirect.gather [hbm4b:s5+s6], $0x80, s11, s6, $0xb8;
	[tilespmem:$0x10400] =	vst v63  }
0x44: {  	_ =	swait.ge [sflag:s13], $0x4000  }
0x45: {  	[sflag:s13] =	ssyncset.done $0x0  }
0x46: {  	[sflag:s13] =	ssyncadd.s32 $0xFFFFC000  }
0x47: {  	_ =	swait.ge [sflag:s13], $0x4000  }
0x48: {  	[sflag:s13] =	ssyncset.done $0x0  }
0x49: {  	[sflag:s13] =	ssyncadd.s32 $0xFFFFC000  }
0x4a: {  	_ =	swait.ge [sflag:s13], $0x4000  }
0x4b: {  	[sflag:s13] =	ssyncset.done $0x0  }
0x4c: {  	[sflag:s13] =	ssyncadd.s32 $0xFFFFC000  }
0x4d: {  	_ =	swait.ge [sflag:s13], $0x4000  }
0x4e: {  	[sflag:s13] =	ssyncset.done $0x0  }
0x4f: {  	[sflag:s13] =	ssyncadd.s32 $0xFFFFC000  }
0x50: {  	[hbm4b:s14+s2] =	stream.linear.scatter [tilespmem:s7], [sflag:$0x2], $0x10000, $0x38;
	[tilespmem:$0x10400] =	vst v63  }
0x51: {  	_ =	swait.ge [sflag:s3], $0x10000  }
0x52: {  	[sflag:s3] =	ssyncset.done $0x0  }
0x53: {  	[sflag:s3] =	ssyncadd.s32 $0xFFFF0000  }
0x54: {  	[tilespmem:s7], [sflag:$0x1] =	stream.indirect.gather [hbm4b:s5+s6], $0x80, s15, s6, $0xb8;
	[tilespmem:$0x10400] =	vst v63  }
0x55: {  	_ = 	snop  }
0x56: {  	[tilespmem:s8], [sflag:$0x1] =	stream.indirect.gather [hbm4b:s5+s6], $0x80, s16, s6, $0xb8;
	[tilespmem:$0x10400] =	vst v63  }
0x57: {  	_ = 	snop  }
0x58: {  	[tilespmem:s10], [sflag:$0x1] =	stream.indirect.gather [hbm4b:s5+s6], $0x80, s17, s6, $0xb8;
	[tilespmem:$0x10400] =	vst v63  }
0x59: {  	_ = 	snop  }
0x5a: {  	[tilespmem:s12], [sflag:$0x1] =	stream.indirect.gather [hbm4b:s5+s6], $0x80, s18, s6, $0xb8;
	[tilespmem:$0x10400] =	vst v63  }
0x5b: {  	_ =	swait.ge [sflag:s13], $0x4000  }
0x5c: {  	[sflag:s13] =	ssyncset.done $0x0  }
0x5d: {  	[sflag:s13] =	ssyncadd.s32 $0xFFFFC000  }
0x5e: {  	_ =	swait.ge [sflag:s13], $0x4000  }
0x5f: {  	[sflag:s13] =	ssyncset.done $0x0  }
0x60: {  	[sflag:s13] =	ssyncadd.s32 $0xFFFFC000  }
0x61: {  	_ =	swait.ge [sflag:s13], $0x4000  }
0x62: {  	[sflag:s13] =	ssyncset.done $0x0  }
0x63: {  	[sflag:s13] =	ssyncadd.s32 $0xFFFFC000  }
0x64: {  	_ =	swait.ge [sflag:s13], $0x4000  }
.Ltmp1:
0x65: {  	[sflag:s13] =	ssyncset.done $0x0;
	(pc) =	sbr.rel @p0 .LBB2_1-.Ltmp1, $4  }
0x66: {  	[sflag:s13] =	ssyncadd.s32 $0xFFFFC000  }
0x67: {  	[hbm4b:s19+s2] =	stream.linear.scatter [tilespmem:s7], [sflag:$0x2], $0x10000, $0x38;
	[tilespmem:$0x10400] =	vst v63  }
0x68: {  	_ =	swait.ge [sflag:s3], $0x10000  }
0x69: {  	[sflag:s3] =	ssyncset.done $0x0  }
.LBB2_2:
0x6a: {  	[sflag:s3] =	ssyncadd.s32 $0xFFFF0000  }
0x6b: {  	_ =	sfence.sel $0x180000  }
0x6c: {  	[bflag:$0x0] =	sbarrier.arrive $0xFFFF  }
0x6d: {  	p0 =	sne.s32 s0, $0x0;
	_ =	strace $0x90000053  }
0x6e: {  	s0 =	sadd.s32 @!p0 $0x100000, s1;
	[bflag:$0x2] =	sbarrier.arrive $0xFFFF  }
0x6f: {  	[sflag:s0] =	ssyncadd.tile.s32 @!p0 $0x1;
	_ =	shalt  }
.Lfunc_end2:
_tile_overlayer_lowered:
.L_overlay_start_2:
0x70: {  	(tag) =	ssettag $0x2  }
0x71: {  	s0 =	rddreg [dreg:$0x0];
	s2 =	stileid.u32  }
0x72: {  	s1 =	rddreg [dreg:$0x1];
	p0 =	sne.s32 s2, $0x0  }
0x73: {  	s3 =	rddreg [dreg:$0x2];
	[bflag:$0x3] =	sbarrier.arrive $0xFFFF;
	s2 =	simm.s32 @!p0 $0x1C02  }
0x74: {  	[timem:s3], [sflag:s2] =	dma.local @!p0 [hbm:s0], s1  }
0x75: {  	s0 =	simm.s32 @!p0 $0x2  }
0x76: {  	_ =	swait.ge @!p0 [sflag:s0], s1  }
0x77: {  	s1 =	ssub.s32 @!p0 $0x0, s1;
	[sflag:s0] =	ssyncset.done @!p0 $0x0  }
0x78: {  	[sflag:s0] =	ssyncadd.s32 @!p0 s1  }
0x79: {  	[bflag:$0x3] =	sbarrier.arrive $0xFFFF  }
0x7a: {  	_ =	shalt  }

// kernel: kernel.34.cloned.1.call-start
scs
__scs_entry_jumppad:
0x0: {  	(pc) =	sbr.rel $0x88, $3  }
0x1: {  	(tag) =	ssettag $0x0;
	lr =	simm.s32 $0x1  }
0x2: {  	[smem:$0x3F9F] =	sst lr;
	_ =	strace $0xD0000000  }
0x3: {  	_ = 	snop  }
0x4: {  	_ = 	snop  }
0x5: {  	_ = 	snop  }
0x6: {  	_ = 	snop  }
0x7: {  	_ = 	snop  }
__scs_overlays_trampoline_lowered:
0x8: {  	[smem:$0x3FAE] =	sst s0  }
0x9: {  	[smem:$0x3FAF] =	sst s1  }
0xa: {  	[smem:$0x3FB0] =	sst s2  }
0xb: {  	[smem:$0x3FB1] =	sst s3  }
0xc: {  	[smem:$0x3FB2] =	sst s4  }
0xd: {  	[smem:$0x3FB3] =	sst s5  }
0xe: {  	[smem:$0x3FB4] =	sst s6  }
0xf: {  	[smem:$0x3FB5] =	sst s7  }
0x10: {  	[smem:$0x3FB6] =	sst s8  }
0x11: {  	[smem:$0x3FB7] =	sst s9;
	s0 =	simm.s32 @!p0 $0x0  }
0x12: {  	s1 =	sld [smem:$0x3F9D];
	s0 =	simm.s32 @p0 $0x1  }
0x13: {  	[smem:$0x3FB8] =	sst s0;
	s0 =	simm.s32 @!p1 $0x0  }
0x14: {  	s2 =	sld [smem:$0x3F9C];
	s0 =	simm.s32 @p1 $0x1  }
0x15: {  	[smem:$0x3FB9] =	sst s0;
	s0 =	simm.s32 @!p2 $0x0  }
0x16: {  	s3 =	sld [smem:$0x3FDB];
	s0 =	simm.s32 @p2 $0x1  }
0x17: {  	s4 =	simm.s32 $0x1BF5;
	[smem:$0x3FBB] =	sst s0  }
0x18: {  	s0 =	sld [smem:$0x3F9E];
	_ =	swait.ge [sflag:s4], $0x0  }
0x19: {  	s7 =	sld [smem:$0x3F9F]  }
0x1a: {  	s8 =	sadd.s32 $0xFFFFE003, lr  }
0x1b: {  	s9 =	sadd.s32 $0xFFFFFEF7, lr;
	s5 =	simm.s32 $0xFFFFFFFF;
	p2 =	slt.u32 s8, $0xFFFFF086  }
0x1c: {  	p1 =	slt.u32 s9, $0xF7A;
	s5 =	simm.s32 @!p2 $0x0  }
0x1d: {  	s5 =	simm.s32 @p1 $0x1;
	p0 =	seq.s32 s7, s2  }
0x1e: {  	s7 =	smul.u32 @!p0 $0xF7A, s2;
	p2 =	seq.s32 @!p0 s5, $0x0  }
0x1f: {  	s9 =	smul.u32 $0xF7A, s1;
	s8 =	simm.s32 @!p0 $0x1BF5;
	p2 =	por !p2, p0  }
0x20: {  	[sflag:s8] =	ssyncset.s32 @!p0 $0xFFFFF086;
	s6 =	sadd.s32 @!p0 s3, s7;
	s7 =	simm.s32 @!p0 $0x108  }
0x21: {  	s3 =	sadd.s32 s3, s9;
	s6 =	sadd.s32 @!p0 $0x88, s6;
	s7 =	simm.s32 @p2 $0x1082  }
0x22: {  	[simem:s7], [sflag:s8] =	dma.local @!p0 [hbm:s6], $0xF7A  }
0x23: {  	s9 =	sor.u32 $0xD0000000, s2;
	s6 =	simm.s32 $0x108;
	_ =	swait.ge @!p0 [sflag:s8], $0x0  }
0x24: {  	s3 =	sadd.s32 $0x88, s3;
	s6 =	simm.s32 @!p1 $0x1082;
	[sflag:s4] =	ssyncset.s32 $0xFFFFF086  }
0x25: {  	[simem:s6], [sflag:s4] =	dma.local [hbm:s3], $0xF7A  }
0x26: {  	[smem:$0x3F9F] =	sst s1;
	(tag) =	ssettag s2;
	_ =	strace s9  }
0x27: {  	s1 =	sld [smem:$0x3FAF]  }
0x28: {  	s2 =	sld [smem:$0x3FB0]  }
0x29: {  	s4 =	sld [smem:$0x3FB2]  }
0x2a: {  	p0 =	seq.s32 s5, $0x0;
	s5 =	sld [smem:$0x3FB3]  }
0x2b: {  	s6 =	sld [smem:$0x3FB4]  }
0x2c: {  	s7 =	sld [smem:$0x3FB5]  }
0x2d: {  	s3 =	simm.s32 $0x108;
	s8 =	sld [smem:$0x3FB6]  }
0x2e: {  	s3 =	simm.s32 @!p0 $0x1082;
	s9 =	sld [smem:$0x3FB7]  }
0x2f: {  	lr =	sadd.s32 s0, s3;
	s0 =	sld [smem:$0x3FAE]  }
0x30: {  	s3 =	sld [smem:$0x3FB1]  }
0x31: {  	[smem:$0x3FBA] =	sst s10  }
0x32: {  	s10 =	sld [smem:$0x3FB8];
	_ =	sdelay $0x3  }
0x33: {  	p0 =	seq.s32 s10, $0x1;
	s10 =	sld [smem:$0x3FBA];
	_ =	sdelay $0x3  }
0x34: {  	[smem:$0x3FBA] =	sst s10  }
0x35: {  	s10 =	sld [smem:$0x3FB9];
	_ =	sdelay $0x3  }
0x36: {  	p1 =	seq.s32 s10, $0x1;
	s10 =	sld [smem:$0x3FBA];
	_ =	sdelay $0x3  }
0x37: {  	[smem:$0x3FBA] =	sst s10  }
0x38: {  	s10 =	sld [smem:$0x3FBB]  }
0x39: {  	_ = 	snop;
	(pc) =	sbr.ind lr, $3  }
0x3a: {  	_ = 	snop  }
0x3b: {  	_ = 	snop  }
0x3c: {  	p2 =	seq.s32 s10, $0x1;
	s10 =	sld [smem:$0x3FBA]  }
0x3d: {  	_ =	shalt  }
0x3e: {  	_ =	shalt  }
0x3f: {  	_ =	shalt  }
0x40: {  	_ =	shalt  }
0x41: {  	_ =	shalt  }
0x42: {  	_ =	shalt  }
0x43: {  	_ =	shalt  }
0x44: {  	_ =	shalt  }
0x45: {  	_ =	shalt  }
0x46: {  	_ =	shalt  }
0x47: {  	_ =	shalt  }
0x48: {  	_ =	shalt  }
0x49: {  	_ =	shalt  }
0x4a: {  	_ =	shalt  }
0x4b: {  	_ =	shalt  }
0x4c: {  	_ =	shalt  }
0x4d: {  	_ =	shalt  }
0x4e: {  	_ =	shalt  }
0x4f: {  	_ =	shalt  }
0x50: {  	_ =	shalt  }
0x51: {  	_ =	shalt  }
0x52: {  	_ =	shalt  }
0x53: {  	_ =	shalt  }
0x54: {  	_ =	shalt  }
0x55: {  	_ =	shalt  }
0x56: {  	_ =	shalt  }
0x57: {  	_ =	shalt  }
0x58: {  	_ =	shalt  }
0x59: {  	_ =	shalt  }
0x5a: {  	_ =	shalt  }
0x5b: {  	_ =	shalt  }
0x5c: {  	_ =	shalt  }
0x5d: {  	_ =	shalt  }
0x5e: {  	_ =	shalt  }
0x5f: {  	_ =	shalt  }
0x60: {  	_ =	shalt  }
0x61: {  	_ =	shalt  }
0x62: {  	_ =	shalt  }
0x63: {  	_ =	shalt  }
0x64: {  	_ =	shalt  }
0x65: {  	_ =	shalt  }
0x66: {  	_ =	shalt  }
0x67: {  	_ =	shalt  }
0x68: {  	_ =	shalt  }
0x69: {  	_ =	shalt  }
0x6a: {  	_ =	shalt  }
0x6b: {  	_ =	shalt  }
0x6c: {  	_ =	shalt  }
0x6d: {  	_ =	shalt  }
0x6e: {  	_ =	shalt  }
0x6f: {  	_ =	shalt  }
0x70: {  	_ =	shalt  }
0x71: {  	_ =	shalt  }
0x72: {  	_ =	shalt  }
0x73: {  	_ =	shalt  }
0x74: {  	_ =	shalt  }
0x75: {  	_ =	shalt  }
0x76: {  	_ =	shalt  }
0x77: {  	_ =	shalt  }
0x78: {  	_ =	shalt  }
0x79: {  	_ =	shalt  }
0x7a: {  	_ =	shalt  }
0x7b: {  	_ =	shalt  }
0x7c: {  	_ =	shalt  }
0x7d: {  	_ =	shalt  }
0x7e: {  	_ =	shalt  }
0x7f: {  	_ =	shalt  }
0x80: {  	_ =	shalt  }
0x81: {  	_ =	shalt  }
0x82: {  	_ =	shalt  }
0x83: {  	_ =	shalt  }
0x84: {  	_ =	shalt  }
0x85: {  	_ =	shalt  }
0x86: {  	_ =	shalt  }
0x87: {  	_ =	shalt  }
.Lfunc_end0:
.L_simem_size_0:
called_computation.5_lowered:
.L_overlay_start_0:
0x88: {  	s2 =	sld [smem:$0x3FD9]  }
0x89: {  	s3 =	sld [smem:$0x3FFE];
	_ =	sdelay $0x1  }
0x8a: {  	s1 =	srdreg.scid  }
0x8b: {  	s0 =	sand.u32 $0x1, s1  }
0x8c: {  	s14 =	sshll.u32 s0, $0xA;
	s2 =	sadd.s32 s3, s2  }
0x8d: {  	s2 =	sadd.s32 s2, s14  }
0x8e: {  	[smem:$0x3FC6] =	sst s2  }
0x8f: {  	_ = 	snop  }
0x90: {  	s2 =	sld [smem:$0x3FD0];
	_ =	sdelay $0x2  }
0x91: {  	s15 =	simm.s32 $0xA;
	s4 =	simm.s32 $0x10  }
0x92: {  	[smem:s4], [sflag:s15] =	dma.local [hbm:s2], $0x1  }
0x93: {  	_ =	swait.eq [sflag:s15], $0x1  }
0x94: {  	[sflag:s15] =	ssyncset.done $0x0  }
0x95: {  	[sflag:s15] =	ssyncadd.s32 $0xFFFFFFFF  }
0x96: {  	s16 =	sld [smem:$0x11];
	(tm) =	ssettm $0x1  }
0x97: {  	s17 =	sld [smem:$0x3FFB];
	_ =	sdelay $0x3  }
0x98: {  	_ =	strace s17  }
0x99: {  	s3 =	sld [smem:$0x3FFC];
	_ =	sdelay $0x3  }
0x9a: {  	_ =	strace s3  }
0x9b: {  	s3 =	sld [smem:$0x3FFD];
	_ =	sdelay $0x3  }
0x9c: {  	_ =	strace s3  }
0x9d: {  	_ =	strace $0x8FFFFFFF  }
0x9e: {  	s18 =	sld [smem:$0x3FDB];
	_ =	sdelay $0x1  }
0x9f: {  	s19 =	simm.s32 $_scs_section_size  }
0xa0: {  	s5 =	simm.s32 $_size__tile_overlayer_lowered;
	s6 =	simm.s32 $_tile_overlayer_lowered  }
0xa1: {  	s22 =	simm.s32 $0x1BFF;
	s21 =	sshll.u32 s6, $0x1;
	s3 =	sadd.s32 s19, s18  }
0xa2: {  	s7 =	simm.s32 $0x0;
	s20 =	sshll.u32 s5, $0x1;
	s5 =	sadd.s32 s21, s3  }
0xa3: {  	[timem:s7], [sflag:s22] =	dma.local [hbm:s5], s20  }
0xa4: {  	_ =	swait.ge [sflag:s22], s20  }
0xa5: {  	s4 =	ssub.s32 $0x0, s20;
	[sflag:s22] =	ssyncset.done $0x0  }
0xa6: {  	[sflag:s22] =	ssyncadd.s32 s4;
	_ =	sdelay $0x1  }
0xa7: {  	s23 =	simm.s32 $0x1B8B  }
0xa8: {  	_ =	swait.ge [sflag:s23], $0x1  }
0xa9: {  	[sflag:s23] =	ssyncset.done $0x0  }
0xaa: {  	s25 =	simm.s32 $0x1B8E;
	s24 =	sld [smem:$0x3FFE];
	[sflag:s23] =	ssyncadd.s32 $0xFFFFFFFF  }
0xab: {  	s26 =	simm.s32 $execute0_lowered;
	[smem:$0x3FD2] =	sst s25  }
0xac: {  	s5 =	sshll.u32 s26, $0x1;
	_ =	strace $0x80000055;
	[dreg:$0x1] =	wrdreg $0xFFFFFFFF  }
0xad: {  	s28 =	simm.s32 $_size_execute0_lowered;
	s3 =	sadd.s32 s3, s5;
	[dreg:$0x0] =	wrdreg $0x0  }
0xae: {  	s5 =	sshll.u32 s28, $0x1;
	[dreg:$0x2] =	wrdreg s3  }
0xaf: {  	[dreg:$0x3] =	wrdreg s5  }
0xb0: {  	[dreg:$0x4] =	wrdreg $0xC0  }
0xb1: {  	_ =	task [dreg:s7], $0x5FFFF  }
0xb2: {  	[dreg:$0x1] =	wrdreg $0xFFFFFFFF  }
0xb3: {  	[dreg:$0x0] =	wrdreg $0x60  }
0xb4: {  	[dreg:$0x2] =	wrdreg s24  }
0xb5: {  	[dreg:$0x3] =	wrdreg s16  }
0xb6: {  	[dreg:$0x4] =	wrdreg $0x9  }
0xb7: {  	_ =	task.clear_ibuf [dreg:s7], $0x5FFFF;
	_ =	strace $0x90000055  }
0xb8: {  	s29 =	simm.s32 $0x9;
	_ =	strace $0x80000057  }
0xb9: {  	_ =	swait.ge [sflag:s29], $0x1  }
0xba: {  	[sflag:s29] =	ssyncadd.s32 $0xFFFFFFFF  }
0xbb: {  	_ =	strace $0x90000057  }
0xbc: {  	_ =	sfence  }
0xbd: {  	s30 =	sld [smem:$0x0];
	_ =	sdelay $0x2  }
0xbe: {  	s31 =	sshll.u32 s1, $0xD;
	s1 =	sshrl.u32 s1, $0x2  }
0xbf: {  	s3 =	sand.u32 $0x4000, s31;
	s1 =	sadd.s32 s1, s30  }
0xc0: {  	s0 =	sor.u32 s3, s0;
	s1 =	sshll.u32 s1, $0x11  }
0xc1: {  	s0 =	sor.u32 s1, s0  }
0xc2: {  	s0 =	sadd.s32 $0x8F2B, s0  }
0xc3: {  	[sflag:s0] =	ssyncadd.remote.s32 $0x1  }
0xc4: {  	_ =	sfence.sel $0xFFFF  }
0xc5: {  	[dreg:$0x0] =	wrdreg $0xFFFFFFFF;
	(pc) =	sbr.abs _section_cstart, $3  }
0xc6: {  	[dreg:$0x1] =	wrdreg $0xFFFFFFFF  }
0xc7: {  	_ =	task.clear_ibuf [dreg:s7], $0x2FFFF;
	_ =	strace $0x9FFFFFFF  }
0xc8: {  	(tm) =	ssettm $0x7FFFFFFF  }
0xc9: {  	_ =	shalt  }
tec
execute0_lowered:
.L_overlay_start_1:
0x0: {  	(tag) =	ssettag $0x1  }
0x1: {  	s1 =	srdreg.scid  }
0x2: {  	s14 =	rddreg [dreg:$0x0];
	s0 =	stileid.u32;
	s19 =	sand.u32 $0x1, s1  }
0x3: {  	s3 =	rddreg [dreg:$0x1];
	s4 =	sshll.u32 s0, $0xB;
	s5 =	sshll.u32 s19, $0xA  }
0x4: {  	s2 =	simm.s32 $0x0;
	s1 =	rddreg [dreg:$0x2];
	s15 =	sor.u32 s5, s4  }
0x5: {  	[smem:$0x7FF] =	sst s2;
	s4 =	sshrl.u32 s15, $0x3  }
0x6: {  	_ =	strace $0x80000056;
	s4 =	sadd.s32 s3, s4;
	s3 =	simm.s32 $0x2  }
0x7: {  	[tilespmem:s2], [sflag:$0x2] =	stream.linear.gather [hbm4b:s4+s2], $0x400, $0x38;
	[tilespmem:$0x10400] =	vst v63  }
0x8: {  	_ =	swait.ge [sflag:s3], $0x400  }
0x9: {  	s6 =	simm.s32 $0x80;
	[sflag:s3] =	ssyncset.done $0x0  }
0xa: {  	s7 =	simm.s32 $0x400;
	s5 =	sadd.s32 $0x19A00, s14;
	[sflag:s3] =	ssyncadd.s32 $0xFFFFFC00  }
0xb: {  	[tilespmem:s7], [sflag:$0x1] =	stream.indirect.gather [hbm4b:s5+s6], $0x80, s2, s6, $0xb8;
	[tilespmem:$0x10400] =	vst v63  }
0xc: {  	s8 =	simm.s32 $0x4400  }
0xd: {  	[tilespmem:s8], [sflag:$0x1] =	stream.indirect.gather [hbm4b:s5+s6], $0x80, s6, s6, $0xb8;
	[tilespmem:$0x10400] =	vst v63  }
0xe: {  	s9 =	simm.s32 $0x100;
	s10 =	simm.s32 $0x8400  }
0xf: {  	[tilespmem:s10], [sflag:$0x1] =	stream.indirect.gather [hbm4b:s5+s6], $0x80, s9, s6, $0xb8;
	[tilespmem:$0x10400] =	vst v63  }
0x10: {  	s11 =	simm.s32 $0x180;
	s12 =	simm.s32 $0xC400;
	s13 =	simm.s32 $0x1  }
0x11: {  	[tilespmem:s12], [sflag:$0x1] =	stream.indirect.gather [hbm4b:s5+s6], $0x80, s11, s6, $0xb8;
	[tilespmem:$0x10400] =	vst v63  }
0x12: {  	_ =	swait.ge [sflag:s13], $0x4000  }
0x13: {  	[sflag:s13] =	ssyncset.done $0x0  }
0x14: {  	[sflag:s13] =	ssyncadd.s32 $0xFFFFC000  }
0x15: {  	_ =	swait.ge [sflag:s13], $0x4000  }
0x16: {  	[sflag:s13] =	ssyncset.done $0x0  }
0x17: {  	[sflag:s13] =	ssyncadd.s32 $0xFFFFC000  }
0x18: {  	_ =	swait.ge [sflag:s13], $0x4000  }
0x19: {  	[sflag:s13] =	ssyncset.done $0x0  }
0x1a: {  	[sflag:s13] =	ssyncadd.s32 $0xFFFFC000  }
0x1b: {  	s15 =	sshll.u32 s15, $0x4;
	_ =	swait.ge [sflag:s13], $0x4000  }
0x1c: {  	s20 =	sadd.s32 s15, s14;
	[sflag:s13] =	ssyncset.done $0x0  }
0x1d: {  	s14 =	sadd.s32 $0x25A00, s20;
	[sflag:s13] =	ssyncadd.s32 $0xFFFFC000  }
0x1e: {  	[hbm4b:s14+s2] =	stream.linear.scatter [tilespmem:s7], [sflag:$0x2], $0x10000, $0x38;
	[tilespmem:$0x10400] =	vst v63  }
0x1f: {  	_ =	swait.ge [sflag:s3], $0x10000  }
0x20: {  	[sflag:s3] =	ssyncset.done $0x0  }
0x21: {  	s15 =	simm.s32 $0x200;
	[sflag:s3] =	ssyncadd.s32 $0xFFFF0000  }
0x22: {  	[tilespmem:s7], [sflag:$0x1] =	stream.indirect.gather [hbm4b:s5+s6], $0x80, s15, s6, $0xb8;
	[tilespmem:$0x10400] =	vst v63  }
0x23: {  	s16 =	simm.s32 $0x280  }
0x24: {  	[tilespmem:s8], [sflag:$0x1] =	stream.indirect.gather [hbm4b:s5+s6], $0x80, s16, s6, $0xb8;
	[tilespmem:$0x10400] =	vst v63  }
0x25: {  	s17 =	simm.s32 $0x300  }
0x26: {  	[tilespmem:s10], [sflag:$0x1] =	stream.indirect.gather [hbm4b:s5+s6], $0x80, s17, s6, $0xb8;
	[tilespmem:$0x10400] =	vst v63  }
0x27: {  	s18 =	simm.s32 $0x380  }
0x28: {  	[tilespmem:s12], [sflag:$0x1] =	stream.indirect.gather [hbm4b:s5+s6], $0x80, s18, s6, $0xb8;
	[tilespmem:$0x10400] =	vst v63  }
0x29: {  	_ =	swait.ge [sflag:s13], $0x4000  }
0x2a: {  	[sflag:s13] =	ssyncset.done $0x0  }
0x2b: {  	[sflag:s13] =	ssyncadd.s32 $0xFFFFC000  }
0x2c: {  	_ =	swait.ge [sflag:s13], $0x4000  }
0x2d: {  	[sflag:s13] =	ssyncset.done $0x0  }
0x2e: {  	s19 =	ssub.s32 $0x2, s19;
	[sflag:s13] =	ssyncadd.s32 $0xFFFFC000  }
0x2f: {  	s21 =	sshrl.u32 s19, $0x1;
	_ =	swait.ge [sflag:s13], $0x4000  }
0x30: {  	s21 =	ssub.s32 s19, s21;
	[sflag:s13] =	ssyncset.done $0x0  }
0x31: {  	s31 =	smax.u32 s21, $0x1;
	[sflag:s13] =	ssyncadd.s32 $0xFFFFC000  }
0x32: {  	p0 =	sne.s32 s31, $0x1;
	_ =	swait.ge [sflag:s13], $0x4000  }
.Ltmp0:
0x33: {  	[sflag:s13] =	ssyncset.done $0x0;
	(pc) =	sbr.rel @!p0 .LBB2_2-.Ltmp0, $4  }
0x34: {  	s19 =	sadd.s32 $0x27A00, s20;
	[sflag:s13] =	ssyncadd.s32 $0xFFFFC000  }
0x35: {  	[hbm4b:s19+s2] =	stream.linear.scatter [tilespmem:s7], [sflag:$0x2], $0x10000, $0x38;
	[tilespmem:$0x10400] =	vst v63  }
0x36: {  	_ =	swait.ge [sflag:s3], $0x10000  }
0x37: {  	s20 =	sadd.s32 $0xFFFFFFFF, s31;
	[sflag:s3] =	ssyncset.done $0x0  }
.LBB2_1:
0x38: {  	p0 =	sne.s32 s20, $0x1;
	s20 =	sadd.s32 $0xFFFFFFFF, s20;
	[sflag:s3] =	ssyncadd.s32 $0xFFFF0000  }
0x39: {  	[tilespmem:s2], [sflag:$0x2] =	stream.linear.gather [hbm4b:s4+s2], $0x400, $0x38;
	[tilespmem:$0x10400] =	vst v63  }
0x3a: {  	_ =	swait.ge [sflag:s3], $0x400  }
0x3b: {  	[sflag:s3] =	ssyncset.done $0x0  }
0x3c: {  	[sflag:s3] =	ssyncadd.s32 $0xFFFFFC00  }
0x3d: {  	[tilespmem:s7], [sflag:$0x1] =	stream.indirect.gather [hbm4b:s5+s6], $0x80, s2, s6, $0xb8;
	[tilespmem:$0x10400] =	vst v63  }
0x3e: {  	_ = 	snop  }
0x3f: {  	[tilespmem:s8], [sflag:$0x1] =	stream.indirect.gather [hbm4b:s5+s6], $0x80, s6, s6, $0xb8;
	[tilespmem:$0x10400] =	vst v63  }
0x40: {  	_ = 	snop  }
0x41: {  	[tilespmem:s10], [sflag:$0x1] =	stream.indirect.gather [hbm4b:s5+s6], $0x80, s9, s6, $0xb8;
	[tilespmem:$0x10400] =	vst v63  }
0x42: {  	_ = 	snop  }
0x43: {  	[tilespmem:s12], [sflag:$0x1] =	stream.indirect.gather [hbm4b:s5+s6], $0x80, s11, s6, $0xb8;
	[tilespmem:$0x10400] =	vst v63  }
0x44: {  	_ =	swait.ge [sflag:s13], $0x4000  }
0x45: {  	[sflag:s13] =	ssyncset.done $0x0  }
0x46: {  	[sflag:s13] =	ssyncadd.s32 $0xFFFFC000  }
0x47: {  	_ =	swait.ge [sflag:s13], $0x4000  }
0x48: {  	[sflag:s13] =	ssyncset.done $0x0  }
0x49: {  	[sflag:s13] =	ssyncadd.s32 $0xFFFFC000  }
0x4a: {  	_ =	swait.ge [sflag:s13], $0x4000  }
0x4b: {  	[sflag:s13] =	ssyncset.done $0x0  }
0x4c: {  	[sflag:s13] =	ssyncadd.s32 $0xFFFFC000  }
0x4d: {  	_ =	swait.ge [sflag:s13], $0x4000  }
0x4e: {  	[sflag:s13] =	ssyncset.done $0x0  }
0x4f: {  	[sflag:s13] =	ssyncadd.s32 $0xFFFFC000  }
0x50: {  	[hbm4b:s14+s2] =	stream.linear.scatter [tilespmem:s7], [sflag:$0x2], $0x10000, $0x38;
	[tilespmem:$0x10400] =	vst v63  }
0x51: {  	_ =	swait.ge [sflag:s3], $0x10000  }
0x52: {  	[sflag:s3] =	ssyncset.done $0x0  }
0x53: {  	[sflag:s3] =	ssyncadd.s32 $0xFFFF0000  }
0x54: {  	[tilespmem:s7], [sflag:$0x1] =	stream.indirect.gather [hbm4b:s5+s6], $0x80, s15, s6, $0xb8;
	[tilespmem:$0x10400] =	vst v63  }
0x55: {  	_ = 	snop  }
0x56: {  	[tilespmem:s8], [sflag:$0x1] =	stream.indirect.gather [hbm4b:s5+s6], $0x80, s16, s6, $0xb8;
	[tilespmem:$0x10400] =	vst v63  }
0x57: {  	_ = 	snop  }
0x58: {  	[tilespmem:s10], [sflag:$0x1] =	stream.indirect.gather [hbm4b:s5+s6], $0x80, s17, s6, $0xb8;
	[tilespmem:$0x10400] =	vst v63  }
0x59: {  	_ = 	snop  }
0x5a: {  	[tilespmem:s12], [sflag:$0x1] =	stream.indirect.gather [hbm4b:s5+s6], $0x80, s18, s6, $0xb8;
	[tilespmem:$0x10400] =	vst v63  }
0x5b: {  	_ =	swait.ge [sflag:s13], $0x4000  }
0x5c: {  	[sflag:s13] =	ssyncset.done $0x0  }
0x5d: {  	[sflag:s13] =	ssyncadd.s32 $0xFFFFC000  }
0x5e: {  	_ =	swait.ge [sflag:s13], $0x4000  }
0x5f: {  	[sflag:s13] =	ssyncset.done $0x0  }
0x60: {  	[sflag:s13] =	ssyncadd.s32 $0xFFFFC000  }
0x61: {  	_ =	swait.ge [sflag:s13], $0x4000  }
0x62: {  	[sflag:s13] =	ssyncset.done $0x0  }
0x63: {  	[sflag:s13] =	ssyncadd.s32 $0xFFFFC000  }
0x64: {  	_ =	swait.ge [sflag:s13], $0x4000  }
.Ltmp1:
0x65: {  	[sflag:s13] =	ssyncset.done $0x0;
	(pc) =	sbr.rel @p0 .LBB2_1-.Ltmp1, $4  }
0x66: {  	[sflag:s13] =	ssyncadd.s32 $0xFFFFC000  }
0x67: {  	[hbm4b:s19+s2] =	stream.linear.scatter [tilespmem:s7], [sflag:$0x2], $0x10000, $0x38;
	[tilespmem:$0x10400] =	vst v63  }
0x68: {  	_ =	swait.ge [sflag:s3], $0x10000  }
0x69: {  	[sflag:s3] =	ssyncset.done $0x0  }
.LBB2_2:
0x6a: {  	[sflag:s3] =	ssyncadd.s32 $0xFFFF0000  }
0x6b: {  	_ =	sfence.sel $0x180000  }
0x6c: {  	[bflag:$0x0] =	sbarrier.arrive $0xFFFF  }
0x6d: {  	p0 =	sne.s32 s0, $0x0;
	_ =	strace $0x90000056  }
0x6e: {  	s0 =	sadd.s32 @!p0 $0x100000, s1;
	[bflag:$0x2] =	sbarrier.arrive $0xFFFF  }
0x6f: {  	[sflag:s0] =	ssyncadd.tile.s32 @!p0 $0x1;
	_ =	shalt  }
.Lfunc_end2:
_tile_overlayer_lowered:
.L_overlay_start_2:
0x70: {  	(tag) =	ssettag $0x2  }
0x71: {  	s0 =	rddreg [dreg:$0x0];
	s2 =	stileid.u32  }
0x72: {  	s1 =	rddreg [dreg:$0x1];
	p0 =	sne.s32 s2, $0x0  }
0x73: {  	s3 =	rddreg [dreg:$0x2];
	[bflag:$0x3] =	sbarrier.arrive $0xFFFF;
	s2 =	simm.s32 @!p0 $0x1C02  }
0x74: {  	[timem:s3], [sflag:s2] =	dma.local @!p0 [hbm:s0], s1  }
0x75: {  	s0 =	simm.s32 @!p0 $0x2  }
0x76: {  	_ =	swait.ge @!p0 [sflag:s0], s1  }
0x77: {  	s1 =	ssub.s32 @!p0 $0x0, s1;
	[sflag:s0] =	ssyncset.done @!p0 $0x0  }
0x78: {  	[sflag:s0] =	ssyncadd.s32 @!p0 s1  }
0x79: {  	[bflag:$0x3] =	sbarrier.arrive $0xFFFF  }
0x7a: {  	_ =	shalt  }

// kernel: kernel.37.cloned.1.call-start
scs
__scs_entry_jumppad:
0x0: {  	(pc) =	sbr.rel $0x88, $3  }
0x1: {  	(tag) =	ssettag $0x0;
	lr =	simm.s32 $0x1  }
0x2: {  	[smem:$0x3F9F] =	sst lr;
	_ =	strace $0xD0000000  }
0x3: {  	_ = 	snop  }
0x4: {  	_ = 	snop  }
0x5: {  	_ = 	snop  }
0x6: {  	_ = 	snop  }
0x7: {  	_ = 	snop  }
__scs_overlays_trampoline_lowered:
0x8: {  	[smem:$0x3FAE] =	sst s0  }
0x9: {  	[smem:$0x3FAF] =	sst s1  }
0xa: {  	[smem:$0x3FB0] =	sst s2  }
0xb: {  	[smem:$0x3FB1] =	sst s3  }
0xc: {  	[smem:$0x3FB2] =	sst s4  }
0xd: {  	[smem:$0x3FB3] =	sst s5  }
0xe: {  	[smem:$0x3FB4] =	sst s6  }
0xf: {  	[smem:$0x3FB5] =	sst s7  }
0x10: {  	[smem:$0x3FB6] =	sst s8  }
0x11: {  	[smem:$0x3FB7] =	sst s9;
	s0 =	simm.s32 @!p0 $0x0  }
0x12: {  	s1 =	sld [smem:$0x3F9D];
	s0 =	simm.s32 @p0 $0x1  }
0x13: {  	[smem:$0x3FB8] =	sst s0;
	s0 =	simm.s32 @!p1 $0x0  }
0x14: {  	s2 =	sld [smem:$0x3F9C];
	s0 =	simm.s32 @p1 $0x1  }
0x15: {  	[smem:$0x3FB9] =	sst s0;
	s0 =	simm.s32 @!p2 $0x0  }
0x16: {  	s3 =	sld [smem:$0x3FDB];
	s0 =	simm.s32 @p2 $0x1  }
0x17: {  	s4 =	simm.s32 $0x1BF5;
	[smem:$0x3FBB] =	sst s0  }
0x18: {  	s0 =	sld [smem:$0x3F9E];
	_ =	swait.ge [sflag:s4], $0x0  }
0x19: {  	s7 =	sld [smem:$0x3F9F]  }
0x1a: {  	s8 =	sadd.s32 $0xFFFFE003, lr  }
0x1b: {  	s9 =	sadd.s32 $0xFFFFFEF7, lr;
	s5 =	simm.s32 $0xFFFFFFFF;
	p2 =	slt.u32 s8, $0xFFFFF086  }
0x1c: {  	p1 =	slt.u32 s9, $0xF7A;
	s5 =	simm.s32 @!p2 $0x0  }
0x1d: {  	s5 =	simm.s32 @p1 $0x1;
	p0 =	seq.s32 s7, s2  }
0x1e: {  	s7 =	smul.u32 @!p0 $0xF7A, s2;
	p2 =	seq.s32 @!p0 s5, $0x0  }
0x1f: {  	s9 =	smul.u32 $0xF7A, s1;
	s8 =	simm.s32 @!p0 $0x1BF5;
	p2 =	por !p2, p0  }
0x20: {  	[sflag:s8] =	ssyncset.s32 @!p0 $0xFFFFF086;
	s6 =	sadd.s32 @!p0 s3, s7;
	s7 =	simm.s32 @!p0 $0x108  }
0x21: {  	s3 =	sadd.s32 s3, s9;
	s6 =	sadd.s32 @!p0 $0x88, s6;
	s7 =	simm.s32 @p2 $0x1082  }
0x22: {  	[simem:s7], [sflag:s8] =	dma.local @!p0 [hbm:s6], $0xF7A  }
0x23: {  	s9 =	sor.u32 $0xD0000000, s2;
	s6 =	simm.s32 $0x108;
	_ =	swait.ge @!p0 [sflag:s8], $0x0  }
0x24: {  	s3 =	sadd.s32 $0x88, s3;
	s6 =	simm.s32 @!p1 $0x1082;
	[sflag:s4] =	ssyncset.s32 $0xFFFFF086  }
0x25: {  	[simem:s6], [sflag:s4] =	dma.local [hbm:s3], $0xF7A  }
0x26: {  	[smem:$0x3F9F] =	sst s1;
	(tag) =	ssettag s2;
	_ =	strace s9  }
0x27: {  	s1 =	sld [smem:$0x3FAF]  }
0x28: {  	s2 =	sld [smem:$0x3FB0]  }
0x29: {  	s4 =	sld [smem:$0x3FB2]  }
0x2a: {  	p0 =	seq.s32 s5, $0x0;
	s5 =	sld [smem:$0x3FB3]  }
0x2b: {  	s6 =	sld [smem:$0x3FB4]  }
0x2c: {  	s7 =	sld [smem:$0x3FB5]  }
0x2d: {  	s3 =	simm.s32 $0x108;
	s8 =	sld [smem:$0x3FB6]  }
0x2e: {  	s3 =	simm.s32 @!p0 $0x1082;
	s9 =	sld [smem:$0x3FB7]  }
0x2f: {  	lr =	sadd.s32 s0, s3;
	s0 =	sld [smem:$0x3FAE]  }
0x30: {  	s3 =	sld [smem:$0x3FB1]  }
0x31: {  	[smem:$0x3FBA] =	sst s10  }
0x32: {  	s10 =	sld [smem:$0x3FB8];
	_ =	sdelay $0x3  }
0x33: {  	p0 =	seq.s32 s10, $0x1;
	s10 =	sld [smem:$0x3FBA];
	_ =	sdelay $0x3  }
0x34: {  	[smem:$0x3FBA] =	sst s10  }
0x35: {  	s10 =	sld [smem:$0x3FB9];
	_ =	sdelay $0x3  }
0x36: {  	p1 =	seq.s32 s10, $0x1;
	s10 =	sld [smem:$0x3FBA];
	_ =	sdelay $0x3  }
0x37: {  	[smem:$0x3FBA] =	sst s10  }
0x38: {  	s10 =	sld [smem:$0x3FBB]  }
0x39: {  	_ = 	snop;
	(pc) =	sbr.ind lr, $3  }
0x3a: {  	_ = 	snop  }
0x3b: {  	_ = 	snop  }
0x3c: {  	p2 =	seq.s32 s10, $0x1;
	s10 =	sld [smem:$0x3FBA]  }
0x3d: {  	_ =	shalt  }
0x3e: {  	_ =	shalt  }
0x3f: {  	_ =	shalt  }
0x40: {  	_ =	shalt  }
0x41: {  	_ =	shalt  }
0x42: {  	_ =	shalt  }
0x43: {  	_ =	shalt  }
0x44: {  	_ =	shalt  }
0x45: {  	_ =	shalt  }
0x46: {  	_ =	shalt  }
0x47: {  	_ =	shalt  }
0x48: {  	_ =	shalt  }
0x49: {  	_ =	shalt  }
0x4a: {  	_ =	shalt  }
0x4b: {  	_ =	shalt  }
0x4c: {  	_ =	shalt  }
0x4d: {  	_ =	shalt  }
0x4e: {  	_ =	shalt  }
0x4f: {  	_ =	shalt  }
0x50: {  	_ =	shalt  }
0x51: {  	_ =	shalt  }
0x52: {  	_ =	shalt  }
0x53: {  	_ =	shalt  }
0x54: {  	_ =	shalt  }
0x55: {  	_ =	shalt  }
0x56: {  	_ =	shalt  }
0x57: {  	_ =	shalt  }
0x58: {  	_ =	shalt  }
0x59: {  	_ =	shalt  }
0x5a: {  	_ =	shalt  }
0x5b: {  	_ =	shalt  }
0x5c: {  	_ =	shalt  }
0x5d: {  	_ =	shalt  }
0x5e: {  	_ =	shalt  }
0x5f: {  	_ =	shalt  }
0x60: {  	_ =	shalt  }
0x61: {  	_ =	shalt  }
0x62: {  	_ =	shalt  }
0x63: {  	_ =	shalt  }
0x64: {  	_ =	shalt  }
0x65: {  	_ =	shalt  }
0x66: {  	_ =	shalt  }
0x67: {  	_ =	shalt  }
0x68: {  	_ =	shalt  }
0x69: {  	_ =	shalt  }
0x6a: {  	_ =	shalt  }
0x6b: {  	_ =	shalt  }
0x6c: {  	_ =	shalt  }
0x6d: {  	_ =	shalt  }
0x6e: {  	_ =	shalt  }
0x6f: {  	_ =	shalt  }
0x70: {  	_ =	shalt  }
0x71: {  	_ =	shalt  }
0x72: {  	_ =	shalt  }
0x73: {  	_ =	shalt  }
0x74: {  	_ =	shalt  }
0x75: {  	_ =	shalt  }
0x76: {  	_ =	shalt  }
0x77: {  	_ =	shalt  }
0x78: {  	_ =	shalt  }
0x79: {  	_ =	shalt  }
0x7a: {  	_ =	shalt  }
0x7b: {  	_ =	shalt  }
0x7c: {  	_ =	shalt  }
0x7d: {  	_ =	shalt  }
0x7e: {  	_ =	shalt  }
0x7f: {  	_ =	shalt  }
0x80: {  	_ =	shalt  }
0x81: {  	_ =	shalt  }
0x82: {  	_ =	shalt  }
0x83: {  	_ =	shalt  }
0x84: {  	_ =	shalt  }
0x85: {  	_ =	shalt  }
0x86: {  	_ =	shalt  }
0x87: {  	_ =	shalt  }
.Lfunc_end0:
.L_simem_size_0:
called_computation.6_lowered:
.L_overlay_start_0:
0x88: {  	s2 =	sld [smem:$0x3FD9]  }
0x89: {  	s3 =	sld [smem:$0x3FFE];
	_ =	sdelay $0x1  }
0x8a: {  	s1 =	srdreg.scid  }
0x8b: {  	s0 =	sand.u32 $0x1, s1  }
0x8c: {  	s14 =	sshll.u32 s0, $0xA;
	s2 =	sadd.s32 s3, s2  }
0x8d: {  	s2 =	sadd.s32 s2, s14  }
0x8e: {  	[smem:$0x3FC6] =	sst s2  }
0x8f: {  	_ = 	snop  }
0x90: {  	s2 =	sld [smem:$0x3FD0];
	_ =	sdelay $0x2  }
0x91: {  	s15 =	simm.s32 $0xA;
	s4 =	simm.s32 $0x10  }
0x92: {  	[smem:s4], [sflag:s15] =	dma.local [hbm:s2], $0x1  }
0x93: {  	_ =	swait.eq [sflag:s15], $0x1  }
0x94: {  	[sflag:s15] =	ssyncset.done $0x0  }
0x95: {  	[sflag:s15] =	ssyncadd.s32 $0xFFFFFFFF  }
0x96: {  	s16 =	sld [smem:$0x11];
	(tm) =	ssettm $0x1  }
0x97: {  	s17 =	sld [smem:$0x3FFB];
	_ =	sdelay $0x3  }
0x98: {  	_ =	strace s17  }
0x99: {  	s3 =	sld [smem:$0x3FFC];
	_ =	sdelay $0x3  }
0x9a: {  	_ =	strace s3  }
0x9b: {  	s3 =	sld [smem:$0x3FFD];
	_ =	sdelay $0x3  }
0x9c: {  	_ =	strace s3  }
0x9d: {  	_ =	strace $0x8FFFFFFF  }
0x9e: {  	s18 =	sld [smem:$0x3FDB];
	_ =	sdelay $0x1  }
0x9f: {  	s19 =	simm.s32 $_scs_section_size  }
0xa0: {  	s5 =	simm.s32 $_size__tile_overlayer_lowered;
	s6 =	simm.s32 $_tile_overlayer_lowered  }
0xa1: {  	s22 =	simm.s32 $0x1BFF;
	s21 =	sshll.u32 s6, $0x1;
	s3 =	sadd.s32 s19, s18  }
0xa2: {  	s7 =	simm.s32 $0x0;
	s20 =	sshll.u32 s5, $0x1;
	s5 =	sadd.s32 s21, s3  }
0xa3: {  	[timem:s7], [sflag:s22] =	dma.local [hbm:s5], s20  }
0xa4: {  	_ =	swait.ge [sflag:s22], s20  }
0xa5: {  	s4 =	ssub.s32 $0x0, s20;
	[sflag:s22] =	ssyncset.done $0x0  }
0xa6: {  	[sflag:s22] =	ssyncadd.s32 s4;
	_ =	sdelay $0x1  }
0xa7: {  	s23 =	simm.s32 $0x1B8B  }
0xa8: {  	_ =	swait.ge [sflag:s23], $0x1  }
0xa9: {  	[sflag:s23] =	ssyncset.done $0x0  }
0xaa: {  	s25 =	simm.s32 $0x1B8E;
	s24 =	sld [smem:$0x3FFE];
	[sflag:s23] =	ssyncadd.s32 $0xFFFFFFFF  }
0xab: {  	s26 =	simm.s32 $execute0_lowered;
	[smem:$0x3FD2] =	sst s25  }
0xac: {  	s5 =	sshll.u32 s26, $0x1;
	_ =	strace $0x80000058;
	[dreg:$0x1] =	wrdreg $0xFFFFFFFF  }
0xad: {  	s28 =	simm.s32 $_size_execute0_lowered;
	s3 =	sadd.s32 s3, s5;
	[dreg:$0x0] =	wrdreg $0x0  }
0xae: {  	s5 =	sshll.u32 s28, $0x1;
	[dreg:$0x2] =	wrdreg s3  }
0xaf: {  	[dreg:$0x3] =	wrdreg s5  }
0xb0: {  	[dreg:$0x4] =	wrdreg $0xC0  }
0xb1: {  	_ =	task [dreg:s7], $0x5FFFF  }
0xb2: {  	[dreg:$0x1] =	wrdreg $0xFFFFFFFF  }
0xb3: {  	[dreg:$0x0] =	wrdreg $0x60  }
0xb4: {  	[dreg:$0x2] =	wrdreg s24  }
0xb5: {  	[dreg:$0x3] =	wrdreg s16  }
0xb6: {  	[dreg:$0x4] =	wrdreg $0x9  }
0xb7: {  	_ =	task.clear_ibuf [dreg:s7], $0x5FFFF;
	_ =	strace $0x90000058  }
0xb8: {  	s29 =	simm.s32 $0x9;
	_ =	strace $0x8000005A  }
0xb9: {  	_ =	swait.ge [sflag:s29], $0x1  }
0xba: {  	[sflag:s29] =	ssyncadd.s32 $0xFFFFFFFF  }
0xbb: {  	_ =	strace $0x9000005A  }
0xbc: {  	_ =	sfence  }
0xbd: {  	s30 =	sld [smem:$0x0];
	_ =	sdelay $0x2  }
0xbe: {  	s31 =	sshll.u32 s1, $0xD;
	s1 =	sshrl.u32 s1, $0x2  }
0xbf: {  	s3 =	sand.u32 $0x4000, s31;
	s1 =	sadd.s32 s1, s30  }
0xc0: {  	s0 =	sor.u32 s3, s0;
	s1 =	sshll.u32 s1, $0x11  }
0xc1: {  	s0 =	sor.u32 s1, s0  }
0xc2: {  	s0 =	sadd.s32 $0x8F2B, s0  }
0xc3: {  	[sflag:s0] =	ssyncadd.remote.s32 $0x1  }
0xc4: {  	_ =	sfence.sel $0xFFFF  }
0xc5: {  	[dreg:$0x0] =	wrdreg $0xFFFFFFFF;
	(pc) =	sbr.abs _section_cstart, $3  }
0xc6: {  	[dreg:$0x1] =	wrdreg $0xFFFFFFFF  }
0xc7: {  	_ =	task.clear_ibuf [dreg:s7], $0x2FFFF;
	_ =	strace $0x9FFFFFFF  }
0xc8: {  	(tm) =	ssettm $0x7FFFFFFF  }
0xc9: {  	_ =	shalt  }
tec
execute0_lowered:
.L_overlay_start_1:
0x0: {  	(tag) =	ssettag $0x1  }
0x1: {  	s1 =	srdreg.scid  }
0x2: {  	s14 =	rddreg [dreg:$0x0];
	s0 =	stileid.u32;
	s19 =	sand.u32 $0x1, s1  }
0x3: {  	s3 =	rddreg [dreg:$0x1];
	s4 =	sshll.u32 s0, $0xB;
	s5 =	sshll.u32 s19, $0xA  }
0x4: {  	s2 =	simm.s32 $0x0;
	s1 =	rddreg [dreg:$0x2];
	s15 =	sor.u32 s5, s4  }
0x5: {  	[smem:$0x7FF] =	sst s2;
	s4 =	sshrl.u32 s15, $0x3  }
0x6: {  	_ =	strace $0x80000059;
	s4 =	sadd.s32 s3, s4;
	s3 =	simm.s32 $0x2  }
0x7: {  	[tilespmem:s2], [sflag:$0x2] =	stream.linear.gather [hbm4b:s4+s2], $0x400, $0x38;
	[tilespmem:$0x10400] =	vst v63  }
0x8: {  	_ =	swait.ge [sflag:s3], $0x400  }
0x9: {  	s6 =	simm.s32 $0x80;
	[sflag:s3] =	ssyncset.done $0x0  }
0xa: {  	s7 =	simm.s32 $0x400;
	s5 =	sadd.s32 $0x1DA00, s14;
	[sflag:s3] =	ssyncadd.s32 $0xFFFFFC00  }
0xb: {  	[tilespmem:s7], [sflag:$0x1] =	stream.indirect.gather [hbm4b:s5+s6], $0x80, s2, s6, $0xb8;
	[tilespmem:$0x10400] =	vst v63  }
0xc: {  	s8 =	simm.s32 $0x4400  }
0xd: {  	[tilespmem:s8], [sflag:$0x1] =	stream.indirect.gather [hbm4b:s5+s6], $0x80, s6, s6, $0xb8;
	[tilespmem:$0x10400] =	vst v63  }
0xe: {  	s9 =	simm.s32 $0x100;
	s10 =	simm.s32 $0x8400  }
0xf: {  	[tilespmem:s10], [sflag:$0x1] =	stream.indirect.gather [hbm4b:s5+s6], $0x80, s9, s6, $0xb8;
	[tilespmem:$0x10400] =	vst v63  }
0x10: {  	s11 =	simm.s32 $0x180;
	s12 =	simm.s32 $0xC400;
	s13 =	simm.s32 $0x1  }
0x11: {  	[tilespmem:s12], [sflag:$0x1] =	stream.indirect.gather [hbm4b:s5+s6], $0x80, s11, s6, $0xb8;
	[tilespmem:$0x10400] =	vst v63  }
0x12: {  	_ =	swait.ge [sflag:s13], $0x4000  }
0x13: {  	[sflag:s13] =	ssyncset.done $0x0  }
0x14: {  	[sflag:s13] =	ssyncadd.s32 $0xFFFFC000  }
0x15: {  	_ =	swait.ge [sflag:s13], $0x4000  }
0x16: {  	[sflag:s13] =	ssyncset.done $0x0  }
0x17: {  	[sflag:s13] =	ssyncadd.s32 $0xFFFFC000  }
0x18: {  	_ =	swait.ge [sflag:s13], $0x4000  }
0x19: {  	[sflag:s13] =	ssyncset.done $0x0  }
0x1a: {  	[sflag:s13] =	ssyncadd.s32 $0xFFFFC000  }
0x1b: {  	s15 =	sshll.u32 s15, $0x4;
	_ =	swait.ge [sflag:s13], $0x4000  }
0x1c: {  	s20 =	sadd.s32 s15, s14;
	[sflag:s13] =	ssyncset.done $0x0  }
0x1d: {  	s14 =	sadd.s32 $0x25A00, s20;
	[sflag:s13] =	ssyncadd.s32 $0xFFFFC000  }
0x1e: {  	[hbm4b:s14+s2] =	stream.linear.scatter [tilespmem:s7], [sflag:$0x2], $0x10000, $0x38;
	[tilespmem:$0x10400] =	vst v63  }
0x1f: {  	_ =	swait.ge [sflag:s3], $0x10000  }
0x20: {  	[sflag:s3] =	ssyncset.done $0x0  }
0x21: {  	s15 =	simm.s32 $0x200;
	[sflag:s3] =	ssyncadd.s32 $0xFFFF0000  }
0x22: {  	[tilespmem:s7], [sflag:$0x1] =	stream.indirect.gather [hbm4b:s5+s6], $0x80, s15, s6, $0xb8;
	[tilespmem:$0x10400] =	vst v63  }
0x23: {  	s16 =	simm.s32 $0x280  }
0x24: {  	[tilespmem:s8], [sflag:$0x1] =	stream.indirect.gather [hbm4b:s5+s6], $0x80, s16, s6, $0xb8;
	[tilespmem:$0x10400] =	vst v63  }
0x25: {  	s17 =	simm.s32 $0x300  }
0x26: {  	[tilespmem:s10], [sflag:$0x1] =	stream.indirect.gather [hbm4b:s5+s6], $0x80, s17, s6, $0xb8;
	[tilespmem:$0x10400] =	vst v63  }
0x27: {  	s18 =	simm.s32 $0x380  }
0x28: {  	[tilespmem:s12], [sflag:$0x1] =	stream.indirect.gather [hbm4b:s5+s6], $0x80, s18, s6, $0xb8;
	[tilespmem:$0x10400] =	vst v63  }
0x29: {  	_ =	swait.ge [sflag:s13], $0x4000  }
0x2a: {  	[sflag:s13] =	ssyncset.done $0x0  }
0x2b: {  	[sflag:s13] =	ssyncadd.s32 $0xFFFFC000  }
0x2c: {  	_ =	swait.ge [sflag:s13], $0x4000  }
0x2d: {  	[sflag:s13] =	ssyncset.done $0x0  }
0x2e: {  	s19 =	ssub.s32 $0x2, s19;
	[sflag:s13] =	ssyncadd.s32 $0xFFFFC000  }
0x2f: {  	s21 =	sshrl.u32 s19, $0x1;
	_ =	swait.ge [sflag:s13], $0x4000  }
0x30: {  	s21 =	ssub.s32 s19, s21;
	[sflag:s13] =	ssyncset.done $0x0  }
0x31: {  	s31 =	smax.u32 s21, $0x1;
	[sflag:s13] =	ssyncadd.s32 $0xFFFFC000  }
0x32: {  	p0 =	sne.s32 s31, $0x1;
	_ =	swait.ge [sflag:s13], $0x4000  }
.Ltmp0:
0x33: {  	[sflag:s13] =	ssyncset.done $0x0;
	(pc) =	sbr.rel @!p0 .LBB2_2-.Ltmp0, $4  }
0x34: {  	s19 =	sadd.s32 $0x27A00, s20;
	[sflag:s13] =	ssyncadd.s32 $0xFFFFC000  }
0x35: {  	[hbm4b:s19+s2] =	stream.linear.scatter [tilespmem:s7], [sflag:$0x2], $0x10000, $0x38;
	[tilespmem:$0x10400] =	vst v63  }
0x36: {  	_ =	swait.ge [sflag:s3], $0x10000  }
0x37: {  	s20 =	sadd.s32 $0xFFFFFFFF, s31;
	[sflag:s3] =	ssyncset.done $0x0  }
.LBB2_1:
0x38: {  	p0 =	sne.s32 s20, $0x1;
	s20 =	sadd.s32 $0xFFFFFFFF, s20;
	[sflag:s3] =	ssyncadd.s32 $0xFFFF0000  }
0x39: {  	[tilespmem:s2], [sflag:$0x2] =	stream.linear.gather [hbm4b:s4+s2], $0x400, $0x38;
	[tilespmem:$0x10400] =	vst v63  }
0x3a: {  	_ =	swait.ge [sflag:s3], $0x400  }
0x3b: {  	[sflag:s3] =	ssyncset.done $0x0  }
0x3c: {  	[sflag:s3] =	ssyncadd.s32 $0xFFFFFC00  }
0x3d: {  	[tilespmem:s7], [sflag:$0x1] =	stream.indirect.gather [hbm4b:s5+s6], $0x80, s2, s6, $0xb8;
	[tilespmem:$0x10400] =	vst v63  }
0x3e: {  	_ = 	snop  }
0x3f: {  	[tilespmem:s8], [sflag:$0x1] =	stream.indirect.gather [hbm4b:s5+s6], $0x80, s6, s6, $0xb8;
	[tilespmem:$0x10400] =	vst v63  }
0x40: {  	_ = 	snop  }
0x41: {  	[tilespmem:s10], [sflag:$0x1] =	stream.indirect.gather [hbm4b:s5+s6], $0x80, s9, s6, $0xb8;
	[tilespmem:$0x10400] =	vst v63  }
0x42: {  	_ = 	snop  }
0x43: {  	[tilespmem:s12], [sflag:$0x1] =	stream.indirect.gather [hbm4b:s5+s6], $0x80, s11, s6, $0xb8;
	[tilespmem:$0x10400] =	vst v63  }
0x44: {  	_ =	swait.ge [sflag:s13], $0x4000  }
0x45: {  	[sflag:s13] =	ssyncset.done $0x0  }
0x46: {  	[sflag:s13] =	ssyncadd.s32 $0xFFFFC000  }
0x47: {  	_ =	swait.ge [sflag:s13], $0x4000  }
0x48: {  	[sflag:s13] =	ssyncset.done $0x0  }
0x49: {  	[sflag:s13] =	ssyncadd.s32 $0xFFFFC000  }
0x4a: {  	_ =	swait.ge [sflag:s13], $0x4000  }
0x4b: {  	[sflag:s13] =	ssyncset.done $0x0  }
0x4c: {  	[sflag:s13] =	ssyncadd.s32 $0xFFFFC000  }
0x4d: {  	_ =	swait.ge [sflag:s13], $0x4000  }
0x4e: {  	[sflag:s13] =	ssyncset.done $0x0  }
0x4f: {  	[sflag:s13] =	ssyncadd.s32 $0xFFFFC000  }
0x50: {  	[hbm4b:s14+s2] =	stream.linear.scatter [tilespmem:s7], [sflag:$0x2], $0x10000, $0x38;
	[tilespmem:$0x10400] =	vst v63  }
0x51: {  	_ =	swait.ge [sflag:s3], $0x10000  }
0x52: {  	[sflag:s3] =	ssyncset.done $0x0  }
0x53: {  	[sflag:s3] =	ssyncadd.s32 $0xFFFF0000  }
0x54: {  	[tilespmem:s7], [sflag:$0x1] =	stream.indirect.gather [hbm4b:s5+s6], $0x80, s15, s6, $0xb8;
	[tilespmem:$0x10400] =	vst v63  }
0x55: {  	_ = 	snop  }
0x56: {  	[tilespmem:s8], [sflag:$0x1] =	stream.indirect.gather [hbm4b:s5+s6], $0x80, s16, s6, $0xb8;
	[tilespmem:$0x10400] =	vst v63  }
0x57: {  	_ = 	snop  }
0x58: {  	[tilespmem:s10], [sflag:$0x1] =	stream.indirect.gather [hbm4b:s5+s6], $0x80, s17, s6, $0xb8;
	[tilespmem:$0x10400] =	vst v63  }
0x59: {  	_ = 	snop  }
0x5a: {  	[tilespmem:s12], [sflag:$0x1] =	stream.indirect.gather [hbm4b:s5+s6], $0x80, s18, s6, $0xb8;
	[tilespmem:$0x10400] =	vst v63  }
0x5b: {  	_ =	swait.ge [sflag:s13], $0x4000  }
0x5c: {  	[sflag:s13] =	ssyncset.done $0x0  }
0x5d: {  	[sflag:s13] =	ssyncadd.s32 $0xFFFFC000  }
0x5e: {  	_ =	swait.ge [sflag:s13], $0x4000  }
0x5f: {  	[sflag:s13] =	ssyncset.done $0x0  }
0x60: {  	[sflag:s13] =	ssyncadd.s32 $0xFFFFC000  }
0x61: {  	_ =	swait.ge [sflag:s13], $0x4000  }
0x62: {  	[sflag:s13] =	ssyncset.done $0x0  }
0x63: {  	[sflag:s13] =	ssyncadd.s32 $0xFFFFC000  }
0x64: {  	_ =	swait.ge [sflag:s13], $0x4000  }
.Ltmp1:
0x65: {  	[sflag:s13] =	ssyncset.done $0x0;
	(pc) =	sbr.rel @p0 .LBB2_1-.Ltmp1, $4  }
0x66: {  	[sflag:s13] =	ssyncadd.s32 $0xFFFFC000  }
0x67: {  	[hbm4b:s19+s2] =	stream.linear.scatter [tilespmem:s7], [sflag:$0x2], $0x10000, $0x38;
	[tilespmem:$0x10400] =	vst v63  }
0x68: {  	_ =	swait.ge [sflag:s3], $0x10000  }
0x69: {  	[sflag:s3] =	ssyncset.done $0x0  }
.LBB2_2:
0x6a: {  	[sflag:s3] =	ssyncadd.s32 $0xFFFF0000  }
0x6b: {  	_ =	sfence.sel $0x180000  }
0x6c: {  	[bflag:$0x0] =	sbarrier.arrive $0xFFFF  }
0x6d: {  	p0 =	sne.s32 s0, $0x0;
	_ =	strace $0x90000059  }
0x6e: {  	s0 =	sadd.s32 @!p0 $0x100000, s1;
	[bflag:$0x2] =	sbarrier.arrive $0xFFFF  }
0x6f: {  	[sflag:s0] =	ssyncadd.tile.s32 @!p0 $0x1;
	_ =	shalt  }
.Lfunc_end2:
_tile_overlayer_lowered:
.L_overlay_start_2:
0x70: {  	(tag) =	ssettag $0x2  }
0x71: {  	s0 =	rddreg [dreg:$0x0];
	s2 =	stileid.u32  }
0x72: {  	s1 =	rddreg [dreg:$0x1];
	p0 =	sne.s32 s2, $0x0  }
0x73: {  	s3 =	rddreg [dreg:$0x2];
	[bflag:$0x3] =	sbarrier.arrive $0xFFFF;
	s2 =	simm.s32 @!p0 $0x1C02  }
0x74: {  	[timem:s3], [sflag:s2] =	dma.local @!p0 [hbm:s0], s1  }
0x75: {  	s0 =	simm.s32 @!p0 $0x2  }
0x76: {  	_ =	swait.ge @!p0 [sflag:s0], s1  }
0x77: {  	s1 =	ssub.s32 @!p0 $0x0, s1;
	[sflag:s0] =	ssyncset.done @!p0 $0x0  }
0x78: {  	[sflag:s0] =	ssyncadd.s32 @!p0 s1  }
0x79: {  	[bflag:$0x3] =	sbarrier.arrive $0xFFFF  }
0x7a: {  	_ =	shalt  }

// kernel: kernel.40.cloned.1.call-start
scs
__scs_entry_jumppad:
0x0: {  	(pc) =	sbr.rel $0x88, $3  }
0x1: {  	(tag) =	ssettag $0x0;
	lr =	simm.s32 $0x1  }
0x2: {  	[smem:$0x3F9F] =	sst lr;
	_ =	strace $0xD0000000  }
0x3: {  	_ = 	snop  }
0x4: {  	_ = 	snop  }
0x5: {  	_ = 	snop  }
0x6: {  	_ = 	snop  }
0x7: {  	_ = 	snop  }
__scs_overlays_trampoline_lowered:
0x8: {  	[smem:$0x3FAE] =	sst s0  }
0x9: {  	[smem:$0x3FAF] =	sst s1  }
0xa: {  	[smem:$0x3FB0] =	sst s2  }
0xb: {  	[smem:$0x3FB1] =	sst s3  }
0xc: {  	[smem:$0x3FB2] =	sst s4  }
0xd: {  	[smem:$0x3FB3] =	sst s5  }
0xe: {  	[smem:$0x3FB4] =	sst s6  }
0xf: {  	[smem:$0x3FB5] =	sst s7  }
0x10: {  	[smem:$0x3FB6] =	sst s8  }
0x11: {  	[smem:$0x3FB7] =	sst s9;
	s0 =	simm.s32 @!p0 $0x0  }
0x12: {  	s1 =	sld [smem:$0x3F9D];
	s0 =	simm.s32 @p0 $0x1  }
0x13: {  	[smem:$0x3FB8] =	sst s0;
	s0 =	simm.s32 @!p1 $0x0  }
0x14: {  	s2 =	sld [smem:$0x3F9C];
	s0 =	simm.s32 @p1 $0x1  }
0x15: {  	[smem:$0x3FB9] =	sst s0;
	s0 =	simm.s32 @!p2 $0x0  }
0x16: {  	s3 =	sld [smem:$0x3FDB];
	s0 =	simm.s32 @p2 $0x1  }
0x17: {  	s4 =	simm.s32 $0x1BF5;
	[smem:$0x3FBB] =	sst s0  }
0x18: {  	s0 =	sld [smem:$0x3F9E];
	_ =	swait.ge [sflag:s4], $0x0  }
0x19: {  	s7 =	sld [smem:$0x3F9F]  }
0x1a: {  	s8 =	sadd.s32 $0xFFFFE003, lr  }
0x1b: {  	s9 =	sadd.s32 $0xFFFFFEF7, lr;
	s5 =	simm.s32 $0xFFFFFFFF;
	p2 =	slt.u32 s8, $0xFFFFF086  }
0x1c: {  	p1 =	slt.u32 s9, $0xF7A;
	s5 =	simm.s32 @!p2 $0x0  }
0x1d: {  	s5 =	simm.s32 @p1 $0x1;
	p0 =	seq.s32 s7, s2  }
0x1e: {  	s7 =	smul.u32 @!p0 $0xF7A, s2;
	p2 =	seq.s32 @!p0 s5, $0x0  }
0x1f: {  	s9 =	smul.u32 $0xF7A, s1;
	s8 =	simm.s32 @!p0 $0x1BF5;
	p2 =	por !p2, p0  }
0x20: {  	[sflag:s8] =	ssyncset.s32 @!p0 $0xFFFFF086;
	s6 =	sadd.s32 @!p0 s3, s7;
	s7 =	simm.s32 @!p0 $0x108  }
0x21: {  	s3 =	sadd.s32 s3, s9;
	s6 =	sadd.s32 @!p0 $0x88, s6;
	s7 =	simm.s32 @p2 $0x1082  }
0x22: {  	[simem:s7], [sflag:s8] =	dma.local @!p0 [hbm:s6], $0xF7A  }
0x23: {  	s9 =	sor.u32 $0xD0000000, s2;
	s6 =	simm.s32 $0x108;
	_ =	swait.ge @!p0 [sflag:s8], $0x0  }
0x24: {  	s3 =	sadd.s32 $0x88, s3;
	s6 =	simm.s32 @!p1 $0x1082;
	[sflag:s4] =	ssyncset.s32 $0xFFFFF086  }
0x25: {  	[simem:s6], [sflag:s4] =	dma.local [hbm:s3], $0xF7A  }
0x26: {  	[smem:$0x3F9F] =	sst s1;
	(tag) =	ssettag s2;
	_ =	strace s9  }
0x27: {  	s1 =	sld [smem:$0x3FAF]  }
0x28: {  	s2 =	sld [smem:$0x3FB0]  }
0x29: {  	s4 =	sld [smem:$0x3FB2]  }
0x2a: {  	p0 =	seq.s32 s5, $0x0;
	s5 =	sld [smem:$0x3FB3]  }
0x2b: {  	s6 =	sld [smem:$0x3FB4]  }
0x2c: {  	s7 =	sld [smem:$0x3FB5]  }
0x2d: {  	s3 =	simm.s32 $0x108;
	s8 =	sld [smem:$0x3FB6]  }
0x2e: {  	s3 =	simm.s32 @!p0 $0x1082;
	s9 =	sld [smem:$0x3FB7]  }
0x2f: {  	lr =	sadd.s32 s0, s3;
	s0 =	sld [smem:$0x3FAE]  }
0x30: {  	s3 =	sld [smem:$0x3FB1]  }
0x31: {  	[smem:$0x3FBA] =	sst s10  }
0x32: {  	s10 =	sld [smem:$0x3FB8];
	_ =	sdelay $0x3  }
0x33: {  	p0 =	seq.s32 s10, $0x1;
	s10 =	sld [smem:$0x3FBA];
	_ =	sdelay $0x3  }
0x34: {  	[smem:$0x3FBA] =	sst s10  }
0x35: {  	s10 =	sld [smem:$0x3FB9];
	_ =	sdelay $0x3  }
0x36: {  	p1 =	seq.s32 s10, $0x1;
	s10 =	sld [smem:$0x3FBA];
	_ =	sdelay $0x3  }
0x37: {  	[smem:$0x3FBA] =	sst s10  }
0x38: {  	s10 =	sld [smem:$0x3FBB]  }
0x39: {  	_ = 	snop;
	(pc) =	sbr.ind lr, $3  }
0x3a: {  	_ = 	snop  }
0x3b: {  	_ = 	snop  }
0x3c: {  	p2 =	seq.s32 s10, $0x1;
	s10 =	sld [smem:$0x3FBA]  }
0x3d: {  	_ =	shalt  }
0x3e: {  	_ =	shalt  }
0x3f: {  	_ =	shalt  }
0x40: {  	_ =	shalt  }
0x41: {  	_ =	shalt  }
0x42: {  	_ =	shalt  }
0x43: {  	_ =	shalt  }
0x44: {  	_ =	shalt  }
0x45: {  	_ =	shalt  }
0x46: {  	_ =	shalt  }
0x47: {  	_ =	shalt  }
0x48: {  	_ =	shalt  }
0x49: {  	_ =	shalt  }
0x4a: {  	_ =	shalt  }
0x4b: {  	_ =	shalt  }
0x4c: {  	_ =	shalt  }
0x4d: {  	_ =	shalt  }
0x4e: {  	_ =	shalt  }
0x4f: {  	_ =	shalt  }
0x50: {  	_ =	shalt  }
0x51: {  	_ =	shalt  }
0x52: {  	_ =	shalt  }
0x53: {  	_ =	shalt  }
0x54: {  	_ =	shalt  }
0x55: {  	_ =	shalt  }
0x56: {  	_ =	shalt  }
0x57: {  	_ =	shalt  }
0x58: {  	_ =	shalt  }
0x59: {  	_ =	shalt  }
0x5a: {  	_ =	shalt  }
0x5b: {  	_ =	shalt  }
0x5c: {  	_ =	shalt  }
0x5d: {  	_ =	shalt  }
0x5e: {  	_ =	shalt  }
0x5f: {  	_ =	shalt  }
0x60: {  	_ =	shalt  }
0x61: {  	_ =	shalt  }
0x62: {  	_ =	shalt  }
0x63: {  	_ =	shalt  }
0x64: {  	_ =	shalt  }
0x65: {  	_ =	shalt  }
0x66: {  	_ =	shalt  }
0x67: {  	_ =	shalt  }
0x68: {  	_ =	shalt  }
0x69: {  	_ =	shalt  }
0x6a: {  	_ =	shalt  }
0x6b: {  	_ =	shalt  }
0x6c: {  	_ =	shalt  }
0x6d: {  	_ =	shalt  }
0x6e: {  	_ =	shalt  }
0x6f: {  	_ =	shalt  }
0x70: {  	_ =	shalt  }
0x71: {  	_ =	shalt  }
0x72: {  	_ =	shalt  }
0x73: {  	_ =	shalt  }
0x74: {  	_ =	shalt  }
0x75: {  	_ =	shalt  }
0x76: {  	_ =	shalt  }
0x77: {  	_ =	shalt  }
0x78: {  	_ =	shalt  }
0x79: {  	_ =	shalt  }
0x7a: {  	_ =	shalt  }
0x7b: {  	_ =	shalt  }
0x7c: {  	_ =	shalt  }
0x7d: {  	_ =	shalt  }
0x7e: {  	_ =	shalt  }
0x7f: {  	_ =	shalt  }
0x80: {  	_ =	shalt  }
0x81: {  	_ =	shalt  }
0x82: {  	_ =	shalt  }
0x83: {  	_ =	shalt  }
0x84: {  	_ =	shalt  }
0x85: {  	_ =	shalt  }
0x86: {  	_ =	shalt  }
0x87: {  	_ =	shalt  }
.Lfunc_end0:
.L_simem_size_0:
called_computation.7_lowered:
.L_overlay_start_0:
0x88: {  	s2 =	sld [smem:$0x3FD9]  }
0x89: {  	s3 =	sld [smem:$0x3FFE];
	_ =	sdelay $0x1  }
0x8a: {  	s1 =	srdreg.scid  }
0x8b: {  	s0 =	sand.u32 $0x1, s1  }
0x8c: {  	s16 =	sshll.u32 s0, $0xA;
	s2 =	sadd.s32 s3, s2  }
0x8d: {  	s2 =	sadd.s32 s2, s16  }
0x8e: {  	[smem:$0x3FC6] =	sst s2  }
0x8f: {  	_ = 	snop  }
0x90: {  	(tm) =	ssettm $0x1  }
0x91: {  	s17 =	sld [smem:$0x3FFB];
	_ =	sdelay $0x3  }
0x92: {  	_ =	strace s17  }
0x93: {  	s2 =	sld [smem:$0x3FFC];
	_ =	sdelay $0x3  }
0x94: {  	_ =	strace s2  }
0x95: {  	s2 =	sld [smem:$0x3FFD];
	_ =	sdelay $0x3  }
0x96: {  	_ =	strace s2  }
0x97: {  	_ =	strace $0x8FFFFFFF  }
0x98: {  	s18 =	sld [smem:$0x3FDB];
	_ =	sdelay $0x1  }
0x99: {  	s19 =	simm.s32 $_scs_section_size  }
0x9a: {  	s4 =	simm.s32 $_size__tile_overlayer_lowered;
	s5 =	simm.s32 $_tile_overlayer_lowered  }
0x9b: {  	s22 =	simm.s32 $0x1BFF;
	s21 =	sshll.u32 s5, $0x1;
	s2 =	sadd.s32 s19, s18  }
0x9c: {  	s6 =	simm.s32 $0x0;
	s20 =	sshll.u32 s4, $0x1;
	s4 =	sadd.s32 s21, s2  }
0x9d: {  	[timem:s6], [sflag:s22] =	dma.local [hbm:s4], s20  }
0x9e: {  	_ =	swait.ge [sflag:s22], s20  }
0x9f: {  	s3 =	ssub.s32 $0x0, s20;
	[sflag:s22] =	ssyncset.done $0x0  }
0xa0: {  	[sflag:s22] =	ssyncadd.s32 s3;
	_ =	sdelay $0x1  }
0xa1: {  	s23 =	simm.s32 $0x1B8B  }
0xa2: {  	_ =	swait.ge [sflag:s23], $0x1  }
0xa3: {  	[sflag:s23] =	ssyncset.done $0x0  }
0xa4: {  	s25 =	simm.s32 $0x1B8E;
	s24 =	sld [smem:$0x3FFE];
	[sflag:s23] =	ssyncadd.s32 $0xFFFFFFFF  }
0xa5: {  	s26 =	simm.s32 $execute0_lowered;
	[smem:$0x3FD2] =	sst s25  }
0xa6: {  	s4 =	sshll.u32 s26, $0x1;
	_ =	strace $0x8000005B;
	[dreg:$0x1] =	wrdreg $0xFFFFFFFF  }
0xa7: {  	s28 =	simm.s32 $_size_execute0_lowered;
	s2 =	sadd.s32 s2, s4;
	[dreg:$0x0] =	wrdreg $0x0  }
0xa8: {  	s4 =	sshll.u32 s28, $0x1;
	[dreg:$0x2] =	wrdreg s2  }
0xa9: {  	[dreg:$0x3] =	wrdreg s4  }
0xaa: {  	[dreg:$0x4] =	wrdreg $0xC0  }
0xab: {  	_ =	task [dreg:s6], $0x5FFFF  }
0xac: {  	[dreg:$0x1] =	wrdreg $0xFFFFFFFF  }
0xad: {  	[dreg:$0x0] =	wrdreg $0x60  }
0xae: {  	[dreg:$0x2] =	wrdreg s24  }
0xaf: {  	[dreg:$0x3] =	wrdreg $0x9  }
0xb0: {  	_ =	task.clear_ibuf [dreg:s6], $0x4FFFF;
	_ =	strace $0x9000005B  }
0xb1: {  	s29 =	simm.s32 $0x9;
	_ =	strace $0x8000005D  }
0xb2: {  	_ =	swait.ge [sflag:s29], $0x1  }
0xb3: {  	[sflag:s29] =	ssyncadd.s32 $0xFFFFFFFF  }
0xb4: {  	_ =	strace $0x9000005D  }
0xb5: {  	_ =	sfence  }
0xb6: {  	s30 =	sld [smem:$0x0];
	_ =	sdelay $0x2  }
0xb7: {  	s31 =	sshll.u32 s1, $0xD;
	s1 =	sshrl.u32 s1, $0x2  }
0xb8: {  	s3 =	sand.u32 $0x4000, s31;
	s1 =	sadd.s32 s1, s30  }
0xb9: {  	s0 =	sor.u32 s3, s0;
	s1 =	sshll.u32 s1, $0x11  }
0xba: {  	s0 =	sor.u32 s1, s0  }
0xbb: {  	s0 =	sadd.s32 $0x8F2B, s0  }
0xbc: {  	[sflag:s0] =	ssyncadd.remote.s32 $0x1  }
0xbd: {  	_ =	sfence.sel $0xFFFF  }
0xbe: {  	[dreg:$0x0] =	wrdreg $0xFFFFFFFF;
	(pc) =	sbr.abs _section_cstart, $3  }
0xbf: {  	[dreg:$0x1] =	wrdreg $0xFFFFFFFF  }
0xc0: {  	_ =	task.clear_ibuf [dreg:s6], $0x2FFFF;
	_ =	strace $0x9FFFFFFF  }
0xc1: {  	(tm) =	ssettm $0x7FFFFFFF  }
tec
execute0_lowered:
.L_overlay_start_1:
0x0: {  	(tag) =	ssettag $0x1  }
0x1: {  	s1 =	srdreg.scid  }
0x2: {  	s0 =	stileid.u32;
	s19 =	sand.u32 $0x1, s1  }
0x3: {  	s30 =	sshll.u32 s0, $0xB;
	s2 =	sshll.u32 s19, $0xA  }
0x4: {  	s14 =	rddreg [dreg:$0x0];
	s15 =	sor.u32 s2, s30  }
0x5: {  	s1 =	rddreg [dreg:$0x1];
	s2 =	simm.s32 $0x0;
	s3 =	sshrl.u32 s15, $0x3  }
0x6: {  	[smem:$0x7FF] =	sst s2;
	s3 =	sadd.s32 s3, s14  }
0x7: {  	_ =	strace $0x8000005C;
	s4 =	sadd.s32 $0x8600, s3;
	s3 =	simm.s32 $0x2  }
0x8: {  	[tilespmem:s2], [sflag:$0x2] =	stream.linear.gather [hbm4b:s4+s2], $0x400, $0x38;
	[tilespmem:$0x10400] =	vst v63  }
0x9: {  	_ =	swait.ge [sflag:s3], $0x400  }
0xa: {  	s6 =	simm.s32 $0x80;
	[sflag:s3] =	ssyncset.done $0x0  }
0xb: {  	s7 =	simm.s32 $0x400;
	s5 =	sadd.s32 $0x21A00, s14;
	[sflag:s3] =	ssyncadd.s32 $0xFFFFFC00  }
0xc: {  	[tilespmem:s7], [sflag:$0x1] =	stream.indirect.gather [hbm4b:s5+s6], $0x80, s2, s6, $0xb8;
	[tilespmem:$0x10400] =	vst v63  }
0xd: {  	s8 =	simm.s32 $0x4400  }
0xe: {  	[tilespmem:s8], [sflag:$0x1] =	stream.indirect.gather [hbm4b:s5+s6], $0x80, s6, s6, $0xb8;
	[tilespmem:$0x10400] =	vst v63  }
0xf: {  	s9 =	simm.s32 $0x100;
	s10 =	simm.s32 $0x8400  }
0x10: {  	[tilespmem:s10], [sflag:$0x1] =	stream.indirect.gather [hbm4b:s5+s6], $0x80, s9, s6, $0xb8;
	[tilespmem:$0x10400] =	vst v63  }
0x11: {  	s11 =	simm.s32 $0x180;
	s12 =	simm.s32 $0xC400;
	s13 =	simm.s32 $0x1  }
0x12: {  	[tilespmem:s12], [sflag:$0x1] =	stream.indirect.gather [hbm4b:s5+s6], $0x80, s11, s6, $0xb8;
	[tilespmem:$0x10400] =	vst v63  }
0x13: {  	_ =	swait.ge [sflag:s13], $0x4000  }
0x14: {  	[sflag:s13] =	ssyncset.done $0x0  }
0x15: {  	[sflag:s13] =	ssyncadd.s32 $0xFFFFC000  }
0x16: {  	_ =	swait.ge [sflag:s13], $0x4000  }
0x17: {  	[sflag:s13] =	ssyncset.done $0x0  }
0x18: {  	[sflag:s13] =	ssyncadd.s32 $0xFFFFC000  }
0x19: {  	_ =	swait.ge [sflag:s13], $0x4000  }
0x1a: {  	[sflag:s13] =	ssyncset.done $0x0  }
0x1b: {  	[sflag:s13] =	ssyncadd.s32 $0xFFFFC000  }
0x1c: {  	s15 =	sshll.u32 s15, $0x4;
	_ =	swait.ge [sflag:s13], $0x4000  }
0x1d: {  	s20 =	sadd.s32 s15, s14;
	[sflag:s13] =	ssyncset.done $0x0  }
0x1e: {  	s14 =	sadd.s32 $0x8A5A00, s20;
	[sflag:s13] =	ssyncadd.s32 $0xFFFFC000  }
0x1f: {  	[hbm4b:s14+s2] =	stream.linear.scatter [tilespmem:s7], [sflag:$0x2], $0x10000, $0x38;
	[tilespmem:$0x10400] =	vst v63  }
0x20: {  	_ =	swait.ge [sflag:s3], $0x10000  }
0x21: {  	[sflag:s3] =	ssyncset.done $0x0  }
0x22: {  	s15 =	simm.s32 $0x200;
	[sflag:s3] =	ssyncadd.s32 $0xFFFF0000  }
0x23: {  	[tilespmem:s7], [sflag:$0x1] =	stream.indirect.gather [hbm4b:s5+s6], $0x80, s15, s6, $0xb8;
	[tilespmem:$0x10400] =	vst v63  }
0x24: {  	s16 =	simm.s32 $0x280  }
0x25: {  	[tilespmem:s8], [sflag:$0x1] =	stream.indirect.gather [hbm4b:s5+s6], $0x80, s16, s6, $0xb8;
	[tilespmem:$0x10400] =	vst v63  }
0x26: {  	s17 =	simm.s32 $0x300  }
0x27: {  	[tilespmem:s10], [sflag:$0x1] =	stream.indirect.gather [hbm4b:s5+s6], $0x80, s17, s6, $0xb8;
	[tilespmem:$0x10400] =	vst v63  }
0x28: {  	s18 =	simm.s32 $0x380  }
0x29: {  	[tilespmem:s12], [sflag:$0x1] =	stream.indirect.gather [hbm4b:s5+s6], $0x80, s18, s6, $0xb8;
	[tilespmem:$0x10400] =	vst v63  }
0x2a: {  	_ =	swait.ge [sflag:s13], $0x4000  }
0x2b: {  	[sflag:s13] =	ssyncset.done $0x0  }
0x2c: {  	[sflag:s13] =	ssyncadd.s32 $0xFFFFC000  }
0x2d: {  	_ =	swait.ge [sflag:s13], $0x4000  }
0x2e: {  	[sflag:s13] =	ssyncset.done $0x0  }
0x2f: {  	s19 =	ssub.s32 $0x2, s19;
	[sflag:s13] =	ssyncadd.s32 $0xFFFFC000  }
0x30: {  	s21 =	sshrl.u32 s19, $0x1;
	_ =	swait.ge [sflag:s13], $0x4000  }
0x31: {  	s21 =	ssub.s32 s19, s21;
	[sflag:s13] =	ssyncset.done $0x0  }
0x32: {  	s31 =	smax.u32 s21, $0x1;
	[sflag:s13] =	ssyncadd.s32 $0xFFFFC000  }
0x33: {  	p0 =	sne.s32 s31, $0x1;
	_ =	swait.ge [sflag:s13], $0x4000  }
.Ltmp0:
0x34: {  	[sflag:s13] =	ssyncset.done $0x0;
	(pc) =	sbr.rel @!p0 .LBB2_2-.Ltmp0, $4  }
0x35: {  	s19 =	sadd.s32 $0x8A7A00, s20;
	[sflag:s13] =	ssyncadd.s32 $0xFFFFC000  }
0x36: {  	[hbm4b:s19+s2] =	stream.linear.scatter [tilespmem:s7], [sflag:$0x2], $0x10000, $0x38;
	[tilespmem:$0x10400] =	vst v63  }
0x37: {  	_ =	swait.ge [sflag:s3], $0x10000  }
0x38: {  	s20 =	sadd.s32 $0xFFFFFFFF, s31;
	[sflag:s3] =	ssyncset.done $0x0  }
.LBB2_1:
0x39: {  	p0 =	sne.s32 s20, $0x1;
	s20 =	sadd.s32 $0xFFFFFFFF, s20;
	[sflag:s3] =	ssyncadd.s32 $0xFFFF0000  }
0x3a: {  	[tilespmem:s2], [sflag:$0x2] =	stream.linear.gather [hbm4b:s4+s2], $0x400, $0x38;
	[tilespmem:$0x10400] =	vst v63  }
0x3b: {  	_ =	swait.ge [sflag:s3], $0x400  }
0x3c: {  	[sflag:s3] =	ssyncset.done $0x0  }
0x3d: {  	[sflag:s3] =	ssyncadd.s32 $0xFFFFFC00  }
0x3e: {  	[tilespmem:s7], [sflag:$0x1] =	stream.indirect.gather [hbm4b:s5+s6], $0x80, s2, s6, $0xb8;
	[tilespmem:$0x10400] =	vst v63  }
0x3f: {  	_ = 	snop  }
0x40: {  	[tilespmem:s8], [sflag:$0x1] =	stream.indirect.gather [hbm4b:s5+s6], $0x80, s6, s6, $0xb8;
	[tilespmem:$0x10400] =	vst v63  }
0x41: {  	_ = 	snop  }
0x42: {  	[tilespmem:s10], [sflag:$0x1] =	stream.indirect.gather [hbm4b:s5+s6], $0x80, s9, s6, $0xb8;
	[tilespmem:$0x10400] =	vst v63  }
0x43: {  	_ = 	snop  }
0x44: {  	[tilespmem:s12], [sflag:$0x1] =	stream.indirect.gather [hbm4b:s5+s6], $0x80, s11, s6, $0xb8;
	[tilespmem:$0x10400] =	vst v63  }
0x45: {  	_ =	swait.ge [sflag:s13], $0x4000  }
0x46: {  	[sflag:s13] =	ssyncset.done $0x0  }
0x47: {  	[sflag:s13] =	ssyncadd.s32 $0xFFFFC000  }
0x48: {  	_ =	swait.ge [sflag:s13], $0x4000  }
0x49: {  	[sflag:s13] =	ssyncset.done $0x0  }
0x4a: {  	[sflag:s13] =	ssyncadd.s32 $0xFFFFC000  }
0x4b: {  	_ =	swait.ge [sflag:s13], $0x4000  }
0x4c: {  	[sflag:s13] =	ssyncset.done $0x0  }
0x4d: {  	[sflag:s13] =	ssyncadd.s32 $0xFFFFC000  }
0x4e: {  	_ =	swait.ge [sflag:s13], $0x4000  }
0x4f: {  	[sflag:s13] =	ssyncset.done $0x0  }
0x50: {  	[sflag:s13] =	ssyncadd.s32 $0xFFFFC000  }
0x51: {  	[hbm4b:s14+s2] =	stream.linear.scatter [tilespmem:s7], [sflag:$0x2], $0x10000, $0x38;
	[tilespmem:$0x10400] =	vst v63  }
0x52: {  	_ =	swait.ge [sflag:s3], $0x10000  }
0x53: {  	[sflag:s3] =	ssyncset.done $0x0  }
0x54: {  	[sflag:s3] =	ssyncadd.s32 $0xFFFF0000  }
0x55: {  	[tilespmem:s7], [sflag:$0x1] =	stream.indirect.gather [hbm4b:s5+s6], $0x80, s15, s6, $0xb8;
	[tilespmem:$0x10400] =	vst v63  }
0x56: {  	_ = 	snop  }
0x57: {  	[tilespmem:s8], [sflag:$0x1] =	stream.indirect.gather [hbm4b:s5+s6], $0x80, s16, s6, $0xb8;
	[tilespmem:$0x10400] =	vst v63  }
0x58: {  	_ = 	snop  }
0x59: {  	[tilespmem:s10], [sflag:$0x1] =	stream.indirect.gather [hbm4b:s5+s6], $0x80, s17, s6, $0xb8;
	[tilespmem:$0x10400] =	vst v63  }
0x5a: {  	_ = 	snop  }
0x5b: {  	[tilespmem:s12], [sflag:$0x1] =	stream.indirect.gather [hbm4b:s5+s6], $0x80, s18, s6, $0xb8;
	[tilespmem:$0x10400] =	vst v63  }
0x5c: {  	_ =	swait.ge [sflag:s13], $0x4000  }
0x5d: {  	[sflag:s13] =	ssyncset.done $0x0  }
0x5e: {  	[sflag:s13] =	ssyncadd.s32 $0xFFFFC000  }
0x5f: {  	_ =	swait.ge [sflag:s13], $0x4000  }
0x60: {  	[sflag:s13] =	ssyncset.done $0x0  }
0x61: {  	[sflag:s13] =	ssyncadd.s32 $0xFFFFC000  }
0x62: {  	_ =	swait.ge [sflag:s13], $0x4000  }
0x63: {  	[sflag:s13] =	ssyncset.done $0x0  }
0x64: {  	[sflag:s13] =	ssyncadd.s32 $0xFFFFC000  }
0x65: {  	_ =	swait.ge [sflag:s13], $0x4000  }
.Ltmp1:
0x66: {  	[sflag:s13] =	ssyncset.done $0x0;
	(pc) =	sbr.rel @p0 .LBB2_1-.Ltmp1, $4  }
0x67: {  	[sflag:s13] =	ssyncadd.s32 $0xFFFFC000  }
0x68: {  	[hbm4b:s19+s2] =	stream.linear.scatter [tilespmem:s7], [sflag:$0x2], $0x10000, $0x38;
	[tilespmem:$0x10400] =	vst v63  }
0x69: {  	_ =	swait.ge [sflag:s3], $0x10000  }
0x6a: {  	[sflag:s3] =	ssyncset.done $0x0  }
.LBB2_2:
0x6b: {  	[sflag:s3] =	ssyncadd.s32 $0xFFFF0000  }
0x6c: {  	_ =	sfence.sel $0x180000  }
0x6d: {  	[bflag:$0x0] =	sbarrier.arrive $0xFFFF  }
0x6e: {  	p0 =	sne.s32 s0, $0x0;
	_ =	strace $0x9000005C  }
0x6f: {  	s0 =	sadd.s32 @!p0 $0x100000, s1;
	[bflag:$0x2] =	sbarrier.arrive $0xFFFF  }
0x70: {  	[sflag:s0] =	ssyncadd.tile.s32 @!p0 $0x1;
	_ =	shalt  }
.Lfunc_end2:
_tile_overlayer_lowered:
.L_overlay_start_2:
0x71: {  	(tag) =	ssettag $0x2  }
0x72: {  	s0 =	rddreg [dreg:$0x0];
	s2 =	stileid.u32  }
0x73: {  	s1 =	rddreg [dreg:$0x1];
	p0 =	sne.s32 s2, $0x0  }
0x74: {  	s3 =	rddreg [dreg:$0x2];
	[bflag:$0x3] =	sbarrier.arrive $0xFFFF;
	s2 =	simm.s32 @!p0 $0x1C02  }
0x75: {  	[timem:s3], [sflag:s2] =	dma.local @!p0 [hbm:s0], s1  }
0x76: {  	s0 =	simm.s32 @!p0 $0x2  }
0x77: {  	_ =	swait.ge @!p0 [sflag:s0], s1  }
0x78: {  	s1 =	ssub.s32 @!p0 $0x0, s1;
	[sflag:s0] =	ssyncset.done @!p0 $0x0  }
0x79: {  	[sflag:s0] =	ssyncadd.s32 @!p0 s1  }
0x7a: {  	[bflag:$0x3] =	sbarrier.arrive $0xFFFF  }
0x7b: {  	_ =	shalt  }

</sc_bundles>
